<compile_context>
chip_gen: v7x
topology: tpu7x:2x2x1
jax: 0.10.2.dev20260603
libtpu: 0.0.44.dev20260713+nightly
codegen_flags: <defaults>
</compile_context>

<pallas_src>
import functools

import jax
import jax.numpy as jnp
from jax import lax
from jax.experimental import pallas as pl
from jax.experimental.pallas import tpu as pltpu
from jax.experimental.pallas import tpu_sc as plsc

_B, _P = 131072, 256
_L = 8
_NC, _NS, _LANES = 2, 16, 16
_NW = _NC * _NS
_ROWS_PER_W = _B // _NW
_CH = 64
_NB = _CH // 8
_NCHUNK = _ROWS_PER_W // _CH
_NRING = 4

_mesh = plsc.VectorSubcoreMesh(core_axis_name="c", subcore_axis_name="s")


def _compute_chunk(in_v, w_vec, out_v):
    iota = lax.iota(jnp.int32, _LANES)
    cols = [jnp.full((_LANES,), j, jnp.int32) for j in range(_L)]
    sgn = [(-1.0 if j % 2 == 0 else 1.0) for j in range(_L)]
    for g in range(_CH // _LANES):
        rows = iota + (g * _LANES)
        band = rows // 8
        sub = rows % 8
        vs = [plsc.load_gather(in_v, [band, sub, cols[j]]) for j in range(_L)]
        cm = [vs[j] * sgn[j] for j in range(_L)]
        m = cm[0]
        for j in range(1, _L):
            m = jnp.maximum(m, cm[j])
        es = [jnp.exp(cm[j] - m) for j in range(_L)]
        s = es[0]
        for j in range(1, _L):
            s = s + es[j]
        scale = w_vec / s
        nscale = -scale
        for j in range(_L):
            plsc.store_scatter(
                out_v, [rows, cols[j]],
                es[j] * (scale if sgn[j] > 0 else nscale))


@functools.partial(
    pl.kernel,
    mesh=_mesh,
    compiler_params=pltpu.CompilerParams(needs_layout_passes=False),
    out_type=jax.ShapeDtypeStruct((_B, _P), jnp.float32),
    scratch_types=[
        pltpu.VMEM((_NB, 8, 128), jnp.float32),
        pltpu.VMEM((_NB, 8, 128), jnp.float32),
        pltpu.VMEM((_LANES,), jnp.float32),
        pltpu.VMEM((_CH, _P), jnp.float32),
        pltpu.VMEM((_CH, _P), jnp.float32),
        pltpu.VMEM((_CH, _P), jnp.float32),
        pltpu.VMEM((_CH, _P), jnp.float32),
        pltpu.SemaphoreType.DMA,
        pltpu.SemaphoreType.DMA,
        pltpu.SemaphoreType.DMA,
        pltpu.SemaphoreType.DMA,
        pltpu.SemaphoreType.DMA,
        pltpu.SemaphoreType.DMA,
    ],
)
def _sc_kernel(in3_hbm, w_hbm, out_hbm,
               in_v0, in_v1, w_v, ov0, ov1, ov2, ov3,
               osem0, osem1, osem2, osem3, isem0, isem1):
    wid = lax.axis_index("s") * _NC + lax.axis_index("c")
    row0 = wid * _ROWS_PER_W

    in_bufs = (in_v0, in_v1)
    out_bufs = (ov0, ov1, ov2, ov3)
    osems = (osem0, osem1, osem2, osem3)
    isems = (isem0, isem1)

    def _fetch(chunk, b):
        band0 = (row0 + chunk * _CH) // 8
        pltpu.async_copy(
            in3_hbm.at[pl.ds(band0, _NB), :, pl.ds(0, 128)],
            in_bufs[b], isems[b])

    def _fetch_wait(chunk, b):
        band0 = (row0 + chunk * _CH) // 8
        pltpu.make_async_copy(
            in3_hbm.at[pl.ds(band0, _NB), :, pl.ds(0, 128)],
            in_bufs[b], isems[b]).wait()

    _fetch(0, 0)
    _fetch(1, 1)
    w_copy = pltpu.make_async_copy(w_hbm, w_v, osem0)
    w_copy.start()

    zero = jnp.zeros((_LANES,), jnp.float32)

    def _zero_row(r, _):
        for c in range(_P // _LANES):
            for t in out_bufs:
                t[r, pl.ds(c * _LANES, _LANES)] = zero
        return _

    lax.fori_loop(0, _CH, _zero_row, None)
    w_copy.wait()
    w_vec = w_v[...]

    def _super(i, _):
        for u in range(_NRING):
            chunk = i * _NRING + u
            base = row0 + chunk * _CH
            ib = u % 2

            _fetch_wait(chunk, ib)

            @pl.when(i > 0)
            def _():
                pltpu.make_async_copy(
                    out_bufs[u], out_hbm.at[pl.ds(0, _CH)], osems[u]).wait()

            _compute_chunk(in_bufs[ib], w_vec, out_bufs[u])
            pltpu.async_copy(
                out_bufs[u], out_hbm.at[pl.ds(base, _CH)], osems[u])

            @pl.when(chunk + 2 < _NCHUNK)
            def _():
                _fetch(chunk + 2, ib)
        return _

    lax.fori_loop(0, _NCHUNK // _NRING, _super, None)
    for u in range(_NRING):
        pltpu.make_async_copy(
            out_bufs[u], out_hbm.at[pl.ds(0, _CH)], osems[u]).wait()


@jax.jit
def kernel(inputs, clause_weight):
    in3 = inputs.reshape(_B // 8, 8, _P)
    w16 = jnp.broadcast_to(clause_weight.reshape(()), (_LANES,))
    return _sc_kernel(in3, w16)

# --- scband reference (transcript-rebuilt; emitter-appended) ---
"""Pipeline reference for scband-clause-enhancer-70660801954611 (READ-ONLY COPY).

The authoritative reference and input builder live on the scoring server;
editing this copy changes nothing except your own understanding.
"""

import jax, jax.numpy as jnp
import numpy as np

B, P = 131072, 256
# clause '_:nP0,P1,nP2,P3,nP4,P5,nP6,P7' -> indices 0..7, alternating signs starting with -1
GATHER_IDX = np.array([0, 1, 2, 3, 4, 5, 6, 7], dtype=np.int64)
SIGNS = np.array([-1.0, 1.0, -1.0, 1.0, -1.0, 1.0, -1.0, 1.0], dtype=np.float32)


def setup_inputs(seed: int = 0) -> dict:
    key = jax.random.key(seed)
    inputs = jax.random.normal(key, (B, P), dtype=jnp.float32)
    # learned clause weight, shape (1,1), initialized to initial_clause_weight=0.5
    clause_weight = jnp.full((1, 1), 0.5, dtype=jnp.float32)
    return {"inputs": inputs, "clause_weight": clause_weight}


def reference(inputs, clause_weight):
    idx = jnp.asarray(GATHER_IDX)
    signs = jnp.asarray(SIGNS)
    # grounded_clause: gather literal columns and apply literal signs
    selected = jnp.take(inputs, idx, axis=1)              # [B, L]
    clause_matrix = selected * signs                       # [B, L]
    # delta per literal
    delta = signs * jax.nn.softmax(clause_matrix, axis=-1) * clause_weight  # [B, L]
    # tf.scatter_nd(indices=[[i0],...], updates=delta.T, shape=[P, B]) then transpose
    scattered = jnp.zeros((inputs.shape[1], inputs.shape[0]), dtype=inputs.dtype).at[idx].add(delta.T)
    return scattered.T

if __name__ == "__main__":
    import jax
    _d = setup_inputs()
    print(jax.jit(kernel)(*tuple(_d.values())))

</pallas_src>

<mosaic_0001>
#map = affine_map<(d0, d1) -> (0, 0, 0)>
#map1 = affine_map<(d0, d1) -> (0)>
#map2 = affine_map<(d0, d1) -> (0, 0)>
module attributes {stable_mosaic.version = 14 : i64} {
  func.func @_sc_kernel(%arg0: i32, %arg1: i32, %arg2: memref<16384x8x256xf32, #tpu.memory_space<hbm>>, %arg3: memref<16xf32, #tpu.memory_space<hbm>>, %arg4: memref<131072x256xf32, #tpu.memory_space<hbm>>, %arg5: memref<8x8x128xf32, #tpu.memory_space<vmem>>, %arg6: memref<8x8x128xf32, #tpu.memory_space<vmem>>, %arg7: memref<16xf32, #tpu.memory_space<vmem>>, %arg8: memref<64x256xf32, #tpu.memory_space<vmem>>, %arg9: memref<64x256xf32, #tpu.memory_space<vmem>>, %arg10: memref<64x256xf32, #tpu.memory_space<vmem>>, %arg11: memref<64x256xf32, #tpu.memory_space<vmem>>, %arg12: memref<!tpu.dma_semaphore, #tpu.memory_space<semaphore_mem>>, %arg13: memref<!tpu.dma_semaphore, #tpu.memory_space<semaphore_mem>>, %arg14: memref<!tpu.dma_semaphore, #tpu.memory_space<semaphore_mem>>, %arg15: memref<!tpu.dma_semaphore, #tpu.memory_space<semaphore_mem>>, %arg16: memref<!tpu.dma_semaphore, #tpu.memory_space<semaphore_mem>>, %arg17: memref<!tpu.dma_semaphore, #tpu.memory_space<semaphore_mem>>) attributes {dimension_semantics = [#tpu.dimension_semantics<core_parallel>, #tpu.dimension_semantics<subcore_parallel>], iteration_bounds = array<i64: 2, 16>, scalar_prefetch = 0 : i64, scratch_operands = 13 : i64, tpu.core_type = #tpu.core_type<sc_vector_subcore>, window_params = [{transform_indices = #map}, {transform_indices = #map1}, {transform_indices = #map2}]} {
    %mul3A = arith.constant 2 : i32
    %mul3A_0 = arith.muli %arg1, %mul3A : i32
    %add3A = arith.addi %mul3A_0, %arg0 : i32
    %mul3A_1 = arith.constant 4096 : i32
    %mul3A_2 = arith.muli %add3A, %mul3A_1 : i32
    %add3A_3 = arith.constant 0 : i32
    %add3A_4 = arith.addi %mul3A_2, %add3A_3 : i32
    %jit3A = arith.constant 8 : i32
    %div3A = arith.divsi %add3A_4, %jit3A : i32
    %sign3A = arith.constant 0 : i32
    %sign3A_5 = arith.cmpi sgt, %add3A_4, %sign3A : i32
    %sign3A_6 = arith.extui %sign3A_5 : i1 to i32
    %sign3A_7 = arith.constant 0 : i32
    %sign3A_8 = arith.cmpi slt, %add3A_4, %sign3A_7 : i32
    %sign3A_9 = arith.extui %sign3A_8 : i1 to i32
    %sign3A_10 = arith.subi %sign3A_6, %sign3A_9 : i32
    %sign3A_11 = arith.constant 0 : i32
    %sign3A_12 = arith.cmpi sgt, %jit3A, %sign3A_11 : i32
    %sign3A_13 = arith.extui %sign3A_12 : i1 to i32
    %sign3A_14 = arith.constant 0 : i32
    %sign3A_15 = arith.cmpi slt, %jit3A, %sign3A_14 : i32
    %sign3A_16 = arith.extui %sign3A_15 : i1 to i32
    %sign3A_17 = arith.subi %sign3A_13, %sign3A_16 : i32
    %ne3A = arith.cmpi ne, %sign3A_10, %sign3A_17 : i32
    %rem3A = arith.remsi %add3A_4, %jit3A : i32
    %ne3A_18 = arith.constant 0 : i32
    %ne3A_19 = arith.cmpi ne, %rem3A, %ne3A_18 : i32
    %and3A = arith.andi %ne3A, %ne3A_19 : i1
    %sub3A = arith.constant 1 : i32
    %sub3A_20 = arith.subi %div3A, %sub3A : i32
    %select_n3A = arith.select %and3A, %sub3A_20, %div3A : i32
    %dma_start3A = arith.constant 0 : i32
    %dma_start3A_21 = arith.constant 0 : i32
    %dma_start3A_22 = tpu.memref_slice %arg2[%select_n3A, %dma_start3A, %dma_start3A_21] : memref<16384x8x256xf32, #tpu.memory_space<hbm>> -> memref<8x8x128xf32, #tpu.memory_space<hbm>>
    %dma_start3A_23 = arith.constant 0 : i32
    %dma_start3A_24 = arith.constant 0 : i32
    %dma_start3A_25 = tpu.memref_slice %arg2[%select_n3A, %dma_start3A_23, %dma_start3A_24] : memref<16384x8x256xf32, #tpu.memory_space<hbm>> -> memref<8x8x128xf32, #tpu.memory_space<hbm>>
    tpu.enqueue_dma source(%dma_start3A_25 : memref<8x8x128xf32, #tpu.memory_space<hbm>>) target(%arg5 : memref<8x8x128xf32, #tpu.memory_space<vmem>>) target_semaphore(%arg16 : memref<!tpu.dma_semaphore, #tpu.memory_space<semaphore_mem>>)
    %add3A_26 = arith.constant 64 : i32
    %add3A_27 = arith.addi %mul3A_2, %add3A_26 : i32
    %jit3A_28 = arith.constant 8 : i32
    %div3A_29 = arith.divsi %add3A_27, %jit3A_28 : i32
    %sign3A_30 = arith.constant 0 : i32
    %sign3A_31 = arith.cmpi sgt, %add3A_27, %sign3A_30 : i32
    %sign3A_32 = arith.extui %sign3A_31 : i1 to i32
    %sign3A_33 = arith.constant 0 : i32
    %sign3A_34 = arith.cmpi slt, %add3A_27, %sign3A_33 : i32
    %sign3A_35 = arith.extui %sign3A_34 : i1 to i32
    %sign3A_36 = arith.subi %sign3A_32, %sign3A_35 : i32
    %sign3A_37 = arith.constant 0 : i32
    %sign3A_38 = arith.cmpi sgt, %jit3A_28, %sign3A_37 : i32
    %sign3A_39 = arith.extui %sign3A_38 : i1 to i32
    %sign3A_40 = arith.constant 0 : i32
    %sign3A_41 = arith.cmpi slt, %jit3A_28, %sign3A_40 : i32
    %sign3A_42 = arith.extui %sign3A_41 : i1 to i32
    %sign3A_43 = arith.subi %sign3A_39, %sign3A_42 : i32
    %ne3A_44 = arith.cmpi ne, %sign3A_36, %sign3A_43 : i32
    %rem3A_45 = arith.remsi %add3A_27, %jit3A_28 : i32
    %ne3A_46 = arith.constant 0 : i32
    %ne3A_47 = arith.cmpi ne, %rem3A_45, %ne3A_46 : i32
    %and3A_48 = arith.andi %ne3A_44, %ne3A_47 : i1
    %sub3A_49 = arith.constant 1 : i32
    %sub3A_50 = arith.subi %div3A_29, %sub3A_49 : i32
    %select_n3A_51 = arith.select %and3A_48, %sub3A_50, %div3A_29 : i32
    %dma_start3A_52 = arith.constant 0 : i32
    %dma_start3A_53 = arith.constant 0 : i32
    %dma_start3A_54 = tpu.memref_slice %arg2[%select_n3A_51, %dma_start3A_52, %dma_start3A_53] : memref<16384x8x256xf32, #tpu.memory_space<hbm>> -> memref<8x8x128xf32, #tpu.memory_space<hbm>>
    %dma_start3A_55 = arith.constant 0 : i32
    %dma_start3A_56 = arith.constant 0 : i32
    %dma_start3A_57 = tpu.memref_slice %arg2[%select_n3A_51, %dma_start3A_55, %dma_start3A_56] : memref<16384x8x256xf32, #tpu.memory_space<hbm>> -> memref<8x8x128xf32, #tpu.memory_space<hbm>>
    tpu.enqueue_dma source(%dma_start3A_57 : memref<8x8x128xf32, #tpu.memory_space<hbm>>) target(%arg6 : memref<8x8x128xf32, #tpu.memory_space<vmem>>) target_semaphore(%arg17 : memref<!tpu.dma_semaphore, #tpu.memory_space<semaphore_mem>>)
    tpu.enqueue_dma source(%arg3 : memref<16xf32, #tpu.memory_space<hbm>>) target(%arg7 : memref<16xf32, #tpu.memory_space<vmem>>) target_semaphore(%arg12 : memref<!tpu.dma_semaphore, #tpu.memory_space<semaphore_mem>>)
    %broadcast_in_dim3A = arith.constant 0.000000e+00 : f32
    %broadcast_in_dim3A_58 = vector.broadcast %broadcast_in_dim3A : f32 to vector<16xf32>
    %scan3A = arith.constant 0 : i32
    %scan3A_59 = arith.constant 64 : i32
    %scan3A_60 = arith.addi %scan3A, %scan3A_59 : i32
    %scan3A_61 = arith.constant 1 : i32
    scf.for %scan3A_92 = %scan3A to %scan3A_60 step %scan3A_61  : i32 {
      %swap3A = arith.index_cast %scan3A_92 : i32 to index
      %swap3A_93 = arith.constant 0 : index
      %swap3A_94 = tpu.vector_load %arg8[%swap3A, %swap3A_93] {strides = array<i32>} : memref<64x256xf32, #tpu.memory_space<vmem>>, vector<16xf32>,
      tpu.vector_store %arg8[%swap3A, %swap3A_93], %broadcast_in_dim3A_58 {strides = array<i32>} : memref<64x256xf32, #tpu.memory_space<vmem>>, vector<16xf32>,
      %swap3A_95 = arith.index_cast %scan3A_92 : i32 to index
      %swap3A_96 = arith.constant 0 : index
      %swap3A_97 = tpu.vector_load %arg9[%swap3A_95, %swap3A_96] {strides = array<i32>} : memref<64x256xf32, #tpu.memory_space<vmem>>, vector<16xf32>,
      tpu.vector_store %arg9[%swap3A_95, %swap3A_96], %broadcast_in_dim3A_58 {strides = array<i32>} : memref<64x256xf32, #tpu.memory_space<vmem>>, vector<16xf32>,
      %swap3A_98 = arith.index_cast %scan3A_92 : i32 to index
      %swap3A_99 = arith.constant 0 : index
      %swap3A_100 = tpu.vector_load %arg10[%swap3A_98, %swap3A_99] {strides = array<i32>} : memref<64x256xf32, #tpu.memory_space<vmem>>, vector<16xf32>,
      tpu.vector_store %arg10[%swap3A_98, %swap3A_99], %broadcast_in_dim3A_58 {strides = array<i32>} : memref<64x256xf32, #tpu.memory_space<vmem>>, vector<16xf32>,
      %swap3A_101 = arith.index_cast %scan3A_92 : i32 to index
      %swap3A_102 = arith.constant 0 : index
      %swap3A_103 = tpu.vector_load %arg11[%swap3A_101, %swap3A_102] {strides = array<i32>} : memref<64x256xf32, #tpu.memory_space<vmem>>, vector<16xf32>,
      tpu.vector_store %arg11[%swap3A_101, %swap3A_102], %broadcast_in_dim3A_58 {strides = array<i32>} : memref<64x256xf32, #tpu.memory_space<vmem>>, vector<16xf32>,
      %swap3A_104 = arith.index_cast %scan3A_92 : i32 to index
      %swap3A_105 = arith.constant 16 : index
      %swap3A_106 = tpu.vector_load %arg8[%swap3A_104, %swap3A_105] {strides = array<i32>} : memref<64x256xf32, #tpu.memory_space<vmem>>, vector<16xf32>,
      tpu.vector_store %arg8[%swap3A_104, %swap3A_105], %broadcast_in_dim3A_58 {strides = array<i32>} : memref<64x256xf32, #tpu.memory_space<vmem>>, vector<16xf32>,
      %swap3A_107 = arith.index_cast %scan3A_92 : i32 to index
      %swap3A_108 = arith.constant 16 : index
      %swap3A_109 = tpu.vector_load %arg9[%swap3A_107, %swap3A_108] {strides = array<i32>} : memref<64x256xf32, #tpu.memory_space<vmem>>, vector<16xf32>,
      tpu.vector_store %arg9[%swap3A_107, %swap3A_108], %broadcast_in_dim3A_58 {strides = array<i32>} : memref<64x256xf32, #tpu.memory_space<vmem>>, vector<16xf32>,
      %swap3A_110 = arith.index_cast %scan3A_92 : i32 to index
      %swap3A_111 = arith.constant 16 : index
      %swap3A_112 = tpu.vector_load %arg10[%swap3A_110, %swap3A_111] {strides = array<i32>} : memref<64x256xf32, #tpu.memory_space<vmem>>, vector<16xf32>,
      tpu.vector_store %arg10[%swap3A_110, %swap3A_111], %broadcast_in_dim3A_58 {strides = array<i32>} : memref<64x256xf32, #tpu.memory_space<vmem>>, vector<16xf32>,
      %swap3A_113 = arith.index_cast %scan3A_92 : i32 to index
      %swap3A_114 = arith.constant 16 : index
      %swap3A_115 = tpu.vector_load %arg11[%swap3A_113, %swap3A_114] {strides = array<i32>} : memref<64x256xf32, #tpu.memory_space<vmem>>, vector<16xf32>,
      tpu.vector_store %arg11[%swap3A_113, %swap3A_114], %broadcast_in_dim3A_58 {strides = array<i32>} : memref<64x256xf32, #tpu.memory_space<vmem>>, vector<16xf32>,
      %swap3A_116 = arith.index_cast %scan3A_92 : i32 to index
      %swap3A_117 = arith.constant 32 : index
      %swap3A_118 = tpu.vector_load %arg8[%swap3A_116, %swap3A_117] {strides = array<i32>} : memref<64x256xf32, #tpu.memory_space<vmem>>, vector<16xf32>,
      tpu.vector_store %arg8[%swap3A_116, %swap3A_117], %broadcast_in_dim3A_58 {strides = array<i32>} : memref<64x256xf32, #tpu.memory_space<vmem>>, vector<16xf32>,
      %swap3A_119 = arith.index_cast %scan3A_92 : i32 to index
      %swap3A_120 = arith.constant 32 : index
      %swap3A_121 = tpu.vector_load %arg9[%swap3A_119, %swap3A_120] {strides = array<i32>} : memref<64x256xf32, #tpu.memory_space<vmem>>, vector<16xf32>,
      tpu.vector_store %arg9[%swap3A_119, %swap3A_120], %broadcast_in_dim3A_58 {strides = array<i32>} : memref<64x256xf32, #tpu.memory_space<vmem>>, vector<16xf32>,
      %swap3A_122 = arith.index_cast %scan3A_92 : i32 to index
      %swap3A_123 = arith.constant 32 : index
      %swap3A_124 = tpu.vector_load %arg10[%swap3A_122, %swap3A_123] {strides = array<i32>} : memref<64x256xf32, #tpu.memory_space<vmem>>, vector<16xf32>,
      tpu.vector_store %arg10[%swap3A_122, %swap3A_123], %broadcast_in_dim3A_58 {strides = array<i32>} : memref<64x256xf32, #tpu.memory_space<vmem>>, vector<16xf32>,
      %swap3A_125 = arith.index_cast %scan3A_92 : i32 to index
      %swap3A_126 = arith.constant 32 : index
      %swap3A_127 = tpu.vector_load %arg11[%swap3A_125, %swap3A_126] {strides = array<i32>} : memref<64x256xf32, #tpu.memory_space<vmem>>, vector<16xf32>,
      tpu.vector_store %arg11[%swap3A_125, %swap3A_126], %broadcast_in_dim3A_58 {strides = array<i32>} : memref<64x256xf32, #tpu.memory_space<vmem>>, vector<16xf32>,
      %swap3A_128 = arith.index_cast %scan3A_92 : i32 to index
      %swap3A_129 = arith.constant 48 : index
      %swap3A_130 = tpu.vector_load %arg8[%swap3A_128, %swap3A_129] {strides = array<i32>} : memref<64x256xf32, #tpu.memory_space<vmem>>, vector<16xf32>,
      tpu.vector_store %arg8[%swap3A_128, %swap3A_129], %broadcast_in_dim3A_58 {strides = array<i32>} : memref<64x256xf32, #tpu.memory_space<vmem>>, vector<16xf32>,
      %swap3A_131 = arith.index_cast %scan3A_92 : i32 to index
      %swap3A_132 = arith.constant 48 : index
      %swap3A_133 = tpu.vector_load %arg9[%swap3A_131, %swap3A_132] {strides = array<i32>} : memref<64x256xf32, #tpu.memory_space<vmem>>, vector<16xf32>,
      tpu.vector_store %arg9[%swap3A_131, %swap3A_132], %broadcast_in_dim3A_58 {strides = array<i32>} : memref<64x256xf32, #tpu.memory_space<vmem>>, vector<16xf32>,
      %swap3A_134 = arith.index_cast %scan3A_92 : i32 to index
      %swap3A_135 = arith.constant 48 : index
      %swap3A_136 = tpu.vector_load %arg10[%swap3A_134, %swap3A_135] {strides = array<i32>} : memref<64x256xf32, #tpu.memory_space<vmem>>, vector<16xf32>,
      tpu.vector_store %arg10[%swap3A_134, %swap3A_135], %broadcast_in_dim3A_58 {strides = array<i32>} : memref<64x256xf32, #tpu.memory_space<vmem>>, vector<16xf32>,
      %swap3A_137 = arith.index_cast %scan3A_92 : i32 to index
      %swap3A_138 = arith.constant 48 : index
      %swap3A_139 = tpu.vector_load %arg11[%swap3A_137, %swap3A_138] {strides = array<i32>} : memref<64x256xf32, #tpu.memory_space<vmem>>, vector<16xf32>,
      tpu.vector_store %arg11[%swap3A_137, %swap3A_138], %broadcast_in_dim3A_58 {strides = array<i32>} : memref<64x256xf32, #tpu.memory_space<vmem>>, vector<16xf32>,
      %swap3A_140 = arith.index_cast %scan3A_92 : i32 to index
      %swap3A_141 = arith.constant 64 : index
      %swap3A_142 = tpu.vector_load %arg8[%swap3A_140, %swap3A_141] {strides = array<i32>} : memref<64x256xf32, #tpu.memory_space<vmem>>, vector<16xf32>,
      tpu.vector_store %arg8[%swap3A_140, %swap3A_141], %broadcast_in_dim3A_58 {strides = array<i32>} : memref<64x256xf32, #tpu.memory_space<vmem>>, vector<16xf32>,
      %swap3A_143 = arith.index_cast %scan3A_92 : i32 to index
      %swap3A_144 = arith.constant 64 : index
      %swap3A_145 = tpu.vector_load %arg9[%swap3A_143, %swap3A_144] {strides = array<i32>} : memref<64x256xf32, #tpu.memory_space<vmem>>, vector<16xf32>,
      tpu.vector_store %arg9[%swap3A_143, %swap3A_144], %broadcast_in_dim3A_58 {strides = array<i32>} : memref<64x256xf32, #tpu.memory_space<vmem>>, vector<16xf32>,
      %swap3A_146 = arith.index_cast %scan3A_92 : i32 to index
      %swap3A_147 = arith.constant 64 : index
      %swap3A_148 = tpu.vector_load %arg10[%swap3A_146, %swap3A_147] {strides = array<i32>} : memref<64x256xf32, #tpu.memory_space<vmem>>, vector<16xf32>,
      tpu.vector_store %arg10[%swap3A_146, %swap3A_147], %broadcast_in_dim3A_58 {strides = array<i32>} : memref<64x256xf32, #tpu.memory_space<vmem>>, vector<16xf32>,
      %swap3A_149 = arith.index_cast %scan3A_92 : i32 to index
      %swap3A_150 = arith.constant 64 : index
      %swap3A_151 = tpu.vector_load %arg11[%swap3A_149, %swap3A_150] {strides = array<i32>} : memref<64x256xf32, #tpu.memory_space<vmem>>, vector<16xf32>,
      tpu.vector_store %arg11[%swap3A_149, %swap3A_150], %broadcast_in_dim3A_58 {strides = array<i32>} : memref<64x256xf32, #tpu.memory_space<vmem>>, vector<16xf32>,
      %swap3A_152 = arith.index_cast %scan3A_92 : i32 to index
      %swap3A_153 = arith.constant 80 : index
      %swap3A_154 = tpu.vector_load %arg8[%swap3A_152, %swap3A_153] {strides = array<i32>} : memref<64x256xf32, #tpu.memory_space<vmem>>, vector<16xf32>,
      tpu.vector_store %arg8[%swap3A_152, %swap3A_153], %broadcast_in_dim3A_58 {strides = array<i32>} : memref<64x256xf32, #tpu.memory_space<vmem>>, vector<16xf32>,
      %swap3A_155 = arith.index_cast %scan3A_92 : i32 to index
      %swap3A_156 = arith.constant 80 : index
      %swap3A_157 = tpu.vector_load %arg9[%swap3A_155, %swap3A_156] {strides = array<i32>} : memref<64x256xf32, #tpu.memory_space<vmem>>, vector<16xf32>,
      tpu.vector_store %arg9[%swap3A_155, %swap3A_156], %broadcast_in_dim3A_58 {strides = array<i32>} : memref<64x256xf32, #tpu.memory_space<vmem>>, vector<16xf32>,
      %swap3A_158 = arith.index_cast %scan3A_92 : i32 to index
      %swap3A_159 = arith.constant 80 : index
      %swap3A_160 = tpu.vector_load %arg10[%swap3A_158, %swap3A_159] {strides = array<i32>} : memref<64x256xf32, #tpu.memory_space<vmem>>, vector<16xf32>,
      tpu.vector_store %arg10[%swap3A_158, %swap3A_159], %broadcast_in_dim3A_58 {strides = array<i32>} : memref<64x256xf32, #tpu.memory_space<vmem>>, vector<16xf32>,
      %swap3A_161 = arith.index_cast %scan3A_92 : i32 to index
      %swap3A_162 = arith.constant 80 : index
      %swap3A_163 = tpu.vector_load %arg11[%swap3A_161, %swap3A_162] {strides = array<i32>} : memref<64x256xf32, #tpu.memory_space<vmem>>, vector<16xf32>,
      tpu.vector_store %arg11[%swap3A_161, %swap3A_162], %broadcast_in_dim3A_58 {strides = array<i32>} : memref<64x256xf32, #tpu.memory_space<vmem>>, vector<16xf32>,
      %swap3A_164 = arith.index_cast %scan3A_92 : i32 to index
      %swap3A_165 = arith.constant 96 : index
      %swap3A_166 = tpu.vector_load %arg8[%swap3A_164, %swap3A_165] {strides = array<i32>} : memref<64x256xf32, #tpu.memory_space<vmem>>, vector<16xf32>,
      tpu.vector_store %arg8[%swap3A_164, %swap3A_165], %broadcast_in_dim3A_58 {strides = array<i32>} : memref<64x256xf32, #tpu.memory_space<vmem>>, vector<16xf32>,
      %swap3A_167 = arith.index_cast %scan3A_92 : i32 to index
      %swap3A_168 = arith.constant 96 : index
      %swap3A_169 = tpu.vector_load %arg9[%swap3A_167, %swap3A_168] {strides = array<i32>} : memref<64x256xf32, #tpu.memory_space<vmem>>, vector<16xf32>,
      tpu.vector_store %arg9[%swap3A_167, %swap3A_168], %broadcast_in_dim3A_58 {strides = array<i32>} : memref<64x256xf32, #tpu.memory_space<vmem>>, vector<16xf32>,
      %swap3A_170 = arith.index_cast %scan3A_92 : i32 to index
      %swap3A_171 = arith.constant 96 : index
      %swap3A_172 = tpu.vector_load %arg10[%swap3A_170, %swap3A_171] {strides = array<i32>} : memref<64x256xf32, #tpu.memory_space<vmem>>, vector<16xf32>,
      tpu.vector_store %arg10[%swap3A_170, %swap3A_171], %broadcast_in_dim3A_58 {strides = array<i32>} : memref<64x256xf32, #tpu.memory_space<vmem>>, vector<16xf32>,
      %swap3A_173 = arith.index_cast %scan3A_92 : i32 to index
      %swap3A_174 = arith.constant 96 : index
      %swap3A_175 = tpu.vector_load %arg11[%swap3A_173, %swap3A_174] {strides = array<i32>} : memref<64x256xf32, #tpu.memory_space<vmem>>, vector<16xf32>,
      tpu.vector_store %arg11[%swap3A_173, %swap3A_174], %broadcast_in_dim3A_58 {strides = array<i32>} : memref<64x256xf32, #tpu.memory_space<vmem>>, vector<16xf32>,
      %swap3A_176 = arith.index_cast %scan3A_92 : i32 to index
      %swap3A_177 = arith.constant 112 : index
      %swap3A_178 = tpu.vector_load %arg8[%swap3A_176, %swap3A_177] {strides = array<i32>} : memref<64x256xf32, #tpu.memory_space<vmem>>, vector<16xf32>,
      tpu.vector_store %arg8[%swap3A_176, %swap3A_177], %broadcast_in_dim3A_58 {strides = array<i32>} : memref<64x256xf32, #tpu.memory_space<vmem>>, vector<16xf32>,
      %swap3A_179 = arith.index_cast %scan3A_92 : i32 to index
      %swap3A_180 = arith.constant 112 : index
      %swap3A_181 = tpu.vector_load %arg9[%swap3A_179, %swap3A_180] {strides = array<i32>} : memref<64x256xf32, #tpu.memory_space<vmem>>, vector<16xf32>,
      tpu.vector_store %arg9[%swap3A_179, %swap3A_180], %broadcast_in_dim3A_58 {strides = array<i32>} : memref<64x256xf32, #tpu.memory_space<vmem>>, vector<16xf32>,
      %swap3A_182 = arith.index_cast %scan3A_92 : i32 to index
      %swap3A_183 = arith.constant 112 : index
      %swap3A_184 = tpu.vector_load %arg10[%swap3A_182, %swap3A_183] {strides = array<i32>} : memref<64x256xf32, #tpu.memory_space<vmem>>, vector<16xf32>,
      tpu.vector_store %arg10[%swap3A_182, %swap3A_183], %broadcast_in_dim3A_58 {strides = array<i32>} : memref<64x256xf32, #tpu.memory_space<vmem>>, vector<16xf32>,
      %swap3A_185 = arith.index_cast %scan3A_92 : i32 to index
      %swap3A_186 = arith.constant 112 : index
      %swap3A_187 = tpu.vector_load %arg11[%swap3A_185, %swap3A_186] {strides = array<i32>} : memref<64x256xf32, #tpu.memory_space<vmem>>, vector<16xf32>,
      tpu.vector_store %arg11[%swap3A_185, %swap3A_186], %broadcast_in_dim3A_58 {strides = array<i32>} : memref<64x256xf32, #tpu.memory_space<vmem>>, vector<16xf32>,
      %swap3A_188 = arith.index_cast %scan3A_92 : i32 to index
      %swap3A_189 = arith.constant 128 : index
      %swap3A_190 = tpu.vector_load %arg8[%swap3A_188, %swap3A_189] {strides = array<i32>} : memref<64x256xf32, #tpu.memory_space<vmem>>, vector<16xf32>,
      tpu.vector_store %arg8[%swap3A_188, %swap3A_189], %broadcast_in_dim3A_58 {strides = array<i32>} : memref<64x256xf32, #tpu.memory_space<vmem>>, vector<16xf32>,
      %swap3A_191 = arith.index_cast %scan3A_92 : i32 to index
      %swap3A_192 = arith.constant 128 : index
      %swap3A_193 = tpu.vector_load %arg9[%swap3A_191, %swap3A_192] {strides = array<i32>} : memref<64x256xf32, #tpu.memory_space<vmem>>, vector<16xf32>,
      tpu.vector_store %arg9[%swap3A_191, %swap3A_192], %broadcast_in_dim3A_58 {strides = array<i32>} : memref<64x256xf32, #tpu.memory_space<vmem>>, vector<16xf32>,
      %swap3A_194 = arith.index_cast %scan3A_92 : i32 to index
      %swap3A_195 = arith.constant 128 : index
      %swap3A_196 = tpu.vector_load %arg10[%swap3A_194, %swap3A_195] {strides = array<i32>} : memref<64x256xf32, #tpu.memory_space<vmem>>, vector<16xf32>,
      tpu.vector_store %arg10[%swap3A_194, %swap3A_195], %broadcast_in_dim3A_58 {strides = array<i32>} : memref<64x256xf32, #tpu.memory_space<vmem>>, vector<16xf32>,
      %swap3A_197 = arith.index_cast %scan3A_92 : i32 to index
      %swap3A_198 = arith.constant 128 : index
      %swap3A_199 = tpu.vector_load %arg11[%swap3A_197, %swap3A_198] {strides = array<i32>} : memref<64x256xf32, #tpu.memory_space<vmem>>, vector<16xf32>,
      tpu.vector_store %arg11[%swap3A_197, %swap3A_198], %broadcast_in_dim3A_58 {strides = array<i32>} : memref<64x256xf32, #tpu.memory_space<vmem>>, vector<16xf32>,
      %swap3A_200 = arith.index_cast %scan3A_92 : i32 to index
      %swap3A_201 = arith.constant 144 : index
      %swap3A_202 = tpu.vector_load %arg8[%swap3A_200, %swap3A_201] {strides = array<i32>} : memref<64x256xf32, #tpu.memory_space<vmem>>, vector<16xf32>,
      tpu.vector_store %arg8[%swap3A_200, %swap3A_201], %broadcast_in_dim3A_58 {strides = array<i32>} : memref<64x256xf32, #tpu.memory_space<vmem>>, vector<16xf32>,
      %swap3A_203 = arith.index_cast %scan3A_92 : i32 to index
      %swap3A_204 = arith.constant 144 : index
      %swap3A_205 = tpu.vector_load %arg9[%swap3A_203, %swap3A_204] {strides = array<i32>} : memref<64x256xf32, #tpu.memory_space<vmem>>, vector<16xf32>,
      tpu.vector_store %arg9[%swap3A_203, %swap3A_204], %broadcast_in_dim3A_58 {strides = array<i32>} : memref<64x256xf32, #tpu.memory_space<vmem>>, vector<16xf32>,
      %swap3A_206 = arith.index_cast %scan3A_92 : i32 to index
      %swap3A_207 = arith.constant 144 : index
      %swap3A_208 = tpu.vector_load %arg10[%swap3A_206, %swap3A_207] {strides = array<i32>} : memref<64x256xf32, #tpu.memory_space<vmem>>, vector<16xf32>,
      tpu.vector_store %arg10[%swap3A_206, %swap3A_207], %broadcast_in_dim3A_58 {strides = array<i32>} : memref<64x256xf32, #tpu.memory_space<vmem>>, vector<16xf32>,
      %swap3A_209 = arith.index_cast %scan3A_92 : i32 to index
      %swap3A_210 = arith.constant 144 : index
      %swap3A_211 = tpu.vector_load %arg11[%swap3A_209, %swap3A_210] {strides = array<i32>} : memref<64x256xf32, #tpu.memory_space<vmem>>, vector<16xf32>,
      tpu.vector_store %arg11[%swap3A_209, %swap3A_210], %broadcast_in_dim3A_58 {strides = array<i32>} : memref<64x256xf32, #tpu.memory_space<vmem>>, vector<16xf32>,
      %swap3A_212 = arith.index_cast %scan3A_92 : i32 to index
      %swap3A_213 = arith.constant 160 : index
      %swap3A_214 = tpu.vector_load %arg8[%swap3A_212, %swap3A_213] {strides = array<i32>} : memref<64x256xf32, #tpu.memory_space<vmem>>, vector<16xf32>,
      tpu.vector_store %arg8[%swap3A_212, %swap3A_213], %broadcast_in_dim3A_58 {strides = array<i32>} : memref<64x256xf32, #tpu.memory_space<vmem>>, vector<16xf32>,
      %swap3A_215 = arith.index_cast %scan3A_92 : i32 to index
      %swap3A_216 = arith.constant 160 : index
      %swap3A_217 = tpu.vector_load %arg9[%swap3A_215, %swap3A_216] {strides = array<i32>} : memref<64x256xf32, #tpu.memory_space<vmem>>, vector<16xf32>,
      tpu.vector_store %arg9[%swap3A_215, %swap3A_216], %broadcast_in_dim3A_58 {strides = array<i32>} : memref<64x256xf32, #tpu.memory_space<vmem>>, vector<16xf32>,
      %swap3A_218 = arith.index_cast %scan3A_92 : i32 to index
      %swap3A_219 = arith.constant 160 : index
      %swap3A_220 = tpu.vector_load %arg10[%swap3A_218, %swap3A_219] {strides = array<i32>} : memref<64x256xf32, #tpu.memory_space<vmem>>, vector<16xf32>,
      tpu.vector_store %arg10[%swap3A_218, %swap3A_219], %broadcast_in_dim3A_58 {strides = array<i32>} : memref<64x256xf32, #tpu.memory_space<vmem>>, vector<16xf32>,
      %swap3A_221 = arith.index_cast %scan3A_92 : i32 to index
      %swap3A_222 = arith.constant 160 : index
      %swap3A_223 = tpu.vector_load %arg11[%swap3A_221, %swap3A_222] {strides = array<i32>} : memref<64x256xf32, #tpu.memory_space<vmem>>, vector<16xf32>,
      tpu.vector_store %arg11[%swap3A_221, %swap3A_222], %broadcast_in_dim3A_58 {strides = array<i32>} : memref<64x256xf32, #tpu.memory_space<vmem>>, vector<16xf32>,
      %swap3A_224 = arith.index_cast %scan3A_92 : i32 to index
      %swap3A_225 = arith.constant 176 : index
      %swap3A_226 = tpu.vector_load %arg8[%swap3A_224, %swap3A_225] {strides = array<i32>} : memref<64x256xf32, #tpu.memory_space<vmem>>, vector<16xf32>,
      tpu.vector_store %arg8[%swap3A_224, %swap3A_225], %broadcast_in_dim3A_58 {strides = array<i32>} : memref<64x256xf32, #tpu.memory_space<vmem>>, vector<16xf32>,
      %swap3A_227 = arith.index_cast %scan3A_92 : i32 to index
      %swap3A_228 = arith.constant 176 : index
      %swap3A_229 = tpu.vector_load %arg9[%swap3A_227, %swap3A_228] {strides = array<i32>} : memref<64x256xf32, #tpu.memory_space<vmem>>, vector<16xf32>,
      tpu.vector_store %arg9[%swap3A_227, %swap3A_228], %broadcast_in_dim3A_58 {strides = array<i32>} : memref<64x256xf32, #tpu.memory_space<vmem>>, vector<16xf32>,
      %swap3A_230 = arith.index_cast %scan3A_92 : i32 to index
      %swap3A_231 = arith.constant 176 : index
      %swap3A_232 = tpu.vector_load %arg10[%swap3A_230, %swap3A_231] {strides = array<i32>} : memref<64x256xf32, #tpu.memory_space<vmem>>, vector<16xf32>,
      tpu.vector_store %arg10[%swap3A_230, %swap3A_231], %broadcast_in_dim3A_58 {strides = array<i32>} : memref<64x256xf32, #tpu.memory_space<vmem>>, vector<16xf32>,
      %swap3A_233 = arith.index_cast %scan3A_92 : i32 to index
      %swap3A_234 = arith.constant 176 : index
      %swap3A_235 = tpu.vector_load %arg11[%swap3A_233, %swap3A_234] {strides = array<i32>} : memref<64x256xf32, #tpu.memory_space<vmem>>, vector<16xf32>,
      tpu.vector_store %arg11[%swap3A_233, %swap3A_234], %broadcast_in_dim3A_58 {strides = array<i32>} : memref<64x256xf32, #tpu.memory_space<vmem>>, vector<16xf32>,
      %swap3A_236 = arith.index_cast %scan3A_92 : i32 to index
      %swap3A_237 = arith.constant 192 : index
      %swap3A_238 = tpu.vector_load %arg8[%swap3A_236, %swap3A_237] {strides = array<i32>} : memref<64x256xf32, #tpu.memory_space<vmem>>, vector<16xf32>,
      tpu.vector_store %arg8[%swap3A_236, %swap3A_237], %broadcast_in_dim3A_58 {strides = array<i32>} : memref<64x256xf32, #tpu.memory_space<vmem>>, vector<16xf32>,
      %swap3A_239 = arith.index_cast %scan3A_92 : i32 to index
      %swap3A_240 = arith.constant 192 : index
      %swap3A_241 = tpu.vector_load %arg9[%swap3A_239, %swap3A_240] {strides = array<i32>} : memref<64x256xf32, #tpu.memory_space<vmem>>, vector<16xf32>,
      tpu.vector_store %arg9[%swap3A_239, %swap3A_240], %broadcast_in_dim3A_58 {strides = array<i32>} : memref<64x256xf32, #tpu.memory_space<vmem>>, vector<16xf32>,
      %swap3A_242 = arith.index_cast %scan3A_92 : i32 to index
      %swap3A_243 = arith.constant 192 : index
      %swap3A_244 = tpu.vector_load %arg10[%swap3A_242, %swap3A_243] {strides = array<i32>} : memref<64x256xf32, #tpu.memory_space<vmem>>, vector<16xf32>,
      tpu.vector_store %arg10[%swap3A_242, %swap3A_243], %broadcast_in_dim3A_58 {strides = array<i32>} : memref<64x256xf32, #tpu.memory_space<vmem>>, vector<16xf32>,
      %swap3A_245 = arith.index_cast %scan3A_92 : i32 to index
      %swap3A_246 = arith.constant 192 : index
      %swap3A_247 = tpu.vector_load %arg11[%swap3A_245, %swap3A_246] {strides = array<i32>} : memref<64x256xf32, #tpu.memory_space<vmem>>, vector<16xf32>,
      tpu.vector_store %arg11[%swap3A_245, %swap3A_246], %broadcast_in_dim3A_58 {strides = array<i32>} : memref<64x256xf32, #tpu.memory_space<vmem>>, vector<16xf32>,
      %swap3A_248 = arith.index_cast %scan3A_92 : i32 to index
      %swap3A_249 = arith.constant 208 : index
      %swap3A_250 = tpu.vector_load %arg8[%swap3A_248, %swap3A_249] {strides = array<i32>} : memref<64x256xf32, #tpu.memory_space<vmem>>, vector<16xf32>,
      tpu.vector_store %arg8[%swap3A_248, %swap3A_249], %broadcast_in_dim3A_58 {strides = array<i32>} : memref<64x256xf32, #tpu.memory_space<vmem>>, vector<16xf32>,
      %swap3A_251 = arith.index_cast %scan3A_92 : i32 to index
      %swap3A_252 = arith.constant 208 : index
      %swap3A_253 = tpu.vector_load %arg9[%swap3A_251, %swap3A_252] {strides = array<i32>} : memref<64x256xf32, #tpu.memory_space<vmem>>, vector<16xf32>,
      tpu.vector_store %arg9[%swap3A_251, %swap3A_252], %broadcast_in_dim3A_58 {strides = array<i32>} : memref<64x256xf32, #tpu.memory_space<vmem>>, vector<16xf32>,
      %swap3A_254 = arith.index_cast %scan3A_92 : i32 to index
      %swap3A_255 = arith.constant 208 : index
      %swap3A_256 = tpu.vector_load %arg10[%swap3A_254, %swap3A_255] {strides = array<i32>} : memref<64x256xf32, #tpu.memory_space<vmem>>, vector<16xf32>,
      tpu.vector_store %arg10[%swap3A_254, %swap3A_255], %broadcast_in_dim3A_58 {strides = array<i32>} : memref<64x256xf32, #tpu.memory_space<vmem>>, vector<16xf32>,
      %swap3A_257 = arith.index_cast %scan3A_92 : i32 to index
      %swap3A_258 = arith.constant 208 : index
      %swap3A_259 = tpu.vector_load %arg11[%swap3A_257, %swap3A_258] {strides = array<i32>} : memref<64x256xf32, #tpu.memory_space<vmem>>, vector<16xf32>,
      tpu.vector_store %arg11[%swap3A_257, %swap3A_258], %broadcast_in_dim3A_58 {strides = array<i32>} : memref<64x256xf32, #tpu.memory_space<vmem>>, vector<16xf32>,
      %swap3A_260 = arith.index_cast %scan3A_92 : i32 to index
      %swap3A_261 = arith.constant 224 : index
      %swap3A_262 = tpu.vector_load %arg8[%swap3A_260, %swap3A_261] {strides = array<i32>} : memref<64x256xf32, #tpu.memory_space<vmem>>, vector<16xf32>,
      tpu.vector_store %arg8[%swap3A_260, %swap3A_261], %broadcast_in_dim3A_58 {strides = array<i32>} : memref<64x256xf32, #tpu.memory_space<vmem>>, vector<16xf32>,
      %swap3A_263 = arith.index_cast %scan3A_92 : i32 to index
      %swap3A_264 = arith.constant 224 : index
      %swap3A_265 = tpu.vector_load %arg9[%swap3A_263, %swap3A_264] {strides = array<i32>} : memref<64x256xf32, #tpu.memory_space<vmem>>, vector<16xf32>,
      tpu.vector_store %arg9[%swap3A_263, %swap3A_264], %broadcast_in_dim3A_58 {strides = array<i32>} : memref<64x256xf32, #tpu.memory_space<vmem>>, vector<16xf32>,
      %swap3A_266 = arith.index_cast %scan3A_92 : i32 to index
      %swap3A_267 = arith.constant 224 : index
      %swap3A_268 = tpu.vector_load %arg10[%swap3A_266, %swap3A_267] {strides = array<i32>} : memref<64x256xf32, #tpu.memory_space<vmem>>, vector<16xf32>,
      tpu.vector_store %arg10[%swap3A_266, %swap3A_267], %broadcast_in_dim3A_58 {strides = array<i32>} : memref<64x256xf32, #tpu.memory_space<vmem>>, vector<16xf32>,
      %swap3A_269 = arith.index_cast %scan3A_92 : i32 to index
      %swap3A_270 = arith.constant 224 : index
      %swap3A_271 = tpu.vector_load %arg11[%swap3A_269, %swap3A_270] {strides = array<i32>} : memref<64x256xf32, #tpu.memory_space<vmem>>, vector<16xf32>,
      tpu.vector_store %arg11[%swap3A_269, %swap3A_270], %broadcast_in_dim3A_58 {strides = array<i32>} : memref<64x256xf32, #tpu.memory_space<vmem>>, vector<16xf32>,
      %swap3A_272 = arith.index_cast %scan3A_92 : i32 to index
      %swap3A_273 = arith.constant 240 : index
      %swap3A_274 = tpu.vector_load %arg8[%swap3A_272, %swap3A_273] {strides = array<i32>} : memref<64x256xf32, #tpu.memory_space<vmem>>, vector<16xf32>,
      tpu.vector_store %arg8[%swap3A_272, %swap3A_273], %broadcast_in_dim3A_58 {strides = array<i32>} : memref<64x256xf32, #tpu.memory_space<vmem>>, vector<16xf32>,
      %swap3A_275 = arith.index_cast %scan3A_92 : i32 to index
      %swap3A_276 = arith.constant 240 : index
      %swap3A_277 = tpu.vector_load %arg9[%swap3A_275, %swap3A_276] {strides = array<i32>} : memref<64x256xf32, #tpu.memory_space<vmem>>, vector<16xf32>,
      tpu.vector_store %arg9[%swap3A_275, %swap3A_276], %broadcast_in_dim3A_58 {strides = array<i32>} : memref<64x256xf32, #tpu.memory_space<vmem>>, vector<16xf32>,
      %swap3A_278 = arith.index_cast %scan3A_92 : i32 to index
      %swap3A_279 = arith.constant 240 : index
      %swap3A_280 = tpu.vector_load %arg10[%swap3A_278, %swap3A_279] {strides = array<i32>} : memref<64x256xf32, #tpu.memory_space<vmem>>, vector<16xf32>,
      tpu.vector_store %arg10[%swap3A_278, %swap3A_279], %broadcast_in_dim3A_58 {strides = array<i32>} : memref<64x256xf32, #tpu.memory_space<vmem>>, vector<16xf32>,
      %swap3A_281 = arith.index_cast %scan3A_92 : i32 to index
      %swap3A_282 = arith.constant 240 : index
      %swap3A_283 = tpu.vector_load %arg11[%swap3A_281, %swap3A_282] {strides = array<i32>} : memref<64x256xf32, #tpu.memory_space<vmem>>, vector<16xf32>,
      tpu.vector_store %arg11[%swap3A_281, %swap3A_282], %broadcast_in_dim3A_58 {strides = array<i32>} : memref<64x256xf32, #tpu.memory_space<vmem>>, vector<16xf32>,
    }
    %scan3A_62 = arith.constant 64 : i32
    tpu.wait_dma2 semaphore(%arg12 : memref<!tpu.dma_semaphore, #tpu.memory_space<semaphore_mem>>) src(%arg3 : memref<16xf32, #tpu.memory_space<hbm>>) dst(%arg7 : memref<16xf32, #tpu.memory_space<vmem>>)
    %get3A = arith.constant 0 : index
    %get3A_63 = tpu.vector_load %arg7[%get3A] {strides = array<i32>} : memref<16xf32, #tpu.memory_space<vmem>>, vector<16xf32>,
    %scan3A_64 = arith.constant 0 : i32
    %scan3A_65 = arith.constant 16 : i32
    %scan3A_66 = arith.addi %scan3A_64, %scan3A_65 : i32
    %scan3A_67 = arith.constant 1 : i32
    scf.for %scan3A_92 = %scan3A_64 to %scan3A_66 step %scan3A_67  : i32 {
      %mul3A_93 = arith.constant 4 : i32
      %mul3A_94 = arith.muli %scan3A_92, %mul3A_93 : i32
      %add3A_95 = arith.constant 0 : i32
      %add3A_96 = arith.addi %mul3A_94, %add3A_95 : i32
      %mul3A_97 = arith.constant 64 : i32
      %mul3A_98 = arith.muli %add3A_96, %mul3A_97 : i32
      %add3A_99 = arith.addi %mul3A_2, %mul3A_98 : i32
      %mul3A_100 = arith.constant 64 : i32
      %mul3A_101 = arith.muli %add3A_96, %mul3A_100 : i32
      %add3A_102 = arith.addi %mul3A_2, %mul3A_101 : i32
      %jit3A_103 = arith.constant 8 : i32
      %div3A_104 = arith.divsi %add3A_102, %jit3A_103 : i32
      %sign3A_105 = arith.constant 0 : i32
      %sign3A_106 = arith.cmpi sgt, %add3A_102, %sign3A_105 : i32
      %sign3A_107 = arith.extui %sign3A_106 : i1 to i32
      %sign3A_108 = arith.constant 0 : i32
      %sign3A_109 = arith.cmpi slt, %add3A_102, %sign3A_108 : i32
      %sign3A_110 = arith.extui %sign3A_109 : i1 to i32
      %sign3A_111 = arith.subi %sign3A_107, %sign3A_110 : i32
      %sign3A_112 = arith.constant 0 : i32
      %sign3A_113 = arith.cmpi sgt, %jit3A_103, %sign3A_112 : i32
      %sign3A_114 = arith.extui %sign3A_113 : i1 to i32
      %sign3A_115 = arith.constant 0 : i32
      %sign3A_116 = arith.cmpi slt, %jit3A_103, %sign3A_115 : i32
      %sign3A_117 = arith.extui %sign3A_116 : i1 to i32
      %sign3A_118 = arith.subi %sign3A_114, %sign3A_117 : i32
      %ne3A_119 = arith.cmpi ne, %sign3A_111, %sign3A_118 : i32
      %rem3A_120 = arith.remsi %add3A_102, %jit3A_103 : i32
      %ne3A_121 = arith.constant 0 : i32
      %ne3A_122 = arith.cmpi ne, %rem3A_120, %ne3A_121 : i32
      %and3A_123 = arith.andi %ne3A_119, %ne3A_122 : i1
      %sub3A_124 = arith.constant 1 : i32
      %sub3A_125 = arith.subi %div3A_104, %sub3A_124 : i32
      %select_n3A_126 = arith.select %and3A_123, %sub3A_125, %div3A_104 : i32
      %dma_wait3A_127 = arith.constant 0 : i32
      %dma_wait3A_128 = arith.constant 0 : i32
      %dma_wait3A_129 = tpu.memref_slice %arg2[%select_n3A_126, %dma_wait3A_127, %dma_wait3A_128] : memref<16384x8x256xf32, #tpu.memory_space<hbm>> -> memref<8x8x128xf32, #tpu.memory_space<hbm>>
      %dma_wait3A_130 = arith.constant 0 : i32
      %dma_wait3A_131 = arith.constant 0 : i32
      %dma_wait3A_132 = tpu.memref_slice %arg2[%select_n3A_126, %dma_wait3A_130, %dma_wait3A_131] : memref<16384x8x256xf32, #tpu.memory_space<hbm>> -> memref<8x8x128xf32, #tpu.memory_space<hbm>>
      tpu.wait_dma2 semaphore(%arg16 : memref<!tpu.dma_semaphore, #tpu.memory_space<semaphore_mem>>) src(%dma_wait3A_132 : memref<8x8x128xf32, #tpu.memory_space<hbm>>) dst(%arg5 : memref<8x8x128xf32, #tpu.memory_space<vmem>>)
      %gt3A = arith.constant 0 : i32
      %gt3A_133 = arith.cmpi sgt, %scan3A_92, %gt3A : i32
      %convert_element_type3A = arith.extui %gt3A_133 : i1 to i32
      %cond3A = arith.constant 0 : i32
      %cond3A_134 = arith.cmpi ne, %convert_element_type3A, %cond3A : i32
      scf.if %cond3A_134 {
        %dma_wait3A_2455 = arith.constant 0 : i32
        %dma_wait3A_2456 = arith.constant 0 : i32
        %dma_wait3A_2457 = tpu.memref_slice %arg4[%dma_wait3A_2455, %dma_wait3A_2456] : memref<131072x256xf32, #tpu.memory_space<hbm>> -> memref<64x256xf32, #tpu.memory_space<hbm>>
        %dma_wait3A_2458 = arith.constant 0 : i32
        %dma_wait3A_2459 = arith.constant 0 : i32
        %dma_wait3A_2460 = tpu.memref_slice %arg4[%dma_wait3A_2458, %dma_wait3A_2459] : memref<131072x256xf32, #tpu.memory_space<hbm>> -> memref<64x256xf32, #tpu.memory_space<hbm>>
        tpu.wait_dma2 semaphore(%arg12 : memref<!tpu.dma_semaphore, #tpu.memory_space<semaphore_mem>>) src(%arg8 : memref<64x256xf32, #tpu.memory_space<vmem>>) dst(%dma_wait3A_2460 : memref<64x256xf32, #tpu.memory_space<hbm>>)
      } else {
      }
      %iota3A = tpu.iota {dimensions = array<i32: 0>} : vector<16xi32>
      %broadcast_in_dim3A_135 = arith.constant 0 : i32
      %broadcast_in_dim3A_136 = vector.broadcast %broadcast_in_dim3A_135 : i32 to vector<16xi32>
      %broadcast_in_dim3A_137 = arith.constant 1 : i32
      %broadcast_in_dim3A_138 = vector.broadcast %broadcast_in_dim3A_137 : i32 to vector<16xi32>
      %broadcast_in_dim3A_139 = arith.constant 2 : i32
      %broadcast_in_dim3A_140 = vector.broadcast %broadcast_in_dim3A_139 : i32 to vector<16xi32>
      %broadcast_in_dim3A_141 = arith.constant 3 : i32
      %broadcast_in_dim3A_142 = vector.broadcast %broadcast_in_dim3A_141 : i32 to vector<16xi32>
      %broadcast_in_dim3A_143 = arith.constant 4 : i32
      %broadcast_in_dim3A_144 = vector.broadcast %broadcast_in_dim3A_143 : i32 to vector<16xi32>
      %broadcast_in_dim3A_145 = arith.constant 5 : i32
      %broadcast_in_dim3A_146 = vector.broadcast %broadcast_in_dim3A_145 : i32 to vector<16xi32>
      %broadcast_in_dim3A_147 = arith.constant 6 : i32
      %broadcast_in_dim3A_148 = vector.broadcast %broadcast_in_dim3A_147 : i32 to vector<16xi32>
      %broadcast_in_dim3A_149 = arith.constant 7 : i32
      %broadcast_in_dim3A_150 = vector.broadcast %broadcast_in_dim3A_149 : i32 to vector<16xi32>
      %add3A_151 = arith.constant 0 : i32
      %add3A_152 = vector.broadcast %add3A_151 : i32 to vector<16xi32>
      %add3A_153 = arith.addi %iota3A, %add3A_152 : vector<16xi32>
      %jit3A_154 = arith.constant 8 : i32
      %div3A_155 = vector.broadcast %jit3A_154 : i32 to vector<16xi32>
      %div3A_156 = arith.divsi %add3A_153, %div3A_155 : vector<16xi32>
      %sign3A_157 = arith.constant 0 : i32
      %sign3A_158 = vector.broadcast %sign3A_157 : i32 to vector<16xi32>
      %sign3A_159 = arith.cmpi sgt, %add3A_153, %sign3A_158 : vector<16xi32>
      %sign3A_160 = arith.extui %sign3A_159 : vector<16xi1> to vector<16xi32>
      %sign3A_161 = arith.constant 0 : i32
      %sign3A_162 = vector.broadcast %sign3A_161 : i32 to vector<16xi32>
      %sign3A_163 = arith.cmpi slt, %add3A_153, %sign3A_162 : vector<16xi32>
      %sign3A_164 = arith.extui %sign3A_163 : vector<16xi1> to vector<16xi32>
      %sign3A_165 = arith.subi %sign3A_160, %sign3A_164 : vector<16xi32>
      %sign3A_166 = arith.constant 0 : i32
      %sign3A_167 = arith.cmpi sgt, %jit3A_154, %sign3A_166 : i32
      %sign3A_168 = arith.extui %sign3A_167 : i1 to i32
      %sign3A_169 = arith.constant 0 : i32
      %sign3A_170 = arith.cmpi slt, %jit3A_154, %sign3A_169 : i32
      %sign3A_171 = arith.extui %sign3A_170 : i1 to i32
      %sign3A_172 = arith.subi %sign3A_168, %sign3A_171 : i32
      %ne3A_173 = vector.broadcast %sign3A_172 : i32 to vector<16xi32>
      %ne3A_174 = arith.cmpi ne, %sign3A_165, %ne3A_173 : vector<16xi32>
      %rem3A_175 = vector.broadcast %jit3A_154 : i32 to vector<16xi32>
      %rem3A_176 = arith.remsi %add3A_153, %rem3A_175 : vector<16xi32>
      %ne3A_177 = arith.constant 0 : i32
      %ne3A_178 = vector.broadcast %ne3A_177 : i32 to vector<16xi32>
      %ne3A_179 = arith.cmpi ne, %rem3A_176, %ne3A_178 : vector<16xi32>
      %and3A_180 = arith.andi %ne3A_174, %ne3A_179 : vector<16xi1>
      %sub3A_181 = arith.constant 1 : i32
      %sub3A_182 = vector.broadcast %sub3A_181 : i32 to vector<16xi32>
      %sub3A_183 = arith.subi %div3A_156, %sub3A_182 : vector<16xi32>
      %select_n3A_184 = arith.select %and3A_180, %sub3A_183, %div3A_156 : vector<16xi1>, vector<16xi32>
      %jit3A_185 = arith.constant 8 : i32
      %eq3A = arith.constant 0 : i32
      %eq3A_186 = arith.cmpi eq, %jit3A_185, %eq3A : i32
      %jit3A_187 = arith.constant 1 : i32
      %select_n3A_188 = arith.select %eq3A_186, %jit3A_187, %jit3A_185 : i32
      %rem3A_189 = vector.broadcast %select_n3A_188 : i32 to vector<16xi32>
      %rem3A_190 = arith.remsi %add3A_153, %rem3A_189 : vector<16xi32>
      %ne3A_191 = arith.constant 0 : i32
      %ne3A_192 = vector.broadcast %ne3A_191 : i32 to vector<16xi32>
      %ne3A_193 = arith.cmpi ne, %rem3A_190, %ne3A_192 : vector<16xi32>
      %lt3A = arith.constant 0 : i32
      %lt3A_194 = vector.broadcast %lt3A : i32 to vector<16xi32>
      %lt3A_195 = arith.cmpi slt, %rem3A_190, %lt3A_194 : vector<16xi32>
      %lt3A_196 = arith.constant 0 : i32
      %lt3A_197 = arith.cmpi slt, %select_n3A_188, %lt3A_196 : i32
      %ne3A_198 = vector.broadcast %lt3A_197 : i1 to vector<16xi1>
      %ne3A_199 = vector.broadcast %ne3A_198 : vector<16xi1> to vector<16xi1>
      %ne3A_200 = arith.xori %lt3A_195, %ne3A_199 : vector<16xi1>
      %and3A_201 = arith.andi %ne3A_200, %ne3A_193 : vector<16xi1>
      %add3A_202 = vector.broadcast %select_n3A_188 : i32 to vector<16xi32>
      %add3A_203 = arith.addi %rem3A_190, %add3A_202 : vector<16xi32>
      %select_n3A_204 = arith.select %and3A_201, %add3A_203, %rem3A_190 : vector<16xi1>, vector<16xi32>
      %gather3A = tpu.vector_load_idx %arg5[%select_n3A_184, %select_n3A_204, %broadcast_in_dim3A_136] : memref<8x8x128xf32, #tpu.memory_space<vmem>>[vector<16xi32>, vector<16xi32>, vector<16xi32>], vector<16xf32>,
      %gather3A_205 = tpu.vector_load_idx %arg5[%select_n3A_184, %select_n3A_204, %broadcast_in_dim3A_138] : memref<8x8x128xf32, #tpu.memory_space<vmem>>[vector<16xi32>, vector<16xi32>, vector<16xi32>], vector<16xf32>,
      %gather3A_206 = tpu.vector_load_idx %arg5[%select_n3A_184, %select_n3A_204, %broadcast_in_dim3A_140] : memref<8x8x128xf32, #tpu.memory_space<vmem>>[vector<16xi32>, vector<16xi32>, vector<16xi32>], vector<16xf32>,
      %gather3A_207 = tpu.vector_load_idx %arg5[%select_n3A_184, %select_n3A_204, %broadcast_in_dim3A_142] : memref<8x8x128xf32, #tpu.memory_space<vmem>>[vector<16xi32>, vector<16xi32>, vector<16xi32>], vector<16xf32>,
      %gather3A_208 = tpu.vector_load_idx %arg5[%select_n3A_184, %select_n3A_204, %broadcast_in_dim3A_144] : memref<8x8x128xf32, #tpu.memory_space<vmem>>[vector<16xi32>, vector<16xi32>, vector<16xi32>], vector<16xf32>,
      %gather3A_209 = tpu.vector_load_idx %arg5[%select_n3A_184, %select_n3A_204, %broadcast_in_dim3A_146] : memref<8x8x128xf32, #tpu.memory_space<vmem>>[vector<16xi32>, vector<16xi32>, vector<16xi32>], vector<16xf32>,
      %gather3A_210 = tpu.vector_load_idx %arg5[%select_n3A_184, %select_n3A_204, %broadcast_in_dim3A_148] : memref<8x8x128xf32, #tpu.memory_space<vmem>>[vector<16xi32>, vector<16xi32>, vector<16xi32>], vector<16xf32>,
      %gather3A_211 = tpu.vector_load_idx %arg5[%select_n3A_184, %select_n3A_204, %broadcast_in_dim3A_150] : memref<8x8x128xf32, #tpu.memory_space<vmem>>[vector<16xi32>, vector<16xi32>, vector<16xi32>], vector<16xf32>,
      %mul3A_212 = arith.constant -1.000000e+00 : f32
      %mul3A_213 = vector.broadcast %mul3A_212 : f32 to vector<16xf32>
      %mul3A_214 = arith.mulf %gather3A, %mul3A_213 : vector<16xf32>
      %mul3A_215 = arith.constant 1.000000e+00 : f32
      %mul3A_216 = vector.broadcast %mul3A_215 : f32 to vector<16xf32>
      %mul3A_217 = arith.mulf %gather3A_205, %mul3A_216 : vector<16xf32>
      %mul3A_218 = arith.constant -1.000000e+00 : f32
      %mul3A_219 = vector.broadcast %mul3A_218 : f32 to vector<16xf32>
      %mul3A_220 = arith.mulf %gather3A_206, %mul3A_219 : vector<16xf32>
      %mul3A_221 = arith.constant 1.000000e+00 : f32
      %mul3A_222 = vector.broadcast %mul3A_221 : f32 to vector<16xf32>
      %mul3A_223 = arith.mulf %gather3A_207, %mul3A_222 : vector<16xf32>
      %mul3A_224 = arith.constant -1.000000e+00 : f32
      %mul3A_225 = vector.broadcast %mul3A_224 : f32 to vector<16xf32>
      %mul3A_226 = arith.mulf %gather3A_208, %mul3A_225 : vector<16xf32>
      %mul3A_227 = arith.constant 1.000000e+00 : f32
      %mul3A_228 = vector.broadcast %mul3A_227 : f32 to vector<16xf32>
      %mul3A_229 = arith.mulf %gather3A_209, %mul3A_228 : vector<16xf32>
      %mul3A_230 = arith.constant -1.000000e+00 : f32
      %mul3A_231 = vector.broadcast %mul3A_230 : f32 to vector<16xf32>
      %mul3A_232 = arith.mulf %gather3A_210, %mul3A_231 : vector<16xf32>
      %mul3A_233 = arith.constant 1.000000e+00 : f32
      %mul3A_234 = vector.broadcast %mul3A_233 : f32 to vector<16xf32>
      %mul3A_235 = arith.mulf %gather3A_211, %mul3A_234 : vector<16xf32>
      %max3A = arith.maximumf %mul3A_214, %mul3A_217 : vector<16xf32>
      %max3A_236 = arith.maximumf %max3A, %mul3A_220 : vector<16xf32>
      %max3A_237 = arith.maximumf %max3A_236, %mul3A_223 : vector<16xf32>
      %max3A_238 = arith.maximumf %max3A_237, %mul3A_226 : vector<16xf32>
      %max3A_239 = arith.maximumf %max3A_238, %mul3A_229 : vector<16xf32>
      %max3A_240 = arith.maximumf %max3A_239, %mul3A_232 : vector<16xf32>
      %max3A_241 = arith.maximumf %max3A_240, %mul3A_235 : vector<16xf32>
      %sub3A_242 = arith.subf %mul3A_214, %max3A_241 : vector<16xf32>
      %exp3A = math.exp %sub3A_242 : vector<16xf32>
      %sub3A_243 = arith.subf %mul3A_217, %max3A_241 : vector<16xf32>
      %exp3A_244 = math.exp %sub3A_243 : vector<16xf32>
      %sub3A_245 = arith.subf %mul3A_220, %max3A_241 : vector<16xf32>
      %exp3A_246 = math.exp %sub3A_245 : vector<16xf32>
      %sub3A_247 = arith.subf %mul3A_223, %max3A_241 : vector<16xf32>
      %exp3A_248 = math.exp %sub3A_247 : vector<16xf32>
      %sub3A_249 = arith.subf %mul3A_226, %max3A_241 : vector<16xf32>
      %exp3A_250 = math.exp %sub3A_249 : vector<16xf32>
      %sub3A_251 = arith.subf %mul3A_229, %max3A_241 : vector<16xf32>
      %exp3A_252 = math.exp %sub3A_251 : vector<16xf32>
      %sub3A_253 = arith.subf %mul3A_232, %max3A_241 : vector<16xf32>
      %exp3A_254 = math.exp %sub3A_253 : vector<16xf32>
      %sub3A_255 = arith.subf %mul3A_235, %max3A_241 : vector<16xf32>
      %exp3A_256 = math.exp %sub3A_255 : vector<16xf32>
      %add3A_257 = arith.addf %exp3A, %exp3A_244 : vector<16xf32>
      %add3A_258 = arith.addf %add3A_257, %exp3A_246 : vector<16xf32>
      %add3A_259 = arith.addf %add3A_258, %exp3A_248 : vector<16xf32>
      %add3A_260 = arith.addf %add3A_259, %exp3A_250 : vector<16xf32>
      %add3A_261 = arith.addf %add3A_260, %exp3A_252 : vector<16xf32>
      %add3A_262 = arith.addf %add3A_261, %exp3A_254 : vector<16xf32>
      %add3A_263 = arith.addf %add3A_262, %exp3A_256 : vector<16xf32>
      %div3A_264 = arith.divf %get3A_63, %add3A_263 : vector<16xf32>
      %neg3A = arith.constant 0.000000e+00 : f32
      %neg3A_265 = vector.broadcast %neg3A : f32 to vector<16xf32>
      %neg3A_266 = arith.subf %neg3A_265, %div3A_264 : vector<16xf32>
      %mul3A_267 = arith.mulf %exp3A, %neg3A_266 : vector<16xf32>
      tpu.vector_store_idx %arg8[%add3A_153, %broadcast_in_dim3A_136], %mul3A_267 : memref<64x256xf32, #tpu.memory_space<vmem>>[vector<16xi32>, vector<16xi32>], vector<16xf32>,
      %mul3A_268 = arith.mulf %exp3A_244, %div3A_264 : vector<16xf32>
      tpu.vector_store_idx %arg8[%add3A_153, %broadcast_in_dim3A_138], %mul3A_268 : memref<64x256xf32, #tpu.memory_space<vmem>>[vector<16xi32>, vector<16xi32>], vector<16xf32>,
      %mul3A_269 = arith.mulf %exp3A_246, %neg3A_266 : vector<16xf32>
      tpu.vector_store_idx %arg8[%add3A_153, %broadcast_in_dim3A_140], %mul3A_269 : memref<64x256xf32, #tpu.memory_space<vmem>>[vector<16xi32>, vector<16xi32>], vector<16xf32>,
      %mul3A_270 = arith.mulf %exp3A_248, %div3A_264 : vector<16xf32>
      tpu.vector_store_idx %arg8[%add3A_153, %broadcast_in_dim3A_142], %mul3A_270 : memref<64x256xf32, #tpu.memory_space<vmem>>[vector<16xi32>, vector<16xi32>], vector<16xf32>,
      %mul3A_271 = arith.mulf %exp3A_250, %neg3A_266 : vector<16xf32>
      tpu.vector_store_idx %arg8[%add3A_153, %broadcast_in_dim3A_144], %mul3A_271 : memref<64x256xf32, #tpu.memory_space<vmem>>[vector<16xi32>, vector<16xi32>], vector<16xf32>,
      %mul3A_272 = arith.mulf %exp3A_252, %div3A_264 : vector<16xf32>
      tpu.vector_store_idx %arg8[%add3A_153, %broadcast_in_dim3A_146], %mul3A_272 : memref<64x256xf32, #tpu.memory_space<vmem>>[vector<16xi32>, vector<16xi32>], vector<16xf32>,
      %mul3A_273 = arith.mulf %exp3A_254, %neg3A_266 : vector<16xf32>
      tpu.vector_store_idx %arg8[%add3A_153, %broadcast_in_dim3A_148], %mul3A_273 : memref<64x256xf32, #tpu.memory_space<vmem>>[vector<16xi32>, vector<16xi32>], vector<16xf32>,
      %mul3A_274 = arith.mulf %exp3A_256, %div3A_264 : vector<16xf32>
      tpu.vector_store_idx %arg8[%add3A_153, %broadcast_in_dim3A_150], %mul3A_274 : memref<64x256xf32, #tpu.memory_space<vmem>>[vector<16xi32>, vector<16xi32>], vector<16xf32>,
      %add3A_275 = arith.constant 16 : i32
      %add3A_276 = vector.broadcast %add3A_275 : i32 to vector<16xi32>
      %add3A_277 = arith.addi %iota3A, %add3A_276 : vector<16xi32>
      %jit3A_278 = arith.constant 8 : i32
      %div3A_279 = vector.broadcast %jit3A_278 : i32 to vector<16xi32>
      %div3A_280 = arith.divsi %add3A_277, %div3A_279 : vector<16xi32>
      %sign3A_281 = arith.constant 0 : i32
      %sign3A_282 = vector.broadcast %sign3A_281 : i32 to vector<16xi32>
      %sign3A_283 = arith.cmpi sgt, %add3A_277, %sign3A_282 : vector<16xi32>
      %sign3A_284 = arith.extui %sign3A_283 : vector<16xi1> to vector<16xi32>
      %sign3A_285 = arith.constant 0 : i32
      %sign3A_286 = vector.broadcast %sign3A_285 : i32 to vector<16xi32>
      %sign3A_287 = arith.cmpi slt, %add3A_277, %sign3A_286 : vector<16xi32>
      %sign3A_288 = arith.extui %sign3A_287 : vector<16xi1> to vector<16xi32>
      %sign3A_289 = arith.subi %sign3A_284, %sign3A_288 : vector<16xi32>
      %sign3A_290 = arith.constant 0 : i32
      %sign3A_291 = arith.cmpi sgt, %jit3A_278, %sign3A_290 : i32
      %sign3A_292 = arith.extui %sign3A_291 : i1 to i32
      %sign3A_293 = arith.constant 0 : i32
      %sign3A_294 = arith.cmpi slt, %jit3A_278, %sign3A_293 : i32
      %sign3A_295 = arith.extui %sign3A_294 : i1 to i32
      %sign3A_296 = arith.subi %sign3A_292, %sign3A_295 : i32
      %ne3A_297 = vector.broadcast %sign3A_296 : i32 to vector<16xi32>
      %ne3A_298 = arith.cmpi ne, %sign3A_289, %ne3A_297 : vector<16xi32>
      %rem3A_299 = vector.broadcast %jit3A_278 : i32 to vector<16xi32>
      %rem3A_300 = arith.remsi %add3A_277, %rem3A_299 : vector<16xi32>
      %ne3A_301 = arith.constant 0 : i32
      %ne3A_302 = vector.broadcast %ne3A_301 : i32 to vector<16xi32>
      %ne3A_303 = arith.cmpi ne, %rem3A_300, %ne3A_302 : vector<16xi32>
      %and3A_304 = arith.andi %ne3A_298, %ne3A_303 : vector<16xi1>
      %sub3A_305 = arith.constant 1 : i32
      %sub3A_306 = vector.broadcast %sub3A_305 : i32 to vector<16xi32>
      %sub3A_307 = arith.subi %div3A_280, %sub3A_306 : vector<16xi32>
      %select_n3A_308 = arith.select %and3A_304, %sub3A_307, %div3A_280 : vector<16xi1>, vector<16xi32>
      %jit3A_309 = arith.constant 8 : i32
      %eq3A_310 = arith.constant 0 : i32
      %eq3A_311 = arith.cmpi eq, %jit3A_309, %eq3A_310 : i32
      %jit3A_312 = arith.constant 1 : i32
      %select_n3A_313 = arith.select %eq3A_311, %jit3A_312, %jit3A_309 : i32
      %rem3A_314 = vector.broadcast %select_n3A_313 : i32 to vector<16xi32>
      %rem3A_315 = arith.remsi %add3A_277, %rem3A_314 : vector<16xi32>
      %ne3A_316 = arith.constant 0 : i32
      %ne3A_317 = vector.broadcast %ne3A_316 : i32 to vector<16xi32>
      %ne3A_318 = arith.cmpi ne, %rem3A_315, %ne3A_317 : vector<16xi32>
      %lt3A_319 = arith.constant 0 : i32
      %lt3A_320 = vector.broadcast %lt3A_319 : i32 to vector<16xi32>
      %lt3A_321 = arith.cmpi slt, %rem3A_315, %lt3A_320 : vector<16xi32>
      %lt3A_322 = arith.constant 0 : i32
      %lt3A_323 = arith.cmpi slt, %select_n3A_313, %lt3A_322 : i32
      %ne3A_324 = vector.broadcast %lt3A_323 : i1 to vector<16xi1>
      %ne3A_325 = vector.broadcast %ne3A_324 : vector<16xi1> to vector<16xi1>
      %ne3A_326 = arith.xori %lt3A_321, %ne3A_325 : vector<16xi1>
      %and3A_327 = arith.andi %ne3A_326, %ne3A_318 : vector<16xi1>
      %add3A_328 = vector.broadcast %select_n3A_313 : i32 to vector<16xi32>
      %add3A_329 = arith.addi %rem3A_315, %add3A_328 : vector<16xi32>
      %select_n3A_330 = arith.select %and3A_327, %add3A_329, %rem3A_315 : vector<16xi1>, vector<16xi32>
      %gather3A_331 = tpu.vector_load_idx %arg5[%select_n3A_308, %select_n3A_330, %broadcast_in_dim3A_136] : memref<8x8x128xf32, #tpu.memory_space<vmem>>[vector<16xi32>, vector<16xi32>, vector<16xi32>], vector<16xf32>,
      %gather3A_332 = tpu.vector_load_idx %arg5[%select_n3A_308, %select_n3A_330, %broadcast_in_dim3A_138] : memref<8x8x128xf32, #tpu.memory_space<vmem>>[vector<16xi32>, vector<16xi32>, vector<16xi32>], vector<16xf32>,
      %gather3A_333 = tpu.vector_load_idx %arg5[%select_n3A_308, %select_n3A_330, %broadcast_in_dim3A_140] : memref<8x8x128xf32, #tpu.memory_space<vmem>>[vector<16xi32>, vector<16xi32>, vector<16xi32>], vector<16xf32>,
      %gather3A_334 = tpu.vector_load_idx %arg5[%select_n3A_308, %select_n3A_330, %broadcast_in_dim3A_142] : memref<8x8x128xf32, #tpu.memory_space<vmem>>[vector<16xi32>, vector<16xi32>, vector<16xi32>], vector<16xf32>,
      %gather3A_335 = tpu.vector_load_idx %arg5[%select_n3A_308, %select_n3A_330, %broadcast_in_dim3A_144] : memref<8x8x128xf32, #tpu.memory_space<vmem>>[vector<16xi32>, vector<16xi32>, vector<16xi32>], vector<16xf32>,
      %gather3A_336 = tpu.vector_load_idx %arg5[%select_n3A_308, %select_n3A_330, %broadcast_in_dim3A_146] : memref<8x8x128xf32, #tpu.memory_space<vmem>>[vector<16xi32>, vector<16xi32>, vector<16xi32>], vector<16xf32>,
      %gather3A_337 = tpu.vector_load_idx %arg5[%select_n3A_308, %select_n3A_330, %broadcast_in_dim3A_148] : memref<8x8x128xf32, #tpu.memory_space<vmem>>[vector<16xi32>, vector<16xi32>, vector<16xi32>], vector<16xf32>,
      %gather3A_338 = tpu.vector_load_idx %arg5[%select_n3A_308, %select_n3A_330, %broadcast_in_dim3A_150] : memref<8x8x128xf32, #tpu.memory_space<vmem>>[vector<16xi32>, vector<16xi32>, vector<16xi32>], vector<16xf32>,
      %mul3A_339 = arith.constant -1.000000e+00 : f32
      %mul3A_340 = vector.broadcast %mul3A_339 : f32 to vector<16xf32>
      %mul3A_341 = arith.mulf %gather3A_331, %mul3A_340 : vector<16xf32>
      %mul3A_342 = arith.constant 1.000000e+00 : f32
      %mul3A_343 = vector.broadcast %mul3A_342 : f32 to vector<16xf32>
      %mul3A_344 = arith.mulf %gather3A_332, %mul3A_343 : vector<16xf32>
      %mul3A_345 = arith.constant -1.000000e+00 : f32
      %mul3A_346 = vector.broadcast %mul3A_345 : f32 to vector<16xf32>
      %mul3A_347 = arith.mulf %gather3A_333, %mul3A_346 : vector<16xf32>
      %mul3A_348 = arith.constant 1.000000e+00 : f32
      %mul3A_349 = vector.broadcast %mul3A_348 : f32 to vector<16xf32>
      %mul3A_350 = arith.mulf %gather3A_334, %mul3A_349 : vector<16xf32>
      %mul3A_351 = arith.constant -1.000000e+00 : f32
      %mul3A_352 = vector.broadcast %mul3A_351 : f32 to vector<16xf32>
      %mul3A_353 = arith.mulf %gather3A_335, %mul3A_352 : vector<16xf32>
      %mul3A_354 = arith.constant 1.000000e+00 : f32
      %mul3A_355 = vector.broadcast %mul3A_354 : f32 to vector<16xf32>
      %mul3A_356 = arith.mulf %gather3A_336, %mul3A_355 : vector<16xf32>
      %mul3A_357 = arith.constant -1.000000e+00 : f32
      %mul3A_358 = vector.broadcast %mul3A_357 : f32 to vector<16xf32>
      %mul3A_359 = arith.mulf %gather3A_337, %mul3A_358 : vector<16xf32>
      %mul3A_360 = arith.constant 1.000000e+00 : f32
      %mul3A_361 = vector.broadcast %mul3A_360 : f32 to vector<16xf32>
      %mul3A_362 = arith.mulf %gather3A_338, %mul3A_361 : vector<16xf32>
      %max3A_363 = arith.maximumf %mul3A_341, %mul3A_344 : vector<16xf32>
      %max3A_364 = arith.maximumf %max3A_363, %mul3A_347 : vector<16xf32>
      %max3A_365 = arith.maximumf %max3A_364, %mul3A_350 : vector<16xf32>
      %max3A_366 = arith.maximumf %max3A_365, %mul3A_353 : vector<16xf32>
      %max3A_367 = arith.maximumf %max3A_366, %mul3A_356 : vector<16xf32>
      %max3A_368 = arith.maximumf %max3A_367, %mul3A_359 : vector<16xf32>
      %max3A_369 = arith.maximumf %max3A_368, %mul3A_362 : vector<16xf32>
      %sub3A_370 = arith.subf %mul3A_341, %max3A_369 : vector<16xf32>
      %exp3A_371 = math.exp %sub3A_370 : vector<16xf32>
      %sub3A_372 = arith.subf %mul3A_344, %max3A_369 : vector<16xf32>
      %exp3A_373 = math.exp %sub3A_372 : vector<16xf32>
      %sub3A_374 = arith.subf %mul3A_347, %max3A_369 : vector<16xf32>
      %exp3A_375 = math.exp %sub3A_374 : vector<16xf32>
      %sub3A_376 = arith.subf %mul3A_350, %max3A_369 : vector<16xf32>
      %exp3A_377 = math.exp %sub3A_376 : vector<16xf32>
      %sub3A_378 = arith.subf %mul3A_353, %max3A_369 : vector<16xf32>
      %exp3A_379 = math.exp %sub3A_378 : vector<16xf32>
      %sub3A_380 = arith.subf %mul3A_356, %max3A_369 : vector<16xf32>
      %exp3A_381 = math.exp %sub3A_380 : vector<16xf32>
      %sub3A_382 = arith.subf %mul3A_359, %max3A_369 : vector<16xf32>
      %exp3A_383 = math.exp %sub3A_382 : vector<16xf32>
      %sub3A_384 = arith.subf %mul3A_362, %max3A_369 : vector<16xf32>
      %exp3A_385 = math.exp %sub3A_384 : vector<16xf32>
      %add3A_386 = arith.addf %exp3A_371, %exp3A_373 : vector<16xf32>
      %add3A_387 = arith.addf %add3A_386, %exp3A_375 : vector<16xf32>
      %add3A_388 = arith.addf %add3A_387, %exp3A_377 : vector<16xf32>
      %add3A_389 = arith.addf %add3A_388, %exp3A_379 : vector<16xf32>
      %add3A_390 = arith.addf %add3A_389, %exp3A_381 : vector<16xf32>
      %add3A_391 = arith.addf %add3A_390, %exp3A_383 : vector<16xf32>
      %add3A_392 = arith.addf %add3A_391, %exp3A_385 : vector<16xf32>
      %div3A_393 = arith.divf %get3A_63, %add3A_392 : vector<16xf32>
      %neg3A_394 = arith.constant 0.000000e+00 : f32
      %neg3A_395 = vector.broadcast %neg3A_394 : f32 to vector<16xf32>
      %neg3A_396 = arith.subf %neg3A_395, %div3A_393 : vector<16xf32>
      %mul3A_397 = arith.mulf %exp3A_371, %neg3A_396 : vector<16xf32>
      tpu.vector_store_idx %arg8[%add3A_277, %broadcast_in_dim3A_136], %mul3A_397 : memref<64x256xf32, #tpu.memory_space<vmem>>[vector<16xi32>, vector<16xi32>], vector<16xf32>,
      %mul3A_398 = arith.mulf %exp3A_373, %div3A_393 : vector<16xf32>
      tpu.vector_store_idx %arg8[%add3A_277, %broadcast_in_dim3A_138], %mul3A_398 : memref<64x256xf32, #tpu.memory_space<vmem>>[vector<16xi32>, vector<16xi32>], vector<16xf32>,
      %mul3A_399 = arith.mulf %exp3A_375, %neg3A_396 : vector<16xf32>
      tpu.vector_store_idx %arg8[%add3A_277, %broadcast_in_dim3A_140], %mul3A_399 : memref<64x256xf32, #tpu.memory_space<vmem>>[vector<16xi32>, vector<16xi32>], vector<16xf32>,
      %mul3A_400 = arith.mulf %exp3A_377, %div3A_393 : vector<16xf32>
      tpu.vector_store_idx %arg8[%add3A_277, %broadcast_in_dim3A_142], %mul3A_400 : memref<64x256xf32, #tpu.memory_space<vmem>>[vector<16xi32>, vector<16xi32>], vector<16xf32>,
      %mul3A_401 = arith.mulf %exp3A_379, %neg3A_396 : vector<16xf32>
      tpu.vector_store_idx %arg8[%add3A_277, %broadcast_in_dim3A_144], %mul3A_401 : memref<64x256xf32, #tpu.memory_space<vmem>>[vector<16xi32>, vector<16xi32>], vector<16xf32>,
      %mul3A_402 = arith.mulf %exp3A_381, %div3A_393 : vector<16xf32>
      tpu.vector_store_idx %arg8[%add3A_277, %broadcast_in_dim3A_146], %mul3A_402 : memref<64x256xf32, #tpu.memory_space<vmem>>[vector<16xi32>, vector<16xi32>], vector<16xf32>,
      %mul3A_403 = arith.mulf %exp3A_383, %neg3A_396 : vector<16xf32>
      tpu.vector_store_idx %arg8[%add3A_277, %broadcast_in_dim3A_148], %mul3A_403 : memref<64x256xf32, #tpu.memory_space<vmem>>[vector<16xi32>, vector<16xi32>], vector<16xf32>,
      %mul3A_404 = arith.mulf %exp3A_385, %div3A_393 : vector<16xf32>
      tpu.vector_store_idx %arg8[%add3A_277, %broadcast_in_dim3A_150], %mul3A_404 : memref<64x256xf32, #tpu.memory_space<vmem>>[vector<16xi32>, vector<16xi32>], vector<16xf32>,
      %add3A_405 = arith.constant 32 : i32
      %add3A_406 = vector.broadcast %add3A_405 : i32 to vector<16xi32>
      %add3A_407 = arith.addi %iota3A, %add3A_406 : vector<16xi32>
      %jit3A_408 = arith.constant 8 : i32
      %div3A_409 = vector.broadcast %jit3A_408 : i32 to vector<16xi32>
      %div3A_410 = arith.divsi %add3A_407, %div3A_409 : vector<16xi32>
      %sign3A_411 = arith.constant 0 : i32
      %sign3A_412 = vector.broadcast %sign3A_411 : i32 to vector<16xi32>
      %sign3A_413 = arith.cmpi sgt, %add3A_407, %sign3A_412 : vector<16xi32>
      %sign3A_414 = arith.extui %sign3A_413 : vector<16xi1> to vector<16xi32>
      %sign3A_415 = arith.constant 0 : i32
      %sign3A_416 = vector.broadcast %sign3A_415 : i32 to vector<16xi32>
      %sign3A_417 = arith.cmpi slt, %add3A_407, %sign3A_416 : vector<16xi32>
      %sign3A_418 = arith.extui %sign3A_417 : vector<16xi1> to vector<16xi32>
      %sign3A_419 = arith.subi %sign3A_414, %sign3A_418 : vector<16xi32>
      %sign3A_420 = arith.constant 0 : i32
      %sign3A_421 = arith.cmpi sgt, %jit3A_408, %sign3A_420 : i32
      %sign3A_422 = arith.extui %sign3A_421 : i1 to i32
      %sign3A_423 = arith.constant 0 : i32
      %sign3A_424 = arith.cmpi slt, %jit3A_408, %sign3A_423 : i32
      %sign3A_425 = arith.extui %sign3A_424 : i1 to i32
      %sign3A_426 = arith.subi %sign3A_422, %sign3A_425 : i32
      %ne3A_427 = vector.broadcast %sign3A_426 : i32 to vector<16xi32>
      %ne3A_428 = arith.cmpi ne, %sign3A_419, %ne3A_427 : vector<16xi32>
      %rem3A_429 = vector.broadcast %jit3A_408 : i32 to vector<16xi32>
      %rem3A_430 = arith.remsi %add3A_407, %rem3A_429 : vector<16xi32>
      %ne3A_431 = arith.constant 0 : i32
      %ne3A_432 = vector.broadcast %ne3A_431 : i32 to vector<16xi32>
      %ne3A_433 = arith.cmpi ne, %rem3A_430, %ne3A_432 : vector<16xi32>
      %and3A_434 = arith.andi %ne3A_428, %ne3A_433 : vector<16xi1>
      %sub3A_435 = arith.constant 1 : i32
      %sub3A_436 = vector.broadcast %sub3A_435 : i32 to vector<16xi32>
      %sub3A_437 = arith.subi %div3A_410, %sub3A_436 : vector<16xi32>
      %select_n3A_438 = arith.select %and3A_434, %sub3A_437, %div3A_410 : vector<16xi1>, vector<16xi32>
      %jit3A_439 = arith.constant 8 : i32
      %eq3A_440 = arith.constant 0 : i32
      %eq3A_441 = arith.cmpi eq, %jit3A_439, %eq3A_440 : i32
      %jit3A_442 = arith.constant 1 : i32
      %select_n3A_443 = arith.select %eq3A_441, %jit3A_442, %jit3A_439 : i32
      %rem3A_444 = vector.broadcast %select_n3A_443 : i32 to vector<16xi32>
      %rem3A_445 = arith.remsi %add3A_407, %rem3A_444 : vector<16xi32>
      %ne3A_446 = arith.constant 0 : i32
      %ne3A_447 = vector.broadcast %ne3A_446 : i32 to vector<16xi32>
      %ne3A_448 = arith.cmpi ne, %rem3A_445, %ne3A_447 : vector<16xi32>
      %lt3A_449 = arith.constant 0 : i32
      %lt3A_450 = vector.broadcast %lt3A_449 : i32 to vector<16xi32>
      %lt3A_451 = arith.cmpi slt, %rem3A_445, %lt3A_450 : vector<16xi32>
      %lt3A_452 = arith.constant 0 : i32
      %lt3A_453 = arith.cmpi slt, %select_n3A_443, %lt3A_452 : i32
      %ne3A_454 = vector.broadcast %lt3A_453 : i1 to vector<16xi1>
      %ne3A_455 = vector.broadcast %ne3A_454 : vector<16xi1> to vector<16xi1>
      %ne3A_456 = arith.xori %lt3A_451, %ne3A_455 : vector<16xi1>
      %and3A_457 = arith.andi %ne3A_456, %ne3A_448 : vector<16xi1>
      %add3A_458 = vector.broadcast %select_n3A_443 : i32 to vector<16xi32>
      %add3A_459 = arith.addi %rem3A_445, %add3A_458 : vector<16xi32>
      %select_n3A_460 = arith.select %and3A_457, %add3A_459, %rem3A_445 : vector<16xi1>, vector<16xi32>
      %gather3A_461 = tpu.vector_load_idx %arg5[%select_n3A_438, %select_n3A_460, %broadcast_in_dim3A_136] : memref<8x8x128xf32, #tpu.memory_space<vmem>>[vector<16xi32>, vector<16xi32>, vector<16xi32>], vector<16xf32>,
      %gather3A_462 = tpu.vector_load_idx %arg5[%select_n3A_438, %select_n3A_460, %broadcast_in_dim3A_138] : memref<8x8x128xf32, #tpu.memory_space<vmem>>[vector<16xi32>, vector<16xi32>, vector<16xi32>], vector<16xf32>,
      %gather3A_463 = tpu.vector_load_idx %arg5[%select_n3A_438, %select_n3A_460, %broadcast_in_dim3A_140] : memref<8x8x128xf32, #tpu.memory_space<vmem>>[vector<16xi32>, vector<16xi32>, vector<16xi32>], vector<16xf32>,
      %gather3A_464 = tpu.vector_load_idx %arg5[%select_n3A_438, %select_n3A_460, %broadcast_in_dim3A_142] : memref<8x8x128xf32, #tpu.memory_space<vmem>>[vector<16xi32>, vector<16xi32>, vector<16xi32>], vector<16xf32>,
      %gather3A_465 = tpu.vector_load_idx %arg5[%select_n3A_438, %select_n3A_460, %broadcast_in_dim3A_144] : memref<8x8x128xf32, #tpu.memory_space<vmem>>[vector<16xi32>, vector<16xi32>, vector<16xi32>], vector<16xf32>,
      %gather3A_466 = tpu.vector_load_idx %arg5[%select_n3A_438, %select_n3A_460, %broadcast_in_dim3A_146] : memref<8x8x128xf32, #tpu.memory_space<vmem>>[vector<16xi32>, vector<16xi32>, vector<16xi32>], vector<16xf32>,
      %gather3A_467 = tpu.vector_load_idx %arg5[%select_n3A_438, %select_n3A_460, %broadcast_in_dim3A_148] : memref<8x8x128xf32, #tpu.memory_space<vmem>>[vector<16xi32>, vector<16xi32>, vector<16xi32>], vector<16xf32>,
      %gather3A_468 = tpu.vector_load_idx %arg5[%select_n3A_438, %select_n3A_460, %broadcast_in_dim3A_150] : memref<8x8x128xf32, #tpu.memory_space<vmem>>[vector<16xi32>, vector<16xi32>, vector<16xi32>], vector<16xf32>,
      %mul3A_469 = arith.constant -1.000000e+00 : f32
      %mul3A_470 = vector.broadcast %mul3A_469 : f32 to vector<16xf32>
      %mul3A_471 = arith.mulf %gather3A_461, %mul3A_470 : vector<16xf32>
      %mul3A_472 = arith.constant 1.000000e+00 : f32
      %mul3A_473 = vector.broadcast %mul3A_472 : f32 to vector<16xf32>
      %mul3A_474 = arith.mulf %gather3A_462, %mul3A_473 : vector<16xf32>
      %mul3A_475 = arith.constant -1.000000e+00 : f32
      %mul3A_476 = vector.broadcast %mul3A_475 : f32 to vector<16xf32>
      %mul3A_477 = arith.mulf %gather3A_463, %mul3A_476 : vector<16xf32>
      %mul3A_478 = arith.constant 1.000000e+00 : f32
      %mul3A_479 = vector.broadcast %mul3A_478 : f32 to vector<16xf32>
      %mul3A_480 = arith.mulf %gather3A_464, %mul3A_479 : vector<16xf32>
      %mul3A_481 = arith.constant -1.000000e+00 : f32
      %mul3A_482 = vector.broadcast %mul3A_481 : f32 to vector<16xf32>
      %mul3A_483 = arith.mulf %gather3A_465, %mul3A_482 : vector<16xf32>
      %mul3A_484 = arith.constant 1.000000e+00 : f32
      %mul3A_485 = vector.broadcast %mul3A_484 : f32 to vector<16xf32>
      %mul3A_486 = arith.mulf %gather3A_466, %mul3A_485 : vector<16xf32>
      %mul3A_487 = arith.constant -1.000000e+00 : f32
      %mul3A_488 = vector.broadcast %mul3A_487 : f32 to vector<16xf32>
      %mul3A_489 = arith.mulf %gather3A_467, %mul3A_488 : vector<16xf32>
      %mul3A_490 = arith.constant 1.000000e+00 : f32
      %mul3A_491 = vector.broadcast %mul3A_490 : f32 to vector<16xf32>
      %mul3A_492 = arith.mulf %gather3A_468, %mul3A_491 : vector<16xf32>
      %max3A_493 = arith.maximumf %mul3A_471, %mul3A_474 : vector<16xf32>
      %max3A_494 = arith.maximumf %max3A_493, %mul3A_477 : vector<16xf32>
      %max3A_495 = arith.maximumf %max3A_494, %mul3A_480 : vector<16xf32>
      %max3A_496 = arith.maximumf %max3A_495, %mul3A_483 : vector<16xf32>
      %max3A_497 = arith.maximumf %max3A_496, %mul3A_486 : vector<16xf32>
      %max3A_498 = arith.maximumf %max3A_497, %mul3A_489 : vector<16xf32>
      %max3A_499 = arith.maximumf %max3A_498, %mul3A_492 : vector<16xf32>
      %sub3A_500 = arith.subf %mul3A_471, %max3A_499 : vector<16xf32>
      %exp3A_501 = math.exp %sub3A_500 : vector<16xf32>
      %sub3A_502 = arith.subf %mul3A_474, %max3A_499 : vector<16xf32>
      %exp3A_503 = math.exp %sub3A_502 : vector<16xf32>
      %sub3A_504 = arith.subf %mul3A_477, %max3A_499 : vector<16xf32>
      %exp3A_505 = math.exp %sub3A_504 : vector<16xf32>
      %sub3A_506 = arith.subf %mul3A_480, %max3A_499 : vector<16xf32>
      %exp3A_507 = math.exp %sub3A_506 : vector<16xf32>
      %sub3A_508 = arith.subf %mul3A_483, %max3A_499 : vector<16xf32>
      %exp3A_509 = math.exp %sub3A_508 : vector<16xf32>
      %sub3A_510 = arith.subf %mul3A_486, %max3A_499 : vector<16xf32>
      %exp3A_511 = math.exp %sub3A_510 : vector<16xf32>
      %sub3A_512 = arith.subf %mul3A_489, %max3A_499 : vector<16xf32>
      %exp3A_513 = math.exp %sub3A_512 : vector<16xf32>
      %sub3A_514 = arith.subf %mul3A_492, %max3A_499 : vector<16xf32>
      %exp3A_515 = math.exp %sub3A_514 : vector<16xf32>
      %add3A_516 = arith.addf %exp3A_501, %exp3A_503 : vector<16xf32>
      %add3A_517 = arith.addf %add3A_516, %exp3A_505 : vector<16xf32>
      %add3A_518 = arith.addf %add3A_517, %exp3A_507 : vector<16xf32>
      %add3A_519 = arith.addf %add3A_518, %exp3A_509 : vector<16xf32>
      %add3A_520 = arith.addf %add3A_519, %exp3A_511 : vector<16xf32>
      %add3A_521 = arith.addf %add3A_520, %exp3A_513 : vector<16xf32>
      %add3A_522 = arith.addf %add3A_521, %exp3A_515 : vector<16xf32>
      %div3A_523 = arith.divf %get3A_63, %add3A_522 : vector<16xf32>
      %neg3A_524 = arith.constant 0.000000e+00 : f32
      %neg3A_525 = vector.broadcast %neg3A_524 : f32 to vector<16xf32>
      %neg3A_526 = arith.subf %neg3A_525, %div3A_523 : vector<16xf32>
      %mul3A_527 = arith.mulf %exp3A_501, %neg3A_526 : vector<16xf32>
      tpu.vector_store_idx %arg8[%add3A_407, %broadcast_in_dim3A_136], %mul3A_527 : memref<64x256xf32, #tpu.memory_space<vmem>>[vector<16xi32>, vector<16xi32>], vector<16xf32>,
      %mul3A_528 = arith.mulf %exp3A_503, %div3A_523 : vector<16xf32>
      tpu.vector_store_idx %arg8[%add3A_407, %broadcast_in_dim3A_138], %mul3A_528 : memref<64x256xf32, #tpu.memory_space<vmem>>[vector<16xi32>, vector<16xi32>], vector<16xf32>,
      %mul3A_529 = arith.mulf %exp3A_505, %neg3A_526 : vector<16xf32>
      tpu.vector_store_idx %arg8[%add3A_407, %broadcast_in_dim3A_140], %mul3A_529 : memref<64x256xf32, #tpu.memory_space<vmem>>[vector<16xi32>, vector<16xi32>], vector<16xf32>,
      %mul3A_530 = arith.mulf %exp3A_507, %div3A_523 : vector<16xf32>
      tpu.vector_store_idx %arg8[%add3A_407, %broadcast_in_dim3A_142], %mul3A_530 : memref<64x256xf32, #tpu.memory_space<vmem>>[vector<16xi32>, vector<16xi32>], vector<16xf32>,
      %mul3A_531 = arith.mulf %exp3A_509, %neg3A_526 : vector<16xf32>
      tpu.vector_store_idx %arg8[%add3A_407, %broadcast_in_dim3A_144], %mul3A_531 : memref<64x256xf32, #tpu.memory_space<vmem>>[vector<16xi32>, vector<16xi32>], vector<16xf32>,
      %mul3A_532 = arith.mulf %exp3A_511, %div3A_523 : vector<16xf32>
      tpu.vector_store_idx %arg8[%add3A_407, %broadcast_in_dim3A_146], %mul3A_532 : memref<64x256xf32, #tpu.memory_space<vmem>>[vector<16xi32>, vector<16xi32>], vector<16xf32>,
      %mul3A_533 = arith.mulf %exp3A_513, %neg3A_526 : vector<16xf32>
      tpu.vector_store_idx %arg8[%add3A_407, %broadcast_in_dim3A_148], %mul3A_533 : memref<64x256xf32, #tpu.memory_space<vmem>>[vector<16xi32>, vector<16xi32>], vector<16xf32>,
      %mul3A_534 = arith.mulf %exp3A_515, %div3A_523 : vector<16xf32>
      tpu.vector_store_idx %arg8[%add3A_407, %broadcast_in_dim3A_150], %mul3A_534 : memref<64x256xf32, #tpu.memory_space<vmem>>[vector<16xi32>, vector<16xi32>], vector<16xf32>,
      %add3A_535 = arith.constant 48 : i32
      %add3A_536 = vector.broadcast %add3A_535 : i32 to vector<16xi32>
      %add3A_537 = arith.addi %iota3A, %add3A_536 : vector<16xi32>
      %jit3A_538 = arith.constant 8 : i32
      %div3A_539 = vector.broadcast %jit3A_538 : i32 to vector<16xi32>
      %div3A_540 = arith.divsi %add3A_537, %div3A_539 : vector<16xi32>
      %sign3A_541 = arith.constant 0 : i32
      %sign3A_542 = vector.broadcast %sign3A_541 : i32 to vector<16xi32>
      %sign3A_543 = arith.cmpi sgt, %add3A_537, %sign3A_542 : vector<16xi32>
      %sign3A_544 = arith.extui %sign3A_543 : vector<16xi1> to vector<16xi32>
      %sign3A_545 = arith.constant 0 : i32
      %sign3A_546 = vector.broadcast %sign3A_545 : i32 to vector<16xi32>
      %sign3A_547 = arith.cmpi slt, %add3A_537, %sign3A_546 : vector<16xi32>
      %sign3A_548 = arith.extui %sign3A_547 : vector<16xi1> to vector<16xi32>
      %sign3A_549 = arith.subi %sign3A_544, %sign3A_548 : vector<16xi32>
      %sign3A_550 = arith.constant 0 : i32
      %sign3A_551 = arith.cmpi sgt, %jit3A_538, %sign3A_550 : i32
      %sign3A_552 = arith.extui %sign3A_551 : i1 to i32
      %sign3A_553 = arith.constant 0 : i32
      %sign3A_554 = arith.cmpi slt, %jit3A_538, %sign3A_553 : i32
      %sign3A_555 = arith.extui %sign3A_554 : i1 to i32
      %sign3A_556 = arith.subi %sign3A_552, %sign3A_555 : i32
      %ne3A_557 = vector.broadcast %sign3A_556 : i32 to vector<16xi32>
      %ne3A_558 = arith.cmpi ne, %sign3A_549, %ne3A_557 : vector<16xi32>
      %rem3A_559 = vector.broadcast %jit3A_538 : i32 to vector<16xi32>
      %rem3A_560 = arith.remsi %add3A_537, %rem3A_559 : vector<16xi32>
      %ne3A_561 = arith.constant 0 : i32
      %ne3A_562 = vector.broadcast %ne3A_561 : i32 to vector<16xi32>
      %ne3A_563 = arith.cmpi ne, %rem3A_560, %ne3A_562 : vector<16xi32>
      %and3A_564 = arith.andi %ne3A_558, %ne3A_563 : vector<16xi1>
      %sub3A_565 = arith.constant 1 : i32
      %sub3A_566 = vector.broadcast %sub3A_565 : i32 to vector<16xi32>
      %sub3A_567 = arith.subi %div3A_540, %sub3A_566 : vector<16xi32>
      %select_n3A_568 = arith.select %and3A_564, %sub3A_567, %div3A_540 : vector<16xi1>, vector<16xi32>
      %jit3A_569 = arith.constant 8 : i32
      %eq3A_570 = arith.constant 0 : i32
      %eq3A_571 = arith.cmpi eq, %jit3A_569, %eq3A_570 : i32
      %jit3A_572 = arith.constant 1 : i32
      %select_n3A_573 = arith.select %eq3A_571, %jit3A_572, %jit3A_569 : i32
      %rem3A_574 = vector.broadcast %select_n3A_573 : i32 to vector<16xi32>
      %rem3A_575 = arith.remsi %add3A_537, %rem3A_574 : vector<16xi32>
      %ne3A_576 = arith.constant 0 : i32
      %ne3A_577 = vector.broadcast %ne3A_576 : i32 to vector<16xi32>
      %ne3A_578 = arith.cmpi ne, %rem3A_575, %ne3A_577 : vector<16xi32>
      %lt3A_579 = arith.constant 0 : i32
      %lt3A_580 = vector.broadcast %lt3A_579 : i32 to vector<16xi32>
      %lt3A_581 = arith.cmpi slt, %rem3A_575, %lt3A_580 : vector<16xi32>
      %lt3A_582 = arith.constant 0 : i32
      %lt3A_583 = arith.cmpi slt, %select_n3A_573, %lt3A_582 : i32
      %ne3A_584 = vector.broadcast %lt3A_583 : i1 to vector<16xi1>
      %ne3A_585 = vector.broadcast %ne3A_584 : vector<16xi1> to vector<16xi1>
      %ne3A_586 = arith.xori %lt3A_581, %ne3A_585 : vector<16xi1>
      %and3A_587 = arith.andi %ne3A_586, %ne3A_578 : vector<16xi1>
      %add3A_588 = vector.broadcast %select_n3A_573 : i32 to vector<16xi32>
      %add3A_589 = arith.addi %rem3A_575, %add3A_588 : vector<16xi32>
      %select_n3A_590 = arith.select %and3A_587, %add3A_589, %rem3A_575 : vector<16xi1>, vector<16xi32>
      %gather3A_591 = tpu.vector_load_idx %arg5[%select_n3A_568, %select_n3A_590, %broadcast_in_dim3A_136] : memref<8x8x128xf32, #tpu.memory_space<vmem>>[vector<16xi32>, vector<16xi32>, vector<16xi32>], vector<16xf32>,
      %gather3A_592 = tpu.vector_load_idx %arg5[%select_n3A_568, %select_n3A_590, %broadcast_in_dim3A_138] : memref<8x8x128xf32, #tpu.memory_space<vmem>>[vector<16xi32>, vector<16xi32>, vector<16xi32>], vector<16xf32>,
      %gather3A_593 = tpu.vector_load_idx %arg5[%select_n3A_568, %select_n3A_590, %broadcast_in_dim3A_140] : memref<8x8x128xf32, #tpu.memory_space<vmem>>[vector<16xi32>, vector<16xi32>, vector<16xi32>], vector<16xf32>,
      %gather3A_594 = tpu.vector_load_idx %arg5[%select_n3A_568, %select_n3A_590, %broadcast_in_dim3A_142] : memref<8x8x128xf32, #tpu.memory_space<vmem>>[vector<16xi32>, vector<16xi32>, vector<16xi32>], vector<16xf32>,
      %gather3A_595 = tpu.vector_load_idx %arg5[%select_n3A_568, %select_n3A_590, %broadcast_in_dim3A_144] : memref<8x8x128xf32, #tpu.memory_space<vmem>>[vector<16xi32>, vector<16xi32>, vector<16xi32>], vector<16xf32>,
      %gather3A_596 = tpu.vector_load_idx %arg5[%select_n3A_568, %select_n3A_590, %broadcast_in_dim3A_146] : memref<8x8x128xf32, #tpu.memory_space<vmem>>[vector<16xi32>, vector<16xi32>, vector<16xi32>], vector<16xf32>,
      %gather3A_597 = tpu.vector_load_idx %arg5[%select_n3A_568, %select_n3A_590, %broadcast_in_dim3A_148] : memref<8x8x128xf32, #tpu.memory_space<vmem>>[vector<16xi32>, vector<16xi32>, vector<16xi32>], vector<16xf32>,
      %gather3A_598 = tpu.vector_load_idx %arg5[%select_n3A_568, %select_n3A_590, %broadcast_in_dim3A_150] : memref<8x8x128xf32, #tpu.memory_space<vmem>>[vector<16xi32>, vector<16xi32>, vector<16xi32>], vector<16xf32>,
      %mul3A_599 = arith.constant -1.000000e+00 : f32
      %mul3A_600 = vector.broadcast %mul3A_599 : f32 to vector<16xf32>
      %mul3A_601 = arith.mulf %gather3A_591, %mul3A_600 : vector<16xf32>
      %mul3A_602 = arith.constant 1.000000e+00 : f32
      %mul3A_603 = vector.broadcast %mul3A_602 : f32 to vector<16xf32>
      %mul3A_604 = arith.mulf %gather3A_592, %mul3A_603 : vector<16xf32>
      %mul3A_605 = arith.constant -1.000000e+00 : f32
      %mul3A_606 = vector.broadcast %mul3A_605 : f32 to vector<16xf32>
      %mul3A_607 = arith.mulf %gather3A_593, %mul3A_606 : vector<16xf32>
      %mul3A_608 = arith.constant 1.000000e+00 : f32
      %mul3A_609 = vector.broadcast %mul3A_608 : f32 to vector<16xf32>
      %mul3A_610 = arith.mulf %gather3A_594, %mul3A_609 : vector<16xf32>
      %mul3A_611 = arith.constant -1.000000e+00 : f32
      %mul3A_612 = vector.broadcast %mul3A_611 : f32 to vector<16xf32>
      %mul3A_613 = arith.mulf %gather3A_595, %mul3A_612 : vector<16xf32>
      %mul3A_614 = arith.constant 1.000000e+00 : f32
      %mul3A_615 = vector.broadcast %mul3A_614 : f32 to vector<16xf32>
      %mul3A_616 = arith.mulf %gather3A_596, %mul3A_615 : vector<16xf32>
      %mul3A_617 = arith.constant -1.000000e+00 : f32
      %mul3A_618 = vector.broadcast %mul3A_617 : f32 to vector<16xf32>
      %mul3A_619 = arith.mulf %gather3A_597, %mul3A_618 : vector<16xf32>
      %mul3A_620 = arith.constant 1.000000e+00 : f32
      %mul3A_621 = vector.broadcast %mul3A_620 : f32 to vector<16xf32>
      %mul3A_622 = arith.mulf %gather3A_598, %mul3A_621 : vector<16xf32>
      %max3A_623 = arith.maximumf %mul3A_601, %mul3A_604 : vector<16xf32>
      %max3A_624 = arith.maximumf %max3A_623, %mul3A_607 : vector<16xf32>
      %max3A_625 = arith.maximumf %max3A_624, %mul3A_610 : vector<16xf32>
      %max3A_626 = arith.maximumf %max3A_625, %mul3A_613 : vector<16xf32>
      %max3A_627 = arith.maximumf %max3A_626, %mul3A_616 : vector<16xf32>
      %max3A_628 = arith.maximumf %max3A_627, %mul3A_619 : vector<16xf32>
      %max3A_629 = arith.maximumf %max3A_628, %mul3A_622 : vector<16xf32>
      %sub3A_630 = arith.subf %mul3A_601, %max3A_629 : vector<16xf32>
      %exp3A_631 = math.exp %sub3A_630 : vector<16xf32>
      %sub3A_632 = arith.subf %mul3A_604, %max3A_629 : vector<16xf32>
      %exp3A_633 = math.exp %sub3A_632 : vector<16xf32>
      %sub3A_634 = arith.subf %mul3A_607, %max3A_629 : vector<16xf32>
      %exp3A_635 = math.exp %sub3A_634 : vector<16xf32>
      %sub3A_636 = arith.subf %mul3A_610, %max3A_629 : vector<16xf32>
      %exp3A_637 = math.exp %sub3A_636 : vector<16xf32>
      %sub3A_638 = arith.subf %mul3A_613, %max3A_629 : vector<16xf32>
      %exp3A_639 = math.exp %sub3A_638 : vector<16xf32>
      %sub3A_640 = arith.subf %mul3A_616, %max3A_629 : vector<16xf32>
      %exp3A_641 = math.exp %sub3A_640 : vector<16xf32>
      %sub3A_642 = arith.subf %mul3A_619, %max3A_629 : vector<16xf32>
      %exp3A_643 = math.exp %sub3A_642 : vector<16xf32>
      %sub3A_644 = arith.subf %mul3A_622, %max3A_629 : vector<16xf32>
      %exp3A_645 = math.exp %sub3A_644 : vector<16xf32>
      %add3A_646 = arith.addf %exp3A_631, %exp3A_633 : vector<16xf32>
      %add3A_647 = arith.addf %add3A_646, %exp3A_635 : vector<16xf32>
      %add3A_648 = arith.addf %add3A_647, %exp3A_637 : vector<16xf32>
      %add3A_649 = arith.addf %add3A_648, %exp3A_639 : vector<16xf32>
      %add3A_650 = arith.addf %add3A_649, %exp3A_641 : vector<16xf32>
      %add3A_651 = arith.addf %add3A_650, %exp3A_643 : vector<16xf32>
      %add3A_652 = arith.addf %add3A_651, %exp3A_645 : vector<16xf32>
      %div3A_653 = arith.divf %get3A_63, %add3A_652 : vector<16xf32>
      %neg3A_654 = arith.constant 0.000000e+00 : f32
      %neg3A_655 = vector.broadcast %neg3A_654 : f32 to vector<16xf32>
      %neg3A_656 = arith.subf %neg3A_655, %div3A_653 : vector<16xf32>
      %mul3A_657 = arith.mulf %exp3A_631, %neg3A_656 : vector<16xf32>
      tpu.vector_store_idx %arg8[%add3A_537, %broadcast_in_dim3A_136], %mul3A_657 : memref<64x256xf32, #tpu.memory_space<vmem>>[vector<16xi32>, vector<16xi32>], vector<16xf32>,
      %mul3A_658 = arith.mulf %exp3A_633, %div3A_653 : vector<16xf32>
      tpu.vector_store_idx %arg8[%add3A_537, %broadcast_in_dim3A_138], %mul3A_658 : memref<64x256xf32, #tpu.memory_space<vmem>>[vector<16xi32>, vector<16xi32>], vector<16xf32>,
      %mul3A_659 = arith.mulf %exp3A_635, %neg3A_656 : vector<16xf32>
      tpu.vector_store_idx %arg8[%add3A_537, %broadcast_in_dim3A_140], %mul3A_659 : memref<64x256xf32, #tpu.memory_space<vmem>>[vector<16xi32>, vector<16xi32>], vector<16xf32>,
      %mul3A_660 = arith.mulf %exp3A_637, %div3A_653 : vector<16xf32>
      tpu.vector_store_idx %arg8[%add3A_537, %broadcast_in_dim3A_142], %mul3A_660 : memref<64x256xf32, #tpu.memory_space<vmem>>[vector<16xi32>, vector<16xi32>], vector<16xf32>,
      %mul3A_661 = arith.mulf %exp3A_639, %neg3A_656 : vector<16xf32>
      tpu.vector_store_idx %arg8[%add3A_537, %broadcast_in_dim3A_144], %mul3A_661 : memref<64x256xf32, #tpu.memory_space<vmem>>[vector<16xi32>, vector<16xi32>], vector<16xf32>,
      %mul3A_662 = arith.mulf %exp3A_641, %div3A_653 : vector<16xf32>
      tpu.vector_store_idx %arg8[%add3A_537, %broadcast_in_dim3A_146], %mul3A_662 : memref<64x256xf32, #tpu.memory_space<vmem>>[vector<16xi32>, vector<16xi32>], vector<16xf32>,
      %mul3A_663 = arith.mulf %exp3A_643, %neg3A_656 : vector<16xf32>
      tpu.vector_store_idx %arg8[%add3A_537, %broadcast_in_dim3A_148], %mul3A_663 : memref<64x256xf32, #tpu.memory_space<vmem>>[vector<16xi32>, vector<16xi32>], vector<16xf32>,
      %mul3A_664 = arith.mulf %exp3A_645, %div3A_653 : vector<16xf32>
      tpu.vector_store_idx %arg8[%add3A_537, %broadcast_in_dim3A_150], %mul3A_664 : memref<64x256xf32, #tpu.memory_space<vmem>>[vector<16xi32>, vector<16xi32>], vector<16xf32>,
      %dma_start3A_665 = arith.constant 0 : i32
      %dma_start3A_666 = tpu.memref_slice %arg4[%add3A_99, %dma_start3A_665] : memref<131072x256xf32, #tpu.memory_space<hbm>> -> memref<64x256xf32, #tpu.memory_space<hbm>>
      %dma_start3A_667 = arith.constant 0 : i32
      %dma_start3A_668 = tpu.memref_slice %arg4[%add3A_99, %dma_start3A_667] : memref<131072x256xf32, #tpu.memory_space<hbm>> -> memref<64x256xf32, #tpu.memory_space<hbm>>
      tpu.enqueue_dma source(%arg8 : memref<64x256xf32, #tpu.memory_space<vmem>>) target(%dma_start3A_668 : memref<64x256xf32, #tpu.memory_space<hbm>>) target_semaphore(%arg12 : memref<!tpu.dma_semaphore, #tpu.memory_space<semaphore_mem>>)
      %add3A_669 = arith.constant 2 : i32
      %add3A_670 = arith.addi %add3A_96, %add3A_669 : i32
      %lt3A_671 = arith.constant 64 : i32
      %lt3A_672 = arith.cmpi slt, %add3A_670, %lt3A_671 : i32
      %convert_element_type3A_673 = arith.extui %lt3A_672 : i1 to i32
      %cond3A_674 = arith.constant 0 : i32
      %cond3A_675 = arith.cmpi ne, %convert_element_type3A_673, %cond3A_674 : i32
      scf.if %cond3A_675 {
        %add3A_2455 = arith.constant 2 : i32
        %add3A_2456 = arith.addi %add3A_96, %add3A_2455 : i32
        %mul3A_2457 = arith.constant 64 : i32
        %mul3A_2458 = arith.muli %add3A_2456, %mul3A_2457 : i32
        %add3A_2459 = arith.addi %mul3A_2, %mul3A_2458 : i32
        %jit3A_2460 = arith.constant 8 : i32
        %div3A_2461 = arith.divsi %add3A_2459, %jit3A_2460 : i32
        %sign3A_2462 = arith.constant 0 : i32
        %sign3A_2463 = arith.cmpi sgt, %add3A_2459, %sign3A_2462 : i32
        %sign3A_2464 = arith.extui %sign3A_2463 : i1 to i32
        %sign3A_2465 = arith.constant 0 : i32
        %sign3A_2466 = arith.cmpi slt, %add3A_2459, %sign3A_2465 : i32
        %sign3A_2467 = arith.extui %sign3A_2466 : i1 to i32
        %sign3A_2468 = arith.subi %sign3A_2464, %sign3A_2467 : i32
        %sign3A_2469 = arith.constant 0 : i32
        %sign3A_2470 = arith.cmpi sgt, %jit3A_2460, %sign3A_2469 : i32
        %sign3A_2471 = arith.extui %sign3A_2470 : i1 to i32
        %sign3A_2472 = arith.constant 0 : i32
        %sign3A_2473 = arith.cmpi slt, %jit3A_2460, %sign3A_2472 : i32
        %sign3A_2474 = arith.extui %sign3A_2473 : i1 to i32
        %sign3A_2475 = arith.subi %sign3A_2471, %sign3A_2474 : i32
        %ne3A_2476 = arith.cmpi ne, %sign3A_2468, %sign3A_2475 : i32
        %rem3A_2477 = arith.remsi %add3A_2459, %jit3A_2460 : i32
        %ne3A_2478 = arith.constant 0 : i32
        %ne3A_2479 = arith.cmpi ne, %rem3A_2477, %ne3A_2478 : i32
        %and3A_2480 = arith.andi %ne3A_2476, %ne3A_2479 : i1
        %sub3A_2481 = arith.constant 1 : i32
        %sub3A_2482 = arith.subi %div3A_2461, %sub3A_2481 : i32
        %select_n3A_2483 = arith.select %and3A_2480, %sub3A_2482, %div3A_2461 : i32
        %dma_start3A_2484 = arith.constant 0 : i32
        %dma_start3A_2485 = arith.constant 0 : i32
        %dma_start3A_2486 = tpu.memref_slice %arg2[%select_n3A_2483, %dma_start3A_2484, %dma_start3A_2485] : memref<16384x8x256xf32, #tpu.memory_space<hbm>> -> memref<8x8x128xf32, #tpu.memory_space<hbm>>
        %dma_start3A_2487 = arith.constant 0 : i32
        %dma_start3A_2488 = arith.constant 0 : i32
        %dma_start3A_2489 = tpu.memref_slice %arg2[%select_n3A_2483, %dma_start3A_2487, %dma_start3A_2488] : memref<16384x8x256xf32, #tpu.memory_space<hbm>> -> memref<8x8x128xf32, #tpu.memory_space<hbm>>
        tpu.enqueue_dma source(%dma_start3A_2489 : memref<8x8x128xf32, #tpu.memory_space<hbm>>) target(%arg5 : memref<8x8x128xf32, #tpu.memory_space<vmem>>) target_semaphore(%arg16 : memref<!tpu.dma_semaphore, #tpu.memory_space<semaphore_mem>>)
      } else {
      }
      %mul3A_676 = arith.constant 4 : i32
      %mul3A_677 = arith.muli %scan3A_92, %mul3A_676 : i32
      %add3A_678 = arith.constant 1 : i32
      %add3A_679 = arith.addi %mul3A_677, %add3A_678 : i32
      %mul3A_680 = arith.constant 64 : i32
      %mul3A_681 = arith.muli %add3A_679, %mul3A_680 : i32
      %add3A_682 = arith.addi %mul3A_2, %mul3A_681 : i32
      %mul3A_683 = arith.constant 64 : i32
      %mul3A_684 = arith.muli %add3A_679, %mul3A_683 : i32
      %add3A_685 = arith.addi %mul3A_2, %mul3A_684 : i32
      %jit3A_686 = arith.constant 8 : i32
      %div3A_687 = arith.divsi %add3A_685, %jit3A_686 : i32
      %sign3A_688 = arith.constant 0 : i32
      %sign3A_689 = arith.cmpi sgt, %add3A_685, %sign3A_688 : i32
      %sign3A_690 = arith.extui %sign3A_689 : i1 to i32
      %sign3A_691 = arith.constant 0 : i32
      %sign3A_692 = arith.cmpi slt, %add3A_685, %sign3A_691 : i32
      %sign3A_693 = arith.extui %sign3A_692 : i1 to i32
      %sign3A_694 = arith.subi %sign3A_690, %sign3A_693 : i32
      %sign3A_695 = arith.constant 0 : i32
      %sign3A_696 = arith.cmpi sgt, %jit3A_686, %sign3A_695 : i32
      %sign3A_697 = arith.extui %sign3A_696 : i1 to i32
      %sign3A_698 = arith.constant 0 : i32
      %sign3A_699 = arith.cmpi slt, %jit3A_686, %sign3A_698 : i32
      %sign3A_700 = arith.extui %sign3A_699 : i1 to i32
      %sign3A_701 = arith.subi %sign3A_697, %sign3A_700 : i32
      %ne3A_702 = arith.cmpi ne, %sign3A_694, %sign3A_701 : i32
      %rem3A_703 = arith.remsi %add3A_685, %jit3A_686 : i32
      %ne3A_704 = arith.constant 0 : i32
      %ne3A_705 = arith.cmpi ne, %rem3A_703, %ne3A_704 : i32
      %and3A_706 = arith.andi %ne3A_702, %ne3A_705 : i1
      %sub3A_707 = arith.constant 1 : i32
      %sub3A_708 = arith.subi %div3A_687, %sub3A_707 : i32
      %select_n3A_709 = arith.select %and3A_706, %sub3A_708, %div3A_687 : i32
      %dma_wait3A_710 = arith.constant 0 : i32
      %dma_wait3A_711 = arith.constant 0 : i32
      %dma_wait3A_712 = tpu.memref_slice %arg2[%select_n3A_709, %dma_wait3A_710, %dma_wait3A_711] : memref<16384x8x256xf32, #tpu.memory_space<hbm>> -> memref<8x8x128xf32, #tpu.memory_space<hbm>>
      %dma_wait3A_713 = arith.constant 0 : i32
      %dma_wait3A_714 = arith.constant 0 : i32
      %dma_wait3A_715 = tpu.memref_slice %arg2[%select_n3A_709, %dma_wait3A_713, %dma_wait3A_714] : memref<16384x8x256xf32, #tpu.memory_space<hbm>> -> memref<8x8x128xf32, #tpu.memory_space<hbm>>
      tpu.wait_dma2 semaphore(%arg17 : memref<!tpu.dma_semaphore, #tpu.memory_space<semaphore_mem>>) src(%dma_wait3A_715 : memref<8x8x128xf32, #tpu.memory_space<hbm>>) dst(%arg6 : memref<8x8x128xf32, #tpu.memory_space<vmem>>)
      %gt3A_716 = arith.constant 0 : i32
      %gt3A_717 = arith.cmpi sgt, %scan3A_92, %gt3A_716 : i32
      %convert_element_type3A_718 = arith.extui %gt3A_717 : i1 to i32
      %cond3A_719 = arith.constant 0 : i32
      %cond3A_720 = arith.cmpi ne, %convert_element_type3A_718, %cond3A_719 : i32
      scf.if %cond3A_720 {
        %dma_wait3A_2455 = arith.constant 0 : i32
        %dma_wait3A_2456 = arith.constant 0 : i32
        %dma_wait3A_2457 = tpu.memref_slice %arg4[%dma_wait3A_2455, %dma_wait3A_2456] : memref<131072x256xf32, #tpu.memory_space<hbm>> -> memref<64x256xf32, #tpu.memory_space<hbm>>
        %dma_wait3A_2458 = arith.constant 0 : i32
        %dma_wait3A_2459 = arith.constant 0 : i32
        %dma_wait3A_2460 = tpu.memref_slice %arg4[%dma_wait3A_2458, %dma_wait3A_2459] : memref<131072x256xf32, #tpu.memory_space<hbm>> -> memref<64x256xf32, #tpu.memory_space<hbm>>
        tpu.wait_dma2 semaphore(%arg13 : memref<!tpu.dma_semaphore, #tpu.memory_space<semaphore_mem>>) src(%arg9 : memref<64x256xf32, #tpu.memory_space<vmem>>) dst(%dma_wait3A_2460 : memref<64x256xf32, #tpu.memory_space<hbm>>)
      } else {
      }
      %iota3A_721 = tpu.iota {dimensions = array<i32: 0>} : vector<16xi32>
      %broadcast_in_dim3A_722 = arith.constant 0 : i32
      %broadcast_in_dim3A_723 = vector.broadcast %broadcast_in_dim3A_722 : i32 to vector<16xi32>
      %broadcast_in_dim3A_724 = arith.constant 1 : i32
      %broadcast_in_dim3A_725 = vector.broadcast %broadcast_in_dim3A_724 : i32 to vector<16xi32>
      %broadcast_in_dim3A_726 = arith.constant 2 : i32
      %broadcast_in_dim3A_727 = vector.broadcast %broadcast_in_dim3A_726 : i32 to vector<16xi32>
      %broadcast_in_dim3A_728 = arith.constant 3 : i32
      %broadcast_in_dim3A_729 = vector.broadcast %broadcast_in_dim3A_728 : i32 to vector<16xi32>
      %broadcast_in_dim3A_730 = arith.constant 4 : i32
      %broadcast_in_dim3A_731 = vector.broadcast %broadcast_in_dim3A_730 : i32 to vector<16xi32>
      %broadcast_in_dim3A_732 = arith.constant 5 : i32
      %broadcast_in_dim3A_733 = vector.broadcast %broadcast_in_dim3A_732 : i32 to vector<16xi32>
      %broadcast_in_dim3A_734 = arith.constant 6 : i32
      %broadcast_in_dim3A_735 = vector.broadcast %broadcast_in_dim3A_734 : i32 to vector<16xi32>
      %broadcast_in_dim3A_736 = arith.constant 7 : i32
      %broadcast_in_dim3A_737 = vector.broadcast %broadcast_in_dim3A_736 : i32 to vector<16xi32>
      %add3A_738 = arith.constant 0 : i32
      %add3A_739 = vector.broadcast %add3A_738 : i32 to vector<16xi32>
      %add3A_740 = arith.addi %iota3A_721, %add3A_739 : vector<16xi32>
      %jit3A_741 = arith.constant 8 : i32
      %div3A_742 = vector.broadcast %jit3A_741 : i32 to vector<16xi32>
      %div3A_743 = arith.divsi %add3A_740, %div3A_742 : vector<16xi32>
      %sign3A_744 = arith.constant 0 : i32
      %sign3A_745 = vector.broadcast %sign3A_744 : i32 to vector<16xi32>
      %sign3A_746 = arith.cmpi sgt, %add3A_740, %sign3A_745 : vector<16xi32>
      %sign3A_747 = arith.extui %sign3A_746 : vector<16xi1> to vector<16xi32>
      %sign3A_748 = arith.constant 0 : i32
      %sign3A_749 = vector.broadcast %sign3A_748 : i32 to vector<16xi32>
      %sign3A_750 = arith.cmpi slt, %add3A_740, %sign3A_749 : vector<16xi32>
      %sign3A_751 = arith.extui %sign3A_750 : vector<16xi1> to vector<16xi32>
      %sign3A_752 = arith.subi %sign3A_747, %sign3A_751 : vector<16xi32>
      %sign3A_753 = arith.constant 0 : i32
      %sign3A_754 = arith.cmpi sgt, %jit3A_741, %sign3A_753 : i32
      %sign3A_755 = arith.extui %sign3A_754 : i1 to i32
      %sign3A_756 = arith.constant 0 : i32
      %sign3A_757 = arith.cmpi slt, %jit3A_741, %sign3A_756 : i32
      %sign3A_758 = arith.extui %sign3A_757 : i1 to i32
      %sign3A_759 = arith.subi %sign3A_755, %sign3A_758 : i32
      %ne3A_760 = vector.broadcast %sign3A_759 : i32 to vector<16xi32>
      %ne3A_761 = arith.cmpi ne, %sign3A_752, %ne3A_760 : vector<16xi32>
      %rem3A_762 = vector.broadcast %jit3A_741 : i32 to vector<16xi32>
      %rem3A_763 = arith.remsi %add3A_740, %rem3A_762 : vector<16xi32>
      %ne3A_764 = arith.constant 0 : i32
      %ne3A_765 = vector.broadcast %ne3A_764 : i32 to vector<16xi32>
      %ne3A_766 = arith.cmpi ne, %rem3A_763, %ne3A_765 : vector<16xi32>
      %and3A_767 = arith.andi %ne3A_761, %ne3A_766 : vector<16xi1>
      %sub3A_768 = arith.constant 1 : i32
      %sub3A_769 = vector.broadcast %sub3A_768 : i32 to vector<16xi32>
      %sub3A_770 = arith.subi %div3A_743, %sub3A_769 : vector<16xi32>
      %select_n3A_771 = arith.select %and3A_767, %sub3A_770, %div3A_743 : vector<16xi1>, vector<16xi32>
      %jit3A_772 = arith.constant 8 : i32
      %eq3A_773 = arith.constant 0 : i32
      %eq3A_774 = arith.cmpi eq, %jit3A_772, %eq3A_773 : i32
      %jit3A_775 = arith.constant 1 : i32
      %select_n3A_776 = arith.select %eq3A_774, %jit3A_775, %jit3A_772 : i32
      %rem3A_777 = vector.broadcast %select_n3A_776 : i32 to vector<16xi32>
      %rem3A_778 = arith.remsi %add3A_740, %rem3A_777 : vector<16xi32>
      %ne3A_779 = arith.constant 0 : i32
      %ne3A_780 = vector.broadcast %ne3A_779 : i32 to vector<16xi32>
      %ne3A_781 = arith.cmpi ne, %rem3A_778, %ne3A_780 : vector<16xi32>
      %lt3A_782 = arith.constant 0 : i32
      %lt3A_783 = vector.broadcast %lt3A_782 : i32 to vector<16xi32>
      %lt3A_784 = arith.cmpi slt, %rem3A_778, %lt3A_783 : vector<16xi32>
      %lt3A_785 = arith.constant 0 : i32
      %lt3A_786 = arith.cmpi slt, %select_n3A_776, %lt3A_785 : i32
      %ne3A_787 = vector.broadcast %lt3A_786 : i1 to vector<16xi1>
      %ne3A_788 = vector.broadcast %ne3A_787 : vector<16xi1> to vector<16xi1>
      %ne3A_789 = arith.xori %lt3A_784, %ne3A_788 : vector<16xi1>
      %and3A_790 = arith.andi %ne3A_789, %ne3A_781 : vector<16xi1>
      %add3A_791 = vector.broadcast %select_n3A_776 : i32 to vector<16xi32>
      %add3A_792 = arith.addi %rem3A_778, %add3A_791 : vector<16xi32>
      %select_n3A_793 = arith.select %and3A_790, %add3A_792, %rem3A_778 : vector<16xi1>, vector<16xi32>
      %gather3A_794 = tpu.vector_load_idx %arg6[%select_n3A_771, %select_n3A_793, %broadcast_in_dim3A_723] : memref<8x8x128xf32, #tpu.memory_space<vmem>>[vector<16xi32>, vector<16xi32>, vector<16xi32>], vector<16xf32>,
      %gather3A_795 = tpu.vector_load_idx %arg6[%select_n3A_771, %select_n3A_793, %broadcast_in_dim3A_725] : memref<8x8x128xf32, #tpu.memory_space<vmem>>[vector<16xi32>, vector<16xi32>, vector<16xi32>], vector<16xf32>,
      %gather3A_796 = tpu.vector_load_idx %arg6[%select_n3A_771, %select_n3A_793, %broadcast_in_dim3A_727] : memref<8x8x128xf32, #tpu.memory_space<vmem>>[vector<16xi32>, vector<16xi32>, vector<16xi32>], vector<16xf32>,
      %gather3A_797 = tpu.vector_load_idx %arg6[%select_n3A_771, %select_n3A_793, %broadcast_in_dim3A_729] : memref<8x8x128xf32, #tpu.memory_space<vmem>>[vector<16xi32>, vector<16xi32>, vector<16xi32>], vector<16xf32>,
      %gather3A_798 = tpu.vector_load_idx %arg6[%select_n3A_771, %select_n3A_793, %broadcast_in_dim3A_731] : memref<8x8x128xf32, #tpu.memory_space<vmem>>[vector<16xi32>, vector<16xi32>, vector<16xi32>], vector<16xf32>,
      %gather3A_799 = tpu.vector_load_idx %arg6[%select_n3A_771, %select_n3A_793, %broadcast_in_dim3A_733] : memref<8x8x128xf32, #tpu.memory_space<vmem>>[vector<16xi32>, vector<16xi32>, vector<16xi32>], vector<16xf32>,
      %gather3A_800 = tpu.vector_load_idx %arg6[%select_n3A_771, %select_n3A_793, %broadcast_in_dim3A_735] : memref<8x8x128xf32, #tpu.memory_space<vmem>>[vector<16xi32>, vector<16xi32>, vector<16xi32>], vector<16xf32>,
      %gather3A_801 = tpu.vector_load_idx %arg6[%select_n3A_771, %select_n3A_793, %broadcast_in_dim3A_737] : memref<8x8x128xf32, #tpu.memory_space<vmem>>[vector<16xi32>, vector<16xi32>, vector<16xi32>], vector<16xf32>,
      %mul3A_802 = arith.constant -1.000000e+00 : f32
      %mul3A_803 = vector.broadcast %mul3A_802 : f32 to vector<16xf32>
      %mul3A_804 = arith.mulf %gather3A_794, %mul3A_803 : vector<16xf32>
      %mul3A_805 = arith.constant 1.000000e+00 : f32
      %mul3A_806 = vector.broadcast %mul3A_805 : f32 to vector<16xf32>
      %mul3A_807 = arith.mulf %gather3A_795, %mul3A_806 : vector<16xf32>
      %mul3A_808 = arith.constant -1.000000e+00 : f32
      %mul3A_809 = vector.broadcast %mul3A_808 : f32 to vector<16xf32>
      %mul3A_810 = arith.mulf %gather3A_796, %mul3A_809 : vector<16xf32>
      %mul3A_811 = arith.constant 1.000000e+00 : f32
      %mul3A_812 = vector.broadcast %mul3A_811 : f32 to vector<16xf32>
      %mul3A_813 = arith.mulf %gather3A_797, %mul3A_812 : vector<16xf32>
      %mul3A_814 = arith.constant -1.000000e+00 : f32
      %mul3A_815 = vector.broadcast %mul3A_814 : f32 to vector<16xf32>
      %mul3A_816 = arith.mulf %gather3A_798, %mul3A_815 : vector<16xf32>
      %mul3A_817 = arith.constant 1.000000e+00 : f32
      %mul3A_818 = vector.broadcast %mul3A_817 : f32 to vector<16xf32>
      %mul3A_819 = arith.mulf %gather3A_799, %mul3A_818 : vector<16xf32>
      %mul3A_820 = arith.constant -1.000000e+00 : f32
      %mul3A_821 = vector.broadcast %mul3A_820 : f32 to vector<16xf32>
      %mul3A_822 = arith.mulf %gather3A_800, %mul3A_821 : vector<16xf32>
      %mul3A_823 = arith.constant 1.000000e+00 : f32
      %mul3A_824 = vector.broadcast %mul3A_823 : f32 to vector<16xf32>
      %mul3A_825 = arith.mulf %gather3A_801, %mul3A_824 : vector<16xf32>
      %max3A_826 = arith.maximumf %mul3A_804, %mul3A_807 : vector<16xf32>
      %max3A_827 = arith.maximumf %max3A_826, %mul3A_810 : vector<16xf32>
      %max3A_828 = arith.maximumf %max3A_827, %mul3A_813 : vector<16xf32>
      %max3A_829 = arith.maximumf %max3A_828, %mul3A_816 : vector<16xf32>
      %max3A_830 = arith.maximumf %max3A_829, %mul3A_819 : vector<16xf32>
      %max3A_831 = arith.maximumf %max3A_830, %mul3A_822 : vector<16xf32>
      %max3A_832 = arith.maximumf %max3A_831, %mul3A_825 : vector<16xf32>
      %sub3A_833 = arith.subf %mul3A_804, %max3A_832 : vector<16xf32>
      %exp3A_834 = math.exp %sub3A_833 : vector<16xf32>
      %sub3A_835 = arith.subf %mul3A_807, %max3A_832 : vector<16xf32>
      %exp3A_836 = math.exp %sub3A_835 : vector<16xf32>
      %sub3A_837 = arith.subf %mul3A_810, %max3A_832 : vector<16xf32>
      %exp3A_838 = math.exp %sub3A_837 : vector<16xf32>
      %sub3A_839 = arith.subf %mul3A_813, %max3A_832 : vector<16xf32>
      %exp3A_840 = math.exp %sub3A_839 : vector<16xf32>
      %sub3A_841 = arith.subf %mul3A_816, %max3A_832 : vector<16xf32>
      %exp3A_842 = math.exp %sub3A_841 : vector<16xf32>
      %sub3A_843 = arith.subf %mul3A_819, %max3A_832 : vector<16xf32>
      %exp3A_844 = math.exp %sub3A_843 : vector<16xf32>
      %sub3A_845 = arith.subf %mul3A_822, %max3A_832 : vector<16xf32>
      %exp3A_846 = math.exp %sub3A_845 : vector<16xf32>
      %sub3A_847 = arith.subf %mul3A_825, %max3A_832 : vector<16xf32>
      %exp3A_848 = math.exp %sub3A_847 : vector<16xf32>
      %add3A_849 = arith.addf %exp3A_834, %exp3A_836 : vector<16xf32>
      %add3A_850 = arith.addf %add3A_849, %exp3A_838 : vector<16xf32>
      %add3A_851 = arith.addf %add3A_850, %exp3A_840 : vector<16xf32>
      %add3A_852 = arith.addf %add3A_851, %exp3A_842 : vector<16xf32>
      %add3A_853 = arith.addf %add3A_852, %exp3A_844 : vector<16xf32>
      %add3A_854 = arith.addf %add3A_853, %exp3A_846 : vector<16xf32>
      %add3A_855 = arith.addf %add3A_854, %exp3A_848 : vector<16xf32>
      %div3A_856 = arith.divf %get3A_63, %add3A_855 : vector<16xf32>
      %neg3A_857 = arith.constant 0.000000e+00 : f32
      %neg3A_858 = vector.broadcast %neg3A_857 : f32 to vector<16xf32>
      %neg3A_859 = arith.subf %neg3A_858, %div3A_856 : vector<16xf32>
      %mul3A_860 = arith.mulf %exp3A_834, %neg3A_859 : vector<16xf32>
      tpu.vector_store_idx %arg9[%add3A_740, %broadcast_in_dim3A_723], %mul3A_860 : memref<64x256xf32, #tpu.memory_space<vmem>>[vector<16xi32>, vector<16xi32>], vector<16xf32>,
      %mul3A_861 = arith.mulf %exp3A_836, %div3A_856 : vector<16xf32>
      tpu.vector_store_idx %arg9[%add3A_740, %broadcast_in_dim3A_725], %mul3A_861 : memref<64x256xf32, #tpu.memory_space<vmem>>[vector<16xi32>, vector<16xi32>], vector<16xf32>,
      %mul3A_862 = arith.mulf %exp3A_838, %neg3A_859 : vector<16xf32>
      tpu.vector_store_idx %arg9[%add3A_740, %broadcast_in_dim3A_727], %mul3A_862 : memref<64x256xf32, #tpu.memory_space<vmem>>[vector<16xi32>, vector<16xi32>], vector<16xf32>,
      %mul3A_863 = arith.mulf %exp3A_840, %div3A_856 : vector<16xf32>
      tpu.vector_store_idx %arg9[%add3A_740, %broadcast_in_dim3A_729], %mul3A_863 : memref<64x256xf32, #tpu.memory_space<vmem>>[vector<16xi32>, vector<16xi32>], vector<16xf32>,
      %mul3A_864 = arith.mulf %exp3A_842, %neg3A_859 : vector<16xf32>
      tpu.vector_store_idx %arg9[%add3A_740, %broadcast_in_dim3A_731], %mul3A_864 : memref<64x256xf32, #tpu.memory_space<vmem>>[vector<16xi32>, vector<16xi32>], vector<16xf32>,
      %mul3A_865 = arith.mulf %exp3A_844, %div3A_856 : vector<16xf32>
      tpu.vector_store_idx %arg9[%add3A_740, %broadcast_in_dim3A_733], %mul3A_865 : memref<64x256xf32, #tpu.memory_space<vmem>>[vector<16xi32>, vector<16xi32>], vector<16xf32>,
      %mul3A_866 = arith.mulf %exp3A_846, %neg3A_859 : vector<16xf32>
      tpu.vector_store_idx %arg9[%add3A_740, %broadcast_in_dim3A_735], %mul3A_866 : memref<64x256xf32, #tpu.memory_space<vmem>>[vector<16xi32>, vector<16xi32>], vector<16xf32>,
      %mul3A_867 = arith.mulf %exp3A_848, %div3A_856 : vector<16xf32>
      tpu.vector_store_idx %arg9[%add3A_740, %broadcast_in_dim3A_737], %mul3A_867 : memref<64x256xf32, #tpu.memory_space<vmem>>[vector<16xi32>, vector<16xi32>], vector<16xf32>,
      %add3A_868 = arith.constant 16 : i32
      %add3A_869 = vector.broadcast %add3A_868 : i32 to vector<16xi32>
      %add3A_870 = arith.addi %iota3A_721, %add3A_869 : vector<16xi32>
      %jit3A_871 = arith.constant 8 : i32
      %div3A_872 = vector.broadcast %jit3A_871 : i32 to vector<16xi32>
      %div3A_873 = arith.divsi %add3A_870, %div3A_872 : vector<16xi32>
      %sign3A_874 = arith.constant 0 : i32
      %sign3A_875 = vector.broadcast %sign3A_874 : i32 to vector<16xi32>
      %sign3A_876 = arith.cmpi sgt, %add3A_870, %sign3A_875 : vector<16xi32>
      %sign3A_877 = arith.extui %sign3A_876 : vector<16xi1> to vector<16xi32>
      %sign3A_878 = arith.constant 0 : i32
      %sign3A_879 = vector.broadcast %sign3A_878 : i32 to vector<16xi32>
      %sign3A_880 = arith.cmpi slt, %add3A_870, %sign3A_879 : vector<16xi32>
      %sign3A_881 = arith.extui %sign3A_880 : vector<16xi1> to vector<16xi32>
      %sign3A_882 = arith.subi %sign3A_877, %sign3A_881 : vector<16xi32>
      %sign3A_883 = arith.constant 0 : i32
      %sign3A_884 = arith.cmpi sgt, %jit3A_871, %sign3A_883 : i32
      %sign3A_885 = arith.extui %sign3A_884 : i1 to i32
      %sign3A_886 = arith.constant 0 : i32
      %sign3A_887 = arith.cmpi slt, %jit3A_871, %sign3A_886 : i32
      %sign3A_888 = arith.extui %sign3A_887 : i1 to i32
      %sign3A_889 = arith.subi %sign3A_885, %sign3A_888 : i32
      %ne3A_890 = vector.broadcast %sign3A_889 : i32 to vector<16xi32>
      %ne3A_891 = arith.cmpi ne, %sign3A_882, %ne3A_890 : vector<16xi32>
      %rem3A_892 = vector.broadcast %jit3A_871 : i32 to vector<16xi32>
      %rem3A_893 = arith.remsi %add3A_870, %rem3A_892 : vector<16xi32>
      %ne3A_894 = arith.constant 0 : i32
      %ne3A_895 = vector.broadcast %ne3A_894 : i32 to vector<16xi32>
      %ne3A_896 = arith.cmpi ne, %rem3A_893, %ne3A_895 : vector<16xi32>
      %and3A_897 = arith.andi %ne3A_891, %ne3A_896 : vector<16xi1>
      %sub3A_898 = arith.constant 1 : i32
      %sub3A_899 = vector.broadcast %sub3A_898 : i32 to vector<16xi32>
      %sub3A_900 = arith.subi %div3A_873, %sub3A_899 : vector<16xi32>
      %select_n3A_901 = arith.select %and3A_897, %sub3A_900, %div3A_873 : vector<16xi1>, vector<16xi32>
      %jit3A_902 = arith.constant 8 : i32
      %eq3A_903 = arith.constant 0 : i32
      %eq3A_904 = arith.cmpi eq, %jit3A_902, %eq3A_903 : i32
      %jit3A_905 = arith.constant 1 : i32
      %select_n3A_906 = arith.select %eq3A_904, %jit3A_905, %jit3A_902 : i32
      %rem3A_907 = vector.broadcast %select_n3A_906 : i32 to vector<16xi32>
      %rem3A_908 = arith.remsi %add3A_870, %rem3A_907 : vector<16xi32>
      %ne3A_909 = arith.constant 0 : i32
      %ne3A_910 = vector.broadcast %ne3A_909 : i32 to vector<16xi32>
      %ne3A_911 = arith.cmpi ne, %rem3A_908, %ne3A_910 : vector<16xi32>
      %lt3A_912 = arith.constant 0 : i32
      %lt3A_913 = vector.broadcast %lt3A_912 : i32 to vector<16xi32>
      %lt3A_914 = arith.cmpi slt, %rem3A_908, %lt3A_913 : vector<16xi32>
      %lt3A_915 = arith.constant 0 : i32
      %lt3A_916 = arith.cmpi slt, %select_n3A_906, %lt3A_915 : i32
      %ne3A_917 = vector.broadcast %lt3A_916 : i1 to vector<16xi1>
      %ne3A_918 = vector.broadcast %ne3A_917 : vector<16xi1> to vector<16xi1>
      %ne3A_919 = arith.xori %lt3A_914, %ne3A_918 : vector<16xi1>
      %and3A_920 = arith.andi %ne3A_919, %ne3A_911 : vector<16xi1>
      %add3A_921 = vector.broadcast %select_n3A_906 : i32 to vector<16xi32>
      %add3A_922 = arith.addi %rem3A_908, %add3A_921 : vector<16xi32>
      %select_n3A_923 = arith.select %and3A_920, %add3A_922, %rem3A_908 : vector<16xi1>, vector<16xi32>
      %gather3A_924 = tpu.vector_load_idx %arg6[%select_n3A_901, %select_n3A_923, %broadcast_in_dim3A_723] : memref<8x8x128xf32, #tpu.memory_space<vmem>>[vector<16xi32>, vector<16xi32>, vector<16xi32>], vector<16xf32>,
      %gather3A_925 = tpu.vector_load_idx %arg6[%select_n3A_901, %select_n3A_923, %broadcast_in_dim3A_725] : memref<8x8x128xf32, #tpu.memory_space<vmem>>[vector<16xi32>, vector<16xi32>, vector<16xi32>], vector<16xf32>,
      %gather3A_926 = tpu.vector_load_idx %arg6[%select_n3A_901, %select_n3A_923, %broadcast_in_dim3A_727] : memref<8x8x128xf32, #tpu.memory_space<vmem>>[vector<16xi32>, vector<16xi32>, vector<16xi32>], vector<16xf32>,
      %gather3A_927 = tpu.vector_load_idx %arg6[%select_n3A_901, %select_n3A_923, %broadcast_in_dim3A_729] : memref<8x8x128xf32, #tpu.memory_space<vmem>>[vector<16xi32>, vector<16xi32>, vector<16xi32>], vector<16xf32>,
      %gather3A_928 = tpu.vector_load_idx %arg6[%select_n3A_901, %select_n3A_923, %broadcast_in_dim3A_731] : memref<8x8x128xf32, #tpu.memory_space<vmem>>[vector<16xi32>, vector<16xi32>, vector<16xi32>], vector<16xf32>,
      %gather3A_929 = tpu.vector_load_idx %arg6[%select_n3A_901, %select_n3A_923, %broadcast_in_dim3A_733] : memref<8x8x128xf32, #tpu.memory_space<vmem>>[vector<16xi32>, vector<16xi32>, vector<16xi32>], vector<16xf32>,
      %gather3A_930 = tpu.vector_load_idx %arg6[%select_n3A_901, %select_n3A_923, %broadcast_in_dim3A_735] : memref<8x8x128xf32, #tpu.memory_space<vmem>>[vector<16xi32>, vector<16xi32>, vector<16xi32>], vector<16xf32>,
      %gather3A_931 = tpu.vector_load_idx %arg6[%select_n3A_901, %select_n3A_923, %broadcast_in_dim3A_737] : memref<8x8x128xf32, #tpu.memory_space<vmem>>[vector<16xi32>, vector<16xi32>, vector<16xi32>], vector<16xf32>,
      %mul3A_932 = arith.constant -1.000000e+00 : f32
      %mul3A_933 = vector.broadcast %mul3A_932 : f32 to vector<16xf32>
      %mul3A_934 = arith.mulf %gather3A_924, %mul3A_933 : vector<16xf32>
      %mul3A_935 = arith.constant 1.000000e+00 : f32
      %mul3A_936 = vector.broadcast %mul3A_935 : f32 to vector<16xf32>
      %mul3A_937 = arith.mulf %gather3A_925, %mul3A_936 : vector<16xf32>
      %mul3A_938 = arith.constant -1.000000e+00 : f32
      %mul3A_939 = vector.broadcast %mul3A_938 : f32 to vector<16xf32>
      %mul3A_940 = arith.mulf %gather3A_926, %mul3A_939 : vector<16xf32>
      %mul3A_941 = arith.constant 1.000000e+00 : f32
      %mul3A_942 = vector.broadcast %mul3A_941 : f32 to vector<16xf32>
      %mul3A_943 = arith.mulf %gather3A_927, %mul3A_942 : vector<16xf32>
      %mul3A_944 = arith.constant -1.000000e+00 : f32
      %mul3A_945 = vector.broadcast %mul3A_944 : f32 to vector<16xf32>
      %mul3A_946 = arith.mulf %gather3A_928, %mul3A_945 : vector<16xf32>
      %mul3A_947 = arith.constant 1.000000e+00 : f32
      %mul3A_948 = vector.broadcast %mul3A_947 : f32 to vector<16xf32>
      %mul3A_949 = arith.mulf %gather3A_929, %mul3A_948 : vector<16xf32>
      %mul3A_950 = arith.constant -1.000000e+00 : f32
      %mul3A_951 = vector.broadcast %mul3A_950 : f32 to vector<16xf32>
      %mul3A_952 = arith.mulf %gather3A_930, %mul3A_951 : vector<16xf32>
      %mul3A_953 = arith.constant 1.000000e+00 : f32
      %mul3A_954 = vector.broadcast %mul3A_953 : f32 to vector<16xf32>
      %mul3A_955 = arith.mulf %gather3A_931, %mul3A_954 : vector<16xf32>
      %max3A_956 = arith.maximumf %mul3A_934, %mul3A_937 : vector<16xf32>
      %max3A_957 = arith.maximumf %max3A_956, %mul3A_940 : vector<16xf32>
      %max3A_958 = arith.maximumf %max3A_957, %mul3A_943 : vector<16xf32>
      %max3A_959 = arith.maximumf %max3A_958, %mul3A_946 : vector<16xf32>
      %max3A_960 = arith.maximumf %max3A_959, %mul3A_949 : vector<16xf32>
      %max3A_961 = arith.maximumf %max3A_960, %mul3A_952 : vector<16xf32>
      %max3A_962 = arith.maximumf %max3A_961, %mul3A_955 : vector<16xf32>
      %sub3A_963 = arith.subf %mul3A_934, %max3A_962 : vector<16xf32>
      %exp3A_964 = math.exp %sub3A_963 : vector<16xf32>
      %sub3A_965 = arith.subf %mul3A_937, %max3A_962 : vector<16xf32>
      %exp3A_966 = math.exp %sub3A_965 : vector<16xf32>
      %sub3A_967 = arith.subf %mul3A_940, %max3A_962 : vector<16xf32>
      %exp3A_968 = math.exp %sub3A_967 : vector<16xf32>
      %sub3A_969 = arith.subf %mul3A_943, %max3A_962 : vector<16xf32>
      %exp3A_970 = math.exp %sub3A_969 : vector<16xf32>
      %sub3A_971 = arith.subf %mul3A_946, %max3A_962 : vector<16xf32>
      %exp3A_972 = math.exp %sub3A_971 : vector<16xf32>
      %sub3A_973 = arith.subf %mul3A_949, %max3A_962 : vector<16xf32>
      %exp3A_974 = math.exp %sub3A_973 : vector<16xf32>
      %sub3A_975 = arith.subf %mul3A_952, %max3A_962 : vector<16xf32>
      %exp3A_976 = math.exp %sub3A_975 : vector<16xf32>
      %sub3A_977 = arith.subf %mul3A_955, %max3A_962 : vector<16xf32>
      %exp3A_978 = math.exp %sub3A_977 : vector<16xf32>
      %add3A_979 = arith.addf %exp3A_964, %exp3A_966 : vector<16xf32>
      %add3A_980 = arith.addf %add3A_979, %exp3A_968 : vector<16xf32>
      %add3A_981 = arith.addf %add3A_980, %exp3A_970 : vector<16xf32>
      %add3A_982 = arith.addf %add3A_981, %exp3A_972 : vector<16xf32>
      %add3A_983 = arith.addf %add3A_982, %exp3A_974 : vector<16xf32>
      %add3A_984 = arith.addf %add3A_983, %exp3A_976 : vector<16xf32>
      %add3A_985 = arith.addf %add3A_984, %exp3A_978 : vector<16xf32>
      %div3A_986 = arith.divf %get3A_63, %add3A_985 : vector<16xf32>
      %neg3A_987 = arith.constant 0.000000e+00 : f32
      %neg3A_988 = vector.broadcast %neg3A_987 : f32 to vector<16xf32>
      %neg3A_989 = arith.subf %neg3A_988, %div3A_986 : vector<16xf32>
      %mul3A_990 = arith.mulf %exp3A_964, %neg3A_989 : vector<16xf32>
      tpu.vector_store_idx %arg9[%add3A_870, %broadcast_in_dim3A_723], %mul3A_990 : memref<64x256xf32, #tpu.memory_space<vmem>>[vector<16xi32>, vector<16xi32>], vector<16xf32>,
      %mul3A_991 = arith.mulf %exp3A_966, %div3A_986 : vector<16xf32>
      tpu.vector_store_idx %arg9[%add3A_870, %broadcast_in_dim3A_725], %mul3A_991 : memref<64x256xf32, #tpu.memory_space<vmem>>[vector<16xi32>, vector<16xi32>], vector<16xf32>,
      %mul3A_992 = arith.mulf %exp3A_968, %neg3A_989 : vector<16xf32>
      tpu.vector_store_idx %arg9[%add3A_870, %broadcast_in_dim3A_727], %mul3A_992 : memref<64x256xf32, #tpu.memory_space<vmem>>[vector<16xi32>, vector<16xi32>], vector<16xf32>,
      %mul3A_993 = arith.mulf %exp3A_970, %div3A_986 : vector<16xf32>
      tpu.vector_store_idx %arg9[%add3A_870, %broadcast_in_dim3A_729], %mul3A_993 : memref<64x256xf32, #tpu.memory_space<vmem>>[vector<16xi32>, vector<16xi32>], vector<16xf32>,
      %mul3A_994 = arith.mulf %exp3A_972, %neg3A_989 : vector<16xf32>
      tpu.vector_store_idx %arg9[%add3A_870, %broadcast_in_dim3A_731], %mul3A_994 : memref<64x256xf32, #tpu.memory_space<vmem>>[vector<16xi32>, vector<16xi32>], vector<16xf32>,
      %mul3A_995 = arith.mulf %exp3A_974, %div3A_986 : vector<16xf32>
      tpu.vector_store_idx %arg9[%add3A_870, %broadcast_in_dim3A_733], %mul3A_995 : memref<64x256xf32, #tpu.memory_space<vmem>>[vector<16xi32>, vector<16xi32>], vector<16xf32>,
      %mul3A_996 = arith.mulf %exp3A_976, %neg3A_989 : vector<16xf32>
      tpu.vector_store_idx %arg9[%add3A_870, %broadcast_in_dim3A_735], %mul3A_996 : memref<64x256xf32, #tpu.memory_space<vmem>>[vector<16xi32>, vector<16xi32>], vector<16xf32>,
      %mul3A_997 = arith.mulf %exp3A_978, %div3A_986 : vector<16xf32>
      tpu.vector_store_idx %arg9[%add3A_870, %broadcast_in_dim3A_737], %mul3A_997 : memref<64x256xf32, #tpu.memory_space<vmem>>[vector<16xi32>, vector<16xi32>], vector<16xf32>,
      %add3A_998 = arith.constant 32 : i32
      %add3A_999 = vector.broadcast %add3A_998 : i32 to vector<16xi32>
      %add3A_1000 = arith.addi %iota3A_721, %add3A_999 : vector<16xi32>
      %jit3A_1001 = arith.constant 8 : i32
      %div3A_1002 = vector.broadcast %jit3A_1001 : i32 to vector<16xi32>
      %div3A_1003 = arith.divsi %add3A_1000, %div3A_1002 : vector<16xi32>
      %sign3A_1004 = arith.constant 0 : i32
      %sign3A_1005 = vector.broadcast %sign3A_1004 : i32 to vector<16xi32>
      %sign3A_1006 = arith.cmpi sgt, %add3A_1000, %sign3A_1005 : vector<16xi32>
      %sign3A_1007 = arith.extui %sign3A_1006 : vector<16xi1> to vector<16xi32>
      %sign3A_1008 = arith.constant 0 : i32
      %sign3A_1009 = vector.broadcast %sign3A_1008 : i32 to vector<16xi32>
      %sign3A_1010 = arith.cmpi slt, %add3A_1000, %sign3A_1009 : vector<16xi32>
      %sign3A_1011 = arith.extui %sign3A_1010 : vector<16xi1> to vector<16xi32>
      %sign3A_1012 = arith.subi %sign3A_1007, %sign3A_1011 : vector<16xi32>
      %sign3A_1013 = arith.constant 0 : i32
      %sign3A_1014 = arith.cmpi sgt, %jit3A_1001, %sign3A_1013 : i32
      %sign3A_1015 = arith.extui %sign3A_1014 : i1 to i32
      %sign3A_1016 = arith.constant 0 : i32
      %sign3A_1017 = arith.cmpi slt, %jit3A_1001, %sign3A_1016 : i32
      %sign3A_1018 = arith.extui %sign3A_1017 : i1 to i32
      %sign3A_1019 = arith.subi %sign3A_1015, %sign3A_1018 : i32
      %ne3A_1020 = vector.broadcast %sign3A_1019 : i32 to vector<16xi32>
      %ne3A_1021 = arith.cmpi ne, %sign3A_1012, %ne3A_1020 : vector<16xi32>
      %rem3A_1022 = vector.broadcast %jit3A_1001 : i32 to vector<16xi32>
      %rem3A_1023 = arith.remsi %add3A_1000, %rem3A_1022 : vector<16xi32>
      %ne3A_1024 = arith.constant 0 : i32
      %ne3A_1025 = vector.broadcast %ne3A_1024 : i32 to vector<16xi32>
      %ne3A_1026 = arith.cmpi ne, %rem3A_1023, %ne3A_1025 : vector<16xi32>
      %and3A_1027 = arith.andi %ne3A_1021, %ne3A_1026 : vector<16xi1>
      %sub3A_1028 = arith.constant 1 : i32
      %sub3A_1029 = vector.broadcast %sub3A_1028 : i32 to vector<16xi32>
      %sub3A_1030 = arith.subi %div3A_1003, %sub3A_1029 : vector<16xi32>
      %select_n3A_1031 = arith.select %and3A_1027, %sub3A_1030, %div3A_1003 : vector<16xi1>, vector<16xi32>
      %jit3A_1032 = arith.constant 8 : i32
      %eq3A_1033 = arith.constant 0 : i32
      %eq3A_1034 = arith.cmpi eq, %jit3A_1032, %eq3A_1033 : i32
      %jit3A_1035 = arith.constant 1 : i32
      %select_n3A_1036 = arith.select %eq3A_1034, %jit3A_1035, %jit3A_1032 : i32
      %rem3A_1037 = vector.broadcast %select_n3A_1036 : i32 to vector<16xi32>
      %rem3A_1038 = arith.remsi %add3A_1000, %rem3A_1037 : vector<16xi32>
      %ne3A_1039 = arith.constant 0 : i32
      %ne3A_1040 = vector.broadcast %ne3A_1039 : i32 to vector<16xi32>
      %ne3A_1041 = arith.cmpi ne, %rem3A_1038, %ne3A_1040 : vector<16xi32>
      %lt3A_1042 = arith.constant 0 : i32
      %lt3A_1043 = vector.broadcast %lt3A_1042 : i32 to vector<16xi32>
      %lt3A_1044 = arith.cmpi slt, %rem3A_1038, %lt3A_1043 : vector<16xi32>
      %lt3A_1045 = arith.constant 0 : i32
      %lt3A_1046 = arith.cmpi slt, %select_n3A_1036, %lt3A_1045 : i32
      %ne3A_1047 = vector.broadcast %lt3A_1046 : i1 to vector<16xi1>
      %ne3A_1048 = vector.broadcast %ne3A_1047 : vector<16xi1> to vector<16xi1>
      %ne3A_1049 = arith.xori %lt3A_1044, %ne3A_1048 : vector<16xi1>
      %and3A_1050 = arith.andi %ne3A_1049, %ne3A_1041 : vector<16xi1>
      %add3A_1051 = vector.broadcast %select_n3A_1036 : i32 to vector<16xi32>
      %add3A_1052 = arith.addi %rem3A_1038, %add3A_1051 : vector<16xi32>
      %select_n3A_1053 = arith.select %and3A_1050, %add3A_1052, %rem3A_1038 : vector<16xi1>, vector<16xi32>
      %gather3A_1054 = tpu.vector_load_idx %arg6[%select_n3A_1031, %select_n3A_1053, %broadcast_in_dim3A_723] : memref<8x8x128xf32, #tpu.memory_space<vmem>>[vector<16xi32>, vector<16xi32>, vector<16xi32>], vector<16xf32>,
      %gather3A_1055 = tpu.vector_load_idx %arg6[%select_n3A_1031, %select_n3A_1053, %broadcast_in_dim3A_725] : memref<8x8x128xf32, #tpu.memory_space<vmem>>[vector<16xi32>, vector<16xi32>, vector<16xi32>], vector<16xf32>,
      %gather3A_1056 = tpu.vector_load_idx %arg6[%select_n3A_1031, %select_n3A_1053, %broadcast_in_dim3A_727] : memref<8x8x128xf32, #tpu.memory_space<vmem>>[vector<16xi32>, vector<16xi32>, vector<16xi32>], vector<16xf32>,
      %gather3A_1057 = tpu.vector_load_idx %arg6[%select_n3A_1031, %select_n3A_1053, %broadcast_in_dim3A_729] : memref<8x8x128xf32, #tpu.memory_space<vmem>>[vector<16xi32>, vector<16xi32>, vector<16xi32>], vector<16xf32>,
      %gather3A_1058 = tpu.vector_load_idx %arg6[%select_n3A_1031, %select_n3A_1053, %broadcast_in_dim3A_731] : memref<8x8x128xf32, #tpu.memory_space<vmem>>[vector<16xi32>, vector<16xi32>, vector<16xi32>], vector<16xf32>,
      %gather3A_1059 = tpu.vector_load_idx %arg6[%select_n3A_1031, %select_n3A_1053, %broadcast_in_dim3A_733] : memref<8x8x128xf32, #tpu.memory_space<vmem>>[vector<16xi32>, vector<16xi32>, vector<16xi32>], vector<16xf32>,
      %gather3A_1060 = tpu.vector_load_idx %arg6[%select_n3A_1031, %select_n3A_1053, %broadcast_in_dim3A_735] : memref<8x8x128xf32, #tpu.memory_space<vmem>>[vector<16xi32>, vector<16xi32>, vector<16xi32>], vector<16xf32>,
      %gather3A_1061 = tpu.vector_load_idx %arg6[%select_n3A_1031, %select_n3A_1053, %broadcast_in_dim3A_737] : memref<8x8x128xf32, #tpu.memory_space<vmem>>[vector<16xi32>, vector<16xi32>, vector<16xi32>], vector<16xf32>,
      %mul3A_1062 = arith.constant -1.000000e+00 : f32
      %mul3A_1063 = vector.broadcast %mul3A_1062 : f32 to vector<16xf32>
      %mul3A_1064 = arith.mulf %gather3A_1054, %mul3A_1063 : vector<16xf32>
      %mul3A_1065 = arith.constant 1.000000e+00 : f32
      %mul3A_1066 = vector.broadcast %mul3A_1065 : f32 to vector<16xf32>
      %mul3A_1067 = arith.mulf %gather3A_1055, %mul3A_1066 : vector<16xf32>
      %mul3A_1068 = arith.constant -1.000000e+00 : f32
      %mul3A_1069 = vector.broadcast %mul3A_1068 : f32 to vector<16xf32>
      %mul3A_1070 = arith.mulf %gather3A_1056, %mul3A_1069 : vector<16xf32>
      %mul3A_1071 = arith.constant 1.000000e+00 : f32
      %mul3A_1072 = vector.broadcast %mul3A_1071 : f32 to vector<16xf32>
      %mul3A_1073 = arith.mulf %gather3A_1057, %mul3A_1072 : vector<16xf32>
      %mul3A_1074 = arith.constant -1.000000e+00 : f32
      %mul3A_1075 = vector.broadcast %mul3A_1074 : f32 to vector<16xf32>
      %mul3A_1076 = arith.mulf %gather3A_1058, %mul3A_1075 : vector<16xf32>
      %mul3A_1077 = arith.constant 1.000000e+00 : f32
      %mul3A_1078 = vector.broadcast %mul3A_1077 : f32 to vector<16xf32>
      %mul3A_1079 = arith.mulf %gather3A_1059, %mul3A_1078 : vector<16xf32>
      %mul3A_1080 = arith.constant -1.000000e+00 : f32
      %mul3A_1081 = vector.broadcast %mul3A_1080 : f32 to vector<16xf32>
      %mul3A_1082 = arith.mulf %gather3A_1060, %mul3A_1081 : vector<16xf32>
      %mul3A_1083 = arith.constant 1.000000e+00 : f32
      %mul3A_1084 = vector.broadcast %mul3A_1083 : f32 to vector<16xf32>
      %mul3A_1085 = arith.mulf %gather3A_1061, %mul3A_1084 : vector<16xf32>
      %max3A_1086 = arith.maximumf %mul3A_1064, %mul3A_1067 : vector<16xf32>
      %max3A_1087 = arith.maximumf %max3A_1086, %mul3A_1070 : vector<16xf32>
      %max3A_1088 = arith.maximumf %max3A_1087, %mul3A_1073 : vector<16xf32>
      %max3A_1089 = arith.maximumf %max3A_1088, %mul3A_1076 : vector<16xf32>
      %max3A_1090 = arith.maximumf %max3A_1089, %mul3A_1079 : vector<16xf32>
      %max3A_1091 = arith.maximumf %max3A_1090, %mul3A_1082 : vector<16xf32>
      %max3A_1092 = arith.maximumf %max3A_1091, %mul3A_1085 : vector<16xf32>
      %sub3A_1093 = arith.subf %mul3A_1064, %max3A_1092 : vector<16xf32>
      %exp3A_1094 = math.exp %sub3A_1093 : vector<16xf32>
      %sub3A_1095 = arith.subf %mul3A_1067, %max3A_1092 : vector<16xf32>
      %exp3A_1096 = math.exp %sub3A_1095 : vector<16xf32>
      %sub3A_1097 = arith.subf %mul3A_1070, %max3A_1092 : vector<16xf32>
      %exp3A_1098 = math.exp %sub3A_1097 : vector<16xf32>
      %sub3A_1099 = arith.subf %mul3A_1073, %max3A_1092 : vector<16xf32>
      %exp3A_1100 = math.exp %sub3A_1099 : vector<16xf32>
      %sub3A_1101 = arith.subf %mul3A_1076, %max3A_1092 : vector<16xf32>
      %exp3A_1102 = math.exp %sub3A_1101 : vector<16xf32>
      %sub3A_1103 = arith.subf %mul3A_1079, %max3A_1092 : vector<16xf32>
      %exp3A_1104 = math.exp %sub3A_1103 : vector<16xf32>
      %sub3A_1105 = arith.subf %mul3A_1082, %max3A_1092 : vector<16xf32>
      %exp3A_1106 = math.exp %sub3A_1105 : vector<16xf32>
      %sub3A_1107 = arith.subf %mul3A_1085, %max3A_1092 : vector<16xf32>
      %exp3A_1108 = math.exp %sub3A_1107 : vector<16xf32>
      %add3A_1109 = arith.addf %exp3A_1094, %exp3A_1096 : vector<16xf32>
      %add3A_1110 = arith.addf %add3A_1109, %exp3A_1098 : vector<16xf32>
      %add3A_1111 = arith.addf %add3A_1110, %exp3A_1100 : vector<16xf32>
      %add3A_1112 = arith.addf %add3A_1111, %exp3A_1102 : vector<16xf32>
      %add3A_1113 = arith.addf %add3A_1112, %exp3A_1104 : vector<16xf32>
      %add3A_1114 = arith.addf %add3A_1113, %exp3A_1106 : vector<16xf32>
      %add3A_1115 = arith.addf %add3A_1114, %exp3A_1108 : vector<16xf32>
      %div3A_1116 = arith.divf %get3A_63, %add3A_1115 : vector<16xf32>
      %neg3A_1117 = arith.constant 0.000000e+00 : f32
      %neg3A_1118 = vector.broadcast %neg3A_1117 : f32 to vector<16xf32>
      %neg3A_1119 = arith.subf %neg3A_1118, %div3A_1116 : vector<16xf32>
      %mul3A_1120 = arith.mulf %exp3A_1094, %neg3A_1119 : vector<16xf32>
      tpu.vector_store_idx %arg9[%add3A_1000, %broadcast_in_dim3A_723], %mul3A_1120 : memref<64x256xf32, #tpu.memory_space<vmem>>[vector<16xi32>, vector<16xi32>], vector<16xf32>,
      %mul3A_1121 = arith.mulf %exp3A_1096, %div3A_1116 : vector<16xf32>
      tpu.vector_store_idx %arg9[%add3A_1000, %broadcast_in_dim3A_725], %mul3A_1121 : memref<64x256xf32, #tpu.memory_space<vmem>>[vector<16xi32>, vector<16xi32>], vector<16xf32>,
      %mul3A_1122 = arith.mulf %exp3A_1098, %neg3A_1119 : vector<16xf32>
      tpu.vector_store_idx %arg9[%add3A_1000, %broadcast_in_dim3A_727], %mul3A_1122 : memref<64x256xf32, #tpu.memory_space<vmem>>[vector<16xi32>, vector<16xi32>], vector<16xf32>,
      %mul3A_1123 = arith.mulf %exp3A_1100, %div3A_1116 : vector<16xf32>
      tpu.vector_store_idx %arg9[%add3A_1000, %broadcast_in_dim3A_729], %mul3A_1123 : memref<64x256xf32, #tpu.memory_space<vmem>>[vector<16xi32>, vector<16xi32>], vector<16xf32>,
      %mul3A_1124 = arith.mulf %exp3A_1102, %neg3A_1119 : vector<16xf32>
      tpu.vector_store_idx %arg9[%add3A_1000, %broadcast_in_dim3A_731], %mul3A_1124 : memref<64x256xf32, #tpu.memory_space<vmem>>[vector<16xi32>, vector<16xi32>], vector<16xf32>,
      %mul3A_1125 = arith.mulf %exp3A_1104, %div3A_1116 : vector<16xf32>
      tpu.vector_store_idx %arg9[%add3A_1000, %broadcast_in_dim3A_733], %mul3A_1125 : memref<64x256xf32, #tpu.memory_space<vmem>>[vector<16xi32>, vector<16xi32>], vector<16xf32>,
      %mul3A_1126 = arith.mulf %exp3A_1106, %neg3A_1119 : vector<16xf32>
      tpu.vector_store_idx %arg9[%add3A_1000, %broadcast_in_dim3A_735], %mul3A_1126 : memref<64x256xf32, #tpu.memory_space<vmem>>[vector<16xi32>, vector<16xi32>], vector<16xf32>,
      %mul3A_1127 = arith.mulf %exp3A_1108, %div3A_1116 : vector<16xf32>
      tpu.vector_store_idx %arg9[%add3A_1000, %broadcast_in_dim3A_737], %mul3A_1127 : memref<64x256xf32, #tpu.memory_space<vmem>>[vector<16xi32>, vector<16xi32>], vector<16xf32>,
      %add3A_1128 = arith.constant 48 : i32
      %add3A_1129 = vector.broadcast %add3A_1128 : i32 to vector<16xi32>
      %add3A_1130 = arith.addi %iota3A_721, %add3A_1129 : vector<16xi32>
      %jit3A_1131 = arith.constant 8 : i32
      %div3A_1132 = vector.broadcast %jit3A_1131 : i32 to vector<16xi32>
      %div3A_1133 = arith.divsi %add3A_1130, %div3A_1132 : vector<16xi32>
      %sign3A_1134 = arith.constant 0 : i32
      %sign3A_1135 = vector.broadcast %sign3A_1134 : i32 to vector<16xi32>
      %sign3A_1136 = arith.cmpi sgt, %add3A_1130, %sign3A_1135 : vector<16xi32>
      %sign3A_1137 = arith.extui %sign3A_1136 : vector<16xi1> to vector<16xi32>
      %sign3A_1138 = arith.constant 0 : i32
      %sign3A_1139 = vector.broadcast %sign3A_1138 : i32 to vector<16xi32>
      %sign3A_1140 = arith.cmpi slt, %add3A_1130, %sign3A_1139 : vector<16xi32>
      %sign3A_1141 = arith.extui %sign3A_1140 : vector<16xi1> to vector<16xi32>
      %sign3A_1142 = arith.subi %sign3A_1137, %sign3A_1141 : vector<16xi32>
      %sign3A_1143 = arith.constant 0 : i32
      %sign3A_1144 = arith.cmpi sgt, %jit3A_1131, %sign3A_1143 : i32
      %sign3A_1145 = arith.extui %sign3A_1144 : i1 to i32
      %sign3A_1146 = arith.constant 0 : i32
      %sign3A_1147 = arith.cmpi slt, %jit3A_1131, %sign3A_1146 : i32
      %sign3A_1148 = arith.extui %sign3A_1147 : i1 to i32
      %sign3A_1149 = arith.subi %sign3A_1145, %sign3A_1148 : i32
      %ne3A_1150 = vector.broadcast %sign3A_1149 : i32 to vector<16xi32>
      %ne3A_1151 = arith.cmpi ne, %sign3A_1142, %ne3A_1150 : vector<16xi32>
      %rem3A_1152 = vector.broadcast %jit3A_1131 : i32 to vector<16xi32>
      %rem3A_1153 = arith.remsi %add3A_1130, %rem3A_1152 : vector<16xi32>
      %ne3A_1154 = arith.constant 0 : i32
      %ne3A_1155 = vector.broadcast %ne3A_1154 : i32 to vector<16xi32>
      %ne3A_1156 = arith.cmpi ne, %rem3A_1153, %ne3A_1155 : vector<16xi32>
      %and3A_1157 = arith.andi %ne3A_1151, %ne3A_1156 : vector<16xi1>
      %sub3A_1158 = arith.constant 1 : i32
      %sub3A_1159 = vector.broadcast %sub3A_1158 : i32 to vector<16xi32>
      %sub3A_1160 = arith.subi %div3A_1133, %sub3A_1159 : vector<16xi32>
      %select_n3A_1161 = arith.select %and3A_1157, %sub3A_1160, %div3A_1133 : vector<16xi1>, vector<16xi32>
      %jit3A_1162 = arith.constant 8 : i32
      %eq3A_1163 = arith.constant 0 : i32
      %eq3A_1164 = arith.cmpi eq, %jit3A_1162, %eq3A_1163 : i32
      %jit3A_1165 = arith.constant 1 : i32
      %select_n3A_1166 = arith.select %eq3A_1164, %jit3A_1165, %jit3A_1162 : i32
      %rem3A_1167 = vector.broadcast %select_n3A_1166 : i32 to vector<16xi32>
      %rem3A_1168 = arith.remsi %add3A_1130, %rem3A_1167 : vector<16xi32>
      %ne3A_1169 = arith.constant 0 : i32
      %ne3A_1170 = vector.broadcast %ne3A_1169 : i32 to vector<16xi32>
      %ne3A_1171 = arith.cmpi ne, %rem3A_1168, %ne3A_1170 : vector<16xi32>
      %lt3A_1172 = arith.constant 0 : i32
      %lt3A_1173 = vector.broadcast %lt3A_1172 : i32 to vector<16xi32>
      %lt3A_1174 = arith.cmpi slt, %rem3A_1168, %lt3A_1173 : vector<16xi32>
      %lt3A_1175 = arith.constant 0 : i32
      %lt3A_1176 = arith.cmpi slt, %select_n3A_1166, %lt3A_1175 : i32
      %ne3A_1177 = vector.broadcast %lt3A_1176 : i1 to vector<16xi1>
      %ne3A_1178 = vector.broadcast %ne3A_1177 : vector<16xi1> to vector<16xi1>
      %ne3A_1179 = arith.xori %lt3A_1174, %ne3A_1178 : vector<16xi1>
      %and3A_1180 = arith.andi %ne3A_1179, %ne3A_1171 : vector<16xi1>
      %add3A_1181 = vector.broadcast %select_n3A_1166 : i32 to vector<16xi32>
      %add3A_1182 = arith.addi %rem3A_1168, %add3A_1181 : vector<16xi32>
      %select_n3A_1183 = arith.select %and3A_1180, %add3A_1182, %rem3A_1168 : vector<16xi1>, vector<16xi32>
      %gather3A_1184 = tpu.vector_load_idx %arg6[%select_n3A_1161, %select_n3A_1183, %broadcast_in_dim3A_723] : memref<8x8x128xf32, #tpu.memory_space<vmem>>[vector<16xi32>, vector<16xi32>, vector<16xi32>], vector<16xf32>,
      %gather3A_1185 = tpu.vector_load_idx %arg6[%select_n3A_1161, %select_n3A_1183, %broadcast_in_dim3A_725] : memref<8x8x128xf32, #tpu.memory_space<vmem>>[vector<16xi32>, vector<16xi32>, vector<16xi32>], vector<16xf32>,
      %gather3A_1186 = tpu.vector_load_idx %arg6[%select_n3A_1161, %select_n3A_1183, %broadcast_in_dim3A_727] : memref<8x8x128xf32, #tpu.memory_space<vmem>>[vector<16xi32>, vector<16xi32>, vector<16xi32>], vector<16xf32>,
      %gather3A_1187 = tpu.vector_load_idx %arg6[%select_n3A_1161, %select_n3A_1183, %broadcast_in_dim3A_729] : memref<8x8x128xf32, #tpu.memory_space<vmem>>[vector<16xi32>, vector<16xi32>, vector<16xi32>], vector<16xf32>,
      %gather3A_1188 = tpu.vector_load_idx %arg6[%select_n3A_1161, %select_n3A_1183, %broadcast_in_dim3A_731] : memref<8x8x128xf32, #tpu.memory_space<vmem>>[vector<16xi32>, vector<16xi32>, vector<16xi32>], vector<16xf32>,
      %gather3A_1189 = tpu.vector_load_idx %arg6[%select_n3A_1161, %select_n3A_1183, %broadcast_in_dim3A_733] : memref<8x8x128xf32, #tpu.memory_space<vmem>>[vector<16xi32>, vector<16xi32>, vector<16xi32>], vector<16xf32>,
      %gather3A_1190 = tpu.vector_load_idx %arg6[%select_n3A_1161, %select_n3A_1183, %broadcast_in_dim3A_735] : memref<8x8x128xf32, #tpu.memory_space<vmem>>[vector<16xi32>, vector<16xi32>, vector<16xi32>], vector<16xf32>,
      %gather3A_1191 = tpu.vector_load_idx %arg6[%select_n3A_1161, %select_n3A_1183, %broadcast_in_dim3A_737] : memref<8x8x128xf32, #tpu.memory_space<vmem>>[vector<16xi32>, vector<16xi32>, vector<16xi32>], vector<16xf32>,
      %mul3A_1192 = arith.constant -1.000000e+00 : f32
      %mul3A_1193 = vector.broadcast %mul3A_1192 : f32 to vector<16xf32>
      %mul3A_1194 = arith.mulf %gather3A_1184, %mul3A_1193 : vector<16xf32>
      %mul3A_1195 = arith.constant 1.000000e+00 : f32
      %mul3A_1196 = vector.broadcast %mul3A_1195 : f32 to vector<16xf32>
      %mul3A_1197 = arith.mulf %gather3A_1185, %mul3A_1196 : vector<16xf32>
      %mul3A_1198 = arith.constant -1.000000e+00 : f32
      %mul3A_1199 = vector.broadcast %mul3A_1198 : f32 to vector<16xf32>
      %mul3A_1200 = arith.mulf %gather3A_1186, %mul3A_1199 : vector<16xf32>
      %mul3A_1201 = arith.constant 1.000000e+00 : f32
      %mul3A_1202 = vector.broadcast %mul3A_1201 : f32 to vector<16xf32>
      %mul3A_1203 = arith.mulf %gather3A_1187, %mul3A_1202 : vector<16xf32>
      %mul3A_1204 = arith.constant -1.000000e+00 : f32
      %mul3A_1205 = vector.broadcast %mul3A_1204 : f32 to vector<16xf32>
      %mul3A_1206 = arith.mulf %gather3A_1188, %mul3A_1205 : vector<16xf32>
      %mul3A_1207 = arith.constant 1.000000e+00 : f32
      %mul3A_1208 = vector.broadcast %mul3A_1207 : f32 to vector<16xf32>
      %mul3A_1209 = arith.mulf %gather3A_1189, %mul3A_1208 : vector<16xf32>
      %mul3A_1210 = arith.constant -1.000000e+00 : f32
      %mul3A_1211 = vector.broadcast %mul3A_1210 : f32 to vector<16xf32>
      %mul3A_1212 = arith.mulf %gather3A_1190, %mul3A_1211 : vector<16xf32>
      %mul3A_1213 = arith.constant 1.000000e+00 : f32
      %mul3A_1214 = vector.broadcast %mul3A_1213 : f32 to vector<16xf32>
      %mul3A_1215 = arith.mulf %gather3A_1191, %mul3A_1214 : vector<16xf32>
      %max3A_1216 = arith.maximumf %mul3A_1194, %mul3A_1197 : vector<16xf32>
      %max3A_1217 = arith.maximumf %max3A_1216, %mul3A_1200 : vector<16xf32>
      %max3A_1218 = arith.maximumf %max3A_1217, %mul3A_1203 : vector<16xf32>
      %max3A_1219 = arith.maximumf %max3A_1218, %mul3A_1206 : vector<16xf32>
      %max3A_1220 = arith.maximumf %max3A_1219, %mul3A_1209 : vector<16xf32>
      %max3A_1221 = arith.maximumf %max3A_1220, %mul3A_1212 : vector<16xf32>
      %max3A_1222 = arith.maximumf %max3A_1221, %mul3A_1215 : vector<16xf32>
      %sub3A_1223 = arith.subf %mul3A_1194, %max3A_1222 : vector<16xf32>
      %exp3A_1224 = math.exp %sub3A_1223 : vector<16xf32>
      %sub3A_1225 = arith.subf %mul3A_1197, %max3A_1222 : vector<16xf32>
      %exp3A_1226 = math.exp %sub3A_1225 : vector<16xf32>
      %sub3A_1227 = arith.subf %mul3A_1200, %max3A_1222 : vector<16xf32>
      %exp3A_1228 = math.exp %sub3A_1227 : vector<16xf32>
      %sub3A_1229 = arith.subf %mul3A_1203, %max3A_1222 : vector<16xf32>
      %exp3A_1230 = math.exp %sub3A_1229 : vector<16xf32>
      %sub3A_1231 = arith.subf %mul3A_1206, %max3A_1222 : vector<16xf32>
      %exp3A_1232 = math.exp %sub3A_1231 : vector<16xf32>
      %sub3A_1233 = arith.subf %mul3A_1209, %max3A_1222 : vector<16xf32>
      %exp3A_1234 = math.exp %sub3A_1233 : vector<16xf32>
      %sub3A_1235 = arith.subf %mul3A_1212, %max3A_1222 : vector<16xf32>
      %exp3A_1236 = math.exp %sub3A_1235 : vector<16xf32>
      %sub3A_1237 = arith.subf %mul3A_1215, %max3A_1222 : vector<16xf32>
      %exp3A_1238 = math.exp %sub3A_1237 : vector<16xf32>
      %add3A_1239 = arith.addf %exp3A_1224, %exp3A_1226 : vector<16xf32>
      %add3A_1240 = arith.addf %add3A_1239, %exp3A_1228 : vector<16xf32>
      %add3A_1241 = arith.addf %add3A_1240, %exp3A_1230 : vector<16xf32>
      %add3A_1242 = arith.addf %add3A_1241, %exp3A_1232 : vector<16xf32>
      %add3A_1243 = arith.addf %add3A_1242, %exp3A_1234 : vector<16xf32>
      %add3A_1244 = arith.addf %add3A_1243, %exp3A_1236 : vector<16xf32>
      %add3A_1245 = arith.addf %add3A_1244, %exp3A_1238 : vector<16xf32>
      %div3A_1246 = arith.divf %get3A_63, %add3A_1245 : vector<16xf32>
      %neg3A_1247 = arith.constant 0.000000e+00 : f32
      %neg3A_1248 = vector.broadcast %neg3A_1247 : f32 to vector<16xf32>
      %neg3A_1249 = arith.subf %neg3A_1248, %div3A_1246 : vector<16xf32>
      %mul3A_1250 = arith.mulf %exp3A_1224, %neg3A_1249 : vector<16xf32>
      tpu.vector_store_idx %arg9[%add3A_1130, %broadcast_in_dim3A_723], %mul3A_1250 : memref<64x256xf32, #tpu.memory_space<vmem>>[vector<16xi32>, vector<16xi32>], vector<16xf32>,
      %mul3A_1251 = arith.mulf %exp3A_1226, %div3A_1246 : vector<16xf32>
      tpu.vector_store_idx %arg9[%add3A_1130, %broadcast_in_dim3A_725], %mul3A_1251 : memref<64x256xf32, #tpu.memory_space<vmem>>[vector<16xi32>, vector<16xi32>], vector<16xf32>,
      %mul3A_1252 = arith.mulf %exp3A_1228, %neg3A_1249 : vector<16xf32>
      tpu.vector_store_idx %arg9[%add3A_1130, %broadcast_in_dim3A_727], %mul3A_1252 : memref<64x256xf32, #tpu.memory_space<vmem>>[vector<16xi32>, vector<16xi32>], vector<16xf32>,
      %mul3A_1253 = arith.mulf %exp3A_1230, %div3A_1246 : vector<16xf32>
      tpu.vector_store_idx %arg9[%add3A_1130, %broadcast_in_dim3A_729], %mul3A_1253 : memref<64x256xf32, #tpu.memory_space<vmem>>[vector<16xi32>, vector<16xi32>], vector<16xf32>,
      %mul3A_1254 = arith.mulf %exp3A_1232, %neg3A_1249 : vector<16xf32>
      tpu.vector_store_idx %arg9[%add3A_1130, %broadcast_in_dim3A_731], %mul3A_1254 : memref<64x256xf32, #tpu.memory_space<vmem>>[vector<16xi32>, vector<16xi32>], vector<16xf32>,
      %mul3A_1255 = arith.mulf %exp3A_1234, %div3A_1246 : vector<16xf32>
      tpu.vector_store_idx %arg9[%add3A_1130, %broadcast_in_dim3A_733], %mul3A_1255 : memref<64x256xf32, #tpu.memory_space<vmem>>[vector<16xi32>, vector<16xi32>], vector<16xf32>,
      %mul3A_1256 = arith.mulf %exp3A_1236, %neg3A_1249 : vector<16xf32>
      tpu.vector_store_idx %arg9[%add3A_1130, %broadcast_in_dim3A_735], %mul3A_1256 : memref<64x256xf32, #tpu.memory_space<vmem>>[vector<16xi32>, vector<16xi32>], vector<16xf32>,
      %mul3A_1257 = arith.mulf %exp3A_1238, %div3A_1246 : vector<16xf32>
      tpu.vector_store_idx %arg9[%add3A_1130, %broadcast_in_dim3A_737], %mul3A_1257 : memref<64x256xf32, #tpu.memory_space<vmem>>[vector<16xi32>, vector<16xi32>], vector<16xf32>,
      %dma_start3A_1258 = arith.constant 0 : i32
      %dma_start3A_1259 = tpu.memref_slice %arg4[%add3A_682, %dma_start3A_1258] : memref<131072x256xf32, #tpu.memory_space<hbm>> -> memref<64x256xf32, #tpu.memory_space<hbm>>
      %dma_start3A_1260 = arith.constant 0 : i32
      %dma_start3A_1261 = tpu.memref_slice %arg4[%add3A_682, %dma_start3A_1260] : memref<131072x256xf32, #tpu.memory_space<hbm>> -> memref<64x256xf32, #tpu.memory_space<hbm>>
      tpu.enqueue_dma source(%arg9 : memref<64x256xf32, #tpu.memory_space<vmem>>) target(%dma_start3A_1261 : memref<64x256xf32, #tpu.memory_space<hbm>>) target_semaphore(%arg13 : memref<!tpu.dma_semaphore, #tpu.memory_space<semaphore_mem>>)
      %add3A_1262 = arith.constant 2 : i32
      %add3A_1263 = arith.addi %add3A_679, %add3A_1262 : i32
      %lt3A_1264 = arith.constant 64 : i32
      %lt3A_1265 = arith.cmpi slt, %add3A_1263, %lt3A_1264 : i32
      %convert_element_type3A_1266 = arith.extui %lt3A_1265 : i1 to i32
      %cond3A_1267 = arith.constant 0 : i32
      %cond3A_1268 = arith.cmpi ne, %convert_element_type3A_1266, %cond3A_1267 : i32
      scf.if %cond3A_1268 {
        %add3A_2455 = arith.constant 2 : i32
        %add3A_2456 = arith.addi %add3A_679, %add3A_2455 : i32
        %mul3A_2457 = arith.constant 64 : i32
        %mul3A_2458 = arith.muli %add3A_2456, %mul3A_2457 : i32
        %add3A_2459 = arith.addi %mul3A_2, %mul3A_2458 : i32
        %jit3A_2460 = arith.constant 8 : i32
        %div3A_2461 = arith.divsi %add3A_2459, %jit3A_2460 : i32
        %sign3A_2462 = arith.constant 0 : i32
        %sign3A_2463 = arith.cmpi sgt, %add3A_2459, %sign3A_2462 : i32
        %sign3A_2464 = arith.extui %sign3A_2463 : i1 to i32
        %sign3A_2465 = arith.constant 0 : i32
        %sign3A_2466 = arith.cmpi slt, %add3A_2459, %sign3A_2465 : i32
        %sign3A_2467 = arith.extui %sign3A_2466 : i1 to i32
        %sign3A_2468 = arith.subi %sign3A_2464, %sign3A_2467 : i32
        %sign3A_2469 = arith.constant 0 : i32
        %sign3A_2470 = arith.cmpi sgt, %jit3A_2460, %sign3A_2469 : i32
        %sign3A_2471 = arith.extui %sign3A_2470 : i1 to i32
        %sign3A_2472 = arith.constant 0 : i32
        %sign3A_2473 = arith.cmpi slt, %jit3A_2460, %sign3A_2472 : i32
        %sign3A_2474 = arith.extui %sign3A_2473 : i1 to i32
        %sign3A_2475 = arith.subi %sign3A_2471, %sign3A_2474 : i32
        %ne3A_2476 = arith.cmpi ne, %sign3A_2468, %sign3A_2475 : i32
        %rem3A_2477 = arith.remsi %add3A_2459, %jit3A_2460 : i32
        %ne3A_2478 = arith.constant 0 : i32
        %ne3A_2479 = arith.cmpi ne, %rem3A_2477, %ne3A_2478 : i32
        %and3A_2480 = arith.andi %ne3A_2476, %ne3A_2479 : i1
        %sub3A_2481 = arith.constant 1 : i32
        %sub3A_2482 = arith.subi %div3A_2461, %sub3A_2481 : i32
        %select_n3A_2483 = arith.select %and3A_2480, %sub3A_2482, %div3A_2461 : i32
        %dma_start3A_2484 = arith.constant 0 : i32
        %dma_start3A_2485 = arith.constant 0 : i32
        %dma_start3A_2486 = tpu.memref_slice %arg2[%select_n3A_2483, %dma_start3A_2484, %dma_start3A_2485] : memref<16384x8x256xf32, #tpu.memory_space<hbm>> -> memref<8x8x128xf32, #tpu.memory_space<hbm>>
        %dma_start3A_2487 = arith.constant 0 : i32
        %dma_start3A_2488 = arith.constant 0 : i32
        %dma_start3A_2489 = tpu.memref_slice %arg2[%select_n3A_2483, %dma_start3A_2487, %dma_start3A_2488] : memref<16384x8x256xf32, #tpu.memory_space<hbm>> -> memref<8x8x128xf32, #tpu.memory_space<hbm>>
        tpu.enqueue_dma source(%dma_start3A_2489 : memref<8x8x128xf32, #tpu.memory_space<hbm>>) target(%arg6 : memref<8x8x128xf32, #tpu.memory_space<vmem>>) target_semaphore(%arg17 : memref<!tpu.dma_semaphore, #tpu.memory_space<semaphore_mem>>)
      } else {
      }
      %mul3A_1269 = arith.constant 4 : i32
      %mul3A_1270 = arith.muli %scan3A_92, %mul3A_1269 : i32
      %add3A_1271 = arith.constant 2 : i32
      %add3A_1272 = arith.addi %mul3A_1270, %add3A_1271 : i32
      %mul3A_1273 = arith.constant 64 : i32
      %mul3A_1274 = arith.muli %add3A_1272, %mul3A_1273 : i32
      %add3A_1275 = arith.addi %mul3A_2, %mul3A_1274 : i32
      %mul3A_1276 = arith.constant 64 : i32
      %mul3A_1277 = arith.muli %add3A_1272, %mul3A_1276 : i32
      %add3A_1278 = arith.addi %mul3A_2, %mul3A_1277 : i32
      %jit3A_1279 = arith.constant 8 : i32
      %div3A_1280 = arith.divsi %add3A_1278, %jit3A_1279 : i32
      %sign3A_1281 = arith.constant 0 : i32
      %sign3A_1282 = arith.cmpi sgt, %add3A_1278, %sign3A_1281 : i32
      %sign3A_1283 = arith.extui %sign3A_1282 : i1 to i32
      %sign3A_1284 = arith.constant 0 : i32
      %sign3A_1285 = arith.cmpi slt, %add3A_1278, %sign3A_1284 : i32
      %sign3A_1286 = arith.extui %sign3A_1285 : i1 to i32
      %sign3A_1287 = arith.subi %sign3A_1283, %sign3A_1286 : i32
      %sign3A_1288 = arith.constant 0 : i32
      %sign3A_1289 = arith.cmpi sgt, %jit3A_1279, %sign3A_1288 : i32
      %sign3A_1290 = arith.extui %sign3A_1289 : i1 to i32
      %sign3A_1291 = arith.constant 0 : i32
      %sign3A_1292 = arith.cmpi slt, %jit3A_1279, %sign3A_1291 : i32
      %sign3A_1293 = arith.extui %sign3A_1292 : i1 to i32
      %sign3A_1294 = arith.subi %sign3A_1290, %sign3A_1293 : i32
      %ne3A_1295 = arith.cmpi ne, %sign3A_1287, %sign3A_1294 : i32
      %rem3A_1296 = arith.remsi %add3A_1278, %jit3A_1279 : i32
      %ne3A_1297 = arith.constant 0 : i32
      %ne3A_1298 = arith.cmpi ne, %rem3A_1296, %ne3A_1297 : i32
      %and3A_1299 = arith.andi %ne3A_1295, %ne3A_1298 : i1
      %sub3A_1300 = arith.constant 1 : i32
      %sub3A_1301 = arith.subi %div3A_1280, %sub3A_1300 : i32
      %select_n3A_1302 = arith.select %and3A_1299, %sub3A_1301, %div3A_1280 : i32
      %dma_wait3A_1303 = arith.constant 0 : i32
      %dma_wait3A_1304 = arith.constant 0 : i32
      %dma_wait3A_1305 = tpu.memref_slice %arg2[%select_n3A_1302, %dma_wait3A_1303, %dma_wait3A_1304] : memref<16384x8x256xf32, #tpu.memory_space<hbm>> -> memref<8x8x128xf32, #tpu.memory_space<hbm>>
      %dma_wait3A_1306 = arith.constant 0 : i32
      %dma_wait3A_1307 = arith.constant 0 : i32
      %dma_wait3A_1308 = tpu.memref_slice %arg2[%select_n3A_1302, %dma_wait3A_1306, %dma_wait3A_1307] : memref<16384x8x256xf32, #tpu.memory_space<hbm>> -> memref<8x8x128xf32, #tpu.memory_space<hbm>>
      tpu.wait_dma2 semaphore(%arg16 : memref<!tpu.dma_semaphore, #tpu.memory_space<semaphore_mem>>) src(%dma_wait3A_1308 : memref<8x8x128xf32, #tpu.memory_space<hbm>>) dst(%arg5 : memref<8x8x128xf32, #tpu.memory_space<vmem>>)
      %gt3A_1309 = arith.constant 0 : i32
      %gt3A_1310 = arith.cmpi sgt, %scan3A_92, %gt3A_1309 : i32
      %convert_element_type3A_1311 = arith.extui %gt3A_1310 : i1 to i32
      %cond3A_1312 = arith.constant 0 : i32
      %cond3A_1313 = arith.cmpi ne, %convert_element_type3A_1311, %cond3A_1312 : i32
      scf.if %cond3A_1313 {
        %dma_wait3A_2455 = arith.constant 0 : i32
        %dma_wait3A_2456 = arith.constant 0 : i32
        %dma_wait3A_2457 = tpu.memref_slice %arg4[%dma_wait3A_2455, %dma_wait3A_2456] : memref<131072x256xf32, #tpu.memory_space<hbm>> -> memref<64x256xf32, #tpu.memory_space<hbm>>
        %dma_wait3A_2458 = arith.constant 0 : i32
        %dma_wait3A_2459 = arith.constant 0 : i32
        %dma_wait3A_2460 = tpu.memref_slice %arg4[%dma_wait3A_2458, %dma_wait3A_2459] : memref<131072x256xf32, #tpu.memory_space<hbm>> -> memref<64x256xf32, #tpu.memory_space<hbm>>
        tpu.wait_dma2 semaphore(%arg14 : memref<!tpu.dma_semaphore, #tpu.memory_space<semaphore_mem>>) src(%arg10 : memref<64x256xf32, #tpu.memory_space<vmem>>) dst(%dma_wait3A_2460 : memref<64x256xf32, #tpu.memory_space<hbm>>)
      } else {
      }
      %iota3A_1314 = tpu.iota {dimensions = array<i32: 0>} : vector<16xi32>
      %broadcast_in_dim3A_1315 = arith.constant 0 : i32
      %broadcast_in_dim3A_1316 = vector.broadcast %broadcast_in_dim3A_1315 : i32 to vector<16xi32>
      %broadcast_in_dim3A_1317 = arith.constant 1 : i32
      %broadcast_in_dim3A_1318 = vector.broadcast %broadcast_in_dim3A_1317 : i32 to vector<16xi32>
      %broadcast_in_dim3A_1319 = arith.constant 2 : i32
      %broadcast_in_dim3A_1320 = vector.broadcast %broadcast_in_dim3A_1319 : i32 to vector<16xi32>
      %broadcast_in_dim3A_1321 = arith.constant 3 : i32
      %broadcast_in_dim3A_1322 = vector.broadcast %broadcast_in_dim3A_1321 : i32 to vector<16xi32>
      %broadcast_in_dim3A_1323 = arith.constant 4 : i32
      %broadcast_in_dim3A_1324 = vector.broadcast %broadcast_in_dim3A_1323 : i32 to vector<16xi32>
      %broadcast_in_dim3A_1325 = arith.constant 5 : i32
      %broadcast_in_dim3A_1326 = vector.broadcast %broadcast_in_dim3A_1325 : i32 to vector<16xi32>
      %broadcast_in_dim3A_1327 = arith.constant 6 : i32
      %broadcast_in_dim3A_1328 = vector.broadcast %broadcast_in_dim3A_1327 : i32 to vector<16xi32>
      %broadcast_in_dim3A_1329 = arith.constant 7 : i32
      %broadcast_in_dim3A_1330 = vector.broadcast %broadcast_in_dim3A_1329 : i32 to vector<16xi32>
      %add3A_1331 = arith.constant 0 : i32
      %add3A_1332 = vector.broadcast %add3A_1331 : i32 to vector<16xi32>
      %add3A_1333 = arith.addi %iota3A_1314, %add3A_1332 : vector<16xi32>
      %jit3A_1334 = arith.constant 8 : i32
      %div3A_1335 = vector.broadcast %jit3A_1334 : i32 to vector<16xi32>
      %div3A_1336 = arith.divsi %add3A_1333, %div3A_1335 : vector<16xi32>
      %sign3A_1337 = arith.constant 0 : i32
      %sign3A_1338 = vector.broadcast %sign3A_1337 : i32 to vector<16xi32>
      %sign3A_1339 = arith.cmpi sgt, %add3A_1333, %sign3A_1338 : vector<16xi32>
      %sign3A_1340 = arith.extui %sign3A_1339 : vector<16xi1> to vector<16xi32>
      %sign3A_1341 = arith.constant 0 : i32
      %sign3A_1342 = vector.broadcast %sign3A_1341 : i32 to vector<16xi32>
      %sign3A_1343 = arith.cmpi slt, %add3A_1333, %sign3A_1342 : vector<16xi32>
      %sign3A_1344 = arith.extui %sign3A_1343 : vector<16xi1> to vector<16xi32>
      %sign3A_1345 = arith.subi %sign3A_1340, %sign3A_1344 : vector<16xi32>
      %sign3A_1346 = arith.constant 0 : i32
      %sign3A_1347 = arith.cmpi sgt, %jit3A_1334, %sign3A_1346 : i32
      %sign3A_1348 = arith.extui %sign3A_1347 : i1 to i32
      %sign3A_1349 = arith.constant 0 : i32
      %sign3A_1350 = arith.cmpi slt, %jit3A_1334, %sign3A_1349 : i32
      %sign3A_1351 = arith.extui %sign3A_1350 : i1 to i32
      %sign3A_1352 = arith.subi %sign3A_1348, %sign3A_1351 : i32
      %ne3A_1353 = vector.broadcast %sign3A_1352 : i32 to vector<16xi32>
      %ne3A_1354 = arith.cmpi ne, %sign3A_1345, %ne3A_1353 : vector<16xi32>
      %rem3A_1355 = vector.broadcast %jit3A_1334 : i32 to vector<16xi32>
      %rem3A_1356 = arith.remsi %add3A_1333, %rem3A_1355 : vector<16xi32>
      %ne3A_1357 = arith.constant 0 : i32
      %ne3A_1358 = vector.broadcast %ne3A_1357 : i32 to vector<16xi32>
      %ne3A_1359 = arith.cmpi ne, %rem3A_1356, %ne3A_1358 : vector<16xi32>
      %and3A_1360 = arith.andi %ne3A_1354, %ne3A_1359 : vector<16xi1>
      %sub3A_1361 = arith.constant 1 : i32
      %sub3A_1362 = vector.broadcast %sub3A_1361 : i32 to vector<16xi32>
      %sub3A_1363 = arith.subi %div3A_1336, %sub3A_1362 : vector<16xi32>
      %select_n3A_1364 = arith.select %and3A_1360, %sub3A_1363, %div3A_1336 : vector<16xi1>, vector<16xi32>
      %jit3A_1365 = arith.constant 8 : i32
      %eq3A_1366 = arith.constant 0 : i32
      %eq3A_1367 = arith.cmpi eq, %jit3A_1365, %eq3A_1366 : i32
      %jit3A_1368 = arith.constant 1 : i32
      %select_n3A_1369 = arith.select %eq3A_1367, %jit3A_1368, %jit3A_1365 : i32
      %rem3A_1370 = vector.broadcast %select_n3A_1369 : i32 to vector<16xi32>
      %rem3A_1371 = arith.remsi %add3A_1333, %rem3A_1370 : vector<16xi32>
      %ne3A_1372 = arith.constant 0 : i32
      %ne3A_1373 = vector.broadcast %ne3A_1372 : i32 to vector<16xi32>
      %ne3A_1374 = arith.cmpi ne, %rem3A_1371, %ne3A_1373 : vector<16xi32>
      %lt3A_1375 = arith.constant 0 : i32
      %lt3A_1376 = vector.broadcast %lt3A_1375 : i32 to vector<16xi32>
      %lt3A_1377 = arith.cmpi slt, %rem3A_1371, %lt3A_1376 : vector<16xi32>
      %lt3A_1378 = arith.constant 0 : i32
      %lt3A_1379 = arith.cmpi slt, %select_n3A_1369, %lt3A_1378 : i32
      %ne3A_1380 = vector.broadcast %lt3A_1379 : i1 to vector<16xi1>
      %ne3A_1381 = vector.broadcast %ne3A_1380 : vector<16xi1> to vector<16xi1>
      %ne3A_1382 = arith.xori %lt3A_1377, %ne3A_1381 : vector<16xi1>
      %and3A_1383 = arith.andi %ne3A_1382, %ne3A_1374 : vector<16xi1>
      %add3A_1384 = vector.broadcast %select_n3A_1369 : i32 to vector<16xi32>
      %add3A_1385 = arith.addi %rem3A_1371, %add3A_1384 : vector<16xi32>
      %select_n3A_1386 = arith.select %and3A_1383, %add3A_1385, %rem3A_1371 : vector<16xi1>, vector<16xi32>
      %gather3A_1387 = tpu.vector_load_idx %arg5[%select_n3A_1364, %select_n3A_1386, %broadcast_in_dim3A_1316] : memref<8x8x128xf32, #tpu.memory_space<vmem>>[vector<16xi32>, vector<16xi32>, vector<16xi32>], vector<16xf32>,
      %gather3A_1388 = tpu.vector_load_idx %arg5[%select_n3A_1364, %select_n3A_1386, %broadcast_in_dim3A_1318] : memref<8x8x128xf32, #tpu.memory_space<vmem>>[vector<16xi32>, vector<16xi32>, vector<16xi32>], vector<16xf32>,
      %gather3A_1389 = tpu.vector_load_idx %arg5[%select_n3A_1364, %select_n3A_1386, %broadcast_in_dim3A_1320] : memref<8x8x128xf32, #tpu.memory_space<vmem>>[vector<16xi32>, vector<16xi32>, vector<16xi32>], vector<16xf32>,
      %gather3A_1390 = tpu.vector_load_idx %arg5[%select_n3A_1364, %select_n3A_1386, %broadcast_in_dim3A_1322] : memref<8x8x128xf32, #tpu.memory_space<vmem>>[vector<16xi32>, vector<16xi32>, vector<16xi32>], vector<16xf32>,
      %gather3A_1391 = tpu.vector_load_idx %arg5[%select_n3A_1364, %select_n3A_1386, %broadcast_in_dim3A_1324] : memref<8x8x128xf32, #tpu.memory_space<vmem>>[vector<16xi32>, vector<16xi32>, vector<16xi32>], vector<16xf32>,
      %gather3A_1392 = tpu.vector_load_idx %arg5[%select_n3A_1364, %select_n3A_1386, %broadcast_in_dim3A_1326] : memref<8x8x128xf32, #tpu.memory_space<vmem>>[vector<16xi32>, vector<16xi32>, vector<16xi32>], vector<16xf32>,
      %gather3A_1393 = tpu.vector_load_idx %arg5[%select_n3A_1364, %select_n3A_1386, %broadcast_in_dim3A_1328] : memref<8x8x128xf32, #tpu.memory_space<vmem>>[vector<16xi32>, vector<16xi32>, vector<16xi32>], vector<16xf32>,
      %gather3A_1394 = tpu.vector_load_idx %arg5[%select_n3A_1364, %select_n3A_1386, %broadcast_in_dim3A_1330] : memref<8x8x128xf32, #tpu.memory_space<vmem>>[vector<16xi32>, vector<16xi32>, vector<16xi32>], vector<16xf32>,
      %mul3A_1395 = arith.constant -1.000000e+00 : f32
      %mul3A_1396 = vector.broadcast %mul3A_1395 : f32 to vector<16xf32>
      %mul3A_1397 = arith.mulf %gather3A_1387, %mul3A_1396 : vector<16xf32>
      %mul3A_1398 = arith.constant 1.000000e+00 : f32
      %mul3A_1399 = vector.broadcast %mul3A_1398 : f32 to vector<16xf32>
      %mul3A_1400 = arith.mulf %gather3A_1388, %mul3A_1399 : vector<16xf32>
      %mul3A_1401 = arith.constant -1.000000e+00 : f32
      %mul3A_1402 = vector.broadcast %mul3A_1401 : f32 to vector<16xf32>
      %mul3A_1403 = arith.mulf %gather3A_1389, %mul3A_1402 : vector<16xf32>
      %mul3A_1404 = arith.constant 1.000000e+00 : f32
      %mul3A_1405 = vector.broadcast %mul3A_1404 : f32 to vector<16xf32>
      %mul3A_1406 = arith.mulf %gather3A_1390, %mul3A_1405 : vector<16xf32>
      %mul3A_1407 = arith.constant -1.000000e+00 : f32
      %mul3A_1408 = vector.broadcast %mul3A_1407 : f32 to vector<16xf32>
      %mul3A_1409 = arith.mulf %gather3A_1391, %mul3A_1408 : vector<16xf32>
      %mul3A_1410 = arith.constant 1.000000e+00 : f32
      %mul3A_1411 = vector.broadcast %mul3A_1410 : f32 to vector<16xf32>
      %mul3A_1412 = arith.mulf %gather3A_1392, %mul3A_1411 : vector<16xf32>
      %mul3A_1413 = arith.constant -1.000000e+00 : f32
      %mul3A_1414 = vector.broadcast %mul3A_1413 : f32 to vector<16xf32>
      %mul3A_1415 = arith.mulf %gather3A_1393, %mul3A_1414 : vector<16xf32>
      %mul3A_1416 = arith.constant 1.000000e+00 : f32
      %mul3A_1417 = vector.broadcast %mul3A_1416 : f32 to vector<16xf32>
      %mul3A_1418 = arith.mulf %gather3A_1394, %mul3A_1417 : vector<16xf32>
      %max3A_1419 = arith.maximumf %mul3A_1397, %mul3A_1400 : vector<16xf32>
      %max3A_1420 = arith.maximumf %max3A_1419, %mul3A_1403 : vector<16xf32>
      %max3A_1421 = arith.maximumf %max3A_1420, %mul3A_1406 : vector<16xf32>
      %max3A_1422 = arith.maximumf %max3A_1421, %mul3A_1409 : vector<16xf32>
      %max3A_1423 = arith.maximumf %max3A_1422, %mul3A_1412 : vector<16xf32>
      %max3A_1424 = arith.maximumf %max3A_1423, %mul3A_1415 : vector<16xf32>
      %max3A_1425 = arith.maximumf %max3A_1424, %mul3A_1418 : vector<16xf32>
      %sub3A_1426 = arith.subf %mul3A_1397, %max3A_1425 : vector<16xf32>
      %exp3A_1427 = math.exp %sub3A_1426 : vector<16xf32>
      %sub3A_1428 = arith.subf %mul3A_1400, %max3A_1425 : vector<16xf32>
      %exp3A_1429 = math.exp %sub3A_1428 : vector<16xf32>
      %sub3A_1430 = arith.subf %mul3A_1403, %max3A_1425 : vector<16xf32>
      %exp3A_1431 = math.exp %sub3A_1430 : vector<16xf32>
      %sub3A_1432 = arith.subf %mul3A_1406, %max3A_1425 : vector<16xf32>
      %exp3A_1433 = math.exp %sub3A_1432 : vector<16xf32>
      %sub3A_1434 = arith.subf %mul3A_1409, %max3A_1425 : vector<16xf32>
      %exp3A_1435 = math.exp %sub3A_1434 : vector<16xf32>
      %sub3A_1436 = arith.subf %mul3A_1412, %max3A_1425 : vector<16xf32>
      %exp3A_1437 = math.exp %sub3A_1436 : vector<16xf32>
      %sub3A_1438 = arith.subf %mul3A_1415, %max3A_1425 : vector<16xf32>
      %exp3A_1439 = math.exp %sub3A_1438 : vector<16xf32>
      %sub3A_1440 = arith.subf %mul3A_1418, %max3A_1425 : vector<16xf32>
      %exp3A_1441 = math.exp %sub3A_1440 : vector<16xf32>
      %add3A_1442 = arith.addf %exp3A_1427, %exp3A_1429 : vector<16xf32>
      %add3A_1443 = arith.addf %add3A_1442, %exp3A_1431 : vector<16xf32>
      %add3A_1444 = arith.addf %add3A_1443, %exp3A_1433 : vector<16xf32>
      %add3A_1445 = arith.addf %add3A_1444, %exp3A_1435 : vector<16xf32>
      %add3A_1446 = arith.addf %add3A_1445, %exp3A_1437 : vector<16xf32>
      %add3A_1447 = arith.addf %add3A_1446, %exp3A_1439 : vector<16xf32>
      %add3A_1448 = arith.addf %add3A_1447, %exp3A_1441 : vector<16xf32>
      %div3A_1449 = arith.divf %get3A_63, %add3A_1448 : vector<16xf32>
      %neg3A_1450 = arith.constant 0.000000e+00 : f32
      %neg3A_1451 = vector.broadcast %neg3A_1450 : f32 to vector<16xf32>
      %neg3A_1452 = arith.subf %neg3A_1451, %div3A_1449 : vector<16xf32>
      %mul3A_1453 = arith.mulf %exp3A_1427, %neg3A_1452 : vector<16xf32>
      tpu.vector_store_idx %arg10[%add3A_1333, %broadcast_in_dim3A_1316], %mul3A_1453 : memref<64x256xf32, #tpu.memory_space<vmem>>[vector<16xi32>, vector<16xi32>], vector<16xf32>,
      %mul3A_1454 = arith.mulf %exp3A_1429, %div3A_1449 : vector<16xf32>
      tpu.vector_store_idx %arg10[%add3A_1333, %broadcast_in_dim3A_1318], %mul3A_1454 : memref<64x256xf32, #tpu.memory_space<vmem>>[vector<16xi32>, vector<16xi32>], vector<16xf32>,
      %mul3A_1455 = arith.mulf %exp3A_1431, %neg3A_1452 : vector<16xf32>
      tpu.vector_store_idx %arg10[%add3A_1333, %broadcast_in_dim3A_1320], %mul3A_1455 : memref<64x256xf32, #tpu.memory_space<vmem>>[vector<16xi32>, vector<16xi32>], vector<16xf32>,
      %mul3A_1456 = arith.mulf %exp3A_1433, %div3A_1449 : vector<16xf32>
      tpu.vector_store_idx %arg10[%add3A_1333, %broadcast_in_dim3A_1322], %mul3A_1456 : memref<64x256xf32, #tpu.memory_space<vmem>>[vector<16xi32>, vector<16xi32>], vector<16xf32>,
      %mul3A_1457 = arith.mulf %exp3A_1435, %neg3A_1452 : vector<16xf32>
      tpu.vector_store_idx %arg10[%add3A_1333, %broadcast_in_dim3A_1324], %mul3A_1457 : memref<64x256xf32, #tpu.memory_space<vmem>>[vector<16xi32>, vector<16xi32>], vector<16xf32>,
      %mul3A_1458 = arith.mulf %exp3A_1437, %div3A_1449 : vector<16xf32>
      tpu.vector_store_idx %arg10[%add3A_1333, %broadcast_in_dim3A_1326], %mul3A_1458 : memref<64x256xf32, #tpu.memory_space<vmem>>[vector<16xi32>, vector<16xi32>], vector<16xf32>,
      %mul3A_1459 = arith.mulf %exp3A_1439, %neg3A_1452 : vector<16xf32>
      tpu.vector_store_idx %arg10[%add3A_1333, %broadcast_in_dim3A_1328], %mul3A_1459 : memref<64x256xf32, #tpu.memory_space<vmem>>[vector<16xi32>, vector<16xi32>], vector<16xf32>,
      %mul3A_1460 = arith.mulf %exp3A_1441, %div3A_1449 : vector<16xf32>
      tpu.vector_store_idx %arg10[%add3A_1333, %broadcast_in_dim3A_1330], %mul3A_1460 : memref<64x256xf32, #tpu.memory_space<vmem>>[vector<16xi32>, vector<16xi32>], vector<16xf32>,
      %add3A_1461 = arith.constant 16 : i32
      %add3A_1462 = vector.broadcast %add3A_1461 : i32 to vector<16xi32>
      %add3A_1463 = arith.addi %iota3A_1314, %add3A_1462 : vector<16xi32>
      %jit3A_1464 = arith.constant 8 : i32
      %div3A_1465 = vector.broadcast %jit3A_1464 : i32 to vector<16xi32>
      %div3A_1466 = arith.divsi %add3A_1463, %div3A_1465 : vector<16xi32>
      %sign3A_1467 = arith.constant 0 : i32
      %sign3A_1468 = vector.broadcast %sign3A_1467 : i32 to vector<16xi32>
      %sign3A_1469 = arith.cmpi sgt, %add3A_1463, %sign3A_1468 : vector<16xi32>
      %sign3A_1470 = arith.extui %sign3A_1469 : vector<16xi1> to vector<16xi32>
      %sign3A_1471 = arith.constant 0 : i32
      %sign3A_1472 = vector.broadcast %sign3A_1471 : i32 to vector<16xi32>
      %sign3A_1473 = arith.cmpi slt, %add3A_1463, %sign3A_1472 : vector<16xi32>
      %sign3A_1474 = arith.extui %sign3A_1473 : vector<16xi1> to vector<16xi32>
      %sign3A_1475 = arith.subi %sign3A_1470, %sign3A_1474 : vector<16xi32>
      %sign3A_1476 = arith.constant 0 : i32
      %sign3A_1477 = arith.cmpi sgt, %jit3A_1464, %sign3A_1476 : i32
      %sign3A_1478 = arith.extui %sign3A_1477 : i1 to i32
      %sign3A_1479 = arith.constant 0 : i32
      %sign3A_1480 = arith.cmpi slt, %jit3A_1464, %sign3A_1479 : i32
      %sign3A_1481 = arith.extui %sign3A_1480 : i1 to i32
      %sign3A_1482 = arith.subi %sign3A_1478, %sign3A_1481 : i32
      %ne3A_1483 = vector.broadcast %sign3A_1482 : i32 to vector<16xi32>
      %ne3A_1484 = arith.cmpi ne, %sign3A_1475, %ne3A_1483 : vector<16xi32>
      %rem3A_1485 = vector.broadcast %jit3A_1464 : i32 to vector<16xi32>
      %rem3A_1486 = arith.remsi %add3A_1463, %rem3A_1485 : vector<16xi32>
      %ne3A_1487 = arith.constant 0 : i32
      %ne3A_1488 = vector.broadcast %ne3A_1487 : i32 to vector<16xi32>
      %ne3A_1489 = arith.cmpi ne, %rem3A_1486, %ne3A_1488 : vector<16xi32>
      %and3A_1490 = arith.andi %ne3A_1484, %ne3A_1489 : vector<16xi1>
      %sub3A_1491 = arith.constant 1 : i32
      %sub3A_1492 = vector.broadcast %sub3A_1491 : i32 to vector<16xi32>
      %sub3A_1493 = arith.subi %div3A_1466, %sub3A_1492 : vector<16xi32>
      %select_n3A_1494 = arith.select %and3A_1490, %sub3A_1493, %div3A_1466 : vector<16xi1>, vector<16xi32>
      %jit3A_1495 = arith.constant 8 : i32
      %eq3A_1496 = arith.constant 0 : i32
      %eq3A_1497 = arith.cmpi eq, %jit3A_1495, %eq3A_1496 : i32
      %jit3A_1498 = arith.constant 1 : i32
      %select_n3A_1499 = arith.select %eq3A_1497, %jit3A_1498, %jit3A_1495 : i32
      %rem3A_1500 = vector.broadcast %select_n3A_1499 : i32 to vector<16xi32>
      %rem3A_1501 = arith.remsi %add3A_1463, %rem3A_1500 : vector<16xi32>
      %ne3A_1502 = arith.constant 0 : i32
      %ne3A_1503 = vector.broadcast %ne3A_1502 : i32 to vector<16xi32>
      %ne3A_1504 = arith.cmpi ne, %rem3A_1501, %ne3A_1503 : vector<16xi32>
      %lt3A_1505 = arith.constant 0 : i32
      %lt3A_1506 = vector.broadcast %lt3A_1505 : i32 to vector<16xi32>
      %lt3A_1507 = arith.cmpi slt, %rem3A_1501, %lt3A_1506 : vector<16xi32>
      %lt3A_1508 = arith.constant 0 : i32
      %lt3A_1509 = arith.cmpi slt, %select_n3A_1499, %lt3A_1508 : i32
      %ne3A_1510 = vector.broadcast %lt3A_1509 : i1 to vector<16xi1>
      %ne3A_1511 = vector.broadcast %ne3A_1510 : vector<16xi1> to vector<16xi1>
      %ne3A_1512 = arith.xori %lt3A_1507, %ne3A_1511 : vector<16xi1>
      %and3A_1513 = arith.andi %ne3A_1512, %ne3A_1504 : vector<16xi1>
      %add3A_1514 = vector.broadcast %select_n3A_1499 : i32 to vector<16xi32>
      %add3A_1515 = arith.addi %rem3A_1501, %add3A_1514 : vector<16xi32>
      %select_n3A_1516 = arith.select %and3A_1513, %add3A_1515, %rem3A_1501 : vector<16xi1>, vector<16xi32>
      %gather3A_1517 = tpu.vector_load_idx %arg5[%select_n3A_1494, %select_n3A_1516, %broadcast_in_dim3A_1316] : memref<8x8x128xf32, #tpu.memory_space<vmem>>[vector<16xi32>, vector<16xi32>, vector<16xi32>], vector<16xf32>,
      %gather3A_1518 = tpu.vector_load_idx %arg5[%select_n3A_1494, %select_n3A_1516, %broadcast_in_dim3A_1318] : memref<8x8x128xf32, #tpu.memory_space<vmem>>[vector<16xi32>, vector<16xi32>, vector<16xi32>], vector<16xf32>,
      %gather3A_1519 = tpu.vector_load_idx %arg5[%select_n3A_1494, %select_n3A_1516, %broadcast_in_dim3A_1320] : memref<8x8x128xf32, #tpu.memory_space<vmem>>[vector<16xi32>, vector<16xi32>, vector<16xi32>], vector<16xf32>,
      %gather3A_1520 = tpu.vector_load_idx %arg5[%select_n3A_1494, %select_n3A_1516, %broadcast_in_dim3A_1322] : memref<8x8x128xf32, #tpu.memory_space<vmem>>[vector<16xi32>, vector<16xi32>, vector<16xi32>], vector<16xf32>,
      %gather3A_1521 = tpu.vector_load_idx %arg5[%select_n3A_1494, %select_n3A_1516, %broadcast_in_dim3A_1324] : memref<8x8x128xf32, #tpu.memory_space<vmem>>[vector<16xi32>, vector<16xi32>, vector<16xi32>], vector<16xf32>,
      %gather3A_1522 = tpu.vector_load_idx %arg5[%select_n3A_1494, %select_n3A_1516, %broadcast_in_dim3A_1326] : memref<8x8x128xf32, #tpu.memory_space<vmem>>[vector<16xi32>, vector<16xi32>, vector<16xi32>], vector<16xf32>,
      %gather3A_1523 = tpu.vector_load_idx %arg5[%select_n3A_1494, %select_n3A_1516, %broadcast_in_dim3A_1328] : memref<8x8x128xf32, #tpu.memory_space<vmem>>[vector<16xi32>, vector<16xi32>, vector<16xi32>], vector<16xf32>,
      %gather3A_1524 = tpu.vector_load_idx %arg5[%select_n3A_1494, %select_n3A_1516, %broadcast_in_dim3A_1330] : memref<8x8x128xf32, #tpu.memory_space<vmem>>[vector<16xi32>, vector<16xi32>, vector<16xi32>], vector<16xf32>,
      %mul3A_1525 = arith.constant -1.000000e+00 : f32
      %mul3A_1526 = vector.broadcast %mul3A_1525 : f32 to vector<16xf32>
      %mul3A_1527 = arith.mulf %gather3A_1517, %mul3A_1526 : vector<16xf32>
      %mul3A_1528 = arith.constant 1.000000e+00 : f32
      %mul3A_1529 = vector.broadcast %mul3A_1528 : f32 to vector<16xf32>
      %mul3A_1530 = arith.mulf %gather3A_1518, %mul3A_1529 : vector<16xf32>
      %mul3A_1531 = arith.constant -1.000000e+00 : f32
      %mul3A_1532 = vector.broadcast %mul3A_1531 : f32 to vector<16xf32>
      %mul3A_1533 = arith.mulf %gather3A_1519, %mul3A_1532 : vector<16xf32>
      %mul3A_1534 = arith.constant 1.000000e+00 : f32
      %mul3A_1535 = vector.broadcast %mul3A_1534 : f32 to vector<16xf32>
      %mul3A_1536 = arith.mulf %gather3A_1520, %mul3A_1535 : vector<16xf32>
      %mul3A_1537 = arith.constant -1.000000e+00 : f32
      %mul3A_1538 = vector.broadcast %mul3A_1537 : f32 to vector<16xf32>
      %mul3A_1539 = arith.mulf %gather3A_1521, %mul3A_1538 : vector<16xf32>
      %mul3A_1540 = arith.constant 1.000000e+00 : f32
      %mul3A_1541 = vector.broadcast %mul3A_1540 : f32 to vector<16xf32>
      %mul3A_1542 = arith.mulf %gather3A_1522, %mul3A_1541 : vector<16xf32>
      %mul3A_1543 = arith.constant -1.000000e+00 : f32
      %mul3A_1544 = vector.broadcast %mul3A_1543 : f32 to vector<16xf32>
      %mul3A_1545 = arith.mulf %gather3A_1523, %mul3A_1544 : vector<16xf32>
      %mul3A_1546 = arith.constant 1.000000e+00 : f32
      %mul3A_1547 = vector.broadcast %mul3A_1546 : f32 to vector<16xf32>
      %mul3A_1548 = arith.mulf %gather3A_1524, %mul3A_1547 : vector<16xf32>
      %max3A_1549 = arith.maximumf %mul3A_1527, %mul3A_1530 : vector<16xf32>
      %max3A_1550 = arith.maximumf %max3A_1549, %mul3A_1533 : vector<16xf32>
      %max3A_1551 = arith.maximumf %max3A_1550, %mul3A_1536 : vector<16xf32>
      %max3A_1552 = arith.maximumf %max3A_1551, %mul3A_1539 : vector<16xf32>
      %max3A_1553 = arith.maximumf %max3A_1552, %mul3A_1542 : vector<16xf32>
      %max3A_1554 = arith.maximumf %max3A_1553, %mul3A_1545 : vector<16xf32>
      %max3A_1555 = arith.maximumf %max3A_1554, %mul3A_1548 : vector<16xf32>
      %sub3A_1556 = arith.subf %mul3A_1527, %max3A_1555 : vector<16xf32>
      %exp3A_1557 = math.exp %sub3A_1556 : vector<16xf32>
      %sub3A_1558 = arith.subf %mul3A_1530, %max3A_1555 : vector<16xf32>
      %exp3A_1559 = math.exp %sub3A_1558 : vector<16xf32>
      %sub3A_1560 = arith.subf %mul3A_1533, %max3A_1555 : vector<16xf32>
      %exp3A_1561 = math.exp %sub3A_1560 : vector<16xf32>
      %sub3A_1562 = arith.subf %mul3A_1536, %max3A_1555 : vector<16xf32>
      %exp3A_1563 = math.exp %sub3A_1562 : vector<16xf32>
      %sub3A_1564 = arith.subf %mul3A_1539, %max3A_1555 : vector<16xf32>
      %exp3A_1565 = math.exp %sub3A_1564 : vector<16xf32>
      %sub3A_1566 = arith.subf %mul3A_1542, %max3A_1555 : vector<16xf32>
      %exp3A_1567 = math.exp %sub3A_1566 : vector<16xf32>
      %sub3A_1568 = arith.subf %mul3A_1545, %max3A_1555 : vector<16xf32>
      %exp3A_1569 = math.exp %sub3A_1568 : vector<16xf32>
      %sub3A_1570 = arith.subf %mul3A_1548, %max3A_1555 : vector<16xf32>
      %exp3A_1571 = math.exp %sub3A_1570 : vector<16xf32>
      %add3A_1572 = arith.addf %exp3A_1557, %exp3A_1559 : vector<16xf32>
      %add3A_1573 = arith.addf %add3A_1572, %exp3A_1561 : vector<16xf32>
      %add3A_1574 = arith.addf %add3A_1573, %exp3A_1563 : vector<16xf32>
      %add3A_1575 = arith.addf %add3A_1574, %exp3A_1565 : vector<16xf32>
      %add3A_1576 = arith.addf %add3A_1575, %exp3A_1567 : vector<16xf32>
      %add3A_1577 = arith.addf %add3A_1576, %exp3A_1569 : vector<16xf32>
      %add3A_1578 = arith.addf %add3A_1577, %exp3A_1571 : vector<16xf32>
      %div3A_1579 = arith.divf %get3A_63, %add3A_1578 : vector<16xf32>
      %neg3A_1580 = arith.constant 0.000000e+00 : f32
      %neg3A_1581 = vector.broadcast %neg3A_1580 : f32 to vector<16xf32>
      %neg3A_1582 = arith.subf %neg3A_1581, %div3A_1579 : vector<16xf32>
      %mul3A_1583 = arith.mulf %exp3A_1557, %neg3A_1582 : vector<16xf32>
      tpu.vector_store_idx %arg10[%add3A_1463, %broadcast_in_dim3A_1316], %mul3A_1583 : memref<64x256xf32, #tpu.memory_space<vmem>>[vector<16xi32>, vector<16xi32>], vector<16xf32>,
      %mul3A_1584 = arith.mulf %exp3A_1559, %div3A_1579 : vector<16xf32>
      tpu.vector_store_idx %arg10[%add3A_1463, %broadcast_in_dim3A_1318], %mul3A_1584 : memref<64x256xf32, #tpu.memory_space<vmem>>[vector<16xi32>, vector<16xi32>], vector<16xf32>,
      %mul3A_1585 = arith.mulf %exp3A_1561, %neg3A_1582 : vector<16xf32>
      tpu.vector_store_idx %arg10[%add3A_1463, %broadcast_in_dim3A_1320], %mul3A_1585 : memref<64x256xf32, #tpu.memory_space<vmem>>[vector<16xi32>, vector<16xi32>], vector<16xf32>,
      %mul3A_1586 = arith.mulf %exp3A_1563, %div3A_1579 : vector<16xf32>
      tpu.vector_store_idx %arg10[%add3A_1463, %broadcast_in_dim3A_1322], %mul3A_1586 : memref<64x256xf32, #tpu.memory_space<vmem>>[vector<16xi32>, vector<16xi32>], vector<16xf32>,
      %mul3A_1587 = arith.mulf %exp3A_1565, %neg3A_1582 : vector<16xf32>
      tpu.vector_store_idx %arg10[%add3A_1463, %broadcast_in_dim3A_1324], %mul3A_1587 : memref<64x256xf32, #tpu.memory_space<vmem>>[vector<16xi32>, vector<16xi32>], vector<16xf32>,
      %mul3A_1588 = arith.mulf %exp3A_1567, %div3A_1579 : vector<16xf32>
      tpu.vector_store_idx %arg10[%add3A_1463, %broadcast_in_dim3A_1326], %mul3A_1588 : memref<64x256xf32, #tpu.memory_space<vmem>>[vector<16xi32>, vector<16xi32>], vector<16xf32>,
      %mul3A_1589 = arith.mulf %exp3A_1569, %neg3A_1582 : vector<16xf32>
      tpu.vector_store_idx %arg10[%add3A_1463, %broadcast_in_dim3A_1328], %mul3A_1589 : memref<64x256xf32, #tpu.memory_space<vmem>>[vector<16xi32>, vector<16xi32>], vector<16xf32>,
      %mul3A_1590 = arith.mulf %exp3A_1571, %div3A_1579 : vector<16xf32>
      tpu.vector_store_idx %arg10[%add3A_1463, %broadcast_in_dim3A_1330], %mul3A_1590 : memref<64x256xf32, #tpu.memory_space<vmem>>[vector<16xi32>, vector<16xi32>], vector<16xf32>,
      %add3A_1591 = arith.constant 32 : i32
      %add3A_1592 = vector.broadcast %add3A_1591 : i32 to vector<16xi32>
      %add3A_1593 = arith.addi %iota3A_1314, %add3A_1592 : vector<16xi32>
      %jit3A_1594 = arith.constant 8 : i32
      %div3A_1595 = vector.broadcast %jit3A_1594 : i32 to vector<16xi32>
      %div3A_1596 = arith.divsi %add3A_1593, %div3A_1595 : vector<16xi32>
      %sign3A_1597 = arith.constant 0 : i32
      %sign3A_1598 = vector.broadcast %sign3A_1597 : i32 to vector<16xi32>
      %sign3A_1599 = arith.cmpi sgt, %add3A_1593, %sign3A_1598 : vector<16xi32>
      %sign3A_1600 = arith.extui %sign3A_1599 : vector<16xi1> to vector<16xi32>
      %sign3A_1601 = arith.constant 0 : i32
      %sign3A_1602 = vector.broadcast %sign3A_1601 : i32 to vector<16xi32>
      %sign3A_1603 = arith.cmpi slt, %add3A_1593, %sign3A_1602 : vector<16xi32>
      %sign3A_1604 = arith.extui %sign3A_1603 : vector<16xi1> to vector<16xi32>
      %sign3A_1605 = arith.subi %sign3A_1600, %sign3A_1604 : vector<16xi32>
      %sign3A_1606 = arith.constant 0 : i32
      %sign3A_1607 = arith.cmpi sgt, %jit3A_1594, %sign3A_1606 : i32
      %sign3A_1608 = arith.extui %sign3A_1607 : i1 to i32
      %sign3A_1609 = arith.constant 0 : i32
      %sign3A_1610 = arith.cmpi slt, %jit3A_1594, %sign3A_1609 : i32
      %sign3A_1611 = arith.extui %sign3A_1610 : i1 to i32
      %sign3A_1612 = arith.subi %sign3A_1608, %sign3A_1611 : i32
      %ne3A_1613 = vector.broadcast %sign3A_1612 : i32 to vector<16xi32>
      %ne3A_1614 = arith.cmpi ne, %sign3A_1605, %ne3A_1613 : vector<16xi32>
      %rem3A_1615 = vector.broadcast %jit3A_1594 : i32 to vector<16xi32>
      %rem3A_1616 = arith.remsi %add3A_1593, %rem3A_1615 : vector<16xi32>
      %ne3A_1617 = arith.constant 0 : i32
      %ne3A_1618 = vector.broadcast %ne3A_1617 : i32 to vector<16xi32>
      %ne3A_1619 = arith.cmpi ne, %rem3A_1616, %ne3A_1618 : vector<16xi32>
      %and3A_1620 = arith.andi %ne3A_1614, %ne3A_1619 : vector<16xi1>
      %sub3A_1621 = arith.constant 1 : i32
      %sub3A_1622 = vector.broadcast %sub3A_1621 : i32 to vector<16xi32>
      %sub3A_1623 = arith.subi %div3A_1596, %sub3A_1622 : vector<16xi32>
      %select_n3A_1624 = arith.select %and3A_1620, %sub3A_1623, %div3A_1596 : vector<16xi1>, vector<16xi32>
      %jit3A_1625 = arith.constant 8 : i32
      %eq3A_1626 = arith.constant 0 : i32
      %eq3A_1627 = arith.cmpi eq, %jit3A_1625, %eq3A_1626 : i32
      %jit3A_1628 = arith.constant 1 : i32
      %select_n3A_1629 = arith.select %eq3A_1627, %jit3A_1628, %jit3A_1625 : i32
      %rem3A_1630 = vector.broadcast %select_n3A_1629 : i32 to vector<16xi32>
      %rem3A_1631 = arith.remsi %add3A_1593, %rem3A_1630 : vector<16xi32>
      %ne3A_1632 = arith.constant 0 : i32
      %ne3A_1633 = vector.broadcast %ne3A_1632 : i32 to vector<16xi32>
      %ne3A_1634 = arith.cmpi ne, %rem3A_1631, %ne3A_1633 : vector<16xi32>
      %lt3A_1635 = arith.constant 0 : i32
      %lt3A_1636 = vector.broadcast %lt3A_1635 : i32 to vector<16xi32>
      %lt3A_1637 = arith.cmpi slt, %rem3A_1631, %lt3A_1636 : vector<16xi32>
      %lt3A_1638 = arith.constant 0 : i32
      %lt3A_1639 = arith.cmpi slt, %select_n3A_1629, %lt3A_1638 : i32
      %ne3A_1640 = vector.broadcast %lt3A_1639 : i1 to vector<16xi1>
      %ne3A_1641 = vector.broadcast %ne3A_1640 : vector<16xi1> to vector<16xi1>
      %ne3A_1642 = arith.xori %lt3A_1637, %ne3A_1641 : vector<16xi1>
      %and3A_1643 = arith.andi %ne3A_1642, %ne3A_1634 : vector<16xi1>
      %add3A_1644 = vector.broadcast %select_n3A_1629 : i32 to vector<16xi32>
      %add3A_1645 = arith.addi %rem3A_1631, %add3A_1644 : vector<16xi32>
      %select_n3A_1646 = arith.select %and3A_1643, %add3A_1645, %rem3A_1631 : vector<16xi1>, vector<16xi32>
      %gather3A_1647 = tpu.vector_load_idx %arg5[%select_n3A_1624, %select_n3A_1646, %broadcast_in_dim3A_1316] : memref<8x8x128xf32, #tpu.memory_space<vmem>>[vector<16xi32>, vector<16xi32>, vector<16xi32>], vector<16xf32>,
      %gather3A_1648 = tpu.vector_load_idx %arg5[%select_n3A_1624, %select_n3A_1646, %broadcast_in_dim3A_1318] : memref<8x8x128xf32, #tpu.memory_space<vmem>>[vector<16xi32>, vector<16xi32>, vector<16xi32>], vector<16xf32>,
      %gather3A_1649 = tpu.vector_load_idx %arg5[%select_n3A_1624, %select_n3A_1646, %broadcast_in_dim3A_1320] : memref<8x8x128xf32, #tpu.memory_space<vmem>>[vector<16xi32>, vector<16xi32>, vector<16xi32>], vector<16xf32>,
      %gather3A_1650 = tpu.vector_load_idx %arg5[%select_n3A_1624, %select_n3A_1646, %broadcast_in_dim3A_1322] : memref<8x8x128xf32, #tpu.memory_space<vmem>>[vector<16xi32>, vector<16xi32>, vector<16xi32>], vector<16xf32>,
      %gather3A_1651 = tpu.vector_load_idx %arg5[%select_n3A_1624, %select_n3A_1646, %broadcast_in_dim3A_1324] : memref<8x8x128xf32, #tpu.memory_space<vmem>>[vector<16xi32>, vector<16xi32>, vector<16xi32>], vector<16xf32>,
      %gather3A_1652 = tpu.vector_load_idx %arg5[%select_n3A_1624, %select_n3A_1646, %broadcast_in_dim3A_1326] : memref<8x8x128xf32, #tpu.memory_space<vmem>>[vector<16xi32>, vector<16xi32>, vector<16xi32>], vector<16xf32>,
      %gather3A_1653 = tpu.vector_load_idx %arg5[%select_n3A_1624, %select_n3A_1646, %broadcast_in_dim3A_1328] : memref<8x8x128xf32, #tpu.memory_space<vmem>>[vector<16xi32>, vector<16xi32>, vector<16xi32>], vector<16xf32>,
      %gather3A_1654 = tpu.vector_load_idx %arg5[%select_n3A_1624, %select_n3A_1646, %broadcast_in_dim3A_1330] : memref<8x8x128xf32, #tpu.memory_space<vmem>>[vector<16xi32>, vector<16xi32>, vector<16xi32>], vector<16xf32>,
      %mul3A_1655 = arith.constant -1.000000e+00 : f32
      %mul3A_1656 = vector.broadcast %mul3A_1655 : f32 to vector<16xf32>
      %mul3A_1657 = arith.mulf %gather3A_1647, %mul3A_1656 : vector<16xf32>
      %mul3A_1658 = arith.constant 1.000000e+00 : f32
      %mul3A_1659 = vector.broadcast %mul3A_1658 : f32 to vector<16xf32>
      %mul3A_1660 = arith.mulf %gather3A_1648, %mul3A_1659 : vector<16xf32>
      %mul3A_1661 = arith.constant -1.000000e+00 : f32
      %mul3A_1662 = vector.broadcast %mul3A_1661 : f32 to vector<16xf32>
      %mul3A_1663 = arith.mulf %gather3A_1649, %mul3A_1662 : vector<16xf32>
      %mul3A_1664 = arith.constant 1.000000e+00 : f32
      %mul3A_1665 = vector.broadcast %mul3A_1664 : f32 to vector<16xf32>
      %mul3A_1666 = arith.mulf %gather3A_1650, %mul3A_1665 : vector<16xf32>
      %mul3A_1667 = arith.constant -1.000000e+00 : f32
      %mul3A_1668 = vector.broadcast %mul3A_1667 : f32 to vector<16xf32>
      %mul3A_1669 = arith.mulf %gather3A_1651, %mul3A_1668 : vector<16xf32>
      %mul3A_1670 = arith.constant 1.000000e+00 : f32
      %mul3A_1671 = vector.broadcast %mul3A_1670 : f32 to vector<16xf32>
      %mul3A_1672 = arith.mulf %gather3A_1652, %mul3A_1671 : vector<16xf32>
      %mul3A_1673 = arith.constant -1.000000e+00 : f32
      %mul3A_1674 = vector.broadcast %mul3A_1673 : f32 to vector<16xf32>
      %mul3A_1675 = arith.mulf %gather3A_1653, %mul3A_1674 : vector<16xf32>
      %mul3A_1676 = arith.constant 1.000000e+00 : f32
      %mul3A_1677 = vector.broadcast %mul3A_1676 : f32 to vector<16xf32>
      %mul3A_1678 = arith.mulf %gather3A_1654, %mul3A_1677 : vector<16xf32>
      %max3A_1679 = arith.maximumf %mul3A_1657, %mul3A_1660 : vector<16xf32>
      %max3A_1680 = arith.maximumf %max3A_1679, %mul3A_1663 : vector<16xf32>
      %max3A_1681 = arith.maximumf %max3A_1680, %mul3A_1666 : vector<16xf32>
      %max3A_1682 = arith.maximumf %max3A_1681, %mul3A_1669 : vector<16xf32>
      %max3A_1683 = arith.maximumf %max3A_1682, %mul3A_1672 : vector<16xf32>
      %max3A_1684 = arith.maximumf %max3A_1683, %mul3A_1675 : vector<16xf32>
      %max3A_1685 = arith.maximumf %max3A_1684, %mul3A_1678 : vector<16xf32>
      %sub3A_1686 = arith.subf %mul3A_1657, %max3A_1685 : vector<16xf32>
      %exp3A_1687 = math.exp %sub3A_1686 : vector<16xf32>
      %sub3A_1688 = arith.subf %mul3A_1660, %max3A_1685 : vector<16xf32>
      %exp3A_1689 = math.exp %sub3A_1688 : vector<16xf32>
      %sub3A_1690 = arith.subf %mul3A_1663, %max3A_1685 : vector<16xf32>
      %exp3A_1691 = math.exp %sub3A_1690 : vector<16xf32>
      %sub3A_1692 = arith.subf %mul3A_1666, %max3A_1685 : vector<16xf32>
      %exp3A_1693 = math.exp %sub3A_1692 : vector<16xf32>
      %sub3A_1694 = arith.subf %mul3A_1669, %max3A_1685 : vector<16xf32>
      %exp3A_1695 = math.exp %sub3A_1694 : vector<16xf32>
      %sub3A_1696 = arith.subf %mul3A_1672, %max3A_1685 : vector<16xf32>
      %exp3A_1697 = math.exp %sub3A_1696 : vector<16xf32>
      %sub3A_1698 = arith.subf %mul3A_1675, %max3A_1685 : vector<16xf32>
      %exp3A_1699 = math.exp %sub3A_1698 : vector<16xf32>
      %sub3A_1700 = arith.subf %mul3A_1678, %max3A_1685 : vector<16xf32>
      %exp3A_1701 = math.exp %sub3A_1700 : vector<16xf32>
      %add3A_1702 = arith.addf %exp3A_1687, %exp3A_1689 : vector<16xf32>
      %add3A_1703 = arith.addf %add3A_1702, %exp3A_1691 : vector<16xf32>
      %add3A_1704 = arith.addf %add3A_1703, %exp3A_1693 : vector<16xf32>
      %add3A_1705 = arith.addf %add3A_1704, %exp3A_1695 : vector<16xf32>
      %add3A_1706 = arith.addf %add3A_1705, %exp3A_1697 : vector<16xf32>
      %add3A_1707 = arith.addf %add3A_1706, %exp3A_1699 : vector<16xf32>
      %add3A_1708 = arith.addf %add3A_1707, %exp3A_1701 : vector<16xf32>
      %div3A_1709 = arith.divf %get3A_63, %add3A_1708 : vector<16xf32>
      %neg3A_1710 = arith.constant 0.000000e+00 : f32
      %neg3A_1711 = vector.broadcast %neg3A_1710 : f32 to vector<16xf32>
      %neg3A_1712 = arith.subf %neg3A_1711, %div3A_1709 : vector<16xf32>
      %mul3A_1713 = arith.mulf %exp3A_1687, %neg3A_1712 : vector<16xf32>
      tpu.vector_store_idx %arg10[%add3A_1593, %broadcast_in_dim3A_1316], %mul3A_1713 : memref<64x256xf32, #tpu.memory_space<vmem>>[vector<16xi32>, vector<16xi32>], vector<16xf32>,
      %mul3A_1714 = arith.mulf %exp3A_1689, %div3A_1709 : vector<16xf32>
      tpu.vector_store_idx %arg10[%add3A_1593, %broadcast_in_dim3A_1318], %mul3A_1714 : memref<64x256xf32, #tpu.memory_space<vmem>>[vector<16xi32>, vector<16xi32>], vector<16xf32>,
      %mul3A_1715 = arith.mulf %exp3A_1691, %neg3A_1712 : vector<16xf32>
      tpu.vector_store_idx %arg10[%add3A_1593, %broadcast_in_dim3A_1320], %mul3A_1715 : memref<64x256xf32, #tpu.memory_space<vmem>>[vector<16xi32>, vector<16xi32>], vector<16xf32>,
      %mul3A_1716 = arith.mulf %exp3A_1693, %div3A_1709 : vector<16xf32>
      tpu.vector_store_idx %arg10[%add3A_1593, %broadcast_in_dim3A_1322], %mul3A_1716 : memref<64x256xf32, #tpu.memory_space<vmem>>[vector<16xi32>, vector<16xi32>], vector<16xf32>,
      %mul3A_1717 = arith.mulf %exp3A_1695, %neg3A_1712 : vector<16xf32>
      tpu.vector_store_idx %arg10[%add3A_1593, %broadcast_in_dim3A_1324], %mul3A_1717 : memref<64x256xf32, #tpu.memory_space<vmem>>[vector<16xi32>, vector<16xi32>], vector<16xf32>,
      %mul3A_1718 = arith.mulf %exp3A_1697, %div3A_1709 : vector<16xf32>
      tpu.vector_store_idx %arg10[%add3A_1593, %broadcast_in_dim3A_1326], %mul3A_1718 : memref<64x256xf32, #tpu.memory_space<vmem>>[vector<16xi32>, vector<16xi32>], vector<16xf32>,
      %mul3A_1719 = arith.mulf %exp3A_1699, %neg3A_1712 : vector<16xf32>
      tpu.vector_store_idx %arg10[%add3A_1593, %broadcast_in_dim3A_1328], %mul3A_1719 : memref<64x256xf32, #tpu.memory_space<vmem>>[vector<16xi32>, vector<16xi32>], vector<16xf32>,
      %mul3A_1720 = arith.mulf %exp3A_1701, %div3A_1709 : vector<16xf32>
      tpu.vector_store_idx %arg10[%add3A_1593, %broadcast_in_dim3A_1330], %mul3A_1720 : memref<64x256xf32, #tpu.memory_space<vmem>>[vector<16xi32>, vector<16xi32>], vector<16xf32>,
      %add3A_1721 = arith.constant 48 : i32
      %add3A_1722 = vector.broadcast %add3A_1721 : i32 to vector<16xi32>
      %add3A_1723 = arith.addi %iota3A_1314, %add3A_1722 : vector<16xi32>
      %jit3A_1724 = arith.constant 8 : i32
      %div3A_1725 = vector.broadcast %jit3A_1724 : i32 to vector<16xi32>
      %div3A_1726 = arith.divsi %add3A_1723, %div3A_1725 : vector<16xi32>
      %sign3A_1727 = arith.constant 0 : i32
      %sign3A_1728 = vector.broadcast %sign3A_1727 : i32 to vector<16xi32>
      %sign3A_1729 = arith.cmpi sgt, %add3A_1723, %sign3A_1728 : vector<16xi32>
      %sign3A_1730 = arith.extui %sign3A_1729 : vector<16xi1> to vector<16xi32>
      %sign3A_1731 = arith.constant 0 : i32
      %sign3A_1732 = vector.broadcast %sign3A_1731 : i32 to vector<16xi32>
      %sign3A_1733 = arith.cmpi slt, %add3A_1723, %sign3A_1732 : vector<16xi32>
      %sign3A_1734 = arith.extui %sign3A_1733 : vector<16xi1> to vector<16xi32>
      %sign3A_1735 = arith.subi %sign3A_1730, %sign3A_1734 : vector<16xi32>
      %sign3A_1736 = arith.constant 0 : i32
      %sign3A_1737 = arith.cmpi sgt, %jit3A_1724, %sign3A_1736 : i32
      %sign3A_1738 = arith.extui %sign3A_1737 : i1 to i32
      %sign3A_1739 = arith.constant 0 : i32
      %sign3A_1740 = arith.cmpi slt, %jit3A_1724, %sign3A_1739 : i32
      %sign3A_1741 = arith.extui %sign3A_1740 : i1 to i32
      %sign3A_1742 = arith.subi %sign3A_1738, %sign3A_1741 : i32
      %ne3A_1743 = vector.broadcast %sign3A_1742 : i32 to vector<16xi32>
      %ne3A_1744 = arith.cmpi ne, %sign3A_1735, %ne3A_1743 : vector<16xi32>
      %rem3A_1745 = vector.broadcast %jit3A_1724 : i32 to vector<16xi32>
      %rem3A_1746 = arith.remsi %add3A_1723, %rem3A_1745 : vector<16xi32>
      %ne3A_1747 = arith.constant 0 : i32
      %ne3A_1748 = vector.broadcast %ne3A_1747 : i32 to vector<16xi32>
      %ne3A_1749 = arith.cmpi ne, %rem3A_1746, %ne3A_1748 : vector<16xi32>
      %and3A_1750 = arith.andi %ne3A_1744, %ne3A_1749 : vector<16xi1>
      %sub3A_1751 = arith.constant 1 : i32
      %sub3A_1752 = vector.broadcast %sub3A_1751 : i32 to vector<16xi32>
      %sub3A_1753 = arith.subi %div3A_1726, %sub3A_1752 : vector<16xi32>
      %select_n3A_1754 = arith.select %and3A_1750, %sub3A_1753, %div3A_1726 : vector<16xi1>, vector<16xi32>
      %jit3A_1755 = arith.constant 8 : i32
      %eq3A_1756 = arith.constant 0 : i32
      %eq3A_1757 = arith.cmpi eq, %jit3A_1755, %eq3A_1756 : i32
      %jit3A_1758 = arith.constant 1 : i32
      %select_n3A_1759 = arith.select %eq3A_1757, %jit3A_1758, %jit3A_1755 : i32
      %rem3A_1760 = vector.broadcast %select_n3A_1759 : i32 to vector<16xi32>
      %rem3A_1761 = arith.remsi %add3A_1723, %rem3A_1760 : vector<16xi32>
      %ne3A_1762 = arith.constant 0 : i32
      %ne3A_1763 = vector.broadcast %ne3A_1762 : i32 to vector<16xi32>
      %ne3A_1764 = arith.cmpi ne, %rem3A_1761, %ne3A_1763 : vector<16xi32>
      %lt3A_1765 = arith.constant 0 : i32
      %lt3A_1766 = vector.broadcast %lt3A_1765 : i32 to vector<16xi32>
      %lt3A_1767 = arith.cmpi slt, %rem3A_1761, %lt3A_1766 : vector<16xi32>
      %lt3A_1768 = arith.constant 0 : i32
      %lt3A_1769 = arith.cmpi slt, %select_n3A_1759, %lt3A_1768 : i32
      %ne3A_1770 = vector.broadcast %lt3A_1769 : i1 to vector<16xi1>
      %ne3A_1771 = vector.broadcast %ne3A_1770 : vector<16xi1> to vector<16xi1>
      %ne3A_1772 = arith.xori %lt3A_1767, %ne3A_1771 : vector<16xi1>
      %and3A_1773 = arith.andi %ne3A_1772, %ne3A_1764 : vector<16xi1>
      %add3A_1774 = vector.broadcast %select_n3A_1759 : i32 to vector<16xi32>
      %add3A_1775 = arith.addi %rem3A_1761, %add3A_1774 : vector<16xi32>
      %select_n3A_1776 = arith.select %and3A_1773, %add3A_1775, %rem3A_1761 : vector<16xi1>, vector<16xi32>
      %gather3A_1777 = tpu.vector_load_idx %arg5[%select_n3A_1754, %select_n3A_1776, %broadcast_in_dim3A_1316] : memref<8x8x128xf32, #tpu.memory_space<vmem>>[vector<16xi32>, vector<16xi32>, vector<16xi32>], vector<16xf32>,
      %gather3A_1778 = tpu.vector_load_idx %arg5[%select_n3A_1754, %select_n3A_1776, %broadcast_in_dim3A_1318] : memref<8x8x128xf32, #tpu.memory_space<vmem>>[vector<16xi32>, vector<16xi32>, vector<16xi32>], vector<16xf32>,
      %gather3A_1779 = tpu.vector_load_idx %arg5[%select_n3A_1754, %select_n3A_1776, %broadcast_in_dim3A_1320] : memref<8x8x128xf32, #tpu.memory_space<vmem>>[vector<16xi32>, vector<16xi32>, vector<16xi32>], vector<16xf32>,
      %gather3A_1780 = tpu.vector_load_idx %arg5[%select_n3A_1754, %select_n3A_1776, %broadcast_in_dim3A_1322] : memref<8x8x128xf32, #tpu.memory_space<vmem>>[vector<16xi32>, vector<16xi32>, vector<16xi32>], vector<16xf32>,
      %gather3A_1781 = tpu.vector_load_idx %arg5[%select_n3A_1754, %select_n3A_1776, %broadcast_in_dim3A_1324] : memref<8x8x128xf32, #tpu.memory_space<vmem>>[vector<16xi32>, vector<16xi32>, vector<16xi32>], vector<16xf32>,
      %gather3A_1782 = tpu.vector_load_idx %arg5[%select_n3A_1754, %select_n3A_1776, %broadcast_in_dim3A_1326] : memref<8x8x128xf32, #tpu.memory_space<vmem>>[vector<16xi32>, vector<16xi32>, vector<16xi32>], vector<16xf32>,
      %gather3A_1783 = tpu.vector_load_idx %arg5[%select_n3A_1754, %select_n3A_1776, %broadcast_in_dim3A_1328] : memref<8x8x128xf32, #tpu.memory_space<vmem>>[vector<16xi32>, vector<16xi32>, vector<16xi32>], vector<16xf32>,
      %gather3A_1784 = tpu.vector_load_idx %arg5[%select_n3A_1754, %select_n3A_1776, %broadcast_in_dim3A_1330] : memref<8x8x128xf32, #tpu.memory_space<vmem>>[vector<16xi32>, vector<16xi32>, vector<16xi32>], vector<16xf32>,
      %mul3A_1785 = arith.constant -1.000000e+00 : f32
      %mul3A_1786 = vector.broadcast %mul3A_1785 : f32 to vector<16xf32>
      %mul3A_1787 = arith.mulf %gather3A_1777, %mul3A_1786 : vector<16xf32>
      %mul3A_1788 = arith.constant 1.000000e+00 : f32
      %mul3A_1789 = vector.broadcast %mul3A_1788 : f32 to vector<16xf32>
      %mul3A_1790 = arith.mulf %gather3A_1778, %mul3A_1789 : vector<16xf32>
      %mul3A_1791 = arith.constant -1.000000e+00 : f32
      %mul3A_1792 = vector.broadcast %mul3A_1791 : f32 to vector<16xf32>
      %mul3A_1793 = arith.mulf %gather3A_1779, %mul3A_1792 : vector<16xf32>
      %mul3A_1794 = arith.constant 1.000000e+00 : f32
      %mul3A_1795 = vector.broadcast %mul3A_1794 : f32 to vector<16xf32>
      %mul3A_1796 = arith.mulf %gather3A_1780, %mul3A_1795 : vector<16xf32>
      %mul3A_1797 = arith.constant -1.000000e+00 : f32
      %mul3A_1798 = vector.broadcast %mul3A_1797 : f32 to vector<16xf32>
      %mul3A_1799 = arith.mulf %gather3A_1781, %mul3A_1798 : vector<16xf32>
      %mul3A_1800 = arith.constant 1.000000e+00 : f32
      %mul3A_1801 = vector.broadcast %mul3A_1800 : f32 to vector<16xf32>
      %mul3A_1802 = arith.mulf %gather3A_1782, %mul3A_1801 : vector<16xf32>
      %mul3A_1803 = arith.constant -1.000000e+00 : f32
      %mul3A_1804 = vector.broadcast %mul3A_1803 : f32 to vector<16xf32>
      %mul3A_1805 = arith.mulf %gather3A_1783, %mul3A_1804 : vector<16xf32>
      %mul3A_1806 = arith.constant 1.000000e+00 : f32
      %mul3A_1807 = vector.broadcast %mul3A_1806 : f32 to vector<16xf32>
      %mul3A_1808 = arith.mulf %gather3A_1784, %mul3A_1807 : vector<16xf32>
      %max3A_1809 = arith.maximumf %mul3A_1787, %mul3A_1790 : vector<16xf32>
      %max3A_1810 = arith.maximumf %max3A_1809, %mul3A_1793 : vector<16xf32>
      %max3A_1811 = arith.maximumf %max3A_1810, %mul3A_1796 : vector<16xf32>
      %max3A_1812 = arith.maximumf %max3A_1811, %mul3A_1799 : vector<16xf32>
      %max3A_1813 = arith.maximumf %max3A_1812, %mul3A_1802 : vector<16xf32>
      %max3A_1814 = arith.maximumf %max3A_1813, %mul3A_1805 : vector<16xf32>
      %max3A_1815 = arith.maximumf %max3A_1814, %mul3A_1808 : vector<16xf32>
      %sub3A_1816 = arith.subf %mul3A_1787, %max3A_1815 : vector<16xf32>
      %exp3A_1817 = math.exp %sub3A_1816 : vector<16xf32>
      %sub3A_1818 = arith.subf %mul3A_1790, %max3A_1815 : vector<16xf32>
      %exp3A_1819 = math.exp %sub3A_1818 : vector<16xf32>
      %sub3A_1820 = arith.subf %mul3A_1793, %max3A_1815 : vector<16xf32>
      %exp3A_1821 = math.exp %sub3A_1820 : vector<16xf32>
      %sub3A_1822 = arith.subf %mul3A_1796, %max3A_1815 : vector<16xf32>
      %exp3A_1823 = math.exp %sub3A_1822 : vector<16xf32>
      %sub3A_1824 = arith.subf %mul3A_1799, %max3A_1815 : vector<16xf32>
      %exp3A_1825 = math.exp %sub3A_1824 : vector<16xf32>
      %sub3A_1826 = arith.subf %mul3A_1802, %max3A_1815 : vector<16xf32>
      %exp3A_1827 = math.exp %sub3A_1826 : vector<16xf32>
      %sub3A_1828 = arith.subf %mul3A_1805, %max3A_1815 : vector<16xf32>
      %exp3A_1829 = math.exp %sub3A_1828 : vector<16xf32>
      %sub3A_1830 = arith.subf %mul3A_1808, %max3A_1815 : vector<16xf32>
      %exp3A_1831 = math.exp %sub3A_1830 : vector<16xf32>
      %add3A_1832 = arith.addf %exp3A_1817, %exp3A_1819 : vector<16xf32>
      %add3A_1833 = arith.addf %add3A_1832, %exp3A_1821 : vector<16xf32>
      %add3A_1834 = arith.addf %add3A_1833, %exp3A_1823 : vector<16xf32>
      %add3A_1835 = arith.addf %add3A_1834, %exp3A_1825 : vector<16xf32>
      %add3A_1836 = arith.addf %add3A_1835, %exp3A_1827 : vector<16xf32>
      %add3A_1837 = arith.addf %add3A_1836, %exp3A_1829 : vector<16xf32>
      %add3A_1838 = arith.addf %add3A_1837, %exp3A_1831 : vector<16xf32>
      %div3A_1839 = arith.divf %get3A_63, %add3A_1838 : vector<16xf32>
      %neg3A_1840 = arith.constant 0.000000e+00 : f32
      %neg3A_1841 = vector.broadcast %neg3A_1840 : f32 to vector<16xf32>
      %neg3A_1842 = arith.subf %neg3A_1841, %div3A_1839 : vector<16xf32>
      %mul3A_1843 = arith.mulf %exp3A_1817, %neg3A_1842 : vector<16xf32>
      tpu.vector_store_idx %arg10[%add3A_1723, %broadcast_in_dim3A_1316], %mul3A_1843 : memref<64x256xf32, #tpu.memory_space<vmem>>[vector<16xi32>, vector<16xi32>], vector<16xf32>,
      %mul3A_1844 = arith.mulf %exp3A_1819, %div3A_1839 : vector<16xf32>
      tpu.vector_store_idx %arg10[%add3A_1723, %broadcast_in_dim3A_1318], %mul3A_1844 : memref<64x256xf32, #tpu.memory_space<vmem>>[vector<16xi32>, vector<16xi32>], vector<16xf32>,
      %mul3A_1845 = arith.mulf %exp3A_1821, %neg3A_1842 : vector<16xf32>
      tpu.vector_store_idx %arg10[%add3A_1723, %broadcast_in_dim3A_1320], %mul3A_1845 : memref<64x256xf32, #tpu.memory_space<vmem>>[vector<16xi32>, vector<16xi32>], vector<16xf32>,
      %mul3A_1846 = arith.mulf %exp3A_1823, %div3A_1839 : vector<16xf32>
      tpu.vector_store_idx %arg10[%add3A_1723, %broadcast_in_dim3A_1322], %mul3A_1846 : memref<64x256xf32, #tpu.memory_space<vmem>>[vector<16xi32>, vector<16xi32>], vector<16xf32>,
      %mul3A_1847 = arith.mulf %exp3A_1825, %neg3A_1842 : vector<16xf32>
      tpu.vector_store_idx %arg10[%add3A_1723, %broadcast_in_dim3A_1324], %mul3A_1847 : memref<64x256xf32, #tpu.memory_space<vmem>>[vector<16xi32>, vector<16xi32>], vector<16xf32>,
      %mul3A_1848 = arith.mulf %exp3A_1827, %div3A_1839 : vector<16xf32>
      tpu.vector_store_idx %arg10[%add3A_1723, %broadcast_in_dim3A_1326], %mul3A_1848 : memref<64x256xf32, #tpu.memory_space<vmem>>[vector<16xi32>, vector<16xi32>], vector<16xf32>,
      %mul3A_1849 = arith.mulf %exp3A_1829, %neg3A_1842 : vector<16xf32>
      tpu.vector_store_idx %arg10[%add3A_1723, %broadcast_in_dim3A_1328], %mul3A_1849 : memref<64x256xf32, #tpu.memory_space<vmem>>[vector<16xi32>, vector<16xi32>], vector<16xf32>,
      %mul3A_1850 = arith.mulf %exp3A_1831, %div3A_1839 : vector<16xf32>
      tpu.vector_store_idx %arg10[%add3A_1723, %broadcast_in_dim3A_1330], %mul3A_1850 : memref<64x256xf32, #tpu.memory_space<vmem>>[vector<16xi32>, vector<16xi32>], vector<16xf32>,
      %dma_start3A_1851 = arith.constant 0 : i32
      %dma_start3A_1852 = tpu.memref_slice %arg4[%add3A_1275, %dma_start3A_1851] : memref<131072x256xf32, #tpu.memory_space<hbm>> -> memref<64x256xf32, #tpu.memory_space<hbm>>
      %dma_start3A_1853 = arith.constant 0 : i32
      %dma_start3A_1854 = tpu.memref_slice %arg4[%add3A_1275, %dma_start3A_1853] : memref<131072x256xf32, #tpu.memory_space<hbm>> -> memref<64x256xf32, #tpu.memory_space<hbm>>
      tpu.enqueue_dma source(%arg10 : memref<64x256xf32, #tpu.memory_space<vmem>>) target(%dma_start3A_1854 : memref<64x256xf32, #tpu.memory_space<hbm>>) target_semaphore(%arg14 : memref<!tpu.dma_semaphore, #tpu.memory_space<semaphore_mem>>)
      %add3A_1855 = arith.constant 2 : i32
      %add3A_1856 = arith.addi %add3A_1272, %add3A_1855 : i32
      %lt3A_1857 = arith.constant 64 : i32
      %lt3A_1858 = arith.cmpi slt, %add3A_1856, %lt3A_1857 : i32
      %convert_element_type3A_1859 = arith.extui %lt3A_1858 : i1 to i32
      %cond3A_1860 = arith.constant 0 : i32
      %cond3A_1861 = arith.cmpi ne, %convert_element_type3A_1859, %cond3A_1860 : i32
      scf.if %cond3A_1861 {
        %add3A_2455 = arith.constant 2 : i32
        %add3A_2456 = arith.addi %add3A_1272, %add3A_2455 : i32
        %mul3A_2457 = arith.constant 64 : i32
        %mul3A_2458 = arith.muli %add3A_2456, %mul3A_2457 : i32
        %add3A_2459 = arith.addi %mul3A_2, %mul3A_2458 : i32
        %jit3A_2460 = arith.constant 8 : i32
        %div3A_2461 = arith.divsi %add3A_2459, %jit3A_2460 : i32
        %sign3A_2462 = arith.constant 0 : i32
        %sign3A_2463 = arith.cmpi sgt, %add3A_2459, %sign3A_2462 : i32
        %sign3A_2464 = arith.extui %sign3A_2463 : i1 to i32
        %sign3A_2465 = arith.constant 0 : i32
        %sign3A_2466 = arith.cmpi slt, %add3A_2459, %sign3A_2465 : i32
        %sign3A_2467 = arith.extui %sign3A_2466 : i1 to i32
        %sign3A_2468 = arith.subi %sign3A_2464, %sign3A_2467 : i32
        %sign3A_2469 = arith.constant 0 : i32
        %sign3A_2470 = arith.cmpi sgt, %jit3A_2460, %sign3A_2469 : i32
        %sign3A_2471 = arith.extui %sign3A_2470 : i1 to i32
        %sign3A_2472 = arith.constant 0 : i32
        %sign3A_2473 = arith.cmpi slt, %jit3A_2460, %sign3A_2472 : i32
        %sign3A_2474 = arith.extui %sign3A_2473 : i1 to i32
        %sign3A_2475 = arith.subi %sign3A_2471, %sign3A_2474 : i32
        %ne3A_2476 = arith.cmpi ne, %sign3A_2468, %sign3A_2475 : i32
        %rem3A_2477 = arith.remsi %add3A_2459, %jit3A_2460 : i32
        %ne3A_2478 = arith.constant 0 : i32
        %ne3A_2479 = arith.cmpi ne, %rem3A_2477, %ne3A_2478 : i32
        %and3A_2480 = arith.andi %ne3A_2476, %ne3A_2479 : i1
        %sub3A_2481 = arith.constant 1 : i32
        %sub3A_2482 = arith.subi %div3A_2461, %sub3A_2481 : i32
        %select_n3A_2483 = arith.select %and3A_2480, %sub3A_2482, %div3A_2461 : i32
        %dma_start3A_2484 = arith.constant 0 : i32
        %dma_start3A_2485 = arith.constant 0 : i32
        %dma_start3A_2486 = tpu.memref_slice %arg2[%select_n3A_2483, %dma_start3A_2484, %dma_start3A_2485] : memref<16384x8x256xf32, #tpu.memory_space<hbm>> -> memref<8x8x128xf32, #tpu.memory_space<hbm>>
        %dma_start3A_2487 = arith.constant 0 : i32
        %dma_start3A_2488 = arith.constant 0 : i32
        %dma_start3A_2489 = tpu.memref_slice %arg2[%select_n3A_2483, %dma_start3A_2487, %dma_start3A_2488] : memref<16384x8x256xf32, #tpu.memory_space<hbm>> -> memref<8x8x128xf32, #tpu.memory_space<hbm>>
        tpu.enqueue_dma source(%dma_start3A_2489 : memref<8x8x128xf32, #tpu.memory_space<hbm>>) target(%arg5 : memref<8x8x128xf32, #tpu.memory_space<vmem>>) target_semaphore(%arg16 : memref<!tpu.dma_semaphore, #tpu.memory_space<semaphore_mem>>)
      } else {
      }
      %mul3A_1862 = arith.constant 4 : i32
      %mul3A_1863 = arith.muli %scan3A_92, %mul3A_1862 : i32
      %add3A_1864 = arith.constant 3 : i32
      %add3A_1865 = arith.addi %mul3A_1863, %add3A_1864 : i32
      %mul3A_1866 = arith.constant 64 : i32
      %mul3A_1867 = arith.muli %add3A_1865, %mul3A_1866 : i32
      %add3A_1868 = arith.addi %mul3A_2, %mul3A_1867 : i32
      %mul3A_1869 = arith.constant 64 : i32
      %mul3A_1870 = arith.muli %add3A_1865, %mul3A_1869 : i32
      %add3A_1871 = arith.addi %mul3A_2, %mul3A_1870 : i32
      %jit3A_1872 = arith.constant 8 : i32
      %div3A_1873 = arith.divsi %add3A_1871, %jit3A_1872 : i32
      %sign3A_1874 = arith.constant 0 : i32
      %sign3A_1875 = arith.cmpi sgt, %add3A_1871, %sign3A_1874 : i32
      %sign3A_1876 = arith.extui %sign3A_1875 : i1 to i32
      %sign3A_1877 = arith.constant 0 : i32
      %sign3A_1878 = arith.cmpi slt, %add3A_1871, %sign3A_1877 : i32
      %sign3A_1879 = arith.extui %sign3A_1878 : i1 to i32
      %sign3A_1880 = arith.subi %sign3A_1876, %sign3A_1879 : i32
      %sign3A_1881 = arith.constant 0 : i32
      %sign3A_1882 = arith.cmpi sgt, %jit3A_1872, %sign3A_1881 : i32
      %sign3A_1883 = arith.extui %sign3A_1882 : i1 to i32
      %sign3A_1884 = arith.constant 0 : i32
      %sign3A_1885 = arith.cmpi slt, %jit3A_1872, %sign3A_1884 : i32
      %sign3A_1886 = arith.extui %sign3A_1885 : i1 to i32
      %sign3A_1887 = arith.subi %sign3A_1883, %sign3A_1886 : i32
      %ne3A_1888 = arith.cmpi ne, %sign3A_1880, %sign3A_1887 : i32
      %rem3A_1889 = arith.remsi %add3A_1871, %jit3A_1872 : i32
      %ne3A_1890 = arith.constant 0 : i32
      %ne3A_1891 = arith.cmpi ne, %rem3A_1889, %ne3A_1890 : i32
      %and3A_1892 = arith.andi %ne3A_1888, %ne3A_1891 : i1
      %sub3A_1893 = arith.constant 1 : i32
      %sub3A_1894 = arith.subi %div3A_1873, %sub3A_1893 : i32
      %select_n3A_1895 = arith.select %and3A_1892, %sub3A_1894, %div3A_1873 : i32
      %dma_wait3A_1896 = arith.constant 0 : i32
      %dma_wait3A_1897 = arith.constant 0 : i32
      %dma_wait3A_1898 = tpu.memref_slice %arg2[%select_n3A_1895, %dma_wait3A_1896, %dma_wait3A_1897] : memref<16384x8x256xf32, #tpu.memory_space<hbm>> -> memref<8x8x128xf32, #tpu.memory_space<hbm>>
      %dma_wait3A_1899 = arith.constant 0 : i32
      %dma_wait3A_1900 = arith.constant 0 : i32
      %dma_wait3A_1901 = tpu.memref_slice %arg2[%select_n3A_1895, %dma_wait3A_1899, %dma_wait3A_1900] : memref<16384x8x256xf32, #tpu.memory_space<hbm>> -> memref<8x8x128xf32, #tpu.memory_space<hbm>>
      tpu.wait_dma2 semaphore(%arg17 : memref<!tpu.dma_semaphore, #tpu.memory_space<semaphore_mem>>) src(%dma_wait3A_1901 : memref<8x8x128xf32, #tpu.memory_space<hbm>>) dst(%arg6 : memref<8x8x128xf32, #tpu.memory_space<vmem>>)
      %gt3A_1902 = arith.constant 0 : i32
      %gt3A_1903 = arith.cmpi sgt, %scan3A_92, %gt3A_1902 : i32
      %convert_element_type3A_1904 = arith.extui %gt3A_1903 : i1 to i32
      %cond3A_1905 = arith.constant 0 : i32
      %cond3A_1906 = arith.cmpi ne, %convert_element_type3A_1904, %cond3A_1905 : i32
      scf.if %cond3A_1906 {
        %dma_wait3A_2455 = arith.constant 0 : i32
        %dma_wait3A_2456 = arith.constant 0 : i32
        %dma_wait3A_2457 = tpu.memref_slice %arg4[%dma_wait3A_2455, %dma_wait3A_2456] : memref<131072x256xf32, #tpu.memory_space<hbm>> -> memref<64x256xf32, #tpu.memory_space<hbm>>
        %dma_wait3A_2458 = arith.constant 0 : i32
        %dma_wait3A_2459 = arith.constant 0 : i32
        %dma_wait3A_2460 = tpu.memref_slice %arg4[%dma_wait3A_2458, %dma_wait3A_2459] : memref<131072x256xf32, #tpu.memory_space<hbm>> -> memref<64x256xf32, #tpu.memory_space<hbm>>
        tpu.wait_dma2 semaphore(%arg15 : memref<!tpu.dma_semaphore, #tpu.memory_space<semaphore_mem>>) src(%arg11 : memref<64x256xf32, #tpu.memory_space<vmem>>) dst(%dma_wait3A_2460 : memref<64x256xf32, #tpu.memory_space<hbm>>)
      } else {
      }
      %iota3A_1907 = tpu.iota {dimensions = array<i32: 0>} : vector<16xi32>
      %broadcast_in_dim3A_1908 = arith.constant 0 : i32
      %broadcast_in_dim3A_1909 = vector.broadcast %broadcast_in_dim3A_1908 : i32 to vector<16xi32>
      %broadcast_in_dim3A_1910 = arith.constant 1 : i32
      %broadcast_in_dim3A_1911 = vector.broadcast %broadcast_in_dim3A_1910 : i32 to vector<16xi32>
      %broadcast_in_dim3A_1912 = arith.constant 2 : i32
      %broadcast_in_dim3A_1913 = vector.broadcast %broadcast_in_dim3A_1912 : i32 to vector<16xi32>
      %broadcast_in_dim3A_1914 = arith.constant 3 : i32
      %broadcast_in_dim3A_1915 = vector.broadcast %broadcast_in_dim3A_1914 : i32 to vector<16xi32>
      %broadcast_in_dim3A_1916 = arith.constant 4 : i32
      %broadcast_in_dim3A_1917 = vector.broadcast %broadcast_in_dim3A_1916 : i32 to vector<16xi32>
      %broadcast_in_dim3A_1918 = arith.constant 5 : i32
      %broadcast_in_dim3A_1919 = vector.broadcast %broadcast_in_dim3A_1918 : i32 to vector<16xi32>
      %broadcast_in_dim3A_1920 = arith.constant 6 : i32
      %broadcast_in_dim3A_1921 = vector.broadcast %broadcast_in_dim3A_1920 : i32 to vector<16xi32>
      %broadcast_in_dim3A_1922 = arith.constant 7 : i32
      %broadcast_in_dim3A_1923 = vector.broadcast %broadcast_in_dim3A_1922 : i32 to vector<16xi32>
      %add3A_1924 = arith.constant 0 : i32
      %add3A_1925 = vector.broadcast %add3A_1924 : i32 to vector<16xi32>
      %add3A_1926 = arith.addi %iota3A_1907, %add3A_1925 : vector<16xi32>
      %jit3A_1927 = arith.constant 8 : i32
      %div3A_1928 = vector.broadcast %jit3A_1927 : i32 to vector<16xi32>
      %div3A_1929 = arith.divsi %add3A_1926, %div3A_1928 : vector<16xi32>
      %sign3A_1930 = arith.constant 0 : i32
      %sign3A_1931 = vector.broadcast %sign3A_1930 : i32 to vector<16xi32>
      %sign3A_1932 = arith.cmpi sgt, %add3A_1926, %sign3A_1931 : vector<16xi32>
      %sign3A_1933 = arith.extui %sign3A_1932 : vector<16xi1> to vector<16xi32>
      %sign3A_1934 = arith.constant 0 : i32
      %sign3A_1935 = vector.broadcast %sign3A_1934 : i32 to vector<16xi32>
      %sign3A_1936 = arith.cmpi slt, %add3A_1926, %sign3A_1935 : vector<16xi32>
      %sign3A_1937 = arith.extui %sign3A_1936 : vector<16xi1> to vector<16xi32>
      %sign3A_1938 = arith.subi %sign3A_1933, %sign3A_1937 : vector<16xi32>
      %sign3A_1939 = arith.constant 0 : i32
      %sign3A_1940 = arith.cmpi sgt, %jit3A_1927, %sign3A_1939 : i32
      %sign3A_1941 = arith.extui %sign3A_1940 : i1 to i32
      %sign3A_1942 = arith.constant 0 : i32
      %sign3A_1943 = arith.cmpi slt, %jit3A_1927, %sign3A_1942 : i32
      %sign3A_1944 = arith.extui %sign3A_1943 : i1 to i32
      %sign3A_1945 = arith.subi %sign3A_1941, %sign3A_1944 : i32
      %ne3A_1946 = vector.broadcast %sign3A_1945 : i32 to vector<16xi32>
      %ne3A_1947 = arith.cmpi ne, %sign3A_1938, %ne3A_1946 : vector<16xi32>
      %rem3A_1948 = vector.broadcast %jit3A_1927 : i32 to vector<16xi32>
      %rem3A_1949 = arith.remsi %add3A_1926, %rem3A_1948 : vector<16xi32>
      %ne3A_1950 = arith.constant 0 : i32
      %ne3A_1951 = vector.broadcast %ne3A_1950 : i32 to vector<16xi32>
      %ne3A_1952 = arith.cmpi ne, %rem3A_1949, %ne3A_1951 : vector<16xi32>
      %and3A_1953 = arith.andi %ne3A_1947, %ne3A_1952 : vector<16xi1>
      %sub3A_1954 = arith.constant 1 : i32
      %sub3A_1955 = vector.broadcast %sub3A_1954 : i32 to vector<16xi32>
      %sub3A_1956 = arith.subi %div3A_1929, %sub3A_1955 : vector<16xi32>
      %select_n3A_1957 = arith.select %and3A_1953, %sub3A_1956, %div3A_1929 : vector<16xi1>, vector<16xi32>
      %jit3A_1958 = arith.constant 8 : i32
      %eq3A_1959 = arith.constant 0 : i32
      %eq3A_1960 = arith.cmpi eq, %jit3A_1958, %eq3A_1959 : i32
      %jit3A_1961 = arith.constant 1 : i32
      %select_n3A_1962 = arith.select %eq3A_1960, %jit3A_1961, %jit3A_1958 : i32
      %rem3A_1963 = vector.broadcast %select_n3A_1962 : i32 to vector<16xi32>
      %rem3A_1964 = arith.remsi %add3A_1926, %rem3A_1963 : vector<16xi32>
      %ne3A_1965 = arith.constant 0 : i32
      %ne3A_1966 = vector.broadcast %ne3A_1965 : i32 to vector<16xi32>
      %ne3A_1967 = arith.cmpi ne, %rem3A_1964, %ne3A_1966 : vector<16xi32>
      %lt3A_1968 = arith.constant 0 : i32
      %lt3A_1969 = vector.broadcast %lt3A_1968 : i32 to vector<16xi32>
      %lt3A_1970 = arith.cmpi slt, %rem3A_1964, %lt3A_1969 : vector<16xi32>
      %lt3A_1971 = arith.constant 0 : i32
      %lt3A_1972 = arith.cmpi slt, %select_n3A_1962, %lt3A_1971 : i32
      %ne3A_1973 = vector.broadcast %lt3A_1972 : i1 to vector<16xi1>
      %ne3A_1974 = vector.broadcast %ne3A_1973 : vector<16xi1> to vector<16xi1>
      %ne3A_1975 = arith.xori %lt3A_1970, %ne3A_1974 : vector<16xi1>
      %and3A_1976 = arith.andi %ne3A_1975, %ne3A_1967 : vector<16xi1>
      %add3A_1977 = vector.broadcast %select_n3A_1962 : i32 to vector<16xi32>
      %add3A_1978 = arith.addi %rem3A_1964, %add3A_1977 : vector<16xi32>
      %select_n3A_1979 = arith.select %and3A_1976, %add3A_1978, %rem3A_1964 : vector<16xi1>, vector<16xi32>
      %gather3A_1980 = tpu.vector_load_idx %arg6[%select_n3A_1957, %select_n3A_1979, %broadcast_in_dim3A_1909] : memref<8x8x128xf32, #tpu.memory_space<vmem>>[vector<16xi32>, vector<16xi32>, vector<16xi32>], vector<16xf32>,
      %gather3A_1981 = tpu.vector_load_idx %arg6[%select_n3A_1957, %select_n3A_1979, %broadcast_in_dim3A_1911] : memref<8x8x128xf32, #tpu.memory_space<vmem>>[vector<16xi32>, vector<16xi32>, vector<16xi32>], vector<16xf32>,
      %gather3A_1982 = tpu.vector_load_idx %arg6[%select_n3A_1957, %select_n3A_1979, %broadcast_in_dim3A_1913] : memref<8x8x128xf32, #tpu.memory_space<vmem>>[vector<16xi32>, vector<16xi32>, vector<16xi32>], vector<16xf32>,
      %gather3A_1983 = tpu.vector_load_idx %arg6[%select_n3A_1957, %select_n3A_1979, %broadcast_in_dim3A_1915] : memref<8x8x128xf32, #tpu.memory_space<vmem>>[vector<16xi32>, vector<16xi32>, vector<16xi32>], vector<16xf32>,
      %gather3A_1984 = tpu.vector_load_idx %arg6[%select_n3A_1957, %select_n3A_1979, %broadcast_in_dim3A_1917] : memref<8x8x128xf32, #tpu.memory_space<vmem>>[vector<16xi32>, vector<16xi32>, vector<16xi32>], vector<16xf32>,
      %gather3A_1985 = tpu.vector_load_idx %arg6[%select_n3A_1957, %select_n3A_1979, %broadcast_in_dim3A_1919] : memref<8x8x128xf32, #tpu.memory_space<vmem>>[vector<16xi32>, vector<16xi32>, vector<16xi32>], vector<16xf32>,
      %gather3A_1986 = tpu.vector_load_idx %arg6[%select_n3A_1957, %select_n3A_1979, %broadcast_in_dim3A_1921] : memref<8x8x128xf32, #tpu.memory_space<vmem>>[vector<16xi32>, vector<16xi32>, vector<16xi32>], vector<16xf32>,
      %gather3A_1987 = tpu.vector_load_idx %arg6[%select_n3A_1957, %select_n3A_1979, %broadcast_in_dim3A_1923] : memref<8x8x128xf32, #tpu.memory_space<vmem>>[vector<16xi32>, vector<16xi32>, vector<16xi32>], vector<16xf32>,
      %mul3A_1988 = arith.constant -1.000000e+00 : f32
      %mul3A_1989 = vector.broadcast %mul3A_1988 : f32 to vector<16xf32>
      %mul3A_1990 = arith.mulf %gather3A_1980, %mul3A_1989 : vector<16xf32>
      %mul3A_1991 = arith.constant 1.000000e+00 : f32
      %mul3A_1992 = vector.broadcast %mul3A_1991 : f32 to vector<16xf32>
      %mul3A_1993 = arith.mulf %gather3A_1981, %mul3A_1992 : vector<16xf32>
      %mul3A_1994 = arith.constant -1.000000e+00 : f32
      %mul3A_1995 = vector.broadcast %mul3A_1994 : f32 to vector<16xf32>
      %mul3A_1996 = arith.mulf %gather3A_1982, %mul3A_1995 : vector<16xf32>
      %mul3A_1997 = arith.constant 1.000000e+00 : f32
      %mul3A_1998 = vector.broadcast %mul3A_1997 : f32 to vector<16xf32>
      %mul3A_1999 = arith.mulf %gather3A_1983, %mul3A_1998 : vector<16xf32>
      %mul3A_2000 = arith.constant -1.000000e+00 : f32
      %mul3A_2001 = vector.broadcast %mul3A_2000 : f32 to vector<16xf32>
      %mul3A_2002 = arith.mulf %gather3A_1984, %mul3A_2001 : vector<16xf32>
      %mul3A_2003 = arith.constant 1.000000e+00 : f32
      %mul3A_2004 = vector.broadcast %mul3A_2003 : f32 to vector<16xf32>
      %mul3A_2005 = arith.mulf %gather3A_1985, %mul3A_2004 : vector<16xf32>
      %mul3A_2006 = arith.constant -1.000000e+00 : f32
      %mul3A_2007 = vector.broadcast %mul3A_2006 : f32 to vector<16xf32>
      %mul3A_2008 = arith.mulf %gather3A_1986, %mul3A_2007 : vector<16xf32>
      %mul3A_2009 = arith.constant 1.000000e+00 : f32
      %mul3A_2010 = vector.broadcast %mul3A_2009 : f32 to vector<16xf32>
      %mul3A_2011 = arith.mulf %gather3A_1987, %mul3A_2010 : vector<16xf32>
      %max3A_2012 = arith.maximumf %mul3A_1990, %mul3A_1993 : vector<16xf32>
      %max3A_2013 = arith.maximumf %max3A_2012, %mul3A_1996 : vector<16xf32>
      %max3A_2014 = arith.maximumf %max3A_2013, %mul3A_1999 : vector<16xf32>
      %max3A_2015 = arith.maximumf %max3A_2014, %mul3A_2002 : vector<16xf32>
      %max3A_2016 = arith.maximumf %max3A_2015, %mul3A_2005 : vector<16xf32>
      %max3A_2017 = arith.maximumf %max3A_2016, %mul3A_2008 : vector<16xf32>
      %max3A_2018 = arith.maximumf %max3A_2017, %mul3A_2011 : vector<16xf32>
      %sub3A_2019 = arith.subf %mul3A_1990, %max3A_2018 : vector<16xf32>
      %exp3A_2020 = math.exp %sub3A_2019 : vector<16xf32>
      %sub3A_2021 = arith.subf %mul3A_1993, %max3A_2018 : vector<16xf32>
      %exp3A_2022 = math.exp %sub3A_2021 : vector<16xf32>
      %sub3A_2023 = arith.subf %mul3A_1996, %max3A_2018 : vector<16xf32>
      %exp3A_2024 = math.exp %sub3A_2023 : vector<16xf32>
      %sub3A_2025 = arith.subf %mul3A_1999, %max3A_2018 : vector<16xf32>
      %exp3A_2026 = math.exp %sub3A_2025 : vector<16xf32>
      %sub3A_2027 = arith.subf %mul3A_2002, %max3A_2018 : vector<16xf32>
      %exp3A_2028 = math.exp %sub3A_2027 : vector<16xf32>
      %sub3A_2029 = arith.subf %mul3A_2005, %max3A_2018 : vector<16xf32>
      %exp3A_2030 = math.exp %sub3A_2029 : vector<16xf32>
      %sub3A_2031 = arith.subf %mul3A_2008, %max3A_2018 : vector<16xf32>
      %exp3A_2032 = math.exp %sub3A_2031 : vector<16xf32>
      %sub3A_2033 = arith.subf %mul3A_2011, %max3A_2018 : vector<16xf32>
      %exp3A_2034 = math.exp %sub3A_2033 : vector<16xf32>
      %add3A_2035 = arith.addf %exp3A_2020, %exp3A_2022 : vector<16xf32>
      %add3A_2036 = arith.addf %add3A_2035, %exp3A_2024 : vector<16xf32>
      %add3A_2037 = arith.addf %add3A_2036, %exp3A_2026 : vector<16xf32>
      %add3A_2038 = arith.addf %add3A_2037, %exp3A_2028 : vector<16xf32>
      %add3A_2039 = arith.addf %add3A_2038, %exp3A_2030 : vector<16xf32>
      %add3A_2040 = arith.addf %add3A_2039, %exp3A_2032 : vector<16xf32>
      %add3A_2041 = arith.addf %add3A_2040, %exp3A_2034 : vector<16xf32>
      %div3A_2042 = arith.divf %get3A_63, %add3A_2041 : vector<16xf32>
      %neg3A_2043 = arith.constant 0.000000e+00 : f32
      %neg3A_2044 = vector.broadcast %neg3A_2043 : f32 to vector<16xf32>
      %neg3A_2045 = arith.subf %neg3A_2044, %div3A_2042 : vector<16xf32>
      %mul3A_2046 = arith.mulf %exp3A_2020, %neg3A_2045 : vector<16xf32>
      tpu.vector_store_idx %arg11[%add3A_1926, %broadcast_in_dim3A_1909], %mul3A_2046 : memref<64x256xf32, #tpu.memory_space<vmem>>[vector<16xi32>, vector<16xi32>], vector<16xf32>,
      %mul3A_2047 = arith.mulf %exp3A_2022, %div3A_2042 : vector<16xf32>
      tpu.vector_store_idx %arg11[%add3A_1926, %broadcast_in_dim3A_1911], %mul3A_2047 : memref<64x256xf32, #tpu.memory_space<vmem>>[vector<16xi32>, vector<16xi32>], vector<16xf32>,
      %mul3A_2048 = arith.mulf %exp3A_2024, %neg3A_2045 : vector<16xf32>
      tpu.vector_store_idx %arg11[%add3A_1926, %broadcast_in_dim3A_1913], %mul3A_2048 : memref<64x256xf32, #tpu.memory_space<vmem>>[vector<16xi32>, vector<16xi32>], vector<16xf32>,
      %mul3A_2049 = arith.mulf %exp3A_2026, %div3A_2042 : vector<16xf32>
      tpu.vector_store_idx %arg11[%add3A_1926, %broadcast_in_dim3A_1915], %mul3A_2049 : memref<64x256xf32, #tpu.memory_space<vmem>>[vector<16xi32>, vector<16xi32>], vector<16xf32>,
      %mul3A_2050 = arith.mulf %exp3A_2028, %neg3A_2045 : vector<16xf32>
      tpu.vector_store_idx %arg11[%add3A_1926, %broadcast_in_dim3A_1917], %mul3A_2050 : memref<64x256xf32, #tpu.memory_space<vmem>>[vector<16xi32>, vector<16xi32>], vector<16xf32>,
      %mul3A_2051 = arith.mulf %exp3A_2030, %div3A_2042 : vector<16xf32>
      tpu.vector_store_idx %arg11[%add3A_1926, %broadcast_in_dim3A_1919], %mul3A_2051 : memref<64x256xf32, #tpu.memory_space<vmem>>[vector<16xi32>, vector<16xi32>], vector<16xf32>,
      %mul3A_2052 = arith.mulf %exp3A_2032, %neg3A_2045 : vector<16xf32>
      tpu.vector_store_idx %arg11[%add3A_1926, %broadcast_in_dim3A_1921], %mul3A_2052 : memref<64x256xf32, #tpu.memory_space<vmem>>[vector<16xi32>, vector<16xi32>], vector<16xf32>,
      %mul3A_2053 = arith.mulf %exp3A_2034, %div3A_2042 : vector<16xf32>
      tpu.vector_store_idx %arg11[%add3A_1926, %broadcast_in_dim3A_1923], %mul3A_2053 : memref<64x256xf32, #tpu.memory_space<vmem>>[vector<16xi32>, vector<16xi32>], vector<16xf32>,
      %add3A_2054 = arith.constant 16 : i32
      %add3A_2055 = vector.broadcast %add3A_2054 : i32 to vector<16xi32>
      %add3A_2056 = arith.addi %iota3A_1907, %add3A_2055 : vector<16xi32>
      %jit3A_2057 = arith.constant 8 : i32
      %div3A_2058 = vector.broadcast %jit3A_2057 : i32 to vector<16xi32>
      %div3A_2059 = arith.divsi %add3A_2056, %div3A_2058 : vector<16xi32>
      %sign3A_2060 = arith.constant 0 : i32
      %sign3A_2061 = vector.broadcast %sign3A_2060 : i32 to vector<16xi32>
      %sign3A_2062 = arith.cmpi sgt, %add3A_2056, %sign3A_2061 : vector<16xi32>
      %sign3A_2063 = arith.extui %sign3A_2062 : vector<16xi1> to vector<16xi32>
      %sign3A_2064 = arith.constant 0 : i32
      %sign3A_2065 = vector.broadcast %sign3A_2064 : i32 to vector<16xi32>
      %sign3A_2066 = arith.cmpi slt, %add3A_2056, %sign3A_2065 : vector<16xi32>
      %sign3A_2067 = arith.extui %sign3A_2066 : vector<16xi1> to vector<16xi32>
      %sign3A_2068 = arith.subi %sign3A_2063, %sign3A_2067 : vector<16xi32>
      %sign3A_2069 = arith.constant 0 : i32
      %sign3A_2070 = arith.cmpi sgt, %jit3A_2057, %sign3A_2069 : i32
      %sign3A_2071 = arith.extui %sign3A_2070 : i1 to i32
      %sign3A_2072 = arith.constant 0 : i32
      %sign3A_2073 = arith.cmpi slt, %jit3A_2057, %sign3A_2072 : i32
      %sign3A_2074 = arith.extui %sign3A_2073 : i1 to i32
      %sign3A_2075 = arith.subi %sign3A_2071, %sign3A_2074 : i32
      %ne3A_2076 = vector.broadcast %sign3A_2075 : i32 to vector<16xi32>
      %ne3A_2077 = arith.cmpi ne, %sign3A_2068, %ne3A_2076 : vector<16xi32>
      %rem3A_2078 = vector.broadcast %jit3A_2057 : i32 to vector<16xi32>
      %rem3A_2079 = arith.remsi %add3A_2056, %rem3A_2078 : vector<16xi32>
      %ne3A_2080 = arith.constant 0 : i32
      %ne3A_2081 = vector.broadcast %ne3A_2080 : i32 to vector<16xi32>
      %ne3A_2082 = arith.cmpi ne, %rem3A_2079, %ne3A_2081 : vector<16xi32>
      %and3A_2083 = arith.andi %ne3A_2077, %ne3A_2082 : vector<16xi1>
      %sub3A_2084 = arith.constant 1 : i32
      %sub3A_2085 = vector.broadcast %sub3A_2084 : i32 to vector<16xi32>
      %sub3A_2086 = arith.subi %div3A_2059, %sub3A_2085 : vector<16xi32>
      %select_n3A_2087 = arith.select %and3A_2083, %sub3A_2086, %div3A_2059 : vector<16xi1>, vector<16xi32>
      %jit3A_2088 = arith.constant 8 : i32
      %eq3A_2089 = arith.constant 0 : i32
      %eq3A_2090 = arith.cmpi eq, %jit3A_2088, %eq3A_2089 : i32
      %jit3A_2091 = arith.constant 1 : i32
      %select_n3A_2092 = arith.select %eq3A_2090, %jit3A_2091, %jit3A_2088 : i32
      %rem3A_2093 = vector.broadcast %select_n3A_2092 : i32 to vector<16xi32>
      %rem3A_2094 = arith.remsi %add3A_2056, %rem3A_2093 : vector<16xi32>
      %ne3A_2095 = arith.constant 0 : i32
      %ne3A_2096 = vector.broadcast %ne3A_2095 : i32 to vector<16xi32>
      %ne3A_2097 = arith.cmpi ne, %rem3A_2094, %ne3A_2096 : vector<16xi32>
      %lt3A_2098 = arith.constant 0 : i32
      %lt3A_2099 = vector.broadcast %lt3A_2098 : i32 to vector<16xi32>
      %lt3A_2100 = arith.cmpi slt, %rem3A_2094, %lt3A_2099 : vector<16xi32>
      %lt3A_2101 = arith.constant 0 : i32
      %lt3A_2102 = arith.cmpi slt, %select_n3A_2092, %lt3A_2101 : i32
      %ne3A_2103 = vector.broadcast %lt3A_2102 : i1 to vector<16xi1>
      %ne3A_2104 = vector.broadcast %ne3A_2103 : vector<16xi1> to vector<16xi1>
      %ne3A_2105 = arith.xori %lt3A_2100, %ne3A_2104 : vector<16xi1>
      %and3A_2106 = arith.andi %ne3A_2105, %ne3A_2097 : vector<16xi1>
      %add3A_2107 = vector.broadcast %select_n3A_2092 : i32 to vector<16xi32>
      %add3A_2108 = arith.addi %rem3A_2094, %add3A_2107 : vector<16xi32>
      %select_n3A_2109 = arith.select %and3A_2106, %add3A_2108, %rem3A_2094 : vector<16xi1>, vector<16xi32>
      %gather3A_2110 = tpu.vector_load_idx %arg6[%select_n3A_2087, %select_n3A_2109, %broadcast_in_dim3A_1909] : memref<8x8x128xf32, #tpu.memory_space<vmem>>[vector<16xi32>, vector<16xi32>, vector<16xi32>], vector<16xf32>,
      %gather3A_2111 = tpu.vector_load_idx %arg6[%select_n3A_2087, %select_n3A_2109, %broadcast_in_dim3A_1911] : memref<8x8x128xf32, #tpu.memory_space<vmem>>[vector<16xi32>, vector<16xi32>, vector<16xi32>], vector<16xf32>,
      %gather3A_2112 = tpu.vector_load_idx %arg6[%select_n3A_2087, %select_n3A_2109, %broadcast_in_dim3A_1913] : memref<8x8x128xf32, #tpu.memory_space<vmem>>[vector<16xi32>, vector<16xi32>, vector<16xi32>], vector<16xf32>,
      %gather3A_2113 = tpu.vector_load_idx %arg6[%select_n3A_2087, %select_n3A_2109, %broadcast_in_dim3A_1915] : memref<8x8x128xf32, #tpu.memory_space<vmem>>[vector<16xi32>, vector<16xi32>, vector<16xi32>], vector<16xf32>,
      %gather3A_2114 = tpu.vector_load_idx %arg6[%select_n3A_2087, %select_n3A_2109, %broadcast_in_dim3A_1917] : memref<8x8x128xf32, #tpu.memory_space<vmem>>[vector<16xi32>, vector<16xi32>, vector<16xi32>], vector<16xf32>,
      %gather3A_2115 = tpu.vector_load_idx %arg6[%select_n3A_2087, %select_n3A_2109, %broadcast_in_dim3A_1919] : memref<8x8x128xf32, #tpu.memory_space<vmem>>[vector<16xi32>, vector<16xi32>, vector<16xi32>], vector<16xf32>,
      %gather3A_2116 = tpu.vector_load_idx %arg6[%select_n3A_2087, %select_n3A_2109, %broadcast_in_dim3A_1921] : memref<8x8x128xf32, #tpu.memory_space<vmem>>[vector<16xi32>, vector<16xi32>, vector<16xi32>], vector<16xf32>,
      %gather3A_2117 = tpu.vector_load_idx %arg6[%select_n3A_2087, %select_n3A_2109, %broadcast_in_dim3A_1923] : memref<8x8x128xf32, #tpu.memory_space<vmem>>[vector<16xi32>, vector<16xi32>, vector<16xi32>], vector<16xf32>,
      %mul3A_2118 = arith.constant -1.000000e+00 : f32
      %mul3A_2119 = vector.broadcast %mul3A_2118 : f32 to vector<16xf32>
      %mul3A_2120 = arith.mulf %gather3A_2110, %mul3A_2119 : vector<16xf32>
      %mul3A_2121 = arith.constant 1.000000e+00 : f32
      %mul3A_2122 = vector.broadcast %mul3A_2121 : f32 to vector<16xf32>
      %mul3A_2123 = arith.mulf %gather3A_2111, %mul3A_2122 : vector<16xf32>
      %mul3A_2124 = arith.constant -1.000000e+00 : f32
      %mul3A_2125 = vector.broadcast %mul3A_2124 : f32 to vector<16xf32>
      %mul3A_2126 = arith.mulf %gather3A_2112, %mul3A_2125 : vector<16xf32>
      %mul3A_2127 = arith.constant 1.000000e+00 : f32
      %mul3A_2128 = vector.broadcast %mul3A_2127 : f32 to vector<16xf32>
      %mul3A_2129 = arith.mulf %gather3A_2113, %mul3A_2128 : vector<16xf32>
      %mul3A_2130 = arith.constant -1.000000e+00 : f32
      %mul3A_2131 = vector.broadcast %mul3A_2130 : f32 to vector<16xf32>
      %mul3A_2132 = arith.mulf %gather3A_2114, %mul3A_2131 : vector<16xf32>
      %mul3A_2133 = arith.constant 1.000000e+00 : f32
      %mul3A_2134 = vector.broadcast %mul3A_2133 : f32 to vector<16xf32>
      %mul3A_2135 = arith.mulf %gather3A_2115, %mul3A_2134 : vector<16xf32>
      %mul3A_2136 = arith.constant -1.000000e+00 : f32
      %mul3A_2137 = vector.broadcast %mul3A_2136 : f32 to vector<16xf32>
      %mul3A_2138 = arith.mulf %gather3A_2116, %mul3A_2137 : vector<16xf32>
      %mul3A_2139 = arith.constant 1.000000e+00 : f32
      %mul3A_2140 = vector.broadcast %mul3A_2139 : f32 to vector<16xf32>
      %mul3A_2141 = arith.mulf %gather3A_2117, %mul3A_2140 : vector<16xf32>
      %max3A_2142 = arith.maximumf %mul3A_2120, %mul3A_2123 : vector<16xf32>
      %max3A_2143 = arith.maximumf %max3A_2142, %mul3A_2126 : vector<16xf32>
      %max3A_2144 = arith.maximumf %max3A_2143, %mul3A_2129 : vector<16xf32>
      %max3A_2145 = arith.maximumf %max3A_2144, %mul3A_2132 : vector<16xf32>
      %max3A_2146 = arith.maximumf %max3A_2145, %mul3A_2135 : vector<16xf32>
      %max3A_2147 = arith.maximumf %max3A_2146, %mul3A_2138 : vector<16xf32>
      %max3A_2148 = arith.maximumf %max3A_2147, %mul3A_2141 : vector<16xf32>
      %sub3A_2149 = arith.subf %mul3A_2120, %max3A_2148 : vector<16xf32>
      %exp3A_2150 = math.exp %sub3A_2149 : vector<16xf32>
      %sub3A_2151 = arith.subf %mul3A_2123, %max3A_2148 : vector<16xf32>
      %exp3A_2152 = math.exp %sub3A_2151 : vector<16xf32>
      %sub3A_2153 = arith.subf %mul3A_2126, %max3A_2148 : vector<16xf32>
      %exp3A_2154 = math.exp %sub3A_2153 : vector<16xf32>
      %sub3A_2155 = arith.subf %mul3A_2129, %max3A_2148 : vector<16xf32>
      %exp3A_2156 = math.exp %sub3A_2155 : vector<16xf32>
      %sub3A_2157 = arith.subf %mul3A_2132, %max3A_2148 : vector<16xf32>
      %exp3A_2158 = math.exp %sub3A_2157 : vector<16xf32>
      %sub3A_2159 = arith.subf %mul3A_2135, %max3A_2148 : vector<16xf32>
      %exp3A_2160 = math.exp %sub3A_2159 : vector<16xf32>
      %sub3A_2161 = arith.subf %mul3A_2138, %max3A_2148 : vector<16xf32>
      %exp3A_2162 = math.exp %sub3A_2161 : vector<16xf32>
      %sub3A_2163 = arith.subf %mul3A_2141, %max3A_2148 : vector<16xf32>
      %exp3A_2164 = math.exp %sub3A_2163 : vector<16xf32>
      %add3A_2165 = arith.addf %exp3A_2150, %exp3A_2152 : vector<16xf32>
      %add3A_2166 = arith.addf %add3A_2165, %exp3A_2154 : vector<16xf32>
      %add3A_2167 = arith.addf %add3A_2166, %exp3A_2156 : vector<16xf32>
      %add3A_2168 = arith.addf %add3A_2167, %exp3A_2158 : vector<16xf32>
      %add3A_2169 = arith.addf %add3A_2168, %exp3A_2160 : vector<16xf32>
      %add3A_2170 = arith.addf %add3A_2169, %exp3A_2162 : vector<16xf32>
      %add3A_2171 = arith.addf %add3A_2170, %exp3A_2164 : vector<16xf32>
      %div3A_2172 = arith.divf %get3A_63, %add3A_2171 : vector<16xf32>
      %neg3A_2173 = arith.constant 0.000000e+00 : f32
      %neg3A_2174 = vector.broadcast %neg3A_2173 : f32 to vector<16xf32>
      %neg3A_2175 = arith.subf %neg3A_2174, %div3A_2172 : vector<16xf32>
      %mul3A_2176 = arith.mulf %exp3A_2150, %neg3A_2175 : vector<16xf32>
      tpu.vector_store_idx %arg11[%add3A_2056, %broadcast_in_dim3A_1909], %mul3A_2176 : memref<64x256xf32, #tpu.memory_space<vmem>>[vector<16xi32>, vector<16xi32>], vector<16xf32>,
      %mul3A_2177 = arith.mulf %exp3A_2152, %div3A_2172 : vector<16xf32>
      tpu.vector_store_idx %arg11[%add3A_2056, %broadcast_in_dim3A_1911], %mul3A_2177 : memref<64x256xf32, #tpu.memory_space<vmem>>[vector<16xi32>, vector<16xi32>], vector<16xf32>,
      %mul3A_2178 = arith.mulf %exp3A_2154, %neg3A_2175 : vector<16xf32>
      tpu.vector_store_idx %arg11[%add3A_2056, %broadcast_in_dim3A_1913], %mul3A_2178 : memref<64x256xf32, #tpu.memory_space<vmem>>[vector<16xi32>, vector<16xi32>], vector<16xf32>,
      %mul3A_2179 = arith.mulf %exp3A_2156, %div3A_2172 : vector<16xf32>
      tpu.vector_store_idx %arg11[%add3A_2056, %broadcast_in_dim3A_1915], %mul3A_2179 : memref<64x256xf32, #tpu.memory_space<vmem>>[vector<16xi32>, vector<16xi32>], vector<16xf32>,
      %mul3A_2180 = arith.mulf %exp3A_2158, %neg3A_2175 : vector<16xf32>
      tpu.vector_store_idx %arg11[%add3A_2056, %broadcast_in_dim3A_1917], %mul3A_2180 : memref<64x256xf32, #tpu.memory_space<vmem>>[vector<16xi32>, vector<16xi32>], vector<16xf32>,
      %mul3A_2181 = arith.mulf %exp3A_2160, %div3A_2172 : vector<16xf32>
      tpu.vector_store_idx %arg11[%add3A_2056, %broadcast_in_dim3A_1919], %mul3A_2181 : memref<64x256xf32, #tpu.memory_space<vmem>>[vector<16xi32>, vector<16xi32>], vector<16xf32>,
      %mul3A_2182 = arith.mulf %exp3A_2162, %neg3A_2175 : vector<16xf32>
      tpu.vector_store_idx %arg11[%add3A_2056, %broadcast_in_dim3A_1921], %mul3A_2182 : memref<64x256xf32, #tpu.memory_space<vmem>>[vector<16xi32>, vector<16xi32>], vector<16xf32>,
      %mul3A_2183 = arith.mulf %exp3A_2164, %div3A_2172 : vector<16xf32>
      tpu.vector_store_idx %arg11[%add3A_2056, %broadcast_in_dim3A_1923], %mul3A_2183 : memref<64x256xf32, #tpu.memory_space<vmem>>[vector<16xi32>, vector<16xi32>], vector<16xf32>,
      %add3A_2184 = arith.constant 32 : i32
      %add3A_2185 = vector.broadcast %add3A_2184 : i32 to vector<16xi32>
      %add3A_2186 = arith.addi %iota3A_1907, %add3A_2185 : vector<16xi32>
      %jit3A_2187 = arith.constant 8 : i32
      %div3A_2188 = vector.broadcast %jit3A_2187 : i32 to vector<16xi32>
      %div3A_2189 = arith.divsi %add3A_2186, %div3A_2188 : vector<16xi32>
      %sign3A_2190 = arith.constant 0 : i32
      %sign3A_2191 = vector.broadcast %sign3A_2190 : i32 to vector<16xi32>
      %sign3A_2192 = arith.cmpi sgt, %add3A_2186, %sign3A_2191 : vector<16xi32>
      %sign3A_2193 = arith.extui %sign3A_2192 : vector<16xi1> to vector<16xi32>
      %sign3A_2194 = arith.constant 0 : i32
      %sign3A_2195 = vector.broadcast %sign3A_2194 : i32 to vector<16xi32>
      %sign3A_2196 = arith.cmpi slt, %add3A_2186, %sign3A_2195 : vector<16xi32>
      %sign3A_2197 = arith.extui %sign3A_2196 : vector<16xi1> to vector<16xi32>
      %sign3A_2198 = arith.subi %sign3A_2193, %sign3A_2197 : vector<16xi32>
      %sign3A_2199 = arith.constant 0 : i32
      %sign3A_2200 = arith.cmpi sgt, %jit3A_2187, %sign3A_2199 : i32
      %sign3A_2201 = arith.extui %sign3A_2200 : i1 to i32
      %sign3A_2202 = arith.constant 0 : i32
      %sign3A_2203 = arith.cmpi slt, %jit3A_2187, %sign3A_2202 : i32
      %sign3A_2204 = arith.extui %sign3A_2203 : i1 to i32
      %sign3A_2205 = arith.subi %sign3A_2201, %sign3A_2204 : i32
      %ne3A_2206 = vector.broadcast %sign3A_2205 : i32 to vector<16xi32>
      %ne3A_2207 = arith.cmpi ne, %sign3A_2198, %ne3A_2206 : vector<16xi32>
      %rem3A_2208 = vector.broadcast %jit3A_2187 : i32 to vector<16xi32>
      %rem3A_2209 = arith.remsi %add3A_2186, %rem3A_2208 : vector<16xi32>
      %ne3A_2210 = arith.constant 0 : i32
      %ne3A_2211 = vector.broadcast %ne3A_2210 : i32 to vector<16xi32>
      %ne3A_2212 = arith.cmpi ne, %rem3A_2209, %ne3A_2211 : vector<16xi32>
      %and3A_2213 = arith.andi %ne3A_2207, %ne3A_2212 : vector<16xi1>
      %sub3A_2214 = arith.constant 1 : i32
      %sub3A_2215 = vector.broadcast %sub3A_2214 : i32 to vector<16xi32>
      %sub3A_2216 = arith.subi %div3A_2189, %sub3A_2215 : vector<16xi32>
      %select_n3A_2217 = arith.select %and3A_2213, %sub3A_2216, %div3A_2189 : vector<16xi1>, vector<16xi32>
      %jit3A_2218 = arith.constant 8 : i32
      %eq3A_2219 = arith.constant 0 : i32
      %eq3A_2220 = arith.cmpi eq, %jit3A_2218, %eq3A_2219 : i32
      %jit3A_2221 = arith.constant 1 : i32
      %select_n3A_2222 = arith.select %eq3A_2220, %jit3A_2221, %jit3A_2218 : i32
      %rem3A_2223 = vector.broadcast %select_n3A_2222 : i32 to vector<16xi32>
      %rem3A_2224 = arith.remsi %add3A_2186, %rem3A_2223 : vector<16xi32>
      %ne3A_2225 = arith.constant 0 : i32
      %ne3A_2226 = vector.broadcast %ne3A_2225 : i32 to vector<16xi32>
      %ne3A_2227 = arith.cmpi ne, %rem3A_2224, %ne3A_2226 : vector<16xi32>
      %lt3A_2228 = arith.constant 0 : i32
      %lt3A_2229 = vector.broadcast %lt3A_2228 : i32 to vector<16xi32>
      %lt3A_2230 = arith.cmpi slt, %rem3A_2224, %lt3A_2229 : vector<16xi32>
      %lt3A_2231 = arith.constant 0 : i32
      %lt3A_2232 = arith.cmpi slt, %select_n3A_2222, %lt3A_2231 : i32
      %ne3A_2233 = vector.broadcast %lt3A_2232 : i1 to vector<16xi1>
      %ne3A_2234 = vector.broadcast %ne3A_2233 : vector<16xi1> to vector<16xi1>
      %ne3A_2235 = arith.xori %lt3A_2230, %ne3A_2234 : vector<16xi1>
      %and3A_2236 = arith.andi %ne3A_2235, %ne3A_2227 : vector<16xi1>
      %add3A_2237 = vector.broadcast %select_n3A_2222 : i32 to vector<16xi32>
      %add3A_2238 = arith.addi %rem3A_2224, %add3A_2237 : vector<16xi32>
      %select_n3A_2239 = arith.select %and3A_2236, %add3A_2238, %rem3A_2224 : vector<16xi1>, vector<16xi32>
      %gather3A_2240 = tpu.vector_load_idx %arg6[%select_n3A_2217, %select_n3A_2239, %broadcast_in_dim3A_1909] : memref<8x8x128xf32, #tpu.memory_space<vmem>>[vector<16xi32>, vector<16xi32>, vector<16xi32>], vector<16xf32>,
      %gather3A_2241 = tpu.vector_load_idx %arg6[%select_n3A_2217, %select_n3A_2239, %broadcast_in_dim3A_1911] : memref<8x8x128xf32, #tpu.memory_space<vmem>>[vector<16xi32>, vector<16xi32>, vector<16xi32>], vector<16xf32>,
      %gather3A_2242 = tpu.vector_load_idx %arg6[%select_n3A_2217, %select_n3A_2239, %broadcast_in_dim3A_1913] : memref<8x8x128xf32, #tpu.memory_space<vmem>>[vector<16xi32>, vector<16xi32>, vector<16xi32>], vector<16xf32>,
      %gather3A_2243 = tpu.vector_load_idx %arg6[%select_n3A_2217, %select_n3A_2239, %broadcast_in_dim3A_1915] : memref<8x8x128xf32, #tpu.memory_space<vmem>>[vector<16xi32>, vector<16xi32>, vector<16xi32>], vector<16xf32>,
      %gather3A_2244 = tpu.vector_load_idx %arg6[%select_n3A_2217, %select_n3A_2239, %broadcast_in_dim3A_1917] : memref<8x8x128xf32, #tpu.memory_space<vmem>>[vector<16xi32>, vector<16xi32>, vector<16xi32>], vector<16xf32>,
      %gather3A_2245 = tpu.vector_load_idx %arg6[%select_n3A_2217, %select_n3A_2239, %broadcast_in_dim3A_1919] : memref<8x8x128xf32, #tpu.memory_space<vmem>>[vector<16xi32>, vector<16xi32>, vector<16xi32>], vector<16xf32>,
      %gather3A_2246 = tpu.vector_load_idx %arg6[%select_n3A_2217, %select_n3A_2239, %broadcast_in_dim3A_1921] : memref<8x8x128xf32, #tpu.memory_space<vmem>>[vector<16xi32>, vector<16xi32>, vector<16xi32>], vector<16xf32>,
      %gather3A_2247 = tpu.vector_load_idx %arg6[%select_n3A_2217, %select_n3A_2239, %broadcast_in_dim3A_1923] : memref<8x8x128xf32, #tpu.memory_space<vmem>>[vector<16xi32>, vector<16xi32>, vector<16xi32>], vector<16xf32>,
      %mul3A_2248 = arith.constant -1.000000e+00 : f32
      %mul3A_2249 = vector.broadcast %mul3A_2248 : f32 to vector<16xf32>
      %mul3A_2250 = arith.mulf %gather3A_2240, %mul3A_2249 : vector<16xf32>
      %mul3A_2251 = arith.constant 1.000000e+00 : f32
      %mul3A_2252 = vector.broadcast %mul3A_2251 : f32 to vector<16xf32>
      %mul3A_2253 = arith.mulf %gather3A_2241, %mul3A_2252 : vector<16xf32>
      %mul3A_2254 = arith.constant -1.000000e+00 : f32
      %mul3A_2255 = vector.broadcast %mul3A_2254 : f32 to vector<16xf32>
      %mul3A_2256 = arith.mulf %gather3A_2242, %mul3A_2255 : vector<16xf32>
      %mul3A_2257 = arith.constant 1.000000e+00 : f32
      %mul3A_2258 = vector.broadcast %mul3A_2257 : f32 to vector<16xf32>
      %mul3A_2259 = arith.mulf %gather3A_2243, %mul3A_2258 : vector<16xf32>
      %mul3A_2260 = arith.constant -1.000000e+00 : f32
      %mul3A_2261 = vector.broadcast %mul3A_2260 : f32 to vector<16xf32>
      %mul3A_2262 = arith.mulf %gather3A_2244, %mul3A_2261 : vector<16xf32>
      %mul3A_2263 = arith.constant 1.000000e+00 : f32
      %mul3A_2264 = vector.broadcast %mul3A_2263 : f32 to vector<16xf32>
      %mul3A_2265 = arith.mulf %gather3A_2245, %mul3A_2264 : vector<16xf32>
      %mul3A_2266 = arith.constant -1.000000e+00 : f32
      %mul3A_2267 = vector.broadcast %mul3A_2266 : f32 to vector<16xf32>
      %mul3A_2268 = arith.mulf %gather3A_2246, %mul3A_2267 : vector<16xf32>
      %mul3A_2269 = arith.constant 1.000000e+00 : f32
      %mul3A_2270 = vector.broadcast %mul3A_2269 : f32 to vector<16xf32>
      %mul3A_2271 = arith.mulf %gather3A_2247, %mul3A_2270 : vector<16xf32>
      %max3A_2272 = arith.maximumf %mul3A_2250, %mul3A_2253 : vector<16xf32>
      %max3A_2273 = arith.maximumf %max3A_2272, %mul3A_2256 : vector<16xf32>
      %max3A_2274 = arith.maximumf %max3A_2273, %mul3A_2259 : vector<16xf32>
      %max3A_2275 = arith.maximumf %max3A_2274, %mul3A_2262 : vector<16xf32>
      %max3A_2276 = arith.maximumf %max3A_2275, %mul3A_2265 : vector<16xf32>
      %max3A_2277 = arith.maximumf %max3A_2276, %mul3A_2268 : vector<16xf32>
      %max3A_2278 = arith.maximumf %max3A_2277, %mul3A_2271 : vector<16xf32>
      %sub3A_2279 = arith.subf %mul3A_2250, %max3A_2278 : vector<16xf32>
      %exp3A_2280 = math.exp %sub3A_2279 : vector<16xf32>
      %sub3A_2281 = arith.subf %mul3A_2253, %max3A_2278 : vector<16xf32>
      %exp3A_2282 = math.exp %sub3A_2281 : vector<16xf32>
      %sub3A_2283 = arith.subf %mul3A_2256, %max3A_2278 : vector<16xf32>
      %exp3A_2284 = math.exp %sub3A_2283 : vector<16xf32>
      %sub3A_2285 = arith.subf %mul3A_2259, %max3A_2278 : vector<16xf32>
      %exp3A_2286 = math.exp %sub3A_2285 : vector<16xf32>
      %sub3A_2287 = arith.subf %mul3A_2262, %max3A_2278 : vector<16xf32>
      %exp3A_2288 = math.exp %sub3A_2287 : vector<16xf32>
      %sub3A_2289 = arith.subf %mul3A_2265, %max3A_2278 : vector<16xf32>
      %exp3A_2290 = math.exp %sub3A_2289 : vector<16xf32>
      %sub3A_2291 = arith.subf %mul3A_2268, %max3A_2278 : vector<16xf32>
      %exp3A_2292 = math.exp %sub3A_2291 : vector<16xf32>
      %sub3A_2293 = arith.subf %mul3A_2271, %max3A_2278 : vector<16xf32>
      %exp3A_2294 = math.exp %sub3A_2293 : vector<16xf32>
      %add3A_2295 = arith.addf %exp3A_2280, %exp3A_2282 : vector<16xf32>
      %add3A_2296 = arith.addf %add3A_2295, %exp3A_2284 : vector<16xf32>
      %add3A_2297 = arith.addf %add3A_2296, %exp3A_2286 : vector<16xf32>
      %add3A_2298 = arith.addf %add3A_2297, %exp3A_2288 : vector<16xf32>
      %add3A_2299 = arith.addf %add3A_2298, %exp3A_2290 : vector<16xf32>
      %add3A_2300 = arith.addf %add3A_2299, %exp3A_2292 : vector<16xf32>
      %add3A_2301 = arith.addf %add3A_2300, %exp3A_2294 : vector<16xf32>
      %div3A_2302 = arith.divf %get3A_63, %add3A_2301 : vector<16xf32>
      %neg3A_2303 = arith.constant 0.000000e+00 : f32
      %neg3A_2304 = vector.broadcast %neg3A_2303 : f32 to vector<16xf32>
      %neg3A_2305 = arith.subf %neg3A_2304, %div3A_2302 : vector<16xf32>
      %mul3A_2306 = arith.mulf %exp3A_2280, %neg3A_2305 : vector<16xf32>
      tpu.vector_store_idx %arg11[%add3A_2186, %broadcast_in_dim3A_1909], %mul3A_2306 : memref<64x256xf32, #tpu.memory_space<vmem>>[vector<16xi32>, vector<16xi32>], vector<16xf32>,
      %mul3A_2307 = arith.mulf %exp3A_2282, %div3A_2302 : vector<16xf32>
      tpu.vector_store_idx %arg11[%add3A_2186, %broadcast_in_dim3A_1911], %mul3A_2307 : memref<64x256xf32, #tpu.memory_space<vmem>>[vector<16xi32>, vector<16xi32>], vector<16xf32>,
      %mul3A_2308 = arith.mulf %exp3A_2284, %neg3A_2305 : vector<16xf32>
      tpu.vector_store_idx %arg11[%add3A_2186, %broadcast_in_dim3A_1913], %mul3A_2308 : memref<64x256xf32, #tpu.memory_space<vmem>>[vector<16xi32>, vector<16xi32>], vector<16xf32>,
      %mul3A_2309 = arith.mulf %exp3A_2286, %div3A_2302 : vector<16xf32>
      tpu.vector_store_idx %arg11[%add3A_2186, %broadcast_in_dim3A_1915], %mul3A_2309 : memref<64x256xf32, #tpu.memory_space<vmem>>[vector<16xi32>, vector<16xi32>], vector<16xf32>,
      %mul3A_2310 = arith.mulf %exp3A_2288, %neg3A_2305 : vector<16xf32>
      tpu.vector_store_idx %arg11[%add3A_2186, %broadcast_in_dim3A_1917], %mul3A_2310 : memref<64x256xf32, #tpu.memory_space<vmem>>[vector<16xi32>, vector<16xi32>], vector<16xf32>,
      %mul3A_2311 = arith.mulf %exp3A_2290, %div3A_2302 : vector<16xf32>
      tpu.vector_store_idx %arg11[%add3A_2186, %broadcast_in_dim3A_1919], %mul3A_2311 : memref<64x256xf32, #tpu.memory_space<vmem>>[vector<16xi32>, vector<16xi32>], vector<16xf32>,
      %mul3A_2312 = arith.mulf %exp3A_2292, %neg3A_2305 : vector<16xf32>
      tpu.vector_store_idx %arg11[%add3A_2186, %broadcast_in_dim3A_1921], %mul3A_2312 : memref<64x256xf32, #tpu.memory_space<vmem>>[vector<16xi32>, vector<16xi32>], vector<16xf32>,
      %mul3A_2313 = arith.mulf %exp3A_2294, %div3A_2302 : vector<16xf32>
      tpu.vector_store_idx %arg11[%add3A_2186, %broadcast_in_dim3A_1923], %mul3A_2313 : memref<64x256xf32, #tpu.memory_space<vmem>>[vector<16xi32>, vector<16xi32>], vector<16xf32>,
      %add3A_2314 = arith.constant 48 : i32
      %add3A_2315 = vector.broadcast %add3A_2314 : i32 to vector<16xi32>
      %add3A_2316 = arith.addi %iota3A_1907, %add3A_2315 : vector<16xi32>
      %jit3A_2317 = arith.constant 8 : i32
      %div3A_2318 = vector.broadcast %jit3A_2317 : i32 to vector<16xi32>
      %div3A_2319 = arith.divsi %add3A_2316, %div3A_2318 : vector<16xi32>
      %sign3A_2320 = arith.constant 0 : i32
      %sign3A_2321 = vector.broadcast %sign3A_2320 : i32 to vector<16xi32>
      %sign3A_2322 = arith.cmpi sgt, %add3A_2316, %sign3A_2321 : vector<16xi32>
      %sign3A_2323 = arith.extui %sign3A_2322 : vector<16xi1> to vector<16xi32>
      %sign3A_2324 = arith.constant 0 : i32
      %sign3A_2325 = vector.broadcast %sign3A_2324 : i32 to vector<16xi32>
      %sign3A_2326 = arith.cmpi slt, %add3A_2316, %sign3A_2325 : vector<16xi32>
      %sign3A_2327 = arith.extui %sign3A_2326 : vector<16xi1> to vector<16xi32>
      %sign3A_2328 = arith.subi %sign3A_2323, %sign3A_2327 : vector<16xi32>
      %sign3A_2329 = arith.constant 0 : i32
      %sign3A_2330 = arith.cmpi sgt, %jit3A_2317, %sign3A_2329 : i32
      %sign3A_2331 = arith.extui %sign3A_2330 : i1 to i32
      %sign3A_2332 = arith.constant 0 : i32
      %sign3A_2333 = arith.cmpi slt, %jit3A_2317, %sign3A_2332 : i32
      %sign3A_2334 = arith.extui %sign3A_2333 : i1 to i32
      %sign3A_2335 = arith.subi %sign3A_2331, %sign3A_2334 : i32
      %ne3A_2336 = vector.broadcast %sign3A_2335 : i32 to vector<16xi32>
      %ne3A_2337 = arith.cmpi ne, %sign3A_2328, %ne3A_2336 : vector<16xi32>
      %rem3A_2338 = vector.broadcast %jit3A_2317 : i32 to vector<16xi32>
      %rem3A_2339 = arith.remsi %add3A_2316, %rem3A_2338 : vector<16xi32>
      %ne3A_2340 = arith.constant 0 : i32
      %ne3A_2341 = vector.broadcast %ne3A_2340 : i32 to vector<16xi32>
      %ne3A_2342 = arith.cmpi ne, %rem3A_2339, %ne3A_2341 : vector<16xi32>
      %and3A_2343 = arith.andi %ne3A_2337, %ne3A_2342 : vector<16xi1>
      %sub3A_2344 = arith.constant 1 : i32
      %sub3A_2345 = vector.broadcast %sub3A_2344 : i32 to vector<16xi32>
      %sub3A_2346 = arith.subi %div3A_2319, %sub3A_2345 : vector<16xi32>
      %select_n3A_2347 = arith.select %and3A_2343, %sub3A_2346, %div3A_2319 : vector<16xi1>, vector<16xi32>
      %jit3A_2348 = arith.constant 8 : i32
      %eq3A_2349 = arith.constant 0 : i32
      %eq3A_2350 = arith.cmpi eq, %jit3A_2348, %eq3A_2349 : i32
      %jit3A_2351 = arith.constant 1 : i32
      %select_n3A_2352 = arith.select %eq3A_2350, %jit3A_2351, %jit3A_2348 : i32
      %rem3A_2353 = vector.broadcast %select_n3A_2352 : i32 to vector<16xi32>
      %rem3A_2354 = arith.remsi %add3A_2316, %rem3A_2353 : vector<16xi32>
      %ne3A_2355 = arith.constant 0 : i32
      %ne3A_2356 = vector.broadcast %ne3A_2355 : i32 to vector<16xi32>
      %ne3A_2357 = arith.cmpi ne, %rem3A_2354, %ne3A_2356 : vector<16xi32>
      %lt3A_2358 = arith.constant 0 : i32
      %lt3A_2359 = vector.broadcast %lt3A_2358 : i32 to vector<16xi32>
      %lt3A_2360 = arith.cmpi slt, %rem3A_2354, %lt3A_2359 : vector<16xi32>
      %lt3A_2361 = arith.constant 0 : i32
      %lt3A_2362 = arith.cmpi slt, %select_n3A_2352, %lt3A_2361 : i32
      %ne3A_2363 = vector.broadcast %lt3A_2362 : i1 to vector<16xi1>
      %ne3A_2364 = vector.broadcast %ne3A_2363 : vector<16xi1> to vector<16xi1>
      %ne3A_2365 = arith.xori %lt3A_2360, %ne3A_2364 : vector<16xi1>
      %and3A_2366 = arith.andi %ne3A_2365, %ne3A_2357 : vector<16xi1>
      %add3A_2367 = vector.broadcast %select_n3A_2352 : i32 to vector<16xi32>
      %add3A_2368 = arith.addi %rem3A_2354, %add3A_2367 : vector<16xi32>
      %select_n3A_2369 = arith.select %and3A_2366, %add3A_2368, %rem3A_2354 : vector<16xi1>, vector<16xi32>
      %gather3A_2370 = tpu.vector_load_idx %arg6[%select_n3A_2347, %select_n3A_2369, %broadcast_in_dim3A_1909] : memref<8x8x128xf32, #tpu.memory_space<vmem>>[vector<16xi32>, vector<16xi32>, vector<16xi32>], vector<16xf32>,
      %gather3A_2371 = tpu.vector_load_idx %arg6[%select_n3A_2347, %select_n3A_2369, %broadcast_in_dim3A_1911] : memref<8x8x128xf32, #tpu.memory_space<vmem>>[vector<16xi32>, vector<16xi32>, vector<16xi32>], vector<16xf32>,
      %gather3A_2372 = tpu.vector_load_idx %arg6[%select_n3A_2347, %select_n3A_2369, %broadcast_in_dim3A_1913] : memref<8x8x128xf32, #tpu.memory_space<vmem>>[vector<16xi32>, vector<16xi32>, vector<16xi32>], vector<16xf32>,
      %gather3A_2373 = tpu.vector_load_idx %arg6[%select_n3A_2347, %select_n3A_2369, %broadcast_in_dim3A_1915] : memref<8x8x128xf32, #tpu.memory_space<vmem>>[vector<16xi32>, vector<16xi32>, vector<16xi32>], vector<16xf32>,
      %gather3A_2374 = tpu.vector_load_idx %arg6[%select_n3A_2347, %select_n3A_2369, %broadcast_in_dim3A_1917] : memref<8x8x128xf32, #tpu.memory_space<vmem>>[vector<16xi32>, vector<16xi32>, vector<16xi32>], vector<16xf32>,
      %gather3A_2375 = tpu.vector_load_idx %arg6[%select_n3A_2347, %select_n3A_2369, %broadcast_in_dim3A_1919] : memref<8x8x128xf32, #tpu.memory_space<vmem>>[vector<16xi32>, vector<16xi32>, vector<16xi32>], vector<16xf32>,
      %gather3A_2376 = tpu.vector_load_idx %arg6[%select_n3A_2347, %select_n3A_2369, %broadcast_in_dim3A_1921] : memref<8x8x128xf32, #tpu.memory_space<vmem>>[vector<16xi32>, vector<16xi32>, vector<16xi32>], vector<16xf32>,
      %gather3A_2377 = tpu.vector_load_idx %arg6[%select_n3A_2347, %select_n3A_2369, %broadcast_in_dim3A_1923] : memref<8x8x128xf32, #tpu.memory_space<vmem>>[vector<16xi32>, vector<16xi32>, vector<16xi32>], vector<16xf32>,
      %mul3A_2378 = arith.constant -1.000000e+00 : f32
      %mul3A_2379 = vector.broadcast %mul3A_2378 : f32 to vector<16xf32>
      %mul3A_2380 = arith.mulf %gather3A_2370, %mul3A_2379 : vector<16xf32>
      %mul3A_2381 = arith.constant 1.000000e+00 : f32
      %mul3A_2382 = vector.broadcast %mul3A_2381 : f32 to vector<16xf32>
      %mul3A_2383 = arith.mulf %gather3A_2371, %mul3A_2382 : vector<16xf32>
      %mul3A_2384 = arith.constant -1.000000e+00 : f32
      %mul3A_2385 = vector.broadcast %mul3A_2384 : f32 to vector<16xf32>
      %mul3A_2386 = arith.mulf %gather3A_2372, %mul3A_2385 : vector<16xf32>
      %mul3A_2387 = arith.constant 1.000000e+00 : f32
      %mul3A_2388 = vector.broadcast %mul3A_2387 : f32 to vector<16xf32>
      %mul3A_2389 = arith.mulf %gather3A_2373, %mul3A_2388 : vector<16xf32>
      %mul3A_2390 = arith.constant -1.000000e+00 : f32
      %mul3A_2391 = vector.broadcast %mul3A_2390 : f32 to vector<16xf32>
      %mul3A_2392 = arith.mulf %gather3A_2374, %mul3A_2391 : vector<16xf32>
      %mul3A_2393 = arith.constant 1.000000e+00 : f32
      %mul3A_2394 = vector.broadcast %mul3A_2393 : f32 to vector<16xf32>
      %mul3A_2395 = arith.mulf %gather3A_2375, %mul3A_2394 : vector<16xf32>
      %mul3A_2396 = arith.constant -1.000000e+00 : f32
      %mul3A_2397 = vector.broadcast %mul3A_2396 : f32 to vector<16xf32>
      %mul3A_2398 = arith.mulf %gather3A_2376, %mul3A_2397 : vector<16xf32>
      %mul3A_2399 = arith.constant 1.000000e+00 : f32
      %mul3A_2400 = vector.broadcast %mul3A_2399 : f32 to vector<16xf32>
      %mul3A_2401 = arith.mulf %gather3A_2377, %mul3A_2400 : vector<16xf32>
      %max3A_2402 = arith.maximumf %mul3A_2380, %mul3A_2383 : vector<16xf32>
      %max3A_2403 = arith.maximumf %max3A_2402, %mul3A_2386 : vector<16xf32>
      %max3A_2404 = arith.maximumf %max3A_2403, %mul3A_2389 : vector<16xf32>
      %max3A_2405 = arith.maximumf %max3A_2404, %mul3A_2392 : vector<16xf32>
      %max3A_2406 = arith.maximumf %max3A_2405, %mul3A_2395 : vector<16xf32>
      %max3A_2407 = arith.maximumf %max3A_2406, %mul3A_2398 : vector<16xf32>
      %max3A_2408 = arith.maximumf %max3A_2407, %mul3A_2401 : vector<16xf32>
      %sub3A_2409 = arith.subf %mul3A_2380, %max3A_2408 : vector<16xf32>
      %exp3A_2410 = math.exp %sub3A_2409 : vector<16xf32>
      %sub3A_2411 = arith.subf %mul3A_2383, %max3A_2408 : vector<16xf32>
      %exp3A_2412 = math.exp %sub3A_2411 : vector<16xf32>
      %sub3A_2413 = arith.subf %mul3A_2386, %max3A_2408 : vector<16xf32>
      %exp3A_2414 = math.exp %sub3A_2413 : vector<16xf32>
      %sub3A_2415 = arith.subf %mul3A_2389, %max3A_2408 : vector<16xf32>
      %exp3A_2416 = math.exp %sub3A_2415 : vector<16xf32>
      %sub3A_2417 = arith.subf %mul3A_2392, %max3A_2408 : vector<16xf32>
      %exp3A_2418 = math.exp %sub3A_2417 : vector<16xf32>
      %sub3A_2419 = arith.subf %mul3A_2395, %max3A_2408 : vector<16xf32>
      %exp3A_2420 = math.exp %sub3A_2419 : vector<16xf32>
      %sub3A_2421 = arith.subf %mul3A_2398, %max3A_2408 : vector<16xf32>
      %exp3A_2422 = math.exp %sub3A_2421 : vector<16xf32>
      %sub3A_2423 = arith.subf %mul3A_2401, %max3A_2408 : vector<16xf32>
      %exp3A_2424 = math.exp %sub3A_2423 : vector<16xf32>
      %add3A_2425 = arith.addf %exp3A_2410, %exp3A_2412 : vector<16xf32>
      %add3A_2426 = arith.addf %add3A_2425, %exp3A_2414 : vector<16xf32>
      %add3A_2427 = arith.addf %add3A_2426, %exp3A_2416 : vector<16xf32>
      %add3A_2428 = arith.addf %add3A_2427, %exp3A_2418 : vector<16xf32>
      %add3A_2429 = arith.addf %add3A_2428, %exp3A_2420 : vector<16xf32>
      %add3A_2430 = arith.addf %add3A_2429, %exp3A_2422 : vector<16xf32>
      %add3A_2431 = arith.addf %add3A_2430, %exp3A_2424 : vector<16xf32>
      %div3A_2432 = arith.divf %get3A_63, %add3A_2431 : vector<16xf32>
      %neg3A_2433 = arith.constant 0.000000e+00 : f32
      %neg3A_2434 = vector.broadcast %neg3A_2433 : f32 to vector<16xf32>
      %neg3A_2435 = arith.subf %neg3A_2434, %div3A_2432 : vector<16xf32>
      %mul3A_2436 = arith.mulf %exp3A_2410, %neg3A_2435 : vector<16xf32>
      tpu.vector_store_idx %arg11[%add3A_2316, %broadcast_in_dim3A_1909], %mul3A_2436 : memref<64x256xf32, #tpu.memory_space<vmem>>[vector<16xi32>, vector<16xi32>], vector<16xf32>,
      %mul3A_2437 = arith.mulf %exp3A_2412, %div3A_2432 : vector<16xf32>
      tpu.vector_store_idx %arg11[%add3A_2316, %broadcast_in_dim3A_1911], %mul3A_2437 : memref<64x256xf32, #tpu.memory_space<vmem>>[vector<16xi32>, vector<16xi32>], vector<16xf32>,
      %mul3A_2438 = arith.mulf %exp3A_2414, %neg3A_2435 : vector<16xf32>
      tpu.vector_store_idx %arg11[%add3A_2316, %broadcast_in_dim3A_1913], %mul3A_2438 : memref<64x256xf32, #tpu.memory_space<vmem>>[vector<16xi32>, vector<16xi32>], vector<16xf32>,
      %mul3A_2439 = arith.mulf %exp3A_2416, %div3A_2432 : vector<16xf32>
      tpu.vector_store_idx %arg11[%add3A_2316, %broadcast_in_dim3A_1915], %mul3A_2439 : memref<64x256xf32, #tpu.memory_space<vmem>>[vector<16xi32>, vector<16xi32>], vector<16xf32>,
      %mul3A_2440 = arith.mulf %exp3A_2418, %neg3A_2435 : vector<16xf32>
      tpu.vector_store_idx %arg11[%add3A_2316, %broadcast_in_dim3A_1917], %mul3A_2440 : memref<64x256xf32, #tpu.memory_space<vmem>>[vector<16xi32>, vector<16xi32>], vector<16xf32>,
      %mul3A_2441 = arith.mulf %exp3A_2420, %div3A_2432 : vector<16xf32>
      tpu.vector_store_idx %arg11[%add3A_2316, %broadcast_in_dim3A_1919], %mul3A_2441 : memref<64x256xf32, #tpu.memory_space<vmem>>[vector<16xi32>, vector<16xi32>], vector<16xf32>,
      %mul3A_2442 = arith.mulf %exp3A_2422, %neg3A_2435 : vector<16xf32>
      tpu.vector_store_idx %arg11[%add3A_2316, %broadcast_in_dim3A_1921], %mul3A_2442 : memref<64x256xf32, #tpu.memory_space<vmem>>[vector<16xi32>, vector<16xi32>], vector<16xf32>,
      %mul3A_2443 = arith.mulf %exp3A_2424, %div3A_2432 : vector<16xf32>
      tpu.vector_store_idx %arg11[%add3A_2316, %broadcast_in_dim3A_1923], %mul3A_2443 : memref<64x256xf32, #tpu.memory_space<vmem>>[vector<16xi32>, vector<16xi32>], vector<16xf32>,
      %dma_start3A_2444 = arith.constant 0 : i32
      %dma_start3A_2445 = tpu.memref_slice %arg4[%add3A_1868, %dma_start3A_2444] : memref<131072x256xf32, #tpu.memory_space<hbm>> -> memref<64x256xf32, #tpu.memory_space<hbm>>
      %dma_start3A_2446 = arith.constant 0 : i32
      %dma_start3A_2447 = tpu.memref_slice %arg4[%add3A_1868, %dma_start3A_2446] : memref<131072x256xf32, #tpu.memory_space<hbm>> -> memref<64x256xf32, #tpu.memory_space<hbm>>
      tpu.enqueue_dma source(%arg11 : memref<64x256xf32, #tpu.memory_space<vmem>>) target(%dma_start3A_2447 : memref<64x256xf32, #tpu.memory_space<hbm>>) target_semaphore(%arg15 : memref<!tpu.dma_semaphore, #tpu.memory_space<semaphore_mem>>)
      %add3A_2448 = arith.constant 2 : i32
      %add3A_2449 = arith.addi %add3A_1865, %add3A_2448 : i32
      %lt3A_2450 = arith.constant 64 : i32
      %lt3A_2451 = arith.cmpi slt, %add3A_2449, %lt3A_2450 : i32
      %convert_element_type3A_2452 = arith.extui %lt3A_2451 : i1 to i32
      %cond3A_2453 = arith.constant 0 : i32
      %cond3A_2454 = arith.cmpi ne, %convert_element_type3A_2452, %cond3A_2453 : i32
      scf.if %cond3A_2454 {
        %add3A_2455 = arith.constant 2 : i32
        %add3A_2456 = arith.addi %add3A_1865, %add3A_2455 : i32
        %mul3A_2457 = arith.constant 64 : i32
        %mul3A_2458 = arith.muli %add3A_2456, %mul3A_2457 : i32
        %add3A_2459 = arith.addi %mul3A_2, %mul3A_2458 : i32
        %jit3A_2460 = arith.constant 8 : i32
        %div3A_2461 = arith.divsi %add3A_2459, %jit3A_2460 : i32
        %sign3A_2462 = arith.constant 0 : i32
        %sign3A_2463 = arith.cmpi sgt, %add3A_2459, %sign3A_2462 : i32
        %sign3A_2464 = arith.extui %sign3A_2463 : i1 to i32
        %sign3A_2465 = arith.constant 0 : i32
        %sign3A_2466 = arith.cmpi slt, %add3A_2459, %sign3A_2465 : i32
        %sign3A_2467 = arith.extui %sign3A_2466 : i1 to i32
        %sign3A_2468 = arith.subi %sign3A_2464, %sign3A_2467 : i32
        %sign3A_2469 = arith.constant 0 : i32
        %sign3A_2470 = arith.cmpi sgt, %jit3A_2460, %sign3A_2469 : i32
        %sign3A_2471 = arith.extui %sign3A_2470 : i1 to i32
        %sign3A_2472 = arith.constant 0 : i32
        %sign3A_2473 = arith.cmpi slt, %jit3A_2460, %sign3A_2472 : i32
        %sign3A_2474 = arith.extui %sign3A_2473 : i1 to i32
        %sign3A_2475 = arith.subi %sign3A_2471, %sign3A_2474 : i32
        %ne3A_2476 = arith.cmpi ne, %sign3A_2468, %sign3A_2475 : i32
        %rem3A_2477 = arith.remsi %add3A_2459, %jit3A_2460 : i32
        %ne3A_2478 = arith.constant 0 : i32
        %ne3A_2479 = arith.cmpi ne, %rem3A_2477, %ne3A_2478 : i32
        %and3A_2480 = arith.andi %ne3A_2476, %ne3A_2479 : i1
        %sub3A_2481 = arith.constant 1 : i32
        %sub3A_2482 = arith.subi %div3A_2461, %sub3A_2481 : i32
        %select_n3A_2483 = arith.select %and3A_2480, %sub3A_2482, %div3A_2461 : i32
        %dma_start3A_2484 = arith.constant 0 : i32
        %dma_start3A_2485 = arith.constant 0 : i32
        %dma_start3A_2486 = tpu.memref_slice %arg2[%select_n3A_2483, %dma_start3A_2484, %dma_start3A_2485] : memref<16384x8x256xf32, #tpu.memory_space<hbm>> -> memref<8x8x128xf32, #tpu.memory_space<hbm>>
        %dma_start3A_2487 = arith.constant 0 : i32
        %dma_start3A_2488 = arith.constant 0 : i32
        %dma_start3A_2489 = tpu.memref_slice %arg2[%select_n3A_2483, %dma_start3A_2487, %dma_start3A_2488] : memref<16384x8x256xf32, #tpu.memory_space<hbm>> -> memref<8x8x128xf32, #tpu.memory_space<hbm>>
        tpu.enqueue_dma source(%dma_start3A_2489 : memref<8x8x128xf32, #tpu.memory_space<hbm>>) target(%arg6 : memref<8x8x128xf32, #tpu.memory_space<vmem>>) target_semaphore(%arg17 : memref<!tpu.dma_semaphore, #tpu.memory_space<semaphore_mem>>)
      } else {
      }
    }
    %scan3A_68 = arith.constant 16 : i32
    %dma_wait3A = arith.constant 0 : i32
    %dma_wait3A_69 = arith.constant 0 : i32
    %dma_wait3A_70 = tpu.memref_slice %arg4[%dma_wait3A, %dma_wait3A_69] : memref<131072x256xf32, #tpu.memory_space<hbm>> -> memref<64x256xf32, #tpu.memory_space<hbm>>
    %dma_wait3A_71 = arith.constant 0 : i32
    %dma_wait3A_72 = arith.constant 0 : i32
    %dma_wait3A_73 = tpu.memref_slice %arg4[%dma_wait3A_71, %dma_wait3A_72] : memref<131072x256xf32, #tpu.memory_space<hbm>> -> memref<64x256xf32, #tpu.memory_space<hbm>>
    tpu.wait_dma2 semaphore(%arg12 : memref<!tpu.dma_semaphore, #tpu.memory_space<semaphore_mem>>) src(%arg8 : memref<64x256xf32, #tpu.memory_space<vmem>>) dst(%dma_wait3A_73 : memref<64x256xf32, #tpu.memory_space<hbm>>)
    %dma_wait3A_74 = arith.constant 0 : i32
    %dma_wait3A_75 = arith.constant 0 : i32
    %dma_wait3A_76 = tpu.memref_slice %arg4[%dma_wait3A_74, %dma_wait3A_75] : memref<131072x256xf32, #tpu.memory_space<hbm>> -> memref<64x256xf32, #tpu.memory_space<hbm>>
    %dma_wait3A_77 = arith.constant 0 : i32
    %dma_wait3A_78 = arith.constant 0 : i32
    %dma_wait3A_79 = tpu.memref_slice %arg4[%dma_wait3A_77, %dma_wait3A_78] : memref<131072x256xf32, #tpu.memory_space<hbm>> -> memref<64x256xf32, #tpu.memory_space<hbm>>
    tpu.wait_dma2 semaphore(%arg13 : memref<!tpu.dma_semaphore, #tpu.memory_space<semaphore_mem>>) src(%arg9 : memref<64x256xf32, #tpu.memory_space<vmem>>) dst(%dma_wait3A_79 : memref<64x256xf32, #tpu.memory_space<hbm>>)
    %dma_wait3A_80 = arith.constant 0 : i32
    %dma_wait3A_81 = arith.constant 0 : i32
    %dma_wait3A_82 = tpu.memref_slice %arg4[%dma_wait3A_80, %dma_wait3A_81] : memref<131072x256xf32, #tpu.memory_space<hbm>> -> memref<64x256xf32, #tpu.memory_space<hbm>>
    %dma_wait3A_83 = arith.constant 0 : i32
    %dma_wait3A_84 = arith.constant 0 : i32
    %dma_wait3A_85 = tpu.memref_slice %arg4[%dma_wait3A_83, %dma_wait3A_84] : memref<131072x256xf32, #tpu.memory_space<hbm>> -> memref<64x256xf32, #tpu.memory_space<hbm>>
    tpu.wait_dma2 semaphore(%arg14 : memref<!tpu.dma_semaphore, #tpu.memory_space<semaphore_mem>>) src(%arg10 : memref<64x256xf32, #tpu.memory_space<vmem>>) dst(%dma_wait3A_85 : memref<64x256xf32, #tpu.memory_space<hbm>>)
    %dma_wait3A_86 = arith.constant 0 : i32
    %dma_wait3A_87 = arith.constant 0 : i32
    %dma_wait3A_88 = tpu.memref_slice %arg4[%dma_wait3A_86, %dma_wait3A_87] : memref<131072x256xf32, #tpu.memory_space<hbm>> -> memref<64x256xf32, #tpu.memory_space<hbm>>
    %dma_wait3A_89 = arith.constant 0 : i32
    %dma_wait3A_90 = arith.constant 0 : i32
    %dma_wait3A_91 = tpu.memref_slice %arg4[%dma_wait3A_89, %dma_wait3A_90] : memref<131072x256xf32, #tpu.memory_space<hbm>> -> memref<64x256xf32, #tpu.memory_space<hbm>>
    tpu.wait_dma2 semaphore(%arg15 : memref<!tpu.dma_semaphore, #tpu.memory_space<semaphore_mem>>) src(%arg11 : memref<64x256xf32, #tpu.memory_space<vmem>>) dst(%dma_wait3A_91 : memref<64x256xf32, #tpu.memory_space<hbm>>)
    return
  }
}

</mosaic_0001>

<sc_bundles>
// kernel: kernel.3.cloned.1.call-start
scs
__scs_entry_jumppad:
0x0: {  	(pc) =	sbr.rel $0x88, $3  }
0x1: {  	(tag) =	ssettag $0x0;
	lr =	simm.s32 $0x1  }
0x2: {  	[smem:$0x3F9F] =	sst lr;
	_ =	strace $0xD0000000  }
0x3: {  	_ = 	snop  }
0x4: {  	_ = 	snop  }
0x5: {  	_ = 	snop  }
0x6: {  	_ = 	snop  }
0x7: {  	_ = 	snop  }
__scs_overlays_trampoline_lowered:
0x8: {  	[smem:$0x3FAE] =	sst s0  }
0x9: {  	[smem:$0x3FAF] =	sst s1  }
0xa: {  	[smem:$0x3FB0] =	sst s2  }
0xb: {  	[smem:$0x3FB1] =	sst s3  }
0xc: {  	[smem:$0x3FB2] =	sst s4  }
0xd: {  	[smem:$0x3FB3] =	sst s5  }
0xe: {  	[smem:$0x3FB4] =	sst s6  }
0xf: {  	[smem:$0x3FB5] =	sst s7  }
0x10: {  	[smem:$0x3FB6] =	sst s8  }
0x11: {  	[smem:$0x3FB7] =	sst s9;
	s0 =	simm.s32 @!p0 $0x0  }
0x12: {  	s1 =	sld [smem:$0x3F9D];
	s0 =	simm.s32 @p0 $0x1  }
0x13: {  	[smem:$0x3FB8] =	sst s0;
	s0 =	simm.s32 @!p1 $0x0  }
0x14: {  	s2 =	sld [smem:$0x3F9C];
	s0 =	simm.s32 @p1 $0x1  }
0x15: {  	[smem:$0x3FB9] =	sst s0;
	s0 =	simm.s32 @!p2 $0x0  }
0x16: {  	s3 =	sld [smem:$0x3FDB];
	s0 =	simm.s32 @p2 $0x1  }
0x17: {  	s4 =	simm.s32 $0x1BF5;
	[smem:$0x3FBB] =	sst s0  }
0x18: {  	s0 =	sld [smem:$0x3F9E];
	_ =	swait.ge [sflag:s4], $0x0  }
0x19: {  	s7 =	sld [smem:$0x3F9F]  }
0x1a: {  	s8 =	sadd.s32 $0xFFFFE003, lr  }
0x1b: {  	s9 =	sadd.s32 $0xFFFFFEF7, lr;
	s5 =	simm.s32 $0xFFFFFFFF;
	p2 =	slt.u32 s8, $0xFFFFF086  }
0x1c: {  	p1 =	slt.u32 s9, $0xF7A;
	s5 =	simm.s32 @!p2 $0x0  }
0x1d: {  	s5 =	simm.s32 @p1 $0x1;
	p0 =	seq.s32 s7, s2  }
0x1e: {  	s7 =	smul.u32 @!p0 $0xF7A, s2;
	p2 =	seq.s32 @!p0 s5, $0x0  }
0x1f: {  	s9 =	smul.u32 $0xF7A, s1;
	s8 =	simm.s32 @!p0 $0x1BF5;
	p2 =	por !p2, p0  }
0x20: {  	[sflag:s8] =	ssyncset.s32 @!p0 $0xFFFFF086;
	s6 =	sadd.s32 @!p0 s3, s7;
	s7 =	simm.s32 @!p0 $0x108  }
0x21: {  	s3 =	sadd.s32 s3, s9;
	s6 =	sadd.s32 @!p0 $0x88, s6;
	s7 =	simm.s32 @p2 $0x1082  }
0x22: {  	[simem:s7], [sflag:s8] =	dma.local @!p0 [hbm:s6], $0xF7A  }
0x23: {  	s9 =	sor.u32 $0xD0000000, s2;
	s6 =	simm.s32 $0x108;
	_ =	swait.ge @!p0 [sflag:s8], $0x0  }
0x24: {  	s3 =	sadd.s32 $0x88, s3;
	s6 =	simm.s32 @!p1 $0x1082;
	[sflag:s4] =	ssyncset.s32 $0xFFFFF086  }
0x25: {  	[simem:s6], [sflag:s4] =	dma.local [hbm:s3], $0xF7A  }
0x26: {  	[smem:$0x3F9F] =	sst s1;
	(tag) =	ssettag s2;
	_ =	strace s9  }
0x27: {  	s1 =	sld [smem:$0x3FAF]  }
0x28: {  	s2 =	sld [smem:$0x3FB0]  }
0x29: {  	s4 =	sld [smem:$0x3FB2]  }
0x2a: {  	p0 =	seq.s32 s5, $0x0;
	s5 =	sld [smem:$0x3FB3]  }
0x2b: {  	s6 =	sld [smem:$0x3FB4]  }
0x2c: {  	s7 =	sld [smem:$0x3FB5]  }
0x2d: {  	s3 =	simm.s32 $0x108;
	s8 =	sld [smem:$0x3FB6]  }
0x2e: {  	s3 =	simm.s32 @!p0 $0x1082;
	s9 =	sld [smem:$0x3FB7]  }
0x2f: {  	lr =	sadd.s32 s0, s3;
	s0 =	sld [smem:$0x3FAE]  }
0x30: {  	s3 =	sld [smem:$0x3FB1]  }
0x31: {  	[smem:$0x3FBA] =	sst s10  }
0x32: {  	s10 =	sld [smem:$0x3FB8];
	_ =	sdelay $0x3  }
0x33: {  	p0 =	seq.s32 s10, $0x1;
	s10 =	sld [smem:$0x3FBA];
	_ =	sdelay $0x3  }
0x34: {  	[smem:$0x3FBA] =	sst s10  }
0x35: {  	s10 =	sld [smem:$0x3FB9];
	_ =	sdelay $0x3  }
0x36: {  	p1 =	seq.s32 s10, $0x1;
	s10 =	sld [smem:$0x3FBA];
	_ =	sdelay $0x3  }
0x37: {  	[smem:$0x3FBA] =	sst s10  }
0x38: {  	s10 =	sld [smem:$0x3FBB]  }
0x39: {  	_ = 	snop;
	(pc) =	sbr.ind lr, $3  }
0x3a: {  	_ = 	snop  }
0x3b: {  	_ = 	snop  }
0x3c: {  	p2 =	seq.s32 s10, $0x1;
	s10 =	sld [smem:$0x3FBA]  }
0x3d: {  	_ =	shalt  }
0x3e: {  	_ =	shalt  }
0x3f: {  	_ =	shalt  }
0x40: {  	_ =	shalt  }
0x41: {  	_ =	shalt  }
0x42: {  	_ =	shalt  }
0x43: {  	_ =	shalt  }
0x44: {  	_ =	shalt  }
0x45: {  	_ =	shalt  }
0x46: {  	_ =	shalt  }
0x47: {  	_ =	shalt  }
0x48: {  	_ =	shalt  }
0x49: {  	_ =	shalt  }
0x4a: {  	_ =	shalt  }
0x4b: {  	_ =	shalt  }
0x4c: {  	_ =	shalt  }
0x4d: {  	_ =	shalt  }
0x4e: {  	_ =	shalt  }
0x4f: {  	_ =	shalt  }
0x50: {  	_ =	shalt  }
0x51: {  	_ =	shalt  }
0x52: {  	_ =	shalt  }
0x53: {  	_ =	shalt  }
0x54: {  	_ =	shalt  }
0x55: {  	_ =	shalt  }
0x56: {  	_ =	shalt  }
0x57: {  	_ =	shalt  }
0x58: {  	_ =	shalt  }
0x59: {  	_ =	shalt  }
0x5a: {  	_ =	shalt  }
0x5b: {  	_ =	shalt  }
0x5c: {  	_ =	shalt  }
0x5d: {  	_ =	shalt  }
0x5e: {  	_ =	shalt  }
0x5f: {  	_ =	shalt  }
0x60: {  	_ =	shalt  }
0x61: {  	_ =	shalt  }
0x62: {  	_ =	shalt  }
0x63: {  	_ =	shalt  }
0x64: {  	_ =	shalt  }
0x65: {  	_ =	shalt  }
0x66: {  	_ =	shalt  }
0x67: {  	_ =	shalt  }
0x68: {  	_ =	shalt  }
0x69: {  	_ =	shalt  }
0x6a: {  	_ =	shalt  }
0x6b: {  	_ =	shalt  }
0x6c: {  	_ =	shalt  }
0x6d: {  	_ =	shalt  }
0x6e: {  	_ =	shalt  }
0x6f: {  	_ =	shalt  }
0x70: {  	_ =	shalt  }
0x71: {  	_ =	shalt  }
0x72: {  	_ =	shalt  }
0x73: {  	_ =	shalt  }
0x74: {  	_ =	shalt  }
0x75: {  	_ =	shalt  }
0x76: {  	_ =	shalt  }
0x77: {  	_ =	shalt  }
0x78: {  	_ =	shalt  }
0x79: {  	_ =	shalt  }
0x7a: {  	_ =	shalt  }
0x7b: {  	_ =	shalt  }
0x7c: {  	_ =	shalt  }
0x7d: {  	_ =	shalt  }
0x7e: {  	_ =	shalt  }
0x7f: {  	_ =	shalt  }
0x80: {  	_ =	shalt  }
0x81: {  	_ =	shalt  }
0x82: {  	_ =	shalt  }
0x83: {  	_ =	shalt  }
0x84: {  	_ =	shalt  }
0x85: {  	_ =	shalt  }
0x86: {  	_ =	shalt  }
0x87: {  	_ =	shalt  }
.Lfunc_end0:
.L_simem_size_0:
called_computation_lowered:
.L_overlay_start_0:
0x88: {  	s2 =	sld [smem:$0x3FD9]  }
0x89: {  	s3 =	sld [smem:$0x3FFE];
	_ =	sdelay $0x1  }
0x8a: {  	s1 =	srdreg.scid  }
0x8b: {  	s0 =	sand.u32 $0x1, s1  }
0x8c: {  	s17 =	sshll.u32 s0, $0xA;
	s2 =	sadd.s32 s3, s2  }
0x8d: {  	s2 =	sadd.s32 s2, s17  }
0x8e: {  	[smem:$0x3FC6] =	sst s2  }
0x8f: {  	_ = 	snop  }
0x90: {  	s2 =	sld [smem:$0x3FC9]  }
0x91: {  	s18 =	sld [smem:$0x3FD0];
	(tm) =	ssettm $0x1  }
0x92: {  	s4 =	sld [smem:$0x3FFB];
	_ =	sdelay $0x3  }
0x93: {  	_ =	strace s4  }
0x94: {  	s4 =	sld [smem:$0x3FFC];
	_ =	sdelay $0x3  }
0x95: {  	_ =	strace s4  }
0x96: {  	s4 =	sld [smem:$0x3FFD];
	_ =	sdelay $0x3  }
0x97: {  	_ =	strace s4  }
0x98: {  	_ =	strace $0x8FFFFFFF  }
0x99: {  	s19 =	sld [smem:$0x3FDB];
	_ =	sdelay $0x1  }
0x9a: {  	s5 =	simm.s32 $_scs_section_size  }
0x9b: {  	s6 =	simm.s32 $_size__tile_overlayer_lowered;
	s7 =	simm.s32 $_tile_overlayer_lowered  }
0x9c: {  	s22 =	simm.s32 $0x1BFF;
	s21 =	sshll.u32 s7, $0x1;
	s4 =	sadd.s32 s5, s19  }
0x9d: {  	s8 =	simm.s32 $0x0;
	s20 =	sshll.u32 s6, $0x1;
	s6 =	sadd.s32 s21, s4  }
0x9e: {  	[timem:s8], [sflag:s22] =	dma.local [hbm:s6], s20  }
0x9f: {  	_ =	swait.ge [sflag:s22], s20  }
0xa0: {  	s5 =	ssub.s32 $0x0, s20;
	[sflag:s22] =	ssyncset.done $0x0  }
0xa1: {  	[sflag:s22] =	ssyncadd.s32 s5;
	_ =	sdelay $0x1  }
0xa2: {  	s23 =	simm.s32 $0x1B8B  }
0xa3: {  	_ =	swait.ge [sflag:s23], $0x1  }
0xa4: {  	[sflag:s23] =	ssyncset.done $0x0  }
0xa5: {  	s25 =	simm.s32 $0x1B8E;
	s24 =	sld [smem:$0x3FFE];
	[sflag:s23] =	ssyncadd.s32 $0xFFFFFFFF  }
0xa6: {  	s26 =	simm.s32 $execute0_lowered;
	[smem:$0x3FD2] =	sst s25  }
0xa7: {  	s6 =	sshll.u32 s26, $0x1;
	_ =	strace $0x80000046;
	[dreg:$0x1] =	wrdreg $0xFFFFFFFF  }
0xa8: {  	s28 =	simm.s32 $_size_execute0_lowered;
	s4 =	sadd.s32 s4, s6;
	[dreg:$0x0] =	wrdreg $0x0  }
0xa9: {  	s6 =	sshll.u32 s28, $0x1;
	[dreg:$0x2] =	wrdreg s4  }
0xaa: {  	[dreg:$0x3] =	wrdreg s6  }
0xab: {  	[dreg:$0x4] =	wrdreg $0xC0  }
0xac: {  	_ =	task [dreg:s8], $0x5FFFF  }
0xad: {  	[dreg:$0x1] =	wrdreg $0xFFFFFFFF  }
0xae: {  	[dreg:$0x0] =	wrdreg $0x60  }
0xaf: {  	[dreg:$0x2] =	wrdreg s2  }
0xb0: {  	[dreg:$0x3] =	wrdreg s24  }
0xb1: {  	[dreg:$0x4] =	wrdreg s18  }
0xb2: {  	[dreg:$0x5] =	wrdreg $0x9  }
0xb3: {  	_ =	task.clear_ibuf [dreg:s8], $0x6FFFF;
	_ =	strace $0x90000046  }
0xb4: {  	s29 =	simm.s32 $0x9;
	_ =	strace $0x80000048  }
0xb5: {  	_ =	swait.ge [sflag:s29], $0x1  }
0xb6: {  	[sflag:s29] =	ssyncadd.s32 $0xFFFFFFFF  }
0xb7: {  	_ =	strace $0x90000048  }
0xb8: {  	_ =	sfence  }
0xb9: {  	s30 =	sld [smem:$0x0];
	_ =	sdelay $0x2  }
0xba: {  	s31 =	sshll.u32 s1, $0xD;
	s1 =	sshrl.u32 s1, $0x2  }
0xbb: {  	s3 =	sand.u32 $0x4000, s31;
	s1 =	sadd.s32 s1, s30  }
0xbc: {  	s0 =	sor.u32 s3, s0;
	s1 =	sshll.u32 s1, $0x11  }
0xbd: {  	s0 =	sor.u32 s1, s0  }
0xbe: {  	s0 =	sadd.s32 $0x8F2B, s0  }
0xbf: {  	[sflag:s0] =	ssyncadd.remote.s32 $0x1  }
0xc0: {  	_ =	sfence.sel $0xFFFF  }
0xc1: {  	[dreg:$0x0] =	wrdreg $0xFFFFFFFF;
	(pc) =	sbr.abs _section_cstart, $3  }
0xc2: {  	[dreg:$0x1] =	wrdreg $0xFFFFFFFF  }
0xc3: {  	_ =	task.clear_ibuf [dreg:s8], $0x2FFFF;
	_ =	strace $0x9FFFFFFF  }
0xc4: {  	(tm) =	ssettm $0x7FFFFFFF  }
0xc5: {  	_ =	shalt  }
tec
execute0_lowered:
.L_overlay_start_1:
0x0: {  	(tag) =	ssettag $0x1  }
0x1: {  	v0 =	vlaneseq.u32  }
0x2: {  	v0 =	vmul.u32 $0x80, v0;
	_ =	sdelay $0x1  }
0x3: {  	v2 =	vor.u32 $0x1, v0  }
0x4: {  	[tilespmem:$0x1FC00] =	vst v2;
	v2 =	vor.u32 $0x2, v0  }
0x5: {  	[tilespmem:$0x1FC10] =	vst v2;
	v2 =	vor.u32 $0x3, v0  }
0x6: {  	[tilespmem:$0x1FC20] =	vst v2;
	v2 =	vor.u32 $0x4, v0  }
0x7: {  	[tilespmem:$0x1FC30] =	vst v2;
	v2 =	vor.u32 $0x5, v0  }
0x8: {  	[tilespmem:$0x1FC40] =	vst v2;
	v2 =	vor.u32 $0x6, v0  }
0x9: {  	vm14 =	vcmask $0x300;
	[tilespmem:$0x1FC50] =	vst v2;
	v2 =	vimm.s32 $0xB80  }
0xa: {  	v3 =	vimm.s32 $0xB81;
	vm13 =	vcmask $0x704;
	v2 =	vsel vm14, $0x0, v2  }
0xb: {  	vm12 =	vcmask $0xB08;
	v3 =	vsel vm14, $0x1, v3;
	v2 =	vsel vm13, $0x80, v2  }
0xc: {  	vm11 =	vcmask $0xF0C;
	v3 =	vsel vm13, $0x81, v3;
	v2 =	vsel vm12, $0x100, v2  }
0xd: {  	vm10 =	vcmask $0x1310;
	v3 =	vsel vm12, $0x101, v3;
	v2 =	vsel vm11, $0x180, v2  }
0xe: {  	vm9 =	vcmask $0x1714;
	v3 =	vsel vm11, $0x181, v3;
	v2 =	vsel vm10, $0x200, v2  }
0xf: {  	vm8 =	vcmask $0x1B18;
	v3 =	vsel vm10, $0x201, v3;
	v2 =	vsel vm9, $0x280, v2  }
0x10: {  	vm7 =	vcmask $0x1F1C;
	v3 =	vsel vm9, $0x281, v3;
	v2 =	vsel vm8, $0x300, v2  }
0x11: {  	vm6 =	vcmask $0x2320;
	v3 =	vsel vm8, $0x301, v3;
	v2 =	vsel vm7, $0x380, v2  }
0x12: {  	vm5 =	vcmask $0x2724;
	v3 =	vsel vm7, $0x381, v3;
	v2 =	vsel vm6, $0x800, v2  }
0x13: {  	vm4 =	vcmask $0x2B28;
	v3 =	vsel vm6, $0x801, v3;
	v2 =	vsel vm5, $0x880, v2  }
0x14: {  	vm3 =	vcmask $0x2F2C;
	v3 =	vsel vm5, $0x881, v3;
	v2 =	vsel vm4, $0x900, v2  }
0x15: {  	vm2 =	vcmask $0x3330;
	v3 =	vsel vm4, $0x901, v3;
	v2 =	vsel vm3, $0x980, v2  }
0x16: {  	vm1 =	vcmask $0x3734;
	v3 =	vsel vm3, $0x981, v3;
	v2 =	vsel vm2, $0xA00, v2  }
0x17: {  	vm0 =	vcmask $0x3B38;
	v3 =	vsel vm2, $0xA01, v3;
	v2 =	vsel vm1, $0xA80, v2  }
0x18: {  	v3 =	vsel vm1, $0xA81, v3;
	v2 =	vsel vm0, $0xB00, v2  }
0x19: {  	[tilespmem:$0x1FC70] =	vst v2;
	v2 =	vsel vm0, $0xB01, v3  }
0x1a: {  	[tilespmem:$0x1FC80] =	vst v2;
	v2 =	vimm.s32 $0xB82  }
0x1b: {  	v3 =	vimm.s32 $0xB83;
	v2 =	vsel vm14, $0x2, v2  }
0x1c: {  	v11 =	vimm.s32 $0xB84;
	v3 =	vsel vm14, $0x3, v3;
	v2 =	vsel vm13, $0x82, v2  }
0x1d: {  	v11 =	vsel vm14, $0x4, v11;
	v3 =	vsel vm13, $0x83, v3;
	v2 =	vsel vm12, $0x102, v2  }
0x1e: {  	v11 =	vsel vm13, $0x84, v11;
	v3 =	vsel vm12, $0x103, v3;
	v2 =	vsel vm11, $0x182, v2  }
0x1f: {  	v11 =	vsel vm12, $0x104, v11;
	v3 =	vsel vm11, $0x183, v3;
	v2 =	vsel vm10, $0x202, v2  }
0x20: {  	v11 =	vsel vm11, $0x184, v11;
	v3 =	vsel vm10, $0x203, v3;
	v2 =	vsel vm9, $0x282, v2  }
0x21: {  	v11 =	vsel vm10, $0x204, v11;
	v3 =	vsel vm9, $0x283, v3;
	v2 =	vsel vm8, $0x302, v2  }
0x22: {  	v11 =	vsel vm9, $0x284, v11;
	v3 =	vsel vm8, $0x303, v3;
	v2 =	vsel vm7, $0x382, v2  }
0x23: {  	v11 =	vsel vm8, $0x304, v11;
	v3 =	vsel vm7, $0x383, v3;
	v2 =	vsel vm6, $0x802, v2  }
0x24: {  	v11 =	vsel vm7, $0x384, v11;
	v3 =	vsel vm6, $0x803, v3;
	v2 =	vsel vm5, $0x882, v2  }
0x25: {  	v11 =	vsel vm6, $0x804, v11;
	v3 =	vsel vm5, $0x883, v3;
	v2 =	vsel vm4, $0x902, v2  }
0x26: {  	v11 =	vsel vm5, $0x884, v11;
	v3 =	vsel vm4, $0x903, v3;
	v2 =	vsel vm3, $0x982, v2  }
0x27: {  	v11 =	vsel vm4, $0x904, v11;
	v3 =	vsel vm3, $0x983, v3;
	v2 =	vsel vm2, $0xA02, v2  }
0x28: {  	v11 =	vsel vm3, $0x984, v11;
	v3 =	vsel vm2, $0xA03, v3;
	v2 =	vsel vm1, $0xA82, v2  }
0x29: {  	v11 =	vsel vm2, $0xA04, v11;
	v3 =	vsel vm1, $0xA83, v3;
	v2 =	vsel vm0, $0xB02, v2  }
0x2a: {  	v13 =	vsel vm1, $0xA84, v11;
	[tilespmem:$0x1FC90] =	vst v2;
	v2 =	vsel vm0, $0xB03, v3  }
0x2b: {  	[tilespmem:$0x1FCA0] =	vst v2;
	v2 =	vsel vm0, $0xB04, v13  }
0x2c: {  	[tilespmem:$0x1FCB0] =	vst v2;
	v2 =	vimm.s32 $0xB85  }
0x2d: {  	v3 =	vimm.s32 $0xB86;
	v2 =	vsel vm14, $0x5, v2  }
0x2e: {  	v14 =	vimm.s32 $0xB87;
	v3 =	vsel vm14, $0x6, v3;
	v2 =	vsel vm13, $0x85, v2  }
0x2f: {  	v14 =	vsel vm14, $0x7, v14;
	v3 =	vsel vm13, $0x86, v3;
	v2 =	vsel vm12, $0x105, v2  }
0x30: {  	v14 =	vsel vm13, $0x87, v14;
	v3 =	vsel vm12, $0x106, v3;
	v2 =	vsel vm11, $0x185, v2  }
0x31: {  	v14 =	vsel vm12, $0x107, v14;
	v3 =	vsel vm11, $0x186, v3;
	v2 =	vsel vm10, $0x205, v2  }
0x32: {  	v14 =	vsel vm11, $0x187, v14;
	v3 =	vsel vm10, $0x206, v3;
	v2 =	vsel vm9, $0x285, v2  }
0x33: {  	v14 =	vsel vm10, $0x207, v14;
	v3 =	vsel vm9, $0x286, v3;
	v2 =	vsel vm8, $0x305, v2  }
0x34: {  	v14 =	vsel vm9, $0x287, v14;
	v3 =	vsel vm8, $0x306, v3;
	v2 =	vsel vm7, $0x385, v2  }
0x35: {  	v14 =	vsel vm8, $0x307, v14;
	v3 =	vsel vm7, $0x386, v3;
	v2 =	vsel vm6, $0x805, v2  }
0x36: {  	v14 =	vsel vm7, $0x387, v14;
	v3 =	vsel vm6, $0x806, v3;
	v2 =	vsel vm5, $0x885, v2  }
0x37: {  	v14 =	vsel vm6, $0x807, v14;
	v3 =	vsel vm5, $0x886, v3;
	v2 =	vsel vm4, $0x905, v2  }
0x38: {  	v14 =	vsel vm5, $0x887, v14;
	v3 =	vsel vm4, $0x906, v3;
	v2 =	vsel vm3, $0x985, v2  }
0x39: {  	v14 =	vsel vm4, $0x907, v14;
	v3 =	vsel vm3, $0x986, v3;
	v2 =	vsel vm2, $0xA05, v2  }
0x3a: {  	v14 =	vsel vm3, $0x987, v14;
	v3 =	vsel vm2, $0xA06, v3;
	v2 =	vsel vm1, $0xA85, v2  }
0x3b: {  	v14 =	vsel vm2, $0xA07, v14;
	v3 =	vsel vm1, $0xA86, v3;
	v2 =	vsel vm0, $0xB05, v2  }
0x3c: {  	v16 =	vsel vm1, $0xA87, v14;
	[tilespmem:$0x1FCC0] =	vst v2;
	v2 =	vsel vm0, $0xB06, v3  }
0x3d: {  	[tilespmem:$0x1FCD0] =	vst v2;
	v2 =	vsel vm0, $0xB07, v16  }
0x3e: {  	[tilespmem:$0x1FCE0] =	vst v2;
	v2 =	vor.u32 $0x800, v0  }
0x3f: {  	[tilespmem:$0x1FCF0] =	vst v2;
	v2 =	vimm.s32 $0x1B80  }
0x40: {  	v3 =	vimm.s32 $0x1B81;
	v2 =	vsel vm14, $0x1000, v2  }
0x41: {  	v3 =	vsel vm14, $0x1001, v3;
	v2 =	vsel vm13, $0x1080, v2  }
0x42: {  	v3 =	vsel vm13, $0x1081, v3;
	v2 =	vsel vm12, $0x1100, v2  }
0x43: {  	v3 =	vsel vm12, $0x1101, v3;
	v2 =	vsel vm11, $0x1180, v2  }
0x44: {  	v3 =	vsel vm11, $0x1181, v3;
	v2 =	vsel vm10, $0x1200, v2  }
0x45: {  	v3 =	vsel vm10, $0x1201, v3;
	v2 =	vsel vm9, $0x1280, v2  }
0x46: {  	v3 =	vsel vm9, $0x1281, v3;
	v2 =	vsel vm8, $0x1300, v2  }
0x47: {  	v3 =	vsel vm8, $0x1301, v3;
	v2 =	vsel vm7, $0x1380, v2  }
0x48: {  	v3 =	vsel vm7, $0x1381, v3;
	v2 =	vsel vm6, $0x1800, v2  }
0x49: {  	v25 =	vimm.s32 $0x1B82;
	v3 =	vsel vm6, $0x1801, v3;
	v2 =	vsel vm5, $0x1880, v2  }
0x4a: {  	v25 =	vsel vm14, $0x1002, v25;
	v3 =	vsel vm5, $0x1881, v3;
	v2 =	vsel vm4, $0x1900, v2  }
0x4b: {  	v25 =	vsel vm13, $0x1082, v25;
	v3 =	vsel vm4, $0x1901, v3;
	v2 =	vsel vm3, $0x1980, v2  }
0x4c: {  	v25 =	vsel vm12, $0x1102, v25;
	v3 =	vsel vm3, $0x1981, v3;
	v2 =	vsel vm2, $0x1A00, v2  }
0x4d: {  	v25 =	vsel vm11, $0x1182, v25;
	v3 =	vsel vm2, $0x1A01, v3;
	v2 =	vsel vm1, $0x1A80, v2  }
0x4e: {  	v25 =	vsel vm10, $0x1202, v25;
	v3 =	vsel vm1, $0x1A81, v3;
	v2 =	vsel vm0, $0x1B00, v2  }
0x4f: {  	v27 =	vsel vm9, $0x1282, v25;
	[tilespmem:$0x1FD70] =	vst v2;
	v2 =	vsel vm0, $0x1B01, v3  }
0x50: {  	[tilespmem:$0x1FD80] =	vst v2;
	v2 =	vsel vm8, $0x1302, v27  }
0x51: {  	v2 =	vsel vm7, $0x1382, v2  }
0x52: {  	v3 =	vimm.s32 $0x1B83;
	v2 =	vsel vm6, $0x1802, v2  }
0x53: {  	v42 =	vimm.s32 $0x1B84;
	v3 =	vsel vm14, $0x1003, v3;
	v2 =	vsel vm5, $0x1882, v2  }
0x54: {  	v27 =	vsel vm14, $0x1004, v42;
	v3 =	vsel vm13, $0x1083, v3;
	v2 =	vsel vm4, $0x1902, v2  }
0x55: {  	v27 =	vsel vm13, $0x1084, v27;
	v3 =	vsel vm12, $0x1103, v3;
	v2 =	vsel vm3, $0x1982, v2  }
0x56: {  	v27 =	vsel vm12, $0x1104, v27;
	v3 =	vsel vm11, $0x1183, v3;
	v2 =	vsel vm2, $0x1A02, v2  }
0x57: {  	v27 =	vsel vm11, $0x1184, v27;
	v3 =	vsel vm10, $0x1203, v3;
	v2 =	vsel vm1, $0x1A82, v2  }
0x58: {  	v27 =	vsel vm10, $0x1204, v27;
	v3 =	vsel vm9, $0x1283, v3;
	v2 =	vsel vm0, $0x1B02, v2  }
0x59: {  	v28 =	vsel vm9, $0x1284, v27;
	[tilespmem:$0x1FD90] =	vst v2;
	v2 =	vsel vm8, $0x1303, v3  }
0x5a: {  	v3 =	vsel vm8, $0x1304, v28;
	v2 =	vsel vm7, $0x1383, v2  }
0x5b: {  	v3 =	vsel vm7, $0x1384, v3;
	v2 =	vsel vm6, $0x1803, v2  }
0x5c: {  	v43 =	vimm.s32 $0x1B85;
	v3 =	vsel vm6, $0x1804, v3;
	v2 =	vsel vm5, $0x1883, v2  }
0x5d: {  	v28 =	vsel vm14, $0x1005, v43;
	v3 =	vsel vm5, $0x1884, v3;
	v2 =	vsel vm4, $0x1903, v2  }
0x5e: {  	v28 =	vsel vm13, $0x1085, v28;
	v3 =	vsel vm4, $0x1904, v3;
	v2 =	vsel vm3, $0x1983, v2  }
0x5f: {  	v28 =	vsel vm12, $0x1105, v28;
	v3 =	vsel vm3, $0x1984, v3;
	v2 =	vsel vm2, $0x1A03, v2  }
0x60: {  	v28 =	vsel vm11, $0x1185, v28;
	v3 =	vsel vm2, $0x1A04, v3;
	v2 =	vsel vm1, $0x1A83, v2  }
0x61: {  	v28 =	vsel vm10, $0x1205, v28;
	v3 =	vsel vm1, $0x1A84, v3;
	v2 =	vsel vm0, $0x1B03, v2  }
0x62: {  	v30 =	vsel vm9, $0x1285, v28;
	[tilespmem:$0x1FDA0] =	vst v2;
	v2 =	vsel vm0, $0x1B04, v3  }
0x63: {  	[tilespmem:$0x1FDB0] =	vst v2;
	v2 =	vsel vm8, $0x1305, v30  }
0x64: {  	v2 =	vsel vm7, $0x1385, v2  }
0x65: {  	v3 =	vimm.s32 $0x1B86;
	v2 =	vsel vm6, $0x1805, v2  }
0x66: {  	v44 =	vimm.s32 $0x1B87;
	v3 =	vsel vm14, $0x1006, v3;
	v2 =	vsel vm5, $0x1885, v2  }
0x67: {  	v30 =	vsel vm14, $0x1007, v44;
	v3 =	vsel vm13, $0x1086, v3;
	v2 =	vsel vm4, $0x1905, v2  }
0x68: {  	v30 =	vsel vm13, $0x1087, v30;
	v3 =	vsel vm12, $0x1106, v3;
	v2 =	vsel vm3, $0x1985, v2  }
0x69: {  	v30 =	vsel vm12, $0x1107, v30;
	v3 =	vsel vm11, $0x1186, v3;
	v2 =	vsel vm2, $0x1A05, v2  }
0x6a: {  	v30 =	vsel vm11, $0x1187, v30;
	v3 =	vsel vm10, $0x1206, v3;
	v2 =	vsel vm1, $0x1A85, v2  }
0x6b: {  	v30 =	vsel vm10, $0x1207, v30;
	v3 =	vsel vm9, $0x1286, v3;
	v2 =	vsel vm0, $0x1B05, v2  }
0x6c: {  	v31 =	vsel vm9, $0x1287, v30;
	[tilespmem:$0x1FDC0] =	vst v2;
	v2 =	vsel vm8, $0x1306, v3  }
0x6d: {  	v3 =	vsel vm8, $0x1307, v31;
	v2 =	vsel vm7, $0x1386, v2  }
0x6e: {  	v3 =	vsel vm7, $0x1387, v3;
	v2 =	vsel vm6, $0x1806, v2  }
0x6f: {  	v45 =	vimm.s32 $0x2B80;
	v3 =	vsel vm6, $0x1807, v3;
	v2 =	vsel vm5, $0x1886, v2  }
0x70: {  	v31 =	vsel vm14, $0x2000, v45;
	v3 =	vsel vm5, $0x1887, v3;
	v2 =	vsel vm4, $0x1906, v2  }
0x71: {  	v31 =	vsel vm13, $0x2080, v31;
	v3 =	vsel vm4, $0x1907, v3;
	v2 =	vsel vm3, $0x1986, v2  }
0x72: {  	v31 =	vsel vm12, $0x2100, v31;
	v3 =	vsel vm3, $0x1987, v3;
	v2 =	vsel vm2, $0x1A06, v2  }
0x73: {  	v31 =	vsel vm11, $0x2180, v31;
	v3 =	vsel vm2, $0x1A07, v3;
	v2 =	vsel vm1, $0x1A86, v2  }
0x74: {  	v31 =	vsel vm10, $0x2200, v31;
	v3 =	vsel vm1, $0x1A87, v3;
	v2 =	vsel vm0, $0x1B06, v2  }
0x75: {  	v33 =	vsel vm9, $0x2280, v31;
	[tilespmem:$0x1FDD0] =	vst v2;
	v2 =	vsel vm0, $0x1B07, v3  }
0x76: {  	[tilespmem:$0x1FDE0] =	vst v2;
	v2 =	vsel vm8, $0x2300, v33  }
0x77: {  	v3 =	vor.u32 $0x1000, v0;
	v2 =	vsel vm7, $0x2380, v2  }
0x78: {  	[tilespmem:$0x1FDF0] =	vst v3;
	v3 =	vimm.s32 $0x2B81;
	v2 =	vsel vm6, $0x2800, v2  }
0x79: {  	v3 =	vsel vm14, $0x2001, v3;
	v2 =	vsel vm5, $0x2880, v2  }
0x7a: {  	v3 =	vsel vm13, $0x2081, v3;
	v2 =	vsel vm4, $0x2900, v2  }
0x7b: {  	v3 =	vsel vm12, $0x2101, v3;
	v2 =	vsel vm3, $0x2980, v2  }
0x7c: {  	v3 =	vsel vm11, $0x2181, v3;
	v2 =	vsel vm2, $0x2A00, v2  }
0x7d: {  	v3 =	vsel vm10, $0x2201, v3;
	v2 =	vsel vm1, $0x2A80, v2  }
0x7e: {  	v3 =	vsel vm9, $0x2281, v3;
	v2 =	vsel vm0, $0x2B00, v2  }
0x7f: {  	[tilespmem:$0x1FE70] =	vst v2;
	v2 =	vsel vm8, $0x2301, v3  }
0x80: {  	v2 =	vsel vm7, $0x2381, v2  }
0x81: {  	v3 =	vimm.s32 $0x2B82;
	v2 =	vsel vm6, $0x2801, v2  }
0x82: {  	v42 =	vimm.s32 $0x2B83;
	v3 =	vsel vm14, $0x2002, v3;
	v2 =	vsel vm5, $0x2881, v2  }
0x83: {  	v42 =	vsel vm14, $0x2003, v42;
	v3 =	vsel vm13, $0x2082, v3;
	v2 =	vsel vm4, $0x2901, v2  }
0x84: {  	v42 =	vsel vm13, $0x2083, v42;
	v3 =	vsel vm12, $0x2102, v3;
	v2 =	vsel vm3, $0x2981, v2  }
0x85: {  	v42 =	vsel vm12, $0x2103, v42;
	v3 =	vsel vm11, $0x2182, v3;
	v2 =	vsel vm2, $0x2A01, v2  }
0x86: {  	v42 =	vsel vm11, $0x2183, v42;
	v3 =	vsel vm10, $0x2202, v3;
	v2 =	vsel vm1, $0x2A81, v2  }
0x87: {  	v42 =	vsel vm10, $0x2203, v42;
	v3 =	vsel vm9, $0x2282, v3;
	v2 =	vsel vm0, $0x2B01, v2  }
0x88: {  	v43 =	vsel vm9, $0x2283, v42;
	[tilespmem:$0x1FE80] =	vst v2;
	v2 =	vsel vm8, $0x2302, v3  }
0x89: {  	v3 =	vsel vm8, $0x2303, v43;
	v2 =	vsel vm7, $0x2382, v2  }
0x8a: {  	v3 =	vsel vm7, $0x2383, v3;
	v2 =	vsel vm6, $0x2802, v2  }
0x8b: {  	v53 =	vimm.s32 $0x2B84;
	v3 =	vsel vm6, $0x2803, v3;
	v2 =	vsel vm5, $0x2882, v2  }
0x8c: {  	v43 =	vsel vm14, $0x2004, v53;
	v3 =	vsel vm5, $0x2883, v3;
	v2 =	vsel vm4, $0x2902, v2  }
0x8d: {  	v43 =	vsel vm13, $0x2084, v43;
	v3 =	vsel vm4, $0x2903, v3;
	v2 =	vsel vm3, $0x2982, v2  }
0x8e: {  	v43 =	vsel vm12, $0x2104, v43;
	v3 =	vsel vm3, $0x2983, v3;
	v2 =	vsel vm2, $0x2A02, v2  }
0x8f: {  	v43 =	vsel vm11, $0x2184, v43;
	v3 =	vsel vm2, $0x2A03, v3;
	v2 =	vsel vm1, $0x2A82, v2  }
0x90: {  	v43 =	vsel vm10, $0x2204, v43;
	v3 =	vsel vm1, $0x2A83, v3;
	v2 =	vsel vm0, $0x2B02, v2  }
0x91: {  	v45 =	vsel vm9, $0x2284, v43;
	[tilespmem:$0x1FE90] =	vst v2;
	v2 =	vsel vm0, $0x2B03, v3  }
0x92: {  	[tilespmem:$0x1FEA0] =	vst v2;
	v2 =	vsel vm8, $0x2304, v45  }
0x93: {  	v2 =	vsel vm7, $0x2384, v2  }
0x94: {  	v54 =	vimm.s32 $0x2B86;
	v3 =	vimm.s32 $0x2B85;
	v2 =	vsel vm6, $0x2804, v2  }
0x95: {  	v46 =	vor.u32 $0x1001, v0;
	v3 =	vsel vm14, $0x2005, v3;
	v2 =	vsel vm5, $0x2884, v2  }
0x96: {  	v45 =	vsel vm14, $0x2006, v54;
	v3 =	vsel vm13, $0x2085, v3;
	v2 =	vsel vm4, $0x2904, v2  }
0x97: {  	v45 =	vsel vm13, $0x2086, v45;
	v3 =	vsel vm12, $0x2105, v3;
	v2 =	vsel vm3, $0x2984, v2  }
0x98: {  	v45 =	vsel vm12, $0x2106, v45;
	v3 =	vsel vm11, $0x2185, v3;
	v2 =	vsel vm2, $0x2A04, v2  }
0x99: {  	v45 =	vsel vm11, $0x2186, v45;
	v3 =	vsel vm10, $0x2205, v3;
	v2 =	vsel vm1, $0x2A84, v2  }
0x9a: {  	[tilespmem:$0x1FE00] =	vst v46;
	v45 =	vsel vm10, $0x2206, v45;
	v3 =	vsel vm9, $0x2285, v3;
	v2 =	vsel vm0, $0x2B04, v2  }
0x9b: {  	v46 =	vsel vm9, $0x2286, v45;
	[tilespmem:$0x1FEB0] =	vst v2;
	v2 =	vsel vm8, $0x2305, v3  }
0x9c: {  	v3 =	vsel vm8, $0x2306, v46;
	v2 =	vsel vm7, $0x2385, v2  }
0x9d: {  	v55 =	vimm.s32 $0x2B87;
	v3 =	vsel vm7, $0x2386, v3;
	v2 =	vsel vm6, $0x2805, v2  }
0x9e: {  	v48 =	vor.u32 $0x1003, v0;
	v3 =	vsel vm6, $0x2806, v3;
	v2 =	vsel vm5, $0x2885, v2  }
0x9f: {  	v46 =	vsel vm14, $0x2007, v55;
	v3 =	vsel vm5, $0x2886, v3;
	v2 =	vsel vm4, $0x2905, v2  }
0xa0: {  	v46 =	vsel vm13, $0x2087, v46;
	v3 =	vsel vm4, $0x2906, v3;
	v2 =	vsel vm3, $0x2985, v2  }
0xa1: {  	v46 =	vsel vm12, $0x2107, v46;
	v3 =	vsel vm3, $0x2986, v3;
	v2 =	vsel vm2, $0x2A05, v2  }
0xa2: {  	v46 =	vsel vm11, $0x2187, v46;
	v3 =	vsel vm2, $0x2A06, v3;
	v2 =	vsel vm1, $0x2A85, v2  }
0xa3: {  	[tilespmem:$0x1FE20] =	vst v48;
	v46 =	vsel vm10, $0x2207, v46;
	v3 =	vsel vm1, $0x2A86, v3;
	v2 =	vsel vm0, $0x2B05, v2  }
0xa4: {  	v48 =	vsel vm9, $0x2287, v46;
	[tilespmem:$0x1FEC0] =	vst v2;
	v2 =	vsel vm0, $0x2B06, v3  }
0xa5: {  	[tilespmem:$0x1FED0] =	vst v2;
	v2 =	vsel vm8, $0x2307, v48  }
0xa6: {  	v2 =	vsel vm7, $0x2387, v2  }
0xa7: {  	v56 =	vimm.s32 $0x3B81;
	v3 =	vimm.s32 $0x3B80;
	v2 =	vsel vm6, $0x2807, v2  }
0xa8: {  	v49 =	vor.u32 $0x1004, v0;
	v3 =	vsel vm14, $0x3000, v3;
	v2 =	vsel vm5, $0x2887, v2  }
0xa9: {  	v48 =	vsel vm14, $0x3001, v56;
	v3 =	vsel vm13, $0x3080, v3;
	v2 =	vsel vm4, $0x2907, v2  }
0xaa: {  	v48 =	vsel vm13, $0x3081, v48;
	v3 =	vsel vm12, $0x3100, v3;
	v2 =	vsel vm3, $0x2987, v2  }
0xab: {  	v48 =	vsel vm12, $0x3101, v48;
	v3 =	vsel vm11, $0x3180, v3;
	v2 =	vsel vm2, $0x2A07, v2  }
0xac: {  	v48 =	vsel vm11, $0x3181, v48;
	v3 =	vsel vm10, $0x3200, v3;
	v2 =	vsel vm1, $0x2A87, v2  }
0xad: {  	[tilespmem:$0x1FE30] =	vst v49;
	v48 =	vsel vm10, $0x3201, v48;
	v3 =	vsel vm9, $0x3280, v3;
	v2 =	vsel vm0, $0x2B07, v2  }
0xae: {  	v49 =	vsel vm9, $0x3281, v48;
	[tilespmem:$0x1FEE0] =	vst v2;
	v2 =	vsel vm8, $0x3300, v3  }
0xaf: {  	v3 =	vsel vm8, $0x3301, v49;
	v2 =	vsel vm7, $0x3380, v2  }
0xb0: {  	v3 =	vsel vm7, $0x3381, v3;
	v2 =	vsel vm6, $0x3800, v2  }
0xb1: {  	v3 =	vsel vm6, $0x3801, v3;
	v2 =	vsel vm5, $0x3880, v2  }
0xb2: {  	v3 =	vsel vm5, $0x3881, v3;
	v2 =	vsel vm4, $0x3900, v2  }
0xb3: {  	v4 =	vor.u32 $0x7, v0;
	v3 =	vsel vm4, $0x3901, v3;
	v2 =	vsel vm3, $0x3980, v2  }
0xb4: {  	v35 =	vor.u32 $0x801, v0;
	v3 =	vsel vm3, $0x3981, v3;
	v2 =	vsel vm2, $0x3A00, v2  }
0xb5: {  	v36 =	vor.u32 $0x802, v0;
	v3 =	vsel vm2, $0x3A01, v3;
	v2 =	vsel vm1, $0x3A80, v2  }
0xb6: {  	v37 =	vor.u32 $0x803, v0;
	v3 =	vsel vm1, $0x3A81, v3;
	v2 =	vsel vm0, $0x3B00, v2  }
0xb7: {  	v38 =	vor.u32 $0x804, v0;
	v39 =	vor.u32 $0x805, v0;
	[tilespmem:$0x1FF60] =	vst v2;
	v2 =	vsel vm0, $0x3B01, v3  }
0xb8: {  	v40 =	vor.u32 $0x806, v0;
	v41 =	vor.u32 $0x807, v0;
	[tilespmem:$0x1FF70] =	vst v2;
	v2 =	vimm.s32 $0x3B82  }
0xb9: {  	v47 =	vor.u32 $0x1002, v0;
	v58 =	vor.u32 $0x1801, v0;
	v2 =	vsel vm14, $0x3002, v2  }
0xba: {  	v59 =	vor.u32 $0x1802, v0;
	v3 =	vimm.s32 $0x3B83;
	v2 =	vsel vm13, $0x3082, v2  }
0xbb: {  	[tilespmem:$0x1FF00] =	vst v58;
	v58 =	vimm.s32 $0x3B84;
	v3 =	vsel vm14, $0x3003, v3;
	v2 =	vsel vm12, $0x3102, v2  }
0xbc: {  	v58 =	vsel vm14, $0x3004, v58;
	v3 =	vsel vm13, $0x3083, v3;
	v2 =	vsel vm11, $0x3182, v2  }
0xbd: {  	v58 =	vsel vm13, $0x3084, v58;
	v3 =	vsel vm12, $0x3103, v3;
	v2 =	vsel vm10, $0x3202, v2  }
0xbe: {  	v58 =	vsel vm12, $0x3104, v58;
	v3 =	vsel vm11, $0x3183, v3;
	v2 =	vsel vm9, $0x3282, v2  }
0xbf: {  	v58 =	vsel vm11, $0x3184, v58;
	v3 =	vsel vm10, $0x3203, v3;
	v2 =	vsel vm8, $0x3302, v2  }
0xc0: {  	v58 =	vsel vm10, $0x3204, v58;
	v3 =	vsel vm9, $0x3283, v3;
	v2 =	vsel vm7, $0x3382, v2  }
0xc1: {  	v58 =	vsel vm9, $0x3284, v58;
	v3 =	vsel vm8, $0x3303, v3;
	v2 =	vsel vm6, $0x3802, v2  }
0xc2: {  	v58 =	vsel vm8, $0x3304, v58;
	v3 =	vsel vm7, $0x3383, v3;
	v2 =	vsel vm5, $0x3882, v2  }
0xc3: {  	v58 =	vsel vm7, $0x3384, v58;
	v3 =	vsel vm6, $0x3803, v3;
	v2 =	vsel vm4, $0x3902, v2  }
0xc4: {  	v58 =	vsel vm6, $0x3804, v58;
	v3 =	vsel vm5, $0x3883, v3;
	v2 =	vsel vm3, $0x3982, v2  }
0xc5: {  	[tilespmem:$0x1FC60] =	vst v4;
	v58 =	vsel vm5, $0x3884, v58;
	v3 =	vsel vm4, $0x3903, v3;
	v2 =	vsel vm2, $0x3A02, v2  }
0xc6: {  	[tilespmem:$0x1FD00] =	vst v35;
	v58 =	vsel vm4, $0x3904, v58;
	v3 =	vsel vm3, $0x3983, v3;
	v2 =	vsel vm1, $0x3A82, v2  }
0xc7: {  	[tilespmem:$0x1FF10] =	vst v59;
	v58 =	vsel vm3, $0x3984, v58;
	v3 =	vsel vm2, $0x3A03, v3;
	v2 =	vsel vm0, $0x3B02, v2  }
0xc8: {  	v50 =	vor.u32 $0x1005, v0;
	v59 =	vsel vm2, $0x3A04, v58;
	[tilespmem:$0x1FF80] =	vst v2;
	v2 =	vsel vm1, $0x3A83, v3  }
0xc9: {  	v51 =	vor.u32 $0x1006, v0;
	[tilespmem:$0x1FD10] =	vst v36;
	v3 =	vsel vm1, $0x3A84, v59;
	v2 =	vsel vm0, $0x3B03, v2  }
0xca: {  	v52 =	vor.u32 $0x1007, v0;
	v57 =	vor.u32 $0x1800, v0;
	[tilespmem:$0x1FF90] =	vst v2;
	v2 =	vsel vm0, $0x3B04, v3  }
0xcb: {  	v60 =	vor.u32 $0x1803, v0;
	v61 =	vor.u32 $0x1804, v0;
	[tilespmem:$0x1FFA0] =	vst v2;
	v2 =	vimm.s32 $0x3B85  }
0xcc: {  	v62 =	vor.u32 $0x1805, v0;
	v63 =	vor.u32 $0x1806, v0;
	[tilespmem:$0x1FD20] =	vst v37;
	v2 =	vsel vm14, $0x3005, v2  }
0xcd: {  	[tilespmem:$0x1FF30] =	vst v61;
	v61 =	vimm.s32 $0x3B87;
	v3 =	vimm.s32 $0x3B86;
	v2 =	vsel vm13, $0x3085, v2  }
0xce: {  	[tilespmem:$0x1FD30] =	vst v38;
	v61 =	vsel vm14, $0x3007, v61;
	v3 =	vsel vm14, $0x3006, v3;
	v2 =	vsel vm12, $0x3105, v2  }
0xcf: {  	s6 =	rddreg [dreg:$0x0];
	[tilespmem:$0x1FD40] =	vst v39;
	v61 =	vsel vm13, $0x3087, v61;
	v3 =	vsel vm13, $0x3086, v3;
	v2 =	vsel vm11, $0x3185, v2  }
0xd0: {  	s3 =	rddreg [dreg:$0x1];
	[tilespmem:$0x1FD50] =	vst v40;
	v61 =	vsel vm12, $0x3107, v61;
	v3 =	vsel vm12, $0x3106, v3;
	v2 =	vsel vm10, $0x3205, v2  }
0xd1: {  	s7 =	rddreg [dreg:$0x2];
	[tilespmem:$0x1FD60] =	vst v41;
	v61 =	vsel vm11, $0x3187, v61;
	v3 =	vsel vm11, $0x3186, v3;
	v2 =	vsel vm9, $0x3285, v2  }
0xd2: {  	s0 =	rddreg [dreg:$0x3];
	[tilespmem:$0x1FE10] =	vst v47;
	v61 =	vsel vm10, $0x3207, v61;
	v3 =	vsel vm10, $0x3206, v3;
	v2 =	vsel vm8, $0x3305, v2  }
0xd3: {  	s1 =	simm.s32 $0x0;
	s4 =	srdreg.scid;
	s2 =	stileid.u32;
	[tilespmem:$0x1FE40] =	vst v50;
	v61 =	vsel vm9, $0x3287, v61;
	v3 =	vsel vm9, $0x3286, v3;
	v2 =	vsel vm7, $0x3385, v2  }
0xd4: {  	s12 =	simm.s32 $0x4000;
	s13 =	simm.s32 $0x1;
	s14 =	simm.s32 $0x5;
	[tilespmem:$0x1FE50] =	vst v51;
	v61 =	vsel vm8, $0x3307, v61;
	v3 =	vsel vm8, $0x3306, v3;
	v2 =	vsel vm6, $0x3805, v2  }
0xd5: {  	s15 =	simm.s32 $0x4080;
	s16 =	simm.s32 $0x6;
	s17 =	simm.s32 $0x8080;
	[tilespmem:$0x1FE60] =	vst v52;
	v61 =	vsel vm7, $0x3387, v61;
	v3 =	vsel vm7, $0x3386, v3;
	v2 =	vsel vm5, $0x3885, v2  }
0xd6: {  	s18 =	simm.s32 $0xC080;
	s19 =	simm.s32 $0x4;
	s20 =	simm.s32 $0x10080;
	[tilespmem:$0x1FEF0] =	vst v57;
	v61 =	vsel vm6, $0x3807, v61;
	v3 =	vsel vm6, $0x3806, v3;
	v2 =	vsel vm4, $0x3905, v2  }
0xd7: {  	s21 =	simm.s32 $0x2;
	s22 =	simm.s32 $0x3;
	s23 =	simm.s32 $0x0;
	[tilespmem:$0x1FF20] =	vst v60;
	v61 =	vsel vm5, $0x3887, v61;
	v3 =	vsel vm5, $0x3886, v3;
	v2 =	vsel vm3, $0x3985, v2  }
0xd8: {  	[smem:$0x7FF] =	sst s1;
	s4 =	sand.u32 $0x1, s4;
	s8 =	sshll.u32 s2, $0x12;
	[tilespmem:$0x1FF40] =	vst v62;
	v61 =	vsel vm4, $0x3907, v61;
	v3 =	vsel vm4, $0x3906, v3;
	v2 =	vsel vm2, $0x3A05, v2  }
0xd9: {  	s3 =	sadd.s32 $0x400, s3;
	s5 =	ssub.s32 $0x2, s4;
	s9 =	sshll.u32 s4, $0x11;
	[tilespmem:$0x1FF50] =	vst v63;
	v61 =	vsel vm3, $0x3987, v61;
	v3 =	vsel vm3, $0x3986, v3;
	v2 =	vsel vm1, $0x3A85, v2  }
.Ltmp0:
0xda: {  	s7 =	sadd.s32 s8, s7;
	_ =	strace $0x80000047;
	[tilespmem:$0x1FFE0] =	vst v0;
	v3 =	vsel vm2, $0x3A06, v3;
	v2 =	vsel vm0, $0x3B05, v2;
	(pc) =	sbr.rel .LBB2_1-.Ltmp0, $4  }
0xdb: {  	s31 =	sshrl.u32 s5, $0x1;
	s10 =	sor.u32 s9, s8;
	s8 =	sadd.s32 s8, s6;
	v62 =	vsel vm2, $0x3A07, v61;
	v0 =	vor.u32 $0x1807, v0;
	[tilespmem:$0x1FFB0] =	vst v2;
	v2 =	vsel vm1, $0x3A86, v3  }
0xdc: {  	s7 =	sadd.s32 s9, s7;
	s11 =	ssub.s32 s5, s31;
	s4 =	sadd.s32 s6, s10;
	[tilespmem:$0x1FFF0] =	vst v0;
	v3 =	vsel vm1, $0x3A87, v62;
	v2 =	vsel vm0, $0x3B06, v2  }
0xdd: {  	s8 =	sadd.s32 s9, s8;
	s9 =	simm.s32 $0x400;
	s10 =	simm.s32 $0x800;
	[tilespmem:$0x1FFC0] =	vst v2;
	v2 =	vsel vm0, $0x3B07, v3  }
0xde: {  	v1 =	vimm.f32 $0.0e+00;
	s5 =	sadd.s32 $0x800, s4;
	s6 =	smax.u32 s11, $0x1;
	s11 =	simm.s32 $0x2000;
	[tilespmem:$0x1FFD0] =	vst v2  }
.LBB2_10:
0xdf: {  	_ =	swait.ge [sflag:s13], $0x4000  }
0xe0: {  	[sflag:s13] =	ssyncset.done $0x0  }
0xe1: {  	[sflag:s13] =	ssyncadd.s32 $0xFFFFC000  }
0xe2: {  	_ =	swait.ge [sflag:s21], $0x4000  }
0xe3: {  	[sflag:s21] =	ssyncset.done $0x0  }
0xe4: {  	s23 =	sadd.s32 $0x1, s23;
	[sflag:s21] =	ssyncadd.s32 $0xFFFFC000  }
0xe5: {  	p0 =	sne.s32 s23, s6;
	_ =	swait.ge [sflag:s22], $0x4000  }
.Ltmp1:
0xe6: {  	[sflag:s22] =	ssyncset.done $0x0;
	(pc) =	sbr.rel @!p0 .LBB2_11-.Ltmp1, $4  }
0xe7: {  	[sflag:s22] =	ssyncadd.s32 $0xFFFFC000  }
0xe8: {  	_ =	swait.ge [sflag:s19], $0x4000  }
0xe9: {  	[sflag:s19] =	ssyncset.done $0x0  }
0xea: {  	[sflag:s19] =	ssyncadd.s32 $0xFFFFC000  }
.LBB2_1:
0xeb: {  	[tilespmem:s1], [sflag:$0x5] =	stream.strided.gather [hbm4b:s4+s9], $0x2000, s10, s9, $0x38;
	[tilespmem:$0x14080] =	vst v63  }
0xec: {  	s24 =	sand.u32 $0x3800, s1;
	s25 =	sand.u32 $0x380, s1  }
0xed: {  	[tilespmem:s11], [sflag:$0x6] =	stream.strided.gather [hbm4b:s5+s9], $0x2000, s10, s9, $0x38;
	[tilespmem:$0x14080] =	vst v63  }
0xee: {  	s24 =	sor.u32 s25, s24  }
0xef: {  	[tilespmem:s12], [sflag:$0x1] =	stream.linear.gather [hbm4b:s3+s1], $0x80, $0x38;
	[tilespmem:$0x14080] =	vst v63  }
0xf0: {  	[tilespmem:s24+$0x104F0] =	vst v1  }
0xf1: {  	[tilespmem:s24+$0x4080] =	vst v1  }
0xf2: {  	[tilespmem:s24+$0x8080] =	vst v1  }
0xf3: {  	[tilespmem:s24+$0xC080] =	vst v1  }
0xf4: {  	[tilespmem:s24+$0x10080] =	vst v1  }
0xf5: {  	[tilespmem:s24+$0x4090] =	vst v1  }
0xf6: {  	[tilespmem:s24+$0x8090] =	vst v1  }
0xf7: {  	[tilespmem:s24+$0xC090] =	vst v1  }
0xf8: {  	[tilespmem:s24+$0x10090] =	vst v1  }
0xf9: {  	[tilespmem:s24+$0x40A0] =	vst v1  }
0xfa: {  	[tilespmem:s24+$0x80A0] =	vst v1  }
0xfb: {  	[tilespmem:s24+$0xC0A0] =	vst v1  }
0xfc: {  	[tilespmem:s24+$0x100A0] =	vst v1  }
0xfd: {  	[tilespmem:s24+$0x40B0] =	vst v1  }
0xfe: {  	[tilespmem:s24+$0x80B0] =	vst v1  }
0xff: {  	[tilespmem:s24+$0xC0B0] =	vst v1  }
0x100: {  	[tilespmem:s24+$0x100B0] =	vst v1  }
0x101: {  	[tilespmem:s24+$0x40C0] =	vst v1  }
0x102: {  	[tilespmem:s24+$0x80C0] =	vst v1  }
0x103: {  	[tilespmem:s24+$0xC0C0] =	vst v1  }
0x104: {  	[tilespmem:s24+$0x100C0] =	vst v1  }
0x105: {  	[tilespmem:s24+$0x40D0] =	vst v1  }
0x106: {  	[tilespmem:s24+$0x80D0] =	vst v1  }
0x107: {  	[tilespmem:s24+$0xC0D0] =	vst v1  }
0x108: {  	[tilespmem:s24+$0x100D0] =	vst v1  }
0x109: {  	[tilespmem:s24+$0x40E0] =	vst v1  }
0x10a: {  	[tilespmem:s24+$0x80E0] =	vst v1  }
0x10b: {  	[tilespmem:s24+$0xC0E0] =	vst v1  }
0x10c: {  	[tilespmem:s24+$0x100E0] =	vst v1  }
0x10d: {  	[tilespmem:s24+$0x40F0] =	vst v1  }
0x10e: {  	[tilespmem:s24+$0x80F0] =	vst v1  }
0x10f: {  	[tilespmem:s24+$0xC0F0] =	vst v1  }
0x110: {  	[tilespmem:s24+$0x100F0] =	vst v1  }
0x111: {  	[tilespmem:s24+$0x4480] =	vst v1  }
0x112: {  	[tilespmem:s24+$0x8480] =	vst v1  }
0x113: {  	[tilespmem:s24+$0xC480] =	vst v1  }
0x114: {  	[tilespmem:s24+$0x10480] =	vst v1  }
0x115: {  	[tilespmem:s24+$0x4490] =	vst v1  }
0x116: {  	[tilespmem:s24+$0x8490] =	vst v1  }
0x117: {  	[tilespmem:s24+$0xC490] =	vst v1  }
0x118: {  	[tilespmem:s24+$0x10490] =	vst v1  }
0x119: {  	[tilespmem:s24+$0x44A0] =	vst v1  }
0x11a: {  	[tilespmem:s24+$0x84A0] =	vst v1  }
0x11b: {  	[tilespmem:s24+$0xC4A0] =	vst v1  }
0x11c: {  	[tilespmem:s24+$0x104A0] =	vst v1  }
0x11d: {  	[tilespmem:s24+$0x44B0] =	vst v1  }
0x11e: {  	[tilespmem:s24+$0x84B0] =	vst v1  }
0x11f: {  	[tilespmem:s24+$0xC4B0] =	vst v1  }
0x120: {  	[tilespmem:s24+$0x104B0] =	vst v1  }
0x121: {  	[tilespmem:s24+$0x44C0] =	vst v1  }
0x122: {  	[tilespmem:s24+$0x84C0] =	vst v1  }
0x123: {  	[tilespmem:s24+$0xC4C0] =	vst v1  }
0x124: {  	[tilespmem:s24+$0x104C0] =	vst v1  }
0x125: {  	[tilespmem:s24+$0x44D0] =	vst v1  }
0x126: {  	[tilespmem:s24+$0x84D0] =	vst v1  }
0x127: {  	[tilespmem:s24+$0xC4D0] =	vst v1  }
0x128: {  	[tilespmem:s24+$0x104D0] =	vst v1  }
0x129: {  	[tilespmem:s24+$0x44E0] =	vst v1  }
0x12a: {  	[tilespmem:s24+$0x84E0] =	vst v1  }
0x12b: {  	[tilespmem:s24+$0xC4E0] =	vst v1  }
0x12c: {  	[tilespmem:s24+$0x104E0] =	vst v1  }
0x12d: {  	s26 =	simm.s32 $0x100;
	s25 =	simm.s32 $0x80;
	[tilespmem:s24+$0x44F0] =	vst v1  }
0x12e: {  	s28 =	sand.u32 $0x3800, s26;
	s26 =	simm.s32 $0x200;
	s29 =	sand.u32 $0x380, s25;
	[tilespmem:s24+$0x84F0] =	vst v1  }
.LBB2_2:
0x12f: {  	p0 =	sne.s32 s26, $0x3F00;
	[tilespmem:s24+$0xC4F0] =	vst v1;
	s24 =	sor.u32 s29, s28  }
0x130: {  	[tilespmem:s24+$0x104F0] =	vst v1  }
0x131: {  	[tilespmem:s24+$0x4080] =	vst v1  }
0x132: {  	[tilespmem:s24+$0x8080] =	vst v1  }
0x133: {  	[tilespmem:s24+$0xC080] =	vst v1  }
0x134: {  	[tilespmem:s24+$0x10080] =	vst v1  }
0x135: {  	[tilespmem:s24+$0x4090] =	vst v1  }
0x136: {  	[tilespmem:s24+$0x8090] =	vst v1  }
0x137: {  	[tilespmem:s24+$0xC090] =	vst v1  }
0x138: {  	[tilespmem:s24+$0x10090] =	vst v1  }
0x139: {  	[tilespmem:s24+$0x40A0] =	vst v1  }
0x13a: {  	[tilespmem:s24+$0x80A0] =	vst v1  }
0x13b: {  	[tilespmem:s24+$0xC0A0] =	vst v1  }
0x13c: {  	[tilespmem:s24+$0x100A0] =	vst v1  }
0x13d: {  	[tilespmem:s24+$0x40B0] =	vst v1  }
0x13e: {  	[tilespmem:s24+$0x80B0] =	vst v1  }
0x13f: {  	[tilespmem:s24+$0xC0B0] =	vst v1  }
0x140: {  	[tilespmem:s24+$0x100B0] =	vst v1  }
0x141: {  	[tilespmem:s24+$0x40C0] =	vst v1  }
0x142: {  	[tilespmem:s24+$0x80C0] =	vst v1  }
0x143: {  	[tilespmem:s24+$0xC0C0] =	vst v1  }
0x144: {  	[tilespmem:s24+$0x100C0] =	vst v1  }
0x145: {  	[tilespmem:s24+$0x40D0] =	vst v1  }
0x146: {  	[tilespmem:s24+$0x80D0] =	vst v1  }
0x147: {  	[tilespmem:s24+$0xC0D0] =	vst v1  }
0x148: {  	[tilespmem:s24+$0x100D0] =	vst v1  }
0x149: {  	[tilespmem:s24+$0x40E0] =	vst v1  }
0x14a: {  	[tilespmem:s24+$0x80E0] =	vst v1  }
0x14b: {  	[tilespmem:s24+$0xC0E0] =	vst v1  }
0x14c: {  	[tilespmem:s24+$0x100E0] =	vst v1  }
0x14d: {  	[tilespmem:s24+$0x40F0] =	vst v1  }
0x14e: {  	[tilespmem:s24+$0x80F0] =	vst v1  }
0x14f: {  	[tilespmem:s24+$0xC0F0] =	vst v1  }
0x150: {  	[tilespmem:s24+$0x100F0] =	vst v1  }
0x151: {  	[tilespmem:s24+$0x4480] =	vst v1  }
0x152: {  	[tilespmem:s24+$0x8480] =	vst v1  }
0x153: {  	[tilespmem:s24+$0xC480] =	vst v1  }
0x154: {  	[tilespmem:s24+$0x10480] =	vst v1  }
0x155: {  	[tilespmem:s24+$0x4490] =	vst v1  }
0x156: {  	[tilespmem:s24+$0x8490] =	vst v1  }
0x157: {  	[tilespmem:s24+$0xC490] =	vst v1  }
0x158: {  	[tilespmem:s24+$0x10490] =	vst v1  }
0x159: {  	[tilespmem:s24+$0x44A0] =	vst v1  }
0x15a: {  	[tilespmem:s24+$0x84A0] =	vst v1  }
0x15b: {  	[tilespmem:s24+$0xC4A0] =	vst v1  }
0x15c: {  	[tilespmem:s24+$0x104A0] =	vst v1  }
0x15d: {  	[tilespmem:s24+$0x44B0] =	vst v1  }
0x15e: {  	[tilespmem:s24+$0x84B0] =	vst v1  }
0x15f: {  	[tilespmem:s24+$0xC4B0] =	vst v1  }
0x160: {  	[tilespmem:s24+$0x104B0] =	vst v1  }
0x161: {  	[tilespmem:s24+$0x44C0] =	vst v1  }
0x162: {  	[tilespmem:s24+$0x84C0] =	vst v1  }
0x163: {  	[tilespmem:s24+$0xC4C0] =	vst v1  }
0x164: {  	[tilespmem:s24+$0x104C0] =	vst v1  }
0x165: {  	[tilespmem:s24+$0x44D0] =	vst v1  }
0x166: {  	[tilespmem:s24+$0x84D0] =	vst v1  }
0x167: {  	[tilespmem:s24+$0xC4D0] =	vst v1  }
0x168: {  	[tilespmem:s24+$0x104D0] =	vst v1  }
0x169: {  	[tilespmem:s24+$0x44E0] =	vst v1  }
.Ltmp2:
0x16a: {  	[tilespmem:s24+$0x84E0] =	vst v1;
	(pc) =	sbr.rel @p0 .LBB2_2-.Ltmp2, $4  }
0x16b: {  	[tilespmem:s24+$0xC4E0] =	vst v1  }
0x16c: {  	[tilespmem:s24+$0x104E0] =	vst v1  }
0x16d: {  	s25 =	sadd.s32 $0x80, s25;
	[tilespmem:s24+$0x44F0] =	vst v1  }
0x16e: {  	s28 =	sand.u32 $0x3800, s26;
	s26 =	sadd.s32 $0x100, s26;
	s29 =	sand.u32 $0x380, s25;
	[tilespmem:s24+$0x84F0] =	vst v1  }
0x16f: {  	s25 =	sor.u32 s29, s28;
	[tilespmem:s24+$0xC4F0] =	vst v1  }
0x170: {  	[tilespmem:s25+$0x104F0] =	vst v1  }
0x171: {  	[tilespmem:s25+$0x4080] =	vst v1  }
0x172: {  	[tilespmem:s25+$0x8080] =	vst v1  }
0x173: {  	[tilespmem:s25+$0xC080] =	vst v1  }
0x174: {  	[tilespmem:s25+$0x10080] =	vst v1  }
0x175: {  	[tilespmem:s25+$0x4090] =	vst v1  }
0x176: {  	[tilespmem:s25+$0x8090] =	vst v1  }
0x177: {  	[tilespmem:s25+$0xC090] =	vst v1  }
0x178: {  	[tilespmem:s25+$0x10090] =	vst v1  }
0x179: {  	[tilespmem:s25+$0x40A0] =	vst v1  }
0x17a: {  	[tilespmem:s25+$0x80A0] =	vst v1  }
0x17b: {  	[tilespmem:s25+$0xC0A0] =	vst v1  }
0x17c: {  	[tilespmem:s25+$0x100A0] =	vst v1  }
0x17d: {  	[tilespmem:s25+$0x40B0] =	vst v1  }
0x17e: {  	[tilespmem:s25+$0x80B0] =	vst v1  }
0x17f: {  	[tilespmem:s25+$0xC0B0] =	vst v1  }
0x180: {  	[tilespmem:s25+$0x100B0] =	vst v1  }
0x181: {  	[tilespmem:s25+$0x40C0] =	vst v1  }
0x182: {  	[tilespmem:s25+$0x80C0] =	vst v1  }
0x183: {  	[tilespmem:s25+$0xC0C0] =	vst v1  }
0x184: {  	[tilespmem:s25+$0x100C0] =	vst v1  }
0x185: {  	[tilespmem:s25+$0x40D0] =	vst v1  }
0x186: {  	[tilespmem:s25+$0x80D0] =	vst v1  }
0x187: {  	[tilespmem:s25+$0xC0D0] =	vst v1  }
0x188: {  	[tilespmem:s25+$0x100D0] =	vst v1  }
0x189: {  	[tilespmem:s25+$0x40E0] =	vst v1  }
0x18a: {  	[tilespmem:s25+$0x80E0] =	vst v1  }
0x18b: {  	[tilespmem:s25+$0xC0E0] =	vst v1  }
0x18c: {  	[tilespmem:s25+$0x100E0] =	vst v1  }
0x18d: {  	[tilespmem:s25+$0x40F0] =	vst v1  }
0x18e: {  	[tilespmem:s25+$0x80F0] =	vst v1  }
0x18f: {  	[tilespmem:s25+$0xC0F0] =	vst v1  }
0x190: {  	[tilespmem:s25+$0x100F0] =	vst v1  }
0x191: {  	[tilespmem:s25+$0x4480] =	vst v1  }
0x192: {  	[tilespmem:s25+$0x8480] =	vst v1  }
0x193: {  	[tilespmem:s25+$0xC480] =	vst v1  }
0x194: {  	[tilespmem:s25+$0x10480] =	vst v1  }
0x195: {  	[tilespmem:s25+$0x4490] =	vst v1  }
0x196: {  	[tilespmem:s25+$0x8490] =	vst v1  }
0x197: {  	[tilespmem:s25+$0xC490] =	vst v1  }
0x198: {  	[tilespmem:s25+$0x10490] =	vst v1  }
0x199: {  	[tilespmem:s25+$0x44A0] =	vst v1  }
0x19a: {  	[tilespmem:s25+$0x84A0] =	vst v1  }
0x19b: {  	[tilespmem:s25+$0xC4A0] =	vst v1  }
0x19c: {  	[tilespmem:s25+$0x104A0] =	vst v1  }
0x19d: {  	[tilespmem:s25+$0x44B0] =	vst v1  }
0x19e: {  	[tilespmem:s25+$0x84B0] =	vst v1  }
0x19f: {  	[tilespmem:s25+$0xC4B0] =	vst v1  }
0x1a0: {  	[tilespmem:s25+$0x104B0] =	vst v1  }
0x1a1: {  	[tilespmem:s25+$0x44C0] =	vst v1  }
0x1a2: {  	[tilespmem:s25+$0x84C0] =	vst v1  }
0x1a3: {  	[tilespmem:s25+$0xC4C0] =	vst v1  }
0x1a4: {  	[tilespmem:s25+$0x104C0] =	vst v1  }
0x1a5: {  	[tilespmem:s25+$0x44D0] =	vst v1  }
0x1a6: {  	[tilespmem:s25+$0x84D0] =	vst v1  }
0x1a7: {  	[tilespmem:s25+$0xC4D0] =	vst v1  }
0x1a8: {  	[tilespmem:s25+$0x104D0] =	vst v1  }
0x1a9: {  	[tilespmem:s25+$0x44E0] =	vst v1  }
0x1aa: {  	[tilespmem:s25+$0x84E0] =	vst v1  }
0x1ab: {  	[tilespmem:s25+$0xC4E0] =	vst v1  }
0x1ac: {  	[tilespmem:s25+$0x104E0] =	vst v1  }
0x1ad: {  	[tilespmem:s25+$0x44F0] =	vst v1  }
0x1ae: {  	[tilespmem:s25+$0x84F0] =	vst v1  }
0x1af: {  	[tilespmem:s25+$0xC4F0] =	vst v1  }
0x1b0: {  	_ =	swait.ge [sflag:s13], $0x80  }
0x1b1: {  	[sflag:s13] =	ssyncset.done $0x0  }
0x1b2: {  	[sflag:s13] =	ssyncadd.s32 $0xFFFFFF80  }
0x1b3: {  	s24 =	simm.s32 $0x0;
	v3 =	vld [tilespmem:$0x4000]  }
.LBB2_4:
0x1b4: {  	_ =	swait.ge [sflag:s14], $0x2000  }
0x1b5: {  	p0 =	seq.s32 s24, $0x0;
	[sflag:s14] =	ssyncset.done $0x0  }
0x1b6: {  	s25 =	simm.s32 @!p0 $0x1;
	[sflag:s14] =	ssyncadd.s32 $0xFFFFE000  }
0x1b7: {  	_ =	swait.ge @!p0 [sflag:s25], $0x4000  }
0x1b8: {  	v15 =	vld [tilespmem:$0x1FFE0]  }
0x1b9: {  	v13 =	vld [tilespmem:$0x1FC00]  }
0x1ba: {  	v17 =	vld [tilespmem:$0x1FC10]  }
0x1bb: {  	v27 =	vld [tilespmem:$0x1FC20]  }
0x1bc: {  	v14 =	vld [tilespmem:$0x1FC30];
	_ =	sdelay $0x1  }
0x1bd: {  	[sflag:s25] =	ssyncset.done @!p0 $0x0  }
0x1be: {  	[sflag:s25] =	ssyncadd.s32 @!p0 $0xFFFFC000  }
0x1bf: {  	v4 =	vld.idx.msk [tilespmem:v15+s1+$0x0], $0xffff  }
0x1c0: {  	v5 =	vld.idx.msk [tilespmem:v13+s1+$0x0], $0xffff  }
0x1c1: {  	v6 =	vld.idx.msk [tilespmem:v17+s1+$0x0], $0xffff  }
0x1c2: {  	v7 =	vld.idx.msk [tilespmem:v27+s1+$0x0], $0xffff  }
0x1c3: {  	v0 =	vld.idx.msk [tilespmem:v14+s1+$0x0], $0xffff  }
0x1c4: {  	v23 =	vld [tilespmem:$0x1FC40]  }
0x1c5: {  	v18 =	vld [tilespmem:$0x1FC50];
	_ =	sdelay $0x1  }
0x1c6: {  	v20 =	vld [tilespmem:$0x1FC60];
	_ =	sdelay $0x4  }
0x1c7: {  	v8 =	vld.idx.msk [tilespmem:v23+s1+$0x0], $0xffff  }
0x1c8: {  	v4 =	vxor.u32 $0x80000000, v4;
	v9 =	vld.idx.msk [tilespmem:v18+s1+$0x0], $0xffff  }
0x1c9: {  	v6 =	vxor.u32 $0x80000000, v6;
	v10 =	vmax.f32 v4, v5  }
0x1ca: {  	v10 =	vmax.f32 v10, v6;
	v11 =	vld.idx.msk [tilespmem:v20+s1+$0x0], $0xffff  }
0x1cb: {  	v0 =	vxor.u32 $0x80000000, v0;
	v10 =	vmax.f32 v10, v7  }
0x1cc: {  	v10 =	vmax.f32 v10, v0  }
0x1cd: {  	v9 =	vxor.u32 $0x80000000, v9;
	v10 =	vmax.f32 v10, v8  }
0x1ce: {  	v10 =	vmax.f32 v10, v9  }
0x1cf: {  	v10 =	vmax.f32 v10, v11  }
0x1d0: {  	v4 =	vsub.f32 v4, v10  }
0x1d1: {  	v5 =	vsub.f32 v5, v10  }
0x1d2: {  	v4 =	vmul.f32 $1.442695020e+00, v4  }
0x1d3: {  	v6 =	vsub.f32 v6, v10;
	v5 =	vmul.f32 $1.442695020e+00, v5  }
0x1d4: {  	(erf) = vpow2.f32 v4  }
0x1d5: {  	v4 =	vmul.f32 $1.442695020e+00, v6;
	(erf) = vpow2.f32 v5;
	v5 =	vsub.f32 v7, v10;
	_ =	sdelay $0x1  }
0x1d6: {  	v0 =	vsub.f32 v0, v10;
	(erf) = vpow2.f32 v4;
	v4 =	vmul.f32 $1.442695020e+00, v5;
	_ =	sdelay $0x1  }
0x1d7: {  	v0 =	vmul.f32 $1.442695020e+00, v0;
	(erf) = vpow2.f32 v4;
	v4 =	vsub.f32 v8, v10;
	_ =	sdelay $0x1  }
0x1d8: {  	(erf) = vpow2.f32 v0;
	v0 =	vmul.f32 $1.442695020e+00, v4;
	v4 =	vsub.f32 v9, v10;
	_ =	sdelay $0x1  }
0x1d9: {  	v5 =	vpop (erf);
	(erf) = vpow2.f32 v0;
	v0 =	vmul.f32 $1.442695020e+00, v4;
	v4 =	vsub.f32 v11, v10  }
0x1da: {  	v50 =	vpop (erf)  }
0x1db: {  	(erf) = vpow2.f32 v0;
	v0 =	vmul.f32 $1.442695020e+00, v4;
	v4 =	vadd.f32 v50, v5;
	_ =	sdelay $0x1  }
0x1dc: {  	v51 =	vpop (erf)  }
0x1dd: {  	(erf) = vpow2.f32 v0;
	v0 =	vadd.f32 v4, v51  }
0x1de: {  	v4 =	vpop (erf)  }
0x1df: {  	v0 =	vadd.f32 v0, v4  }
0x1e0: {  	v52 =	vpop (erf)  }
0x1e1: {  	v0 =	vadd.f32 v0, v52  }
0x1e2: {  	v53 =	vpop (erf)  }
0x1e3: {  	v0 =	vadd.f32 v0, v53  }
0x1e4: {  	v54 =	vpop (erf)  }
0x1e5: {  	v0 =	vadd.f32 v0, v54  }
0x1e6: {  	v55 =	vpop (erf)  }
0x1e7: {  	v0 =	vadd.f32 v0, v55;
	_ =	sdelay $0x1  }
0x1e8: {  	(erf) = vrcp.f32 v0;
	_ =	sdelay $0x7  }
0x1e9: {  	v22 =	vld [tilespmem:$0x1FC70]  }
0x1ea: {  	v24 =	vld [tilespmem:$0x1FC80];
	v0 =	vpop (erf)  }
0x1eb: {  	v2 =	vld [tilespmem:$0x1FC90];
	v0 =	vmul.f32 v0, v3;
	_ =	sdelay $0x1  }
0x1ec: {  	v12 =	vsub.f32 $0.0e+00, v0;
	_ =	sdelay $0x1  }
0x1ed: {  	v5 =	vmul.f32 v12, v5  }
0x1ee: {  	v26 =	vld [tilespmem:$0x1FCA0];
	v6 =	vmul.f32 v0, v50  }
0x1ef: {  	v25 =	vld [tilespmem:$0x1FCB0];
	[tilespmem:v22+s15+$0x0] =	vst.idx.msk $0xffff, v5;
	v5 =	vmul.f32 v12, v51  }
0x1f0: {  	v28 =	vld [tilespmem:$0x1FCC0];
	[tilespmem:v24+s15+$0x0] =	vst.idx.msk $0xffff, v6  }
0x1f1: {  	[tilespmem:v2+s15+$0x0] =	vst.idx.msk $0xffff, v5;
	v2 =	vld [tilespmem:$0x1FCD0];
	_ =	sdelay $0x2  }
0x1f2: {  	v4 =	vmul.f32 v0, v4  }
0x1f3: {  	v5 =	vmul.f32 v12, v52  }
0x1f4: {  	[tilespmem:v26+s15+$0x0] =	vst.idx.msk $0xffff, v4;
	v4 =	vmul.f32 v0, v53  }
0x1f5: {  	[tilespmem:v25+s15+$0x0] =	vst.idx.msk $0xffff, v5;
	v5 =	vmul.f32 v12, v54  }
0x1f6: {  	[tilespmem:v28+s15+$0x0] =	vst.idx.msk $0xffff, v4  }
0x1f7: {  	[tilespmem:v2+s15+$0x0] =	vst.idx.msk $0xffff, v5;
	v2 =	vld [tilespmem:$0x1FCE0];
	_ =	sdelay $0x5  }
0x1f8: {  	v0 =	vmul.f32 v0, v55;
	_ =	sdelay $0x1  }
0x1f9: {  	[tilespmem:v2+s15+$0x0] =	vst.idx.msk $0xffff, v0;
	v2 =	vld [tilespmem:$0x1FD00];
	_ =	sdelay $0x6  }
0x1fa: {  	v0 =	vld [tilespmem:$0x1FCF0]  }
0x1fb: {  	v4 =	vld.idx.msk [tilespmem:v2+s1+$0x0], $0xffff  }
0x1fc: {  	v2 =	vld [tilespmem:$0x1FD10]  }
0x1fd: {  	v32 =	vld [tilespmem:$0x1FD20]  }
0x1fe: {  	v33 =	vld [tilespmem:$0x1FD30]  }
0x1ff: {  	v34 =	vld [tilespmem:$0x1FD40]  }
0x200: {  	v35 =	vld [tilespmem:$0x1FD50];
	_ =	sdelay $0x1  }
0x201: {  	v36 =	vld [tilespmem:$0x1FD60]  }
0x202: {  	v0 =	vld.idx.msk [tilespmem:v0+s1+$0x0], $0xffff  }
0x203: {  	v5 =	vld.idx.msk [tilespmem:v2+s1+$0x0], $0xffff  }
0x204: {  	v6 =	vld.idx.msk [tilespmem:v32+s1+$0x0], $0xffff  }
0x205: {  	v56 =	vld.idx.msk [tilespmem:v33+s1+$0x0], $0xffff  }
0x206: {  	v57 =	vld.idx.msk [tilespmem:v34+s1+$0x0], $0xffff  }
0x207: {  	v58 =	vld.idx.msk [tilespmem:v35+s1+$0x0], $0xffff;
	v0 =	vxor.u32 $0x80000000, v0  }
0x208: {  	v59 =	vmax.f32 v0, v4;
	v5 =	vxor.u32 $0x80000000, v5  }
0x209: {  	v60 =	vld.idx.msk [tilespmem:v36+s1+$0x0], $0xffff;
	v10 =	vmax.f32 v59, v5  }
0x20a: {  	v7 =	vxor.u32 $0x80000000, v56;
	v10 =	vmax.f32 v10, v6  }
0x20b: {  	v10 =	vmax.f32 v10, v7  }
0x20c: {  	v9 =	vxor.u32 $0x80000000, v58;
	v10 =	vmax.f32 v10, v57  }
0x20d: {  	v10 =	vmax.f32 v10, v9  }
0x20e: {  	v10 =	vmax.f32 v10, v60  }
0x20f: {  	v0 =	vsub.f32 v0, v10  }
0x210: {  	v4 =	vsub.f32 v4, v10  }
0x211: {  	v0 =	vmul.f32 $1.442695020e+00, v0  }
0x212: {  	v5 =	vsub.f32 v5, v10;
	v4 =	vmul.f32 $1.442695020e+00, v4  }
0x213: {  	(erf) = vpow2.f32 v0  }
0x214: {  	v0 =	vmul.f32 $1.442695020e+00, v5;
	(erf) = vpow2.f32 v4;
	v4 =	vsub.f32 v6, v10;
	_ =	sdelay $0x1  }
0x215: {  	(erf) = vpow2.f32 v0;
	v0 =	vmul.f32 $1.442695020e+00, v4;
	v4 =	vsub.f32 v7, v10;
	_ =	sdelay $0x1  }
0x216: {  	(erf) = vpow2.f32 v0;
	v0 =	vmul.f32 $1.442695020e+00, v4;
	v4 =	vsub.f32 v57, v10;
	_ =	sdelay $0x1  }
0x217: {  	(erf) = vpow2.f32 v0;
	v0 =	vmul.f32 $1.442695020e+00, v4;
	v4 =	vsub.f32 v9, v10;
	_ =	sdelay $0x1  }
0x218: {  	v5 =	vpop (erf);
	(erf) = vpow2.f32 v0;
	v0 =	vmul.f32 $1.442695020e+00, v4;
	v4 =	vsub.f32 v60, v10  }
0x219: {  	v61 =	vpop (erf)  }
0x21a: {  	(erf) = vpow2.f32 v0;
	v0 =	vmul.f32 $1.442695020e+00, v4;
	v4 =	vadd.f32 v61, v5;
	_ =	sdelay $0x1  }
0x21b: {  	v62 =	vpop (erf)  }
0x21c: {  	(erf) = vpow2.f32 v0;
	v0 =	vadd.f32 v4, v62  }
0x21d: {  	v4 =	vpop (erf)  }
0x21e: {  	v0 =	vadd.f32 v0, v4  }
0x21f: {  	v63 =	vpop (erf)  }
0x220: {  	v0 =	vadd.f32 v0, v63  }
0x221: {  	v16 =	vpop (erf)  }
0x222: {  	v0 =	vadd.f32 v0, v16  }
0x223: {  	v19 =	vpop (erf)  }
0x224: {  	v0 =	vadd.f32 v0, v19  }
0x225: {  	v21 =	vpop (erf)  }
0x226: {  	v0 =	vadd.f32 v0, v21;
	_ =	sdelay $0x1  }
0x227: {  	(erf) = vrcp.f32 v0;
	_ =	sdelay $0x7  }
0x228: {  	v37 =	vld [tilespmem:$0x1FD70]  }
0x229: {  	v38 =	vld [tilespmem:$0x1FD80];
	v0 =	vpop (erf)  }
0x22a: {  	v39 =	vld [tilespmem:$0x1FD90];
	v0 =	vmul.f32 v0, v3  }
0x22b: {  	v40 =	vld [tilespmem:$0x1FDA0]  }
0x22c: {  	v41 =	vld [tilespmem:$0x1FDB0];
	v29 =	vsub.f32 $0.0e+00, v0  }
0x22d: {  	v42 =	vld [tilespmem:$0x1FDC0]  }
0x22e: {  	v43 =	vld [tilespmem:$0x1FDD0];
	v5 =	vmul.f32 v29, v5  }
0x22f: {  	v44 =	vld [tilespmem:$0x1FDE0];
	v6 =	vmul.f32 v0, v61  }
0x230: {  	v45 =	vld [tilespmem:$0x1FDF0];
	[tilespmem:v37+s15+$0x0] =	vst.idx.msk $0xffff, v5;
	v5 =	vmul.f32 v29, v62  }
0x231: {  	v46 =	vld [tilespmem:$0x1FE00];
	v4 =	vmul.f32 v0, v4;
	[tilespmem:v38+s15+$0x0] =	vst.idx.msk $0xffff, v6  }
0x232: {  	v47 =	vld [tilespmem:$0x1FE10];
	[tilespmem:v39+s15+$0x0] =	vst.idx.msk $0xffff, v5;
	v5 =	vmul.f32 v29, v63  }
0x233: {  	v48 =	vld [tilespmem:$0x1FE20];
	[tilespmem:v40+s15+$0x0] =	vst.idx.msk $0xffff, v4;
	v4 =	vmul.f32 v0, v16  }
0x234: {  	v49 =	vld [tilespmem:$0x1FE30];
	[tilespmem:v41+s15+$0x0] =	vst.idx.msk $0xffff, v5;
	v5 =	vmul.f32 v29, v19  }
0x235: {  	v50 =	vld [tilespmem:$0x1FE40];
	v0 =	vmul.f32 v0, v21;
	[tilespmem:v42+s15+$0x0] =	vst.idx.msk $0xffff, v4  }
0x236: {  	v51 =	vld [tilespmem:$0x1FE50];
	[tilespmem:v43+s15+$0x0] =	vst.idx.msk $0xffff, v5  }
0x237: {  	v52 =	vld [tilespmem:$0x1FE60];
	[tilespmem:v44+s15+$0x0] =	vst.idx.msk $0xffff, v0  }
0x238: {  	v0 =	vld.idx.msk [tilespmem:v45+s1+$0x0], $0xffff  }
0x239: {  	v4 =	vld.idx.msk [tilespmem:v46+s1+$0x0], $0xffff  }
0x23a: {  	v5 =	vld.idx.msk [tilespmem:v47+s1+$0x0], $0xffff  }
0x23b: {  	v6 =	vld.idx.msk [tilespmem:v48+s1+$0x0], $0xffff  }
0x23c: {  	v30 =	vld.idx.msk [tilespmem:v49+s1+$0x0], $0xffff  }
0x23d: {  	v31 =	vld.idx.msk [tilespmem:v50+s1+$0x0], $0xffff  }
0x23e: {  	v56 =	vld.idx.msk [tilespmem:v51+s1+$0x0], $0xffff;
	v0 =	vxor.u32 $0x80000000, v0  }
0x23f: {  	v5 =	vxor.u32 $0x80000000, v5;
	v57 =	vmax.f32 v0, v4  }
0x240: {  	v58 =	vld.idx.msk [tilespmem:v52+s1+$0x0], $0xffff;
	v10 =	vmax.f32 v57, v5  }
0x241: {  	v7 =	vxor.u32 $0x80000000, v30;
	v10 =	vmax.f32 v10, v6  }
0x242: {  	v10 =	vmax.f32 v10, v7  }
0x243: {  	v9 =	vxor.u32 $0x80000000, v56;
	v10 =	vmax.f32 v10, v31  }
0x244: {  	v10 =	vmax.f32 v10, v9  }
0x245: {  	v10 =	vmax.f32 v10, v58  }
0x246: {  	v0 =	vsub.f32 v0, v10  }
0x247: {  	v4 =	vsub.f32 v4, v10  }
0x248: {  	v0 =	vmul.f32 $1.442695020e+00, v0  }
0x249: {  	v5 =	vsub.f32 v5, v10;
	v4 =	vmul.f32 $1.442695020e+00, v4  }
0x24a: {  	(erf) = vpow2.f32 v0  }
0x24b: {  	v0 =	vmul.f32 $1.442695020e+00, v5;
	(erf) = vpow2.f32 v4;
	v4 =	vsub.f32 v6, v10;
	_ =	sdelay $0x1  }
0x24c: {  	(erf) = vpow2.f32 v0;
	v0 =	vmul.f32 $1.442695020e+00, v4;
	v4 =	vsub.f32 v7, v10;
	_ =	sdelay $0x1  }
0x24d: {  	(erf) = vpow2.f32 v0;
	v0 =	vmul.f32 $1.442695020e+00, v4;
	v4 =	vsub.f32 v31, v10;
	_ =	sdelay $0x1  }
0x24e: {  	(erf) = vpow2.f32 v0;
	v0 =	vmul.f32 $1.442695020e+00, v4;
	v4 =	vsub.f32 v9, v10;
	_ =	sdelay $0x1  }
0x24f: {  	v5 =	vpop (erf);
	(erf) = vpow2.f32 v0;
	v0 =	vmul.f32 $1.442695020e+00, v4;
	v4 =	vsub.f32 v58, v10  }
0x250: {  	v59 =	vpop (erf)  }
0x251: {  	(erf) = vpow2.f32 v0;
	v0 =	vmul.f32 $1.442695020e+00, v4;
	v4 =	vadd.f32 v59, v5;
	_ =	sdelay $0x1  }
0x252: {  	v60 =	vpop (erf)  }
0x253: {  	(erf) = vpow2.f32 v0;
	v0 =	vadd.f32 v4, v60  }
0x254: {  	v4 =	vpop (erf)  }
0x255: {  	v0 =	vadd.f32 v0, v4  }
0x256: {  	v61 =	vpop (erf)  }
0x257: {  	v0 =	vadd.f32 v0, v61  }
0x258: {  	v62 =	vpop (erf)  }
0x259: {  	v0 =	vadd.f32 v0, v62  }
0x25a: {  	v63 =	vpop (erf)  }
0x25b: {  	v0 =	vadd.f32 v0, v63  }
0x25c: {  	v16 =	vpop (erf)  }
0x25d: {  	v0 =	vadd.f32 v0, v16;
	_ =	sdelay $0x1  }
0x25e: {  	(erf) = vrcp.f32 v0;
	_ =	sdelay $0x7  }
0x25f: {  	v53 =	vld [tilespmem:$0x1FE70]  }
0x260: {  	v0 =	vpop (erf)  }
0x261: {  	v54 =	vld [tilespmem:$0x1FE80];
	v0 =	vmul.f32 v0, v3  }
0x262: {  	v55 =	vld [tilespmem:$0x1FE90]  }
0x263: {  	v56 =	vld [tilespmem:$0x1FEA0];
	v19 =	vsub.f32 $0.0e+00, v0  }
0x264: {  	v57 =	vld [tilespmem:$0x1FEB0]  }
0x265: {  	v58 =	vld [tilespmem:$0x1FEC0];
	v5 =	vmul.f32 v19, v5  }
0x266: {  	v6 =	vmul.f32 v0, v59;
	v59 =	vld [tilespmem:$0x1FED0]  }
0x267: {  	[tilespmem:v53+s15+$0x0] =	vst.idx.msk $0xffff, v5;
	v5 =	vmul.f32 v19, v60;
	v60 =	vld [tilespmem:$0x1FEE0]  }
0x268: {  	v2 =	vld [tilespmem:$0x1FF40]  }
0x269: {  	v4 =	vmul.f32 v0, v4;
	[tilespmem:v54+s15+$0x0] =	vst.idx.msk $0xffff, v6  }
0x26a: {  	[tilespmem:v55+s15+$0x0] =	vst.idx.msk $0xffff, v5;
	v5 =	vmul.f32 v19, v61  }
0x26b: {  	v61 =	vld [tilespmem:$0x1FEF0];
	[tilespmem:v56+s15+$0x0] =	vst.idx.msk $0xffff, v4;
	v4 =	vmul.f32 v0, v62  }
0x26c: {  	v62 =	vld [tilespmem:$0x1FF00];
	[tilespmem:v57+s15+$0x0] =	vst.idx.msk $0xffff, v5;
	v5 =	vmul.f32 v19, v63  }
0x26d: {  	v0 =	vmul.f32 v0, v16;
	v63 =	vld [tilespmem:$0x1FF10];
	[tilespmem:v58+s15+$0x0] =	vst.idx.msk $0xffff, v4  }
0x26e: {  	v31 =	vld [tilespmem:$0x1FF20];
	[tilespmem:v59+s15+$0x0] =	vst.idx.msk $0xffff, v5  }
0x26f: {  	v30 =	vld [tilespmem:$0x1FF30];
	[tilespmem:v60+s15+$0x0] =	vst.idx.msk $0xffff, v0  }
0x270: {  	v8 =	vld.idx.msk [tilespmem:v2+s1+$0x0], $0xffff  }
0x271: {  	v2 =	vld [tilespmem:$0x1FF50]  }
0x272: {  	v19 =	vld [tilespmem:$0x1FFF0]  }
0x273: {  	v0 =	vld.idx.msk [tilespmem:v61+s1+$0x0], $0xffff  }
0x274: {  	v4 =	vld.idx.msk [tilespmem:v62+s1+$0x0], $0xffff  }
0x275: {  	v5 =	vld.idx.msk [tilespmem:v63+s1+$0x0], $0xffff  }
0x276: {  	v6 =	vld.idx.msk [tilespmem:v31+s1+$0x0], $0xffff  }
0x277: {  	v7 =	vld.idx.msk [tilespmem:v30+s1+$0x0], $0xffff;
	_ =	sdelay $0x1  }
0x278: {  	v0 =	vxor.u32 $0x80000000, v0;
	v21 =	vld.idx.msk [tilespmem:v2+s1+$0x0], $0xffff  }
0x279: {  	v29 =	vmax.f32 v0, v4;
	v5 =	vxor.u32 $0x80000000, v5  }
0x27a: {  	v12 =	vld.idx.msk [tilespmem:v19+s1+$0x0], $0xffff;
	v10 =	vmax.f32 v29, v5  }
0x27b: {  	v7 =	vxor.u32 $0x80000000, v7;
	v10 =	vmax.f32 v10, v6  }
0x27c: {  	v10 =	vmax.f32 v10, v7  }
0x27d: {  	v10 =	vmax.f32 v10, v8;
	v9 =	vxor.u32 $0x80000000, v21  }
0x27e: {  	v10 =	vmax.f32 v10, v9  }
0x27f: {  	v10 =	vmax.f32 v10, v12  }
0x280: {  	v0 =	vsub.f32 v0, v10  }
0x281: {  	v4 =	vsub.f32 v4, v10  }
0x282: {  	v0 =	vmul.f32 $1.442695020e+00, v0  }
0x283: {  	v5 =	vsub.f32 v5, v10;
	v4 =	vmul.f32 $1.442695020e+00, v4  }
0x284: {  	(erf) = vpow2.f32 v0  }
0x285: {  	v0 =	vmul.f32 $1.442695020e+00, v5;
	(erf) = vpow2.f32 v4;
	v4 =	vsub.f32 v6, v10;
	_ =	sdelay $0x1  }
0x286: {  	(erf) = vpow2.f32 v0;
	v0 =	vmul.f32 $1.442695020e+00, v4;
	v4 =	vsub.f32 v7, v10;
	_ =	sdelay $0x1  }
0x287: {  	(erf) = vpow2.f32 v0;
	v0 =	vmul.f32 $1.442695020e+00, v4;
	v4 =	vsub.f32 v8, v10;
	_ =	sdelay $0x1  }
0x288: {  	(erf) = vpow2.f32 v0;
	v0 =	vmul.f32 $1.442695020e+00, v4;
	v4 =	vsub.f32 v9, v10;
	_ =	sdelay $0x1  }
0x289: {  	v5 =	vpop (erf);
	(erf) = vpow2.f32 v0;
	v0 =	vmul.f32 $1.442695020e+00, v4;
	v4 =	vsub.f32 v12, v10  }
0x28a: {  	v6 =	vpop (erf)  }
0x28b: {  	(erf) = vpow2.f32 v0;
	v0 =	vmul.f32 $1.442695020e+00, v4;
	v4 =	vadd.f32 v6, v5;
	_ =	sdelay $0x1  }
0x28c: {  	v16 =	vpop (erf)  }
0x28d: {  	(erf) = vpow2.f32 v0;
	v0 =	vadd.f32 v4, v16  }
0x28e: {  	v4 =	vpop (erf)  }
0x28f: {  	v0 =	vadd.f32 v0, v4  }
0x290: {  	v8 =	vpop (erf)  }
0x291: {  	v0 =	vadd.f32 v0, v8  }
0x292: {  	v21 =	vpop (erf)  }
0x293: {  	v0 =	vadd.f32 v0, v21  }
0x294: {  	v10 =	vpop (erf)  }
0x295: {  	v0 =	vadd.f32 v0, v10  }
0x296: {  	v11 =	vpop (erf)  }
0x297: {  	v0 =	vadd.f32 v0, v11;
	_ =	sdelay $0x1  }
0x298: {  	(erf) = vrcp.f32 v0;
	_ =	sdelay $0x7  }
0x299: {  	v2 =	vld [tilespmem:$0x1FF60]  }
0x29a: {  	v0 =	vpop (erf)  }
0x29b: {  	v0 =	vmul.f32 v0, v3;
	_ =	sdelay $0x1  }
0x29c: {  	v29 =	vsub.f32 $0.0e+00, v0;
	_ =	sdelay $0x1  }
0x29d: {  	v5 =	vmul.f32 v29, v5;
	_ =	sdelay $0x1  }
0x29e: {  	[tilespmem:v2+s15+$0x0] =	vst.idx.msk $0xffff, v5;
	v2 =	vld [tilespmem:$0x1FF70];
	_ =	sdelay $0x5  }
0x29f: {  	v6 =	vmul.f32 v0, v6  }
0x2a0: {  	v5 =	vmul.f32 v29, v16;
	v16 =	vld [tilespmem:$0x1FF80]  }
0x2a1: {  	[tilespmem:v2+s15+$0x0] =	vst.idx.msk $0xffff, v6;
	v2 =	vld [tilespmem:$0x1FF90];
	_ =	sdelay $0x5  }
0x2a2: {  	v4 =	vmul.f32 v0, v4  }
0x2a3: {  	[tilespmem:v16+s15+$0x0] =	vst.idx.msk $0xffff, v5  }
0x2a4: {  	[tilespmem:v2+s15+$0x0] =	vst.idx.msk $0xffff, v4;
	v4 =	vmul.f32 v0, v21;
	v21 =	vld [tilespmem:$0x1FFA0]  }
0x2a5: {  	v2 =	vld [tilespmem:$0x1FFB0];
	_ =	sdelay $0x4  }
0x2a6: {  	v5 =	vmul.f32 v29, v8;
	_ =	sdelay $0x1  }
0x2a7: {  	[tilespmem:v21+s15+$0x0] =	vst.idx.msk $0xffff, v5  }
0x2a8: {  	[tilespmem:v2+s15+$0x0] =	vst.idx.msk $0xffff, v4;
	v2 =	vld [tilespmem:$0x1FFC0]  }
0x2a9: {  	v5 =	vmul.f32 v29, v10;
	v29 =	vld [tilespmem:$0x1FFD0];
	_ =	sdelay $0x5  }
0x2aa: {  	v0 =	vmul.f32 v0, v11  }
0x2ab: {  	[tilespmem:v2+s15+$0x0] =	vst.idx.msk $0xffff, v5  }
0x2ac: {  	s26 =	sadd.s32 s24, s7;
	s25 =	sadd.s32 s24, s8;
	[tilespmem:v29+s15+$0x0] =	vst.idx.msk $0xffff, v0  }
0x2ad: {  	[hbm4b:s26+s1] =	stream.linear.scatter [tilespmem:s15], [sflag:$0x1], $0x4000, $0x38;
	[tilespmem:$0x14080] =	vst v63  }
0x2ae: {  	s28 =	sadd.s32 $0x1000, s25  }
0x2af: {  	[tilespmem:s1], [sflag:$0x5] =	stream.strided.gather [hbm4b:s28+s9], $0x2000, s10, s9, $0x38;
	[tilespmem:$0x14080] =	vst v63  }
0x2b0: {  	_ =	swait.ge [sflag:s16], $0x2000  }
0x2b1: {  	[sflag:s16] =	ssyncset.done $0x0  }
0x2b2: {  	s28 =	simm.s32 @!p0 $0x2;
	[sflag:s16] =	ssyncadd.s32 $0xFFFFE000  }
0x2b3: {  	_ =	swait.ge @!p0 [sflag:s28], $0x4000  }
0x2b4: {  	[sflag:s28] =	ssyncset.done @!p0 $0x0  }
0x2b5: {  	[sflag:s28] =	ssyncadd.s32 @!p0 $0xFFFFC000  }
0x2b6: {  	v0 =	vld.idx.msk [tilespmem:v15+s11+$0x0], $0xffff  }
0x2b7: {  	v4 =	vld.idx.msk [tilespmem:v13+s11+$0x0], $0xffff  }
0x2b8: {  	v5 =	vld.idx.msk [tilespmem:v17+s11+$0x0], $0xffff  }
0x2b9: {  	v6 =	vld.idx.msk [tilespmem:v27+s11+$0x0], $0xffff  }
0x2ba: {  	v7 =	vld.idx.msk [tilespmem:v14+s11+$0x0], $0xffff  }
0x2bb: {  	v14 =	vmov v23;
	v23 =	vld.idx.msk [tilespmem:v23+s11+$0x0], $0xffff  }
0x2bc: {  	v15 =	vmov v27;
	v27 =	vld.idx.msk [tilespmem:v18+s11+$0x0], $0xffff;
	v0 =	vxor.u32 $0x80000000, v0  }
0x2bd: {  	v5 =	vxor.u32 $0x80000000, v5;
	v12 =	vmax.f32 v0, v4  }
0x2be: {  	v18 =	vld.idx.msk [tilespmem:v20+s11+$0x0], $0xffff;
	v10 =	vmax.f32 v12, v5  }
0x2bf: {  	v7 =	vxor.u32 $0x80000000, v7;
	v10 =	vmax.f32 v10, v6  }
0x2c0: {  	v10 =	vmax.f32 v10, v7  }
0x2c1: {  	v9 =	vxor.u32 $0x80000000, v27;
	v10 =	vmax.f32 v10, v23  }
0x2c2: {  	v10 =	vmax.f32 v10, v9  }
0x2c3: {  	v10 =	vmax.f32 v10, v18  }
0x2c4: {  	v0 =	vsub.f32 v0, v10  }
0x2c5: {  	v4 =	vsub.f32 v4, v10  }
0x2c6: {  	v0 =	vmul.f32 $1.442695020e+00, v0  }
0x2c7: {  	v5 =	vsub.f32 v5, v10;
	v4 =	vmul.f32 $1.442695020e+00, v4  }
0x2c8: {  	(erf) = vpow2.f32 v0  }
0x2c9: {  	v0 =	vmul.f32 $1.442695020e+00, v5;
	(erf) = vpow2.f32 v4;
	v4 =	vsub.f32 v6, v10;
	_ =	sdelay $0x1  }
0x2ca: {  	(erf) = vpow2.f32 v0;
	v0 =	vmul.f32 $1.442695020e+00, v4;
	v4 =	vsub.f32 v7, v10;
	_ =	sdelay $0x1  }
0x2cb: {  	(erf) = vpow2.f32 v0;
	v0 =	vmul.f32 $1.442695020e+00, v4;
	v4 =	vsub.f32 v23, v10;
	_ =	sdelay $0x1  }
0x2cc: {  	(erf) = vpow2.f32 v0;
	v0 =	vmul.f32 $1.442695020e+00, v4;
	v4 =	vsub.f32 v9, v10;
	_ =	sdelay $0x1  }
0x2cd: {  	v5 =	vpop (erf);
	(erf) = vpow2.f32 v0;
	v0 =	vmul.f32 $1.442695020e+00, v4;
	v4 =	vsub.f32 v18, v10  }
0x2ce: {  	v20 =	vpop (erf)  }
0x2cf: {  	(erf) = vpow2.f32 v0;
	v0 =	vmul.f32 $1.442695020e+00, v4;
	v4 =	vadd.f32 v20, v5;
	_ =	sdelay $0x1  }
0x2d0: {  	v23 =	vpop (erf)  }
0x2d1: {  	(erf) = vpow2.f32 v0;
	v0 =	vadd.f32 v4, v23  }
0x2d2: {  	v4 =	vpop (erf)  }
0x2d3: {  	v0 =	vadd.f32 v0, v4  }
0x2d4: {  	v8 =	vpop (erf)  }
0x2d5: {  	v0 =	vadd.f32 v0, v8  }
0x2d6: {  	v9 =	vpop (erf)  }
0x2d7: {  	v0 =	vadd.f32 v0, v9  }
0x2d8: {  	v10 =	vpop (erf)  }
0x2d9: {  	v0 =	vadd.f32 v0, v10  }
0x2da: {  	v27 =	vpop (erf)  }
0x2db: {  	v0 =	vadd.f32 v0, v27;
	_ =	sdelay $0x1  }
0x2dc: {  	(erf) = vrcp.f32 v0;
	_ =	sdelay $0x8  }
0x2dd: {  	v0 =	vpop (erf)  }
0x2de: {  	v0 =	vmul.f32 v0, v3;
	_ =	sdelay $0x1  }
0x2df: {  	v18 =	vsub.f32 $0.0e+00, v0;
	_ =	sdelay $0x1  }
0x2e0: {  	v5 =	vmul.f32 v18, v5;
	_ =	sdelay $0x1  }
0x2e1: {  	[tilespmem:v22+s17+$0x0] =	vst.idx.msk $0xffff, v5;
	v5 =	vmul.f32 v18, v23;
	v23 =	vld [tilespmem:$0x1FC90];
	_ =	sdelay $0x4  }
0x2e2: {  	v6 =	vmul.f32 v0, v20;
	_ =	sdelay $0x1  }
0x2e3: {  	v4 =	vmul.f32 v0, v4;
	[tilespmem:v24+s17+$0x0] =	vst.idx.msk $0xffff, v6  }
0x2e4: {  	[tilespmem:v23+s17+$0x0] =	vst.idx.msk $0xffff, v5;
	v5 =	vmul.f32 v18, v8  }
0x2e5: {  	v24 =	vld [tilespmem:$0x1FCD0];
	[tilespmem:v26+s17+$0x0] =	vst.idx.msk $0xffff, v4  }
0x2e6: {  	[tilespmem:v25+s17+$0x0] =	vst.idx.msk $0xffff, v5;
	v25 =	vld [tilespmem:$0x1FCE0]  }
0x2e7: {  	v4 =	vmul.f32 v0, v9;
	v26 =	vld [tilespmem:$0x1FCF0]  }
0x2e8: {  	v0 =	vmul.f32 v0, v27;
	v27 =	vld [tilespmem:$0x1FD00]  }
0x2e9: {  	[tilespmem:v28+s17+$0x0] =	vst.idx.msk $0xffff, v4;
	v28 =	vld [tilespmem:$0x1FD10];
	_ =	sdelay $0x1  }
0x2ea: {  	v5 =	vmul.f32 v18, v10;
	_ =	sdelay $0x1  }
0x2eb: {  	[tilespmem:v24+s17+$0x0] =	vst.idx.msk $0xffff, v5  }
0x2ec: {  	[tilespmem:v25+s17+$0x0] =	vst.idx.msk $0xffff, v0  }
0x2ed: {  	v0 =	vld.idx.msk [tilespmem:v26+s11+$0x0], $0xffff  }
0x2ee: {  	v4 =	vld.idx.msk [tilespmem:v27+s11+$0x0], $0xffff  }
0x2ef: {  	v5 =	vld.idx.msk [tilespmem:v28+s11+$0x0], $0xffff  }
0x2f0: {  	v6 =	vld.idx.msk [tilespmem:v32+s11+$0x0], $0xffff  }
0x2f1: {  	v7 =	vld.idx.msk [tilespmem:v33+s11+$0x0], $0xffff  }
0x2f2: {  	v22 =	vld.idx.msk [tilespmem:v34+s11+$0x0], $0xffff  }
0x2f3: {  	v12 =	vld.idx.msk [tilespmem:v35+s11+$0x0], $0xffff;
	v0 =	vxor.u32 $0x80000000, v0  }
0x2f4: {  	v5 =	vxor.u32 $0x80000000, v5;
	v18 =	vmax.f32 v0, v4  }
0x2f5: {  	v20 =	vld.idx.msk [tilespmem:v36+s11+$0x0], $0xffff;
	v10 =	vmax.f32 v18, v5  }
0x2f6: {  	v7 =	vxor.u32 $0x80000000, v7;
	v10 =	vmax.f32 v10, v6  }
0x2f7: {  	v10 =	vmax.f32 v10, v7  }
0x2f8: {  	v9 =	vxor.u32 $0x80000000, v12;
	v10 =	vmax.f32 v10, v22  }
0x2f9: {  	v10 =	vmax.f32 v10, v9  }
0x2fa: {  	v10 =	vmax.f32 v10, v20  }
0x2fb: {  	v0 =	vsub.f32 v0, v10  }
0x2fc: {  	v4 =	vsub.f32 v4, v10  }
0x2fd: {  	v0 =	vmul.f32 $1.442695020e+00, v0  }
0x2fe: {  	v5 =	vsub.f32 v5, v10;
	v4 =	vmul.f32 $1.442695020e+00, v4  }
0x2ff: {  	(erf) = vpow2.f32 v0  }
0x300: {  	v0 =	vmul.f32 $1.442695020e+00, v5;
	(erf) = vpow2.f32 v4;
	v4 =	vsub.f32 v6, v10;
	_ =	sdelay $0x1  }
0x301: {  	(erf) = vpow2.f32 v0;
	v0 =	vmul.f32 $1.442695020e+00, v4;
	v4 =	vsub.f32 v7, v10;
	_ =	sdelay $0x1  }
0x302: {  	(erf) = vpow2.f32 v0;
	v0 =	vmul.f32 $1.442695020e+00, v4;
	v4 =	vsub.f32 v22, v10;
	_ =	sdelay $0x1  }
0x303: {  	(erf) = vpow2.f32 v0;
	v0 =	vmul.f32 $1.442695020e+00, v4;
	v4 =	vsub.f32 v9, v10;
	_ =	sdelay $0x1  }
0x304: {  	v5 =	vpop (erf);
	(erf) = vpow2.f32 v0;
	v0 =	vmul.f32 $1.442695020e+00, v4;
	v4 =	vsub.f32 v20, v10  }
0x305: {  	v6 =	vpop (erf)  }
0x306: {  	(erf) = vpow2.f32 v0;
	v0 =	vmul.f32 $1.442695020e+00, v4;
	v4 =	vadd.f32 v6, v5;
	_ =	sdelay $0x1  }
0x307: {  	v7 =	vpop (erf)  }
0x308: {  	(erf) = vpow2.f32 v0;
	v0 =	vadd.f32 v4, v7  }
0x309: {  	v4 =	vpop (erf)  }
0x30a: {  	v0 =	vadd.f32 v0, v4  }
0x30b: {  	v8 =	vpop (erf)  }
0x30c: {  	v0 =	vadd.f32 v0, v8  }
0x30d: {  	v9 =	vpop (erf)  }
0x30e: {  	v0 =	vadd.f32 v0, v9  }
0x30f: {  	v22 =	vpop (erf)  }
0x310: {  	v0 =	vadd.f32 v0, v22  }
0x311: {  	v18 =	vpop (erf)  }
0x312: {  	v0 =	vadd.f32 v0, v18;
	_ =	sdelay $0x1  }
0x313: {  	(erf) = vrcp.f32 v0;
	_ =	sdelay $0x8  }
0x314: {  	v0 =	vpop (erf)  }
0x315: {  	v0 =	vmul.f32 v0, v3;
	_ =	sdelay $0x1  }
0x316: {  	v20 =	vsub.f32 $0.0e+00, v0;
	_ =	sdelay $0x1  }
0x317: {  	v5 =	vmul.f32 v20, v5  }
0x318: {  	v6 =	vmul.f32 v0, v6  }
0x319: {  	[tilespmem:v37+s17+$0x0] =	vst.idx.msk $0xffff, v5;
	v5 =	vmul.f32 v20, v7  }
0x31a: {  	v4 =	vmul.f32 v0, v4;
	[tilespmem:v38+s17+$0x0] =	vst.idx.msk $0xffff, v6  }
0x31b: {  	[tilespmem:v39+s17+$0x0] =	vst.idx.msk $0xffff, v5;
	v5 =	vmul.f32 v20, v8  }
0x31c: {  	[tilespmem:v40+s17+$0x0] =	vst.idx.msk $0xffff, v4;
	v4 =	vmul.f32 v0, v9  }
0x31d: {  	[tilespmem:v41+s17+$0x0] =	vst.idx.msk $0xffff, v5;
	v5 =	vmul.f32 v20, v22  }
0x31e: {  	v0 =	vmul.f32 v0, v18;
	[tilespmem:v42+s17+$0x0] =	vst.idx.msk $0xffff, v4  }
0x31f: {  	[tilespmem:v43+s17+$0x0] =	vst.idx.msk $0xffff, v5  }
0x320: {  	[tilespmem:v44+s17+$0x0] =	vst.idx.msk $0xffff, v0  }
0x321: {  	v0 =	vld.idx.msk [tilespmem:v45+s11+$0x0], $0xffff  }
0x322: {  	v4 =	vld.idx.msk [tilespmem:v46+s11+$0x0], $0xffff  }
0x323: {  	v5 =	vld.idx.msk [tilespmem:v47+s11+$0x0], $0xffff  }
0x324: {  	v6 =	vld.idx.msk [tilespmem:v48+s11+$0x0], $0xffff  }
0x325: {  	v7 =	vld.idx.msk [tilespmem:v49+s11+$0x0], $0xffff  }
0x326: {  	v22 =	vld.idx.msk [tilespmem:v50+s11+$0x0], $0xffff  }
0x327: {  	v12 =	vld.idx.msk [tilespmem:v51+s11+$0x0], $0xffff;
	v0 =	vxor.u32 $0x80000000, v0  }
0x328: {  	v5 =	vxor.u32 $0x80000000, v5;
	v18 =	vmax.f32 v0, v4  }
0x329: {  	v20 =	vld.idx.msk [tilespmem:v52+s11+$0x0], $0xffff;
	v10 =	vmax.f32 v18, v5  }
0x32a: {  	v7 =	vxor.u32 $0x80000000, v7;
	v10 =	vmax.f32 v10, v6  }
0x32b: {  	v10 =	vmax.f32 v10, v7  }
0x32c: {  	v9 =	vxor.u32 $0x80000000, v12;
	v10 =	vmax.f32 v10, v22  }
0x32d: {  	v10 =	vmax.f32 v10, v9  }
0x32e: {  	v10 =	vmax.f32 v10, v20  }
0x32f: {  	v0 =	vsub.f32 v0, v10  }
0x330: {  	v4 =	vsub.f32 v4, v10  }
0x331: {  	v0 =	vmul.f32 $1.442695020e+00, v0  }
0x332: {  	v5 =	vsub.f32 v5, v10;
	v4 =	vmul.f32 $1.442695020e+00, v4  }
0x333: {  	(erf) = vpow2.f32 v0  }
0x334: {  	v0 =	vmul.f32 $1.442695020e+00, v5;
	(erf) = vpow2.f32 v4;
	v4 =	vsub.f32 v6, v10;
	_ =	sdelay $0x1  }
0x335: {  	(erf) = vpow2.f32 v0;
	v0 =	vmul.f32 $1.442695020e+00, v4;
	v4 =	vsub.f32 v7, v10;
	_ =	sdelay $0x1  }
0x336: {  	(erf) = vpow2.f32 v0;
	v0 =	vmul.f32 $1.442695020e+00, v4;
	v4 =	vsub.f32 v22, v10;
	_ =	sdelay $0x1  }
0x337: {  	(erf) = vpow2.f32 v0;
	v0 =	vmul.f32 $1.442695020e+00, v4;
	v4 =	vsub.f32 v9, v10;
	_ =	sdelay $0x1  }
0x338: {  	v5 =	vpop (erf);
	(erf) = vpow2.f32 v0;
	v0 =	vmul.f32 $1.442695020e+00, v4;
	v4 =	vsub.f32 v20, v10  }
0x339: {  	v6 =	vpop (erf)  }
0x33a: {  	(erf) = vpow2.f32 v0;
	v0 =	vmul.f32 $1.442695020e+00, v4;
	v4 =	vadd.f32 v6, v5;
	_ =	sdelay $0x1  }
0x33b: {  	v7 =	vpop (erf)  }
0x33c: {  	(erf) = vpow2.f32 v0;
	v0 =	vadd.f32 v4, v7  }
0x33d: {  	v4 =	vpop (erf)  }
0x33e: {  	v0 =	vadd.f32 v0, v4  }
0x33f: {  	v8 =	vpop (erf)  }
0x340: {  	v0 =	vadd.f32 v0, v8  }
0x341: {  	v9 =	vpop (erf)  }
0x342: {  	v0 =	vadd.f32 v0, v9  }
0x343: {  	v22 =	vpop (erf)  }
0x344: {  	v0 =	vadd.f32 v0, v22  }
0x345: {  	v18 =	vpop (erf)  }
0x346: {  	v0 =	vadd.f32 v0, v18;
	_ =	sdelay $0x1  }
0x347: {  	(erf) = vrcp.f32 v0;
	_ =	sdelay $0x8  }
0x348: {  	v0 =	vpop (erf)  }
0x349: {  	v0 =	vmul.f32 v0, v3;
	_ =	sdelay $0x1  }
0x34a: {  	v20 =	vsub.f32 $0.0e+00, v0;
	_ =	sdelay $0x1  }
0x34b: {  	v5 =	vmul.f32 v20, v5  }
0x34c: {  	v6 =	vmul.f32 v0, v6  }
0x34d: {  	[tilespmem:v53+s17+$0x0] =	vst.idx.msk $0xffff, v5;
	v5 =	vmul.f32 v20, v7  }
0x34e: {  	v4 =	vmul.f32 v0, v4;
	[tilespmem:v54+s17+$0x0] =	vst.idx.msk $0xffff, v6  }
0x34f: {  	[tilespmem:v55+s17+$0x0] =	vst.idx.msk $0xffff, v5;
	v5 =	vmul.f32 v20, v8  }
0x350: {  	[tilespmem:v56+s17+$0x0] =	vst.idx.msk $0xffff, v4;
	v4 =	vmul.f32 v0, v9  }
0x351: {  	[tilespmem:v57+s17+$0x0] =	vst.idx.msk $0xffff, v5;
	v5 =	vmul.f32 v20, v22  }
0x352: {  	v2 =	vld [tilespmem:$0x1FF40];
	v0 =	vmul.f32 v0, v18;
	[tilespmem:v58+s17+$0x0] =	vst.idx.msk $0xffff, v4  }
0x353: {  	v18 =	vld [tilespmem:$0x1FF50];
	[tilespmem:v59+s17+$0x0] =	vst.idx.msk $0xffff, v5  }
0x354: {  	[tilespmem:v60+s17+$0x0] =	vst.idx.msk $0xffff, v0  }
0x355: {  	v0 =	vld.idx.msk [tilespmem:v61+s11+$0x0], $0xffff  }
0x356: {  	v4 =	vld.idx.msk [tilespmem:v62+s11+$0x0], $0xffff  }
0x357: {  	v5 =	vld.idx.msk [tilespmem:v63+s11+$0x0], $0xffff  }
0x358: {  	v6 =	vld.idx.msk [tilespmem:v31+s11+$0x0], $0xffff  }
0x359: {  	v7 =	vld.idx.msk [tilespmem:v30+s11+$0x0], $0xffff  }
0x35a: {  	v8 =	vld.idx.msk [tilespmem:v2+s11+$0x0], $0xffff  }
0x35b: {  	v22 =	vld.idx.msk [tilespmem:v18+s11+$0x0], $0xffff;
	v0 =	vxor.u32 $0x80000000, v0  }
0x35c: {  	v5 =	vxor.u32 $0x80000000, v5;
	v12 =	vmax.f32 v0, v4  }
0x35d: {  	v19 =	vld.idx.msk [tilespmem:v19+s11+$0x0], $0xffff;
	v10 =	vmax.f32 v12, v5  }
0x35e: {  	v7 =	vxor.u32 $0x80000000, v7;
	v10 =	vmax.f32 v10, v6  }
0x35f: {  	v10 =	vmax.f32 v10, v7  }
0x360: {  	v9 =	vxor.u32 $0x80000000, v22;
	v10 =	vmax.f32 v10, v8  }
0x361: {  	v10 =	vmax.f32 v10, v9  }
0x362: {  	v10 =	vmax.f32 v10, v19  }
0x363: {  	v0 =	vsub.f32 v0, v10  }
0x364: {  	v4 =	vsub.f32 v4, v10  }
0x365: {  	v0 =	vmul.f32 $1.442695020e+00, v0  }
0x366: {  	v5 =	vsub.f32 v5, v10;
	v4 =	vmul.f32 $1.442695020e+00, v4  }
0x367: {  	(erf) = vpow2.f32 v0  }
0x368: {  	v0 =	vmul.f32 $1.442695020e+00, v5;
	(erf) = vpow2.f32 v4;
	v4 =	vsub.f32 v6, v10;
	_ =	sdelay $0x1  }
0x369: {  	(erf) = vpow2.f32 v0;
	v0 =	vmul.f32 $1.442695020e+00, v4;
	v4 =	vsub.f32 v7, v10;
	_ =	sdelay $0x1  }
0x36a: {  	(erf) = vpow2.f32 v0;
	v0 =	vmul.f32 $1.442695020e+00, v4;
	v4 =	vsub.f32 v8, v10;
	_ =	sdelay $0x1  }
0x36b: {  	(erf) = vpow2.f32 v0;
	v0 =	vmul.f32 $1.442695020e+00, v4;
	v4 =	vsub.f32 v9, v10;
	_ =	sdelay $0x1  }
0x36c: {  	v5 =	vpop (erf);
	(erf) = vpow2.f32 v0;
	v0 =	vmul.f32 $1.442695020e+00, v4;
	v4 =	vsub.f32 v19, v10  }
0x36d: {  	v20 =	vpop (erf)  }
0x36e: {  	(erf) = vpow2.f32 v0;
	v0 =	vmul.f32 $1.442695020e+00, v4;
	v4 =	vadd.f32 v20, v5;
	_ =	sdelay $0x1  }
0x36f: {  	v22 =	vpop (erf)  }
0x370: {  	(erf) = vpow2.f32 v0;
	v0 =	vadd.f32 v4, v22  }
0x371: {  	v4 =	vpop (erf)  }
0x372: {  	v0 =	vadd.f32 v0, v4  }
0x373: {  	v8 =	vpop (erf)  }
0x374: {  	v0 =	vadd.f32 v0, v8  }
0x375: {  	v9 =	vpop (erf)  }
0x376: {  	v0 =	vadd.f32 v0, v9  }
0x377: {  	v10 =	vpop (erf)  }
0x378: {  	v0 =	vadd.f32 v0, v10  }
0x379: {  	v11 =	vpop (erf)  }
0x37a: {  	v0 =	vadd.f32 v0, v11;
	_ =	sdelay $0x1  }
0x37b: {  	(erf) = vrcp.f32 v0;
	_ =	sdelay $0x7  }
0x37c: {  	v19 =	vld [tilespmem:$0x1FF60]  }
0x37d: {  	v0 =	vpop (erf)  }
0x37e: {  	v0 =	vmul.f32 v0, v3;
	_ =	sdelay $0x1  }
0x37f: {  	v12 =	vsub.f32 $0.0e+00, v0;
	_ =	sdelay $0x1  }
0x380: {  	v5 =	vmul.f32 v12, v5;
	_ =	sdelay $0x1  }
0x381: {  	[tilespmem:v19+s17+$0x0] =	vst.idx.msk $0xffff, v5;
	v5 =	vmul.f32 v12, v22;
	v22 =	vld [tilespmem:$0x1FF70];
	_ =	sdelay $0x1  }
0x382: {  	v6 =	vmul.f32 v0, v20;
	v20 =	vld [tilespmem:$0x1FF90];
	_ =	sdelay $0x5  }
0x383: {  	v4 =	vmul.f32 v0, v4;
	[tilespmem:v22+s17+$0x0] =	vst.idx.msk $0xffff, v6  }
0x384: {  	[tilespmem:v16+s17+$0x0] =	vst.idx.msk $0xffff, v5;
	v5 =	vmul.f32 v12, v8  }
0x385: {  	[tilespmem:v20+s17+$0x0] =	vst.idx.msk $0xffff, v4  }
0x386: {  	[tilespmem:v21+s17+$0x0] =	vst.idx.msk $0xffff, v5;
	v21 =	vld [tilespmem:$0x1FFB0]  }
0x387: {  	v16 =	vld [tilespmem:$0x1FFC0];
	_ =	sdelay $0x4  }
0x388: {  	v4 =	vmul.f32 v0, v9  }
0x389: {  	v5 =	vmul.f32 v12, v10  }
0x38a: {  	v0 =	vmul.f32 v0, v11;
	[tilespmem:v21+s17+$0x0] =	vst.idx.msk $0xffff, v4  }
0x38b: {  	[tilespmem:v16+s17+$0x0] =	vst.idx.msk $0xffff, v5  }
0x38c: {  	s29 =	sadd.s32 $0x800, s26;
	[tilespmem:v29+s17+$0x0] =	vst.idx.msk $0xffff, v0  }
0x38d: {  	[hbm4b:s29+s1] =	stream.linear.scatter [tilespmem:s17], [sflag:$0x2], $0x4000, $0x38;
	[tilespmem:$0x14080] =	vst v63  }
0x38e: {  	s30 =	sadd.s32 $0x1800, s25  }
0x38f: {  	[tilespmem:s11], [sflag:$0x6] =	stream.strided.gather [hbm4b:s30+s9], $0x2000, s10, s9, $0x38;
	[tilespmem:$0x14080] =	vst v63  }
0x390: {  	_ =	swait.ge [sflag:s14], $0x2000  }
0x391: {  	[sflag:s14] =	ssyncset.done $0x0  }
0x392: {  	s28 =	simm.s32 @!p0 $0x3;
	[sflag:s14] =	ssyncadd.s32 $0xFFFFE000  }
0x393: {  	_ =	swait.ge @!p0 [sflag:s28], $0x4000  }
0x394: {  	v0 =	vld [tilespmem:$0x1FFE0]  }
0x395: {  	[sflag:s28] =	ssyncset.done @!p0 $0x0  }
0x396: {  	v11 =	vld [tilespmem:$0x1FC30];
	[sflag:s28] =	ssyncadd.s32 @!p0 $0xFFFFC000  }
0x397: {  	v4 =	vld.idx.msk [tilespmem:v13+s1+$0x0], $0xffff  }
0x398: {  	v5 =	vld.idx.msk [tilespmem:v17+s1+$0x0], $0xffff  }
0x399: {  	v13 =	vld [tilespmem:$0x1FC50]  }
0x39a: {  	v17 =	vld.idx.msk [tilespmem:v15+s1+$0x0], $0xffff  }
0x39b: {  	v15 =	vld [tilespmem:$0x1FC60]  }
0x39c: {  	v0 =	vld.idx.msk [tilespmem:v0+s1+$0x0], $0xffff;
	_ =	sdelay $0x2  }
0x39d: {  	v7 =	vld.idx.msk [tilespmem:v11+s1+$0x0], $0xffff  }
0x39e: {  	v12 =	vld.idx.msk [tilespmem:v14+s1+$0x0], $0xffff  }
0x39f: {  	v9 =	vld.idx.msk [tilespmem:v13+s1+$0x0], $0xffff;
	v0 =	vxor.u32 $0x80000000, v0  }
0x3a0: {  	v5 =	vxor.u32 $0x80000000, v5;
	v14 =	vmax.f32 v0, v4  }
0x3a1: {  	v11 =	vld.idx.msk [tilespmem:v15+s1+$0x0], $0xffff;
	v10 =	vmax.f32 v14, v5  }
0x3a2: {  	v7 =	vxor.u32 $0x80000000, v7;
	v10 =	vmax.f32 v10, v17  }
0x3a3: {  	v10 =	vmax.f32 v10, v7  }
0x3a4: {  	v9 =	vxor.u32 $0x80000000, v9;
	v10 =	vmax.f32 v10, v12  }
0x3a5: {  	v10 =	vmax.f32 v10, v9  }
0x3a6: {  	v10 =	vmax.f32 v10, v11  }
0x3a7: {  	v0 =	vsub.f32 v0, v10  }
0x3a8: {  	v4 =	vsub.f32 v4, v10  }
0x3a9: {  	v0 =	vmul.f32 $1.442695020e+00, v0  }
0x3aa: {  	v5 =	vsub.f32 v5, v10;
	v4 =	vmul.f32 $1.442695020e+00, v4  }
0x3ab: {  	(erf) = vpow2.f32 v0  }
0x3ac: {  	v0 =	vmul.f32 $1.442695020e+00, v5;
	(erf) = vpow2.f32 v4;
	v4 =	vsub.f32 v17, v10;
	_ =	sdelay $0x1  }
0x3ad: {  	(erf) = vpow2.f32 v0;
	v0 =	vmul.f32 $1.442695020e+00, v4;
	v4 =	vsub.f32 v7, v10;
	_ =	sdelay $0x1  }
0x3ae: {  	(erf) = vpow2.f32 v0;
	v0 =	vmul.f32 $1.442695020e+00, v4;
	v4 =	vsub.f32 v12, v10;
	_ =	sdelay $0x1  }
0x3af: {  	(erf) = vpow2.f32 v0;
	v0 =	vmul.f32 $1.442695020e+00, v4;
	v4 =	vsub.f32 v9, v10;
	_ =	sdelay $0x1  }
0x3b0: {  	v5 =	vpop (erf);
	(erf) = vpow2.f32 v0;
	v0 =	vmul.f32 $1.442695020e+00, v4;
	v4 =	vsub.f32 v11, v10  }
0x3b1: {  	v17 =	vpop (erf)  }
0x3b2: {  	(erf) = vpow2.f32 v0;
	v0 =	vmul.f32 $1.442695020e+00, v4;
	v4 =	vadd.f32 v17, v5;
	_ =	sdelay $0x1  }
0x3b3: {  	v7 =	vpop (erf)  }
0x3b4: {  	(erf) = vpow2.f32 v0;
	v0 =	vadd.f32 v4, v7  }
0x3b5: {  	v4 =	vpop (erf)  }
0x3b6: {  	v0 =	vadd.f32 v0, v4  }
0x3b7: {  	v8 =	vpop (erf)  }
0x3b8: {  	v0 =	vadd.f32 v0, v8  }
0x3b9: {  	v9 =	vpop (erf)  }
0x3ba: {  	v0 =	vadd.f32 v0, v9  }
0x3bb: {  	v10 =	vpop (erf)  }
0x3bc: {  	v0 =	vadd.f32 v0, v10  }
0x3bd: {  	v11 =	vpop (erf)  }
0x3be: {  	v0 =	vadd.f32 v0, v11;
	_ =	sdelay $0x1  }
0x3bf: {  	(erf) = vrcp.f32 v0;
	_ =	sdelay $0x8  }
0x3c0: {  	v0 =	vpop (erf)  }
0x3c1: {  	v0 =	vmul.f32 v0, v3;
	_ =	sdelay $0x1  }
0x3c2: {  	v6 =	vmul.f32 v0, v17;
	v17 =	vld [tilespmem:$0x1FC70];
	_ =	sdelay $0x3  }
0x3c3: {  	v13 =	vld [tilespmem:$0x1FC80];
	v12 =	vsub.f32 $0.0e+00, v0;
	_ =	sdelay $0x1  }
0x3c4: {  	v14 =	vld [tilespmem:$0x1FCA0];
	v5 =	vmul.f32 v12, v5  }
0x3c5: {  	v15 =	vld [tilespmem:$0x1FCB0]  }
0x3c6: {  	[tilespmem:v17+s18+$0x0] =	vst.idx.msk $0xffff, v5;
	v17 =	vld [tilespmem:$0x1FCC0];
	_ =	sdelay $0x2  }
0x3c7: {  	v5 =	vmul.f32 v12, v7  }
0x3c8: {  	v4 =	vmul.f32 v0, v4;
	[tilespmem:v13+s18+$0x0] =	vst.idx.msk $0xffff, v6  }
0x3c9: {  	[tilespmem:v23+s18+$0x0] =	vst.idx.msk $0xffff, v5;
	v5 =	vmul.f32 v12, v8  }
0x3ca: {  	[tilespmem:v14+s18+$0x0] =	vst.idx.msk $0xffff, v4;
	v4 =	vmul.f32 v0, v9  }
0x3cb: {  	[tilespmem:v15+s18+$0x0] =	vst.idx.msk $0xffff, v5;
	v5 =	vmul.f32 v12, v10  }
0x3cc: {  	v0 =	vmul.f32 v0, v11;
	[tilespmem:v17+s18+$0x0] =	vst.idx.msk $0xffff, v4  }
0x3cd: {  	[tilespmem:v24+s18+$0x0] =	vst.idx.msk $0xffff, v5  }
0x3ce: {  	[tilespmem:v25+s18+$0x0] =	vst.idx.msk $0xffff, v0  }
0x3cf: {  	v0 =	vld.idx.msk [tilespmem:v26+s1+$0x0], $0xffff  }
0x3d0: {  	v4 =	vld.idx.msk [tilespmem:v27+s1+$0x0], $0xffff  }
0x3d1: {  	v5 =	vld.idx.msk [tilespmem:v28+s1+$0x0], $0xffff  }
0x3d2: {  	v6 =	vld.idx.msk [tilespmem:v32+s1+$0x0], $0xffff  }
0x3d3: {  	v7 =	vld.idx.msk [tilespmem:v33+s1+$0x0], $0xffff  }
0x3d4: {  	v23 =	vld.idx.msk [tilespmem:v34+s1+$0x0], $0xffff  }
0x3d5: {  	v24 =	vld.idx.msk [tilespmem:v35+s1+$0x0], $0xffff;
	v0 =	vxor.u32 $0x80000000, v0  }
0x3d6: {  	v5 =	vxor.u32 $0x80000000, v5;
	v25 =	vmax.f32 v0, v4  }
0x3d7: {  	v26 =	vld.idx.msk [tilespmem:v36+s1+$0x0], $0xffff;
	v10 =	vmax.f32 v25, v5  }
0x3d8: {  	v7 =	vxor.u32 $0x80000000, v7;
	v10 =	vmax.f32 v10, v6  }
0x3d9: {  	v10 =	vmax.f32 v10, v7  }
0x3da: {  	v9 =	vxor.u32 $0x80000000, v24;
	v10 =	vmax.f32 v10, v23  }
0x3db: {  	v10 =	vmax.f32 v10, v9  }
0x3dc: {  	v10 =	vmax.f32 v10, v26  }
0x3dd: {  	v0 =	vsub.f32 v0, v10  }
0x3de: {  	v4 =	vsub.f32 v4, v10  }
0x3df: {  	v0 =	vmul.f32 $1.442695020e+00, v0  }
0x3e0: {  	v5 =	vsub.f32 v5, v10;
	v4 =	vmul.f32 $1.442695020e+00, v4  }
0x3e1: {  	(erf) = vpow2.f32 v0  }
0x3e2: {  	v0 =	vmul.f32 $1.442695020e+00, v5;
	(erf) = vpow2.f32 v4;
	v4 =	vsub.f32 v6, v10;
	_ =	sdelay $0x1  }
0x3e3: {  	(erf) = vpow2.f32 v0;
	v0 =	vmul.f32 $1.442695020e+00, v4;
	v4 =	vsub.f32 v7, v10;
	_ =	sdelay $0x1  }
0x3e4: {  	(erf) = vpow2.f32 v0;
	v0 =	vmul.f32 $1.442695020e+00, v4;
	v4 =	vsub.f32 v23, v10;
	_ =	sdelay $0x1  }
0x3e5: {  	(erf) = vpow2.f32 v0;
	v0 =	vmul.f32 $1.442695020e+00, v4;
	v4 =	vsub.f32 v9, v10;
	_ =	sdelay $0x1  }
0x3e6: {  	v5 =	vpop (erf);
	(erf) = vpow2.f32 v0;
	v0 =	vmul.f32 $1.442695020e+00, v4;
	v4 =	vsub.f32 v26, v10  }
0x3e7: {  	v27 =	vpop (erf)  }
0x3e8: {  	(erf) = vpow2.f32 v0;
	v0 =	vmul.f32 $1.442695020e+00, v4;
	v4 =	vadd.f32 v27, v5;
	_ =	sdelay $0x1  }
0x3e9: {  	v28 =	vpop (erf)  }
0x3ea: {  	(erf) = vpow2.f32 v0;
	v0 =	vadd.f32 v4, v28  }
0x3eb: {  	v4 =	vpop (erf)  }
0x3ec: {  	v0 =	vadd.f32 v0, v4  }
0x3ed: {  	v32 =	vpop (erf)  }
0x3ee: {  	v0 =	vadd.f32 v0, v32  }
0x3ef: {  	v33 =	vpop (erf)  }
0x3f0: {  	v0 =	vadd.f32 v0, v33  }
0x3f1: {  	v34 =	vpop (erf)  }
0x3f2: {  	v0 =	vadd.f32 v0, v34  }
0x3f3: {  	v35 =	vpop (erf)  }
0x3f4: {  	v0 =	vadd.f32 v0, v35;
	_ =	sdelay $0x1  }
0x3f5: {  	(erf) = vrcp.f32 v0;
	_ =	sdelay $0x8  }
0x3f6: {  	v0 =	vpop (erf)  }
0x3f7: {  	v0 =	vmul.f32 v0, v3;
	_ =	sdelay $0x1  }
0x3f8: {  	v36 =	vsub.f32 $0.0e+00, v0;
	_ =	sdelay $0x1  }
0x3f9: {  	v5 =	vmul.f32 v36, v5  }
0x3fa: {  	v6 =	vmul.f32 v0, v27  }
0x3fb: {  	[tilespmem:v37+s18+$0x0] =	vst.idx.msk $0xffff, v5;
	v5 =	vmul.f32 v36, v28  }
0x3fc: {  	v4 =	vmul.f32 v0, v4;
	[tilespmem:v38+s18+$0x0] =	vst.idx.msk $0xffff, v6  }
0x3fd: {  	[tilespmem:v39+s18+$0x0] =	vst.idx.msk $0xffff, v5;
	v5 =	vmul.f32 v36, v32  }
0x3fe: {  	[tilespmem:v40+s18+$0x0] =	vst.idx.msk $0xffff, v4;
	v4 =	vmul.f32 v0, v33  }
0x3ff: {  	[tilespmem:v41+s18+$0x0] =	vst.idx.msk $0xffff, v5;
	v5 =	vmul.f32 v36, v34  }
0x400: {  	v0 =	vmul.f32 v0, v35;
	[tilespmem:v42+s18+$0x0] =	vst.idx.msk $0xffff, v4  }
0x401: {  	[tilespmem:v43+s18+$0x0] =	vst.idx.msk $0xffff, v5  }
0x402: {  	[tilespmem:v44+s18+$0x0] =	vst.idx.msk $0xffff, v0  }
0x403: {  	v0 =	vld.idx.msk [tilespmem:v45+s1+$0x0], $0xffff  }
0x404: {  	v4 =	vld.idx.msk [tilespmem:v46+s1+$0x0], $0xffff  }
0x405: {  	v5 =	vld.idx.msk [tilespmem:v47+s1+$0x0], $0xffff  }
0x406: {  	v6 =	vld.idx.msk [tilespmem:v48+s1+$0x0], $0xffff  }
0x407: {  	v40 =	vld.idx.msk [tilespmem:v49+s1+$0x0], $0xffff  }
0x408: {  	v41 =	vld.idx.msk [tilespmem:v50+s1+$0x0], $0xffff  }
0x409: {  	v42 =	vld.idx.msk [tilespmem:v51+s1+$0x0], $0xffff;
	v0 =	vxor.u32 $0x80000000, v0  }
0x40a: {  	v5 =	vxor.u32 $0x80000000, v5;
	v43 =	vmax.f32 v0, v4  }
0x40b: {  	v44 =	vld.idx.msk [tilespmem:v52+s1+$0x0], $0xffff;
	v10 =	vmax.f32 v43, v5  }
0x40c: {  	v7 =	vxor.u32 $0x80000000, v40;
	v10 =	vmax.f32 v10, v6  }
0x40d: {  	v10 =	vmax.f32 v10, v7  }
0x40e: {  	v9 =	vxor.u32 $0x80000000, v42;
	v10 =	vmax.f32 v10, v41  }
0x40f: {  	v10 =	vmax.f32 v10, v9  }
0x410: {  	v10 =	vmax.f32 v10, v44  }
0x411: {  	v0 =	vsub.f32 v0, v10  }
0x412: {  	v4 =	vsub.f32 v4, v10  }
0x413: {  	v0 =	vmul.f32 $1.442695020e+00, v0  }
0x414: {  	v5 =	vsub.f32 v5, v10;
	v4 =	vmul.f32 $1.442695020e+00, v4  }
0x415: {  	(erf) = vpow2.f32 v0  }
0x416: {  	v0 =	vmul.f32 $1.442695020e+00, v5;
	(erf) = vpow2.f32 v4;
	v4 =	vsub.f32 v6, v10;
	_ =	sdelay $0x1  }
0x417: {  	(erf) = vpow2.f32 v0;
	v0 =	vmul.f32 $1.442695020e+00, v4;
	v4 =	vsub.f32 v7, v10;
	_ =	sdelay $0x1  }
0x418: {  	(erf) = vpow2.f32 v0;
	v0 =	vmul.f32 $1.442695020e+00, v4;
	v4 =	vsub.f32 v41, v10;
	_ =	sdelay $0x1  }
0x419: {  	(erf) = vpow2.f32 v0;
	v0 =	vmul.f32 $1.442695020e+00, v4;
	v4 =	vsub.f32 v9, v10;
	_ =	sdelay $0x1  }
0x41a: {  	v5 =	vpop (erf);
	(erf) = vpow2.f32 v0;
	v0 =	vmul.f32 $1.442695020e+00, v4;
	v4 =	vsub.f32 v44, v10  }
0x41b: {  	v45 =	vpop (erf)  }
0x41c: {  	(erf) = vpow2.f32 v0;
	v0 =	vmul.f32 $1.442695020e+00, v4;
	v4 =	vadd.f32 v45, v5;
	_ =	sdelay $0x1  }
0x41d: {  	v46 =	vpop (erf)  }
0x41e: {  	(erf) = vpow2.f32 v0;
	v0 =	vadd.f32 v4, v46  }
0x41f: {  	v4 =	vpop (erf)  }
0x420: {  	v0 =	vadd.f32 v0, v4  }
0x421: {  	v47 =	vpop (erf)  }
0x422: {  	v0 =	vadd.f32 v0, v47  }
0x423: {  	v48 =	vpop (erf)  }
0x424: {  	v0 =	vadd.f32 v0, v48  }
0x425: {  	v49 =	vpop (erf)  }
0x426: {  	v0 =	vadd.f32 v0, v49  }
0x427: {  	v50 =	vpop (erf)  }
0x428: {  	v0 =	vadd.f32 v0, v50;
	_ =	sdelay $0x1  }
0x429: {  	(erf) = vrcp.f32 v0;
	_ =	sdelay $0x8  }
0x42a: {  	v0 =	vpop (erf)  }
0x42b: {  	v0 =	vmul.f32 v0, v3;
	_ =	sdelay $0x1  }
0x42c: {  	v51 =	vsub.f32 $0.0e+00, v0;
	_ =	sdelay $0x1  }
0x42d: {  	v5 =	vmul.f32 v51, v5  }
0x42e: {  	v6 =	vmul.f32 v0, v45  }
0x42f: {  	[tilespmem:v53+s18+$0x0] =	vst.idx.msk $0xffff, v5;
	v5 =	vmul.f32 v51, v46  }
0x430: {  	v4 =	vmul.f32 v0, v4;
	[tilespmem:v54+s18+$0x0] =	vst.idx.msk $0xffff, v6  }
0x431: {  	[tilespmem:v55+s18+$0x0] =	vst.idx.msk $0xffff, v5;
	v5 =	vmul.f32 v51, v47  }
0x432: {  	[tilespmem:v56+s18+$0x0] =	vst.idx.msk $0xffff, v4;
	v4 =	vmul.f32 v0, v48  }
0x433: {  	[tilespmem:v57+s18+$0x0] =	vst.idx.msk $0xffff, v5;
	v5 =	vmul.f32 v51, v49  }
0x434: {  	v0 =	vmul.f32 v0, v50;
	[tilespmem:v58+s18+$0x0] =	vst.idx.msk $0xffff, v4  }
0x435: {  	[tilespmem:v59+s18+$0x0] =	vst.idx.msk $0xffff, v5  }
0x436: {  	[tilespmem:v60+s18+$0x0] =	vst.idx.msk $0xffff, v0  }
0x437: {  	v0 =	vld.idx.msk [tilespmem:v61+s1+$0x0], $0xffff  }
0x438: {  	v53 =	vld.idx.msk [tilespmem:v2+s1+$0x0], $0xffff  }
0x439: {  	v2 =	vld [tilespmem:$0x1FFF0]  }
0x43a: {  	v4 =	vld.idx.msk [tilespmem:v62+s1+$0x0], $0xffff  }
0x43b: {  	v5 =	vld.idx.msk [tilespmem:v63+s1+$0x0], $0xffff  }
0x43c: {  	v6 =	vld.idx.msk [tilespmem:v31+s1+$0x0], $0xffff  }
0x43d: {  	v52 =	vld.idx.msk [tilespmem:v30+s1+$0x0], $0xffff;
	_ =	sdelay $0x1  }
0x43e: {  	v54 =	vld.idx.msk [tilespmem:v18+s1+$0x0], $0xffff;
	v0 =	vxor.u32 $0x80000000, v0  }
0x43f: {  	v5 =	vxor.u32 $0x80000000, v5;
	v55 =	vmax.f32 v0, v4  }
0x440: {  	v10 =	vmax.f32 v55, v5;
	v56 =	vld.idx.msk [tilespmem:v2+s1+$0x0], $0xffff  }
0x441: {  	v7 =	vxor.u32 $0x80000000, v52;
	v10 =	vmax.f32 v10, v6  }
0x442: {  	v10 =	vmax.f32 v10, v7  }
0x443: {  	v9 =	vxor.u32 $0x80000000, v54;
	v10 =	vmax.f32 v10, v53  }
0x444: {  	v10 =	vmax.f32 v10, v9  }
0x445: {  	v10 =	vmax.f32 v10, v56  }
0x446: {  	v0 =	vsub.f32 v0, v10  }
0x447: {  	v4 =	vsub.f32 v4, v10  }
0x448: {  	v0 =	vmul.f32 $1.442695020e+00, v0  }
0x449: {  	v5 =	vsub.f32 v5, v10;
	v4 =	vmul.f32 $1.442695020e+00, v4  }
0x44a: {  	(erf) = vpow2.f32 v0  }
0x44b: {  	v0 =	vmul.f32 $1.442695020e+00, v5;
	(erf) = vpow2.f32 v4;
	v4 =	vsub.f32 v6, v10;
	_ =	sdelay $0x1  }
0x44c: {  	(erf) = vpow2.f32 v0;
	v0 =	vmul.f32 $1.442695020e+00, v4;
	v4 =	vsub.f32 v7, v10;
	_ =	sdelay $0x1  }
0x44d: {  	(erf) = vpow2.f32 v0;
	v0 =	vmul.f32 $1.442695020e+00, v4;
	v4 =	vsub.f32 v53, v10;
	_ =	sdelay $0x1  }
0x44e: {  	(erf) = vpow2.f32 v0;
	v0 =	vmul.f32 $1.442695020e+00, v4;
	v4 =	vsub.f32 v9, v10;
	_ =	sdelay $0x1  }
0x44f: {  	v5 =	vpop (erf);
	(erf) = vpow2.f32 v0;
	v0 =	vmul.f32 $1.442695020e+00, v4;
	v4 =	vsub.f32 v56, v10  }
0x450: {  	v57 =	vpop (erf)  }
0x451: {  	(erf) = vpow2.f32 v0;
	v0 =	vmul.f32 $1.442695020e+00, v4;
	v4 =	vadd.f32 v57, v5;
	_ =	sdelay $0x1  }
0x452: {  	v58 =	vpop (erf)  }
0x453: {  	(erf) = vpow2.f32 v0;
	v0 =	vadd.f32 v4, v58  }
0x454: {  	v4 =	vpop (erf)  }
0x455: {  	v0 =	vadd.f32 v0, v4  }
0x456: {  	v59 =	vpop (erf)  }
0x457: {  	v0 =	vadd.f32 v0, v59  }
0x458: {  	v60 =	vpop (erf)  }
0x459: {  	v0 =	vadd.f32 v0, v60  }
0x45a: {  	v61 =	vpop (erf)  }
0x45b: {  	v0 =	vadd.f32 v0, v61  }
0x45c: {  	v62 =	vpop (erf)  }
0x45d: {  	v0 =	vadd.f32 v0, v62;
	_ =	sdelay $0x1  }
0x45e: {  	(erf) = vrcp.f32 v0;
	_ =	sdelay $0x8  }
0x45f: {  	v0 =	vpop (erf)  }
0x460: {  	v2 =	vld [tilespmem:$0x1FF80];
	v0 =	vmul.f32 v0, v3;
	_ =	sdelay $0x1  }
0x461: {  	v63 =	vsub.f32 $0.0e+00, v0;
	_ =	sdelay $0x1  }
0x462: {  	v5 =	vmul.f32 v63, v5  }
0x463: {  	v6 =	vmul.f32 v0, v57  }
0x464: {  	[tilespmem:v19+s18+$0x0] =	vst.idx.msk $0xffff, v5;
	v5 =	vmul.f32 v63, v58  }
0x465: {  	[tilespmem:v22+s18+$0x0] =	vst.idx.msk $0xffff, v6  }
0x466: {  	[tilespmem:v2+s18+$0x0] =	vst.idx.msk $0xffff, v5;
	v2 =	vld [tilespmem:$0x1FFA0];
	_ =	sdelay $0x4  }
0x467: {  	v4 =	vmul.f32 v0, v4  }
0x468: {  	v5 =	vmul.f32 v63, v59  }
0x469: {  	p1 =	sne.s32 s24, $0x1E000;
	[tilespmem:v20+s18+$0x0] =	vst.idx.msk $0xffff, v4;
	v4 =	vmul.f32 v0, v60  }
.Ltmp3:
0x46a: {  	[tilespmem:v2+s18+$0x0] =	vst.idx.msk $0xffff, v5;
	v5 =	vmul.f32 v63, v61;
	(pc) =	sbr.rel @p1 .LBB2_6-.Ltmp3, $4  }
0x46b: {  	v0 =	vmul.f32 v0, v62;
	[tilespmem:v21+s18+$0x0] =	vst.idx.msk $0xffff, v4  }
0x46c: {  	[tilespmem:v16+s18+$0x0] =	vst.idx.msk $0xffff, v5  }
0x46d: {  	s31 =	sadd.s32 $0x1000, s26;
	[tilespmem:v29+s18+$0x0] =	vst.idx.msk $0xffff, v0  }
0x46e: {  	[hbm4b:s31+s1] =	stream.linear.scatter [tilespmem:s18], [sflag:$0x3], $0x4000, $0x38;
	[tilespmem:$0x14080] =	vst v63  }
.Ltmp4:
0x46f: {  	(pc) =	sbr.rel .LBB2_7-.Ltmp4, $4  }
0x470: {  	_ = 	snop  }
0x471: {  	_ =	swait.ge [sflag:s16], $0x2000  }
0x472: {  	[sflag:s16] =	ssyncset.done $0x0  }
0x473: {  	[sflag:s16] =	ssyncadd.s32 $0xFFFFE000  }
.LBB2_6:
.Ltmp5:
0x474: {  	s28 =	sadd.s32 $0x2000, s25;
	(pc) =	sbr.rel @p0 .LBB2_8-.Ltmp5, $4  }
0x475: {  	[tilespmem:s1], [sflag:$0x5] =	stream.strided.gather [hbm4b:s28+s9], $0x2000, s10, s9, $0x38;
	[tilespmem:$0x14080] =	vst v63  }
0x476: {  	_ =	swait.ge [sflag:s16], $0x2000  }
0x477: {  	[sflag:s16] =	ssyncset.done $0x0  }
0x478: {  	[sflag:s16] =	ssyncadd.s32 $0xFFFFE000  }
.LBB2_7:
0x479: {  	_ =	swait.ge [sflag:s19], $0x4000  }
0x47a: {  	[sflag:s19] =	ssyncset.done $0x0  }
0x47b: {  	[sflag:s19] =	ssyncadd.s32 $0xFFFFC000  }
.LBB2_8:
0x47c: {  	v0 =	vld [tilespmem:$0x1FFE0]  }
0x47d: {  	v4 =	vld [tilespmem:$0x1FC00]  }
0x47e: {  	v5 =	vld [tilespmem:$0x1FC10]  }
0x47f: {  	v6 =	vld [tilespmem:$0x1FC20]  }
0x480: {  	v7 =	vld [tilespmem:$0x1FC30]  }
0x481: {  	v8 =	vld [tilespmem:$0x1FC40]  }
0x482: {  	v9 =	vld [tilespmem:$0x1FC50]  }
0x483: {  	v11 =	vld [tilespmem:$0x1FC60]  }
0x484: {  	v0 =	vld.idx.msk [tilespmem:v0+s11+$0x0], $0xffff  }
0x485: {  	v4 =	vld.idx.msk [tilespmem:v4+s11+$0x0], $0xffff  }
0x486: {  	v5 =	vld.idx.msk [tilespmem:v5+s11+$0x0], $0xffff  }
0x487: {  	v6 =	vld.idx.msk [tilespmem:v6+s11+$0x0], $0xffff  }
0x488: {  	v7 =	vld.idx.msk [tilespmem:v7+s11+$0x0], $0xffff  }
0x489: {  	v8 =	vld.idx.msk [tilespmem:v8+s11+$0x0], $0xffff  }
0x48a: {  	v9 =	vld.idx.msk [tilespmem:v9+s11+$0x0], $0xffff;
	v0 =	vxor.u32 $0x80000000, v0  }
0x48b: {  	v5 =	vxor.u32 $0x80000000, v5;
	v10 =	vmax.f32 v0, v4  }
0x48c: {  	v11 =	vld.idx.msk [tilespmem:v11+s11+$0x0], $0xffff;
	v10 =	vmax.f32 v10, v5  }
0x48d: {  	v7 =	vxor.u32 $0x80000000, v7;
	v10 =	vmax.f32 v10, v6  }
0x48e: {  	v10 =	vmax.f32 v10, v7  }
0x48f: {  	v9 =	vxor.u32 $0x80000000, v9;
	v10 =	vmax.f32 v10, v8  }
0x490: {  	v10 =	vmax.f32 v10, v9  }
0x491: {  	v10 =	vmax.f32 v10, v11  }
0x492: {  	v0 =	vsub.f32 v0, v10  }
0x493: {  	v4 =	vsub.f32 v4, v10  }
0x494: {  	v0 =	vmul.f32 $1.442695020e+00, v0  }
0x495: {  	v5 =	vsub.f32 v5, v10;
	v4 =	vmul.f32 $1.442695020e+00, v4  }
0x496: {  	(erf) = vpow2.f32 v0  }
0x497: {  	v0 =	vmul.f32 $1.442695020e+00, v5;
	(erf) = vpow2.f32 v4;
	v4 =	vsub.f32 v6, v10;
	_ =	sdelay $0x1  }
0x498: {  	(erf) = vpow2.f32 v0;
	v0 =	vmul.f32 $1.442695020e+00, v4;
	v4 =	vsub.f32 v7, v10;
	_ =	sdelay $0x1  }
0x499: {  	(erf) = vpow2.f32 v0;
	v0 =	vmul.f32 $1.442695020e+00, v4;
	v4 =	vsub.f32 v8, v10;
	_ =	sdelay $0x1  }
0x49a: {  	(erf) = vpow2.f32 v0;
	v0 =	vmul.f32 $1.442695020e+00, v4;
	v4 =	vsub.f32 v9, v10;
	_ =	sdelay $0x1  }
0x49b: {  	v5 =	vpop (erf);
	(erf) = vpow2.f32 v0;
	v0 =	vmul.f32 $1.442695020e+00, v4;
	v4 =	vsub.f32 v11, v10  }
0x49c: {  	v55 =	vpop (erf)  }
0x49d: {  	(erf) = vpow2.f32 v0;
	v0 =	vmul.f32 $1.442695020e+00, v4;
	v4 =	vadd.f32 v55, v5;
	_ =	sdelay $0x1  }
0x49e: {  	v56 =	vpop (erf)  }
0x49f: {  	(erf) = vpow2.f32 v0;
	v0 =	vadd.f32 v4, v56  }
0x4a0: {  	v4 =	vpop (erf)  }
0x4a1: {  	v0 =	vadd.f32 v0, v4  }
0x4a2: {  	v57 =	vpop (erf)  }
0x4a3: {  	v0 =	vadd.f32 v0, v57  }
0x4a4: {  	v58 =	vpop (erf)  }
0x4a5: {  	v0 =	vadd.f32 v0, v58  }
0x4a6: {  	v59 =	vpop (erf)  }
0x4a7: {  	v0 =	vadd.f32 v0, v59  }
0x4a8: {  	v60 =	vpop (erf)  }
0x4a9: {  	v0 =	vadd.f32 v0, v60;
	_ =	sdelay $0x1  }
0x4aa: {  	(erf) = vrcp.f32 v0;
	_ =	sdelay $0x7  }
0x4ab: {  	v13 =	vld [tilespmem:$0x1FC70]  }
0x4ac: {  	v0 =	vpop (erf)  }
0x4ad: {  	v0 =	vmul.f32 v0, v3;
	_ =	sdelay $0x1  }
0x4ae: {  	v12 =	vsub.f32 $0.0e+00, v0  }
0x4af: {  	v61 =	vld [tilespmem:$0x1FC80]  }
0x4b0: {  	v62 =	vld [tilespmem:$0x1FC90];
	v5 =	vmul.f32 v12, v5  }
0x4b1: {  	v63 =	vld [tilespmem:$0x1FCA0]  }
0x4b2: {  	[tilespmem:v13+s20+$0x0] =	vst.idx.msk $0xffff, v5;
	v13 =	vld [tilespmem:$0x1FCB0]  }
0x4b3: {  	v14 =	vld [tilespmem:$0x1FCC0];
	_ =	sdelay $0x1  }
0x4b4: {  	v6 =	vmul.f32 v0, v55  }
0x4b5: {  	v5 =	vmul.f32 v12, v56  }
0x4b6: {  	v4 =	vmul.f32 v0, v4;
	[tilespmem:v61+s20+$0x0] =	vst.idx.msk $0xffff, v6  }
0x4b7: {  	[tilespmem:v62+s20+$0x0] =	vst.idx.msk $0xffff, v5;
	v5 =	vmul.f32 v12, v57  }
0x4b8: {  	[tilespmem:v63+s20+$0x0] =	vst.idx.msk $0xffff, v4;
	v4 =	vmul.f32 v0, v58  }
0x4b9: {  	[tilespmem:v13+s20+$0x0] =	vst.idx.msk $0xffff, v5  }
0x4ba: {  	[tilespmem:v14+s20+$0x0] =	vst.idx.msk $0xffff, v4;
	v4 =	vld [tilespmem:$0x1FCD0];
	_ =	sdelay $0x5  }
0x4bb: {  	v5 =	vmul.f32 v12, v59;
	_ =	sdelay $0x1  }
0x4bc: {  	[tilespmem:v4+s20+$0x0] =	vst.idx.msk $0xffff, v5;
	v4 =	vld [tilespmem:$0x1FCE0];
	_ =	sdelay $0x5  }
0x4bd: {  	v0 =	vmul.f32 v0, v60  }
0x4be: {  	v5 =	vld [tilespmem:$0x1FD10]  }
0x4bf: {  	[tilespmem:v4+s20+$0x0] =	vst.idx.msk $0xffff, v0;
	v0 =	vld [tilespmem:$0x1FCF0]  }
0x4c0: {  	v4 =	vld [tilespmem:$0x1FD00]  }
0x4c1: {  	v15 =	vld [tilespmem:$0x1FD20]  }
0x4c2: {  	v16 =	vld [tilespmem:$0x1FD30]  }
0x4c3: {  	v17 =	vld [tilespmem:$0x1FD40]  }
0x4c4: {  	v18 =	vld [tilespmem:$0x1FD50]  }
0x4c5: {  	v20 =	vld [tilespmem:$0x1FD60]  }
0x4c6: {  	v5 =	vld.idx.msk [tilespmem:v5+s11+$0x0], $0xffff  }
0x4c7: {  	v0 =	vld.idx.msk [tilespmem:v0+s11+$0x0], $0xffff  }
0x4c8: {  	v4 =	vld.idx.msk [tilespmem:v4+s11+$0x0], $0xffff  }
0x4c9: {  	v6 =	vld.idx.msk [tilespmem:v15+s11+$0x0], $0xffff  }
0x4ca: {  	v7 =	vld.idx.msk [tilespmem:v16+s11+$0x0], $0xffff  }
0x4cb: {  	v8 =	vld.idx.msk [tilespmem:v17+s11+$0x0], $0xffff  }
0x4cc: {  	v9 =	vld.idx.msk [tilespmem:v18+s11+$0x0], $0xffff;
	v0 =	vxor.u32 $0x80000000, v0  }
0x4cd: {  	v5 =	vxor.u32 $0x80000000, v5;
	v19 =	vmax.f32 v0, v4  }
0x4ce: {  	v11 =	vld.idx.msk [tilespmem:v20+s11+$0x0], $0xffff;
	v10 =	vmax.f32 v19, v5  }
0x4cf: {  	v7 =	vxor.u32 $0x80000000, v7;
	v10 =	vmax.f32 v10, v6  }
0x4d0: {  	v10 =	vmax.f32 v10, v7  }
0x4d1: {  	v9 =	vxor.u32 $0x80000000, v9;
	v10 =	vmax.f32 v10, v8  }
0x4d2: {  	v10 =	vmax.f32 v10, v9  }
0x4d3: {  	v10 =	vmax.f32 v10, v11  }
0x4d4: {  	v0 =	vsub.f32 v0, v10  }
0x4d5: {  	v4 =	vsub.f32 v4, v10  }
0x4d6: {  	v0 =	vmul.f32 $1.442695020e+00, v0  }
0x4d7: {  	v5 =	vsub.f32 v5, v10;
	v4 =	vmul.f32 $1.442695020e+00, v4  }
0x4d8: {  	(erf) = vpow2.f32 v0  }
0x4d9: {  	v0 =	vmul.f32 $1.442695020e+00, v5;
	(erf) = vpow2.f32 v4;
	v4 =	vsub.f32 v6, v10;
	_ =	sdelay $0x1  }
0x4da: {  	(erf) = vpow2.f32 v0;
	v0 =	vmul.f32 $1.442695020e+00, v4;
	v4 =	vsub.f32 v7, v10;
	_ =	sdelay $0x1  }
0x4db: {  	(erf) = vpow2.f32 v0;
	v0 =	vmul.f32 $1.442695020e+00, v4;
	v4 =	vsub.f32 v8, v10;
	_ =	sdelay $0x1  }
0x4dc: {  	(erf) = vpow2.f32 v0;
	v0 =	vmul.f32 $1.442695020e+00, v4;
	v4 =	vsub.f32 v9, v10;
	_ =	sdelay $0x1  }
0x4dd: {  	v5 =	vpop (erf);
	(erf) = vpow2.f32 v0;
	v0 =	vmul.f32 $1.442695020e+00, v4;
	v4 =	vsub.f32 v11, v10  }
0x4de: {  	v21 =	vpop (erf)  }
0x4df: {  	(erf) = vpow2.f32 v0;
	v0 =	vmul.f32 $1.442695020e+00, v4;
	v4 =	vadd.f32 v21, v5;
	_ =	sdelay $0x1  }
0x4e0: {  	v22 =	vpop (erf)  }
0x4e1: {  	(erf) = vpow2.f32 v0;
	v0 =	vadd.f32 v4, v22  }
0x4e2: {  	v4 =	vpop (erf)  }
0x4e3: {  	v0 =	vadd.f32 v0, v4  }
0x4e4: {  	v23 =	vpop (erf)  }
0x4e5: {  	v0 =	vadd.f32 v0, v23  }
0x4e6: {  	v24 =	vpop (erf)  }
0x4e7: {  	v0 =	vadd.f32 v0, v24  }
0x4e8: {  	v25 =	vpop (erf)  }
0x4e9: {  	v0 =	vadd.f32 v0, v25  }
0x4ea: {  	v26 =	vpop (erf)  }
0x4eb: {  	v0 =	vadd.f32 v0, v26;
	_ =	sdelay $0x1  }
0x4ec: {  	(erf) = vrcp.f32 v0;
	_ =	sdelay $0x7  }
0x4ed: {  	v28 =	vld [tilespmem:$0x1FD70]  }
0x4ee: {  	v29 =	vld [tilespmem:$0x1FD80];
	v0 =	vpop (erf)  }
0x4ef: {  	v30 =	vld [tilespmem:$0x1FD90];
	v0 =	vmul.f32 v0, v3  }
0x4f0: {  	v31 =	vld [tilespmem:$0x1FDA0]  }
0x4f1: {  	v32 =	vld [tilespmem:$0x1FDB0];
	v27 =	vsub.f32 $0.0e+00, v0  }
0x4f2: {  	v33 =	vld [tilespmem:$0x1FDC0]  }
0x4f3: {  	v5 =	vmul.f32 v27, v5  }
0x4f4: {  	v6 =	vmul.f32 v0, v21  }
0x4f5: {  	[tilespmem:v28+s20+$0x0] =	vst.idx.msk $0xffff, v5;
	v5 =	vmul.f32 v27, v22  }
0x4f6: {  	v4 =	vmul.f32 v0, v4;
	[tilespmem:v29+s20+$0x0] =	vst.idx.msk $0xffff, v6  }
0x4f7: {  	[tilespmem:v30+s20+$0x0] =	vst.idx.msk $0xffff, v5;
	v5 =	vmul.f32 v27, v23  }
0x4f8: {  	[tilespmem:v31+s20+$0x0] =	vst.idx.msk $0xffff, v4;
	v4 =	vmul.f32 v0, v24  }
0x4f9: {  	[tilespmem:v32+s20+$0x0] =	vst.idx.msk $0xffff, v5  }
0x4fa: {  	[tilespmem:v33+s20+$0x0] =	vst.idx.msk $0xffff, v4;
	v4 =	vld [tilespmem:$0x1FDD0];
	_ =	sdelay $0x5  }
0x4fb: {  	v5 =	vmul.f32 v27, v25;
	_ =	sdelay $0x1  }
0x4fc: {  	[tilespmem:v4+s20+$0x0] =	vst.idx.msk $0xffff, v5;
	v4 =	vld [tilespmem:$0x1FDE0];
	_ =	sdelay $0x5  }
0x4fd: {  	v0 =	vmul.f32 v0, v26  }
0x4fe: {  	v5 =	vld [tilespmem:$0x1FE10]  }
0x4ff: {  	[tilespmem:v4+s20+$0x0] =	vst.idx.msk $0xffff, v0;
	v0 =	vld [tilespmem:$0x1FDF0]  }
0x500: {  	v4 =	vld [tilespmem:$0x1FE00]  }
0x501: {  	v34 =	vld [tilespmem:$0x1FE20]  }
0x502: {  	v35 =	vld [tilespmem:$0x1FE30]  }
0x503: {  	v36 =	vld [tilespmem:$0x1FE40]  }
0x504: {  	v37 =	vld [tilespmem:$0x1FE50]  }
0x505: {  	v39 =	vld [tilespmem:$0x1FE60]  }
0x506: {  	v5 =	vld.idx.msk [tilespmem:v5+s11+$0x0], $0xffff  }
0x507: {  	v0 =	vld.idx.msk [tilespmem:v0+s11+$0x0], $0xffff  }
0x508: {  	v4 =	vld.idx.msk [tilespmem:v4+s11+$0x0], $0xffff  }
0x509: {  	v6 =	vld.idx.msk [tilespmem:v34+s11+$0x0], $0xffff  }
0x50a: {  	v7 =	vld.idx.msk [tilespmem:v35+s11+$0x0], $0xffff  }
0x50b: {  	v8 =	vld.idx.msk [tilespmem:v36+s11+$0x0], $0xffff  }
0x50c: {  	v9 =	vld.idx.msk [tilespmem:v37+s11+$0x0], $0xffff;
	v0 =	vxor.u32 $0x80000000, v0  }
0x50d: {  	v5 =	vxor.u32 $0x80000000, v5;
	v38 =	vmax.f32 v0, v4  }
0x50e: {  	v11 =	vld.idx.msk [tilespmem:v39+s11+$0x0], $0xffff;
	v10 =	vmax.f32 v38, v5  }
0x50f: {  	v7 =	vxor.u32 $0x80000000, v7;
	v10 =	vmax.f32 v10, v6  }
0x510: {  	v10 =	vmax.f32 v10, v7  }
0x511: {  	v9 =	vxor.u32 $0x80000000, v9;
	v10 =	vmax.f32 v10, v8  }
0x512: {  	v10 =	vmax.f32 v10, v9  }
0x513: {  	v10 =	vmax.f32 v10, v11  }
0x514: {  	v0 =	vsub.f32 v0, v10  }
0x515: {  	v4 =	vsub.f32 v4, v10  }
0x516: {  	v0 =	vmul.f32 $1.442695020e+00, v0  }
0x517: {  	v5 =	vsub.f32 v5, v10;
	v4 =	vmul.f32 $1.442695020e+00, v4  }
0x518: {  	(erf) = vpow2.f32 v0  }
0x519: {  	v0 =	vmul.f32 $1.442695020e+00, v5;
	(erf) = vpow2.f32 v4;
	v4 =	vsub.f32 v6, v10;
	_ =	sdelay $0x1  }
0x51a: {  	(erf) = vpow2.f32 v0;
	v0 =	vmul.f32 $1.442695020e+00, v4;
	v4 =	vsub.f32 v7, v10;
	_ =	sdelay $0x1  }
0x51b: {  	(erf) = vpow2.f32 v0;
	v0 =	vmul.f32 $1.442695020e+00, v4;
	v4 =	vsub.f32 v8, v10;
	_ =	sdelay $0x1  }
0x51c: {  	(erf) = vpow2.f32 v0;
	v0 =	vmul.f32 $1.442695020e+00, v4;
	v4 =	vsub.f32 v9, v10;
	_ =	sdelay $0x1  }
0x51d: {  	v5 =	vpop (erf);
	(erf) = vpow2.f32 v0;
	v0 =	vmul.f32 $1.442695020e+00, v4;
	v4 =	vsub.f32 v11, v10  }
0x51e: {  	v40 =	vpop (erf)  }
0x51f: {  	(erf) = vpow2.f32 v0;
	v0 =	vmul.f32 $1.442695020e+00, v4;
	v4 =	vadd.f32 v40, v5;
	_ =	sdelay $0x1  }
0x520: {  	v41 =	vpop (erf)  }
0x521: {  	(erf) = vpow2.f32 v0;
	v0 =	vadd.f32 v4, v41  }
0x522: {  	v4 =	vpop (erf)  }
0x523: {  	v0 =	vadd.f32 v0, v4  }
0x524: {  	v42 =	vpop (erf)  }
0x525: {  	v0 =	vadd.f32 v0, v42  }
0x526: {  	v43 =	vpop (erf)  }
0x527: {  	v0 =	vadd.f32 v0, v43  }
0x528: {  	v44 =	vpop (erf)  }
0x529: {  	v0 =	vadd.f32 v0, v44  }
0x52a: {  	v45 =	vpop (erf)  }
0x52b: {  	v0 =	vadd.f32 v0, v45;
	_ =	sdelay $0x1  }
0x52c: {  	(erf) = vrcp.f32 v0;
	_ =	sdelay $0x7  }
0x52d: {  	v47 =	vld [tilespmem:$0x1FE70]  }
0x52e: {  	v48 =	vld [tilespmem:$0x1FE80];
	v0 =	vpop (erf)  }
0x52f: {  	v49 =	vld [tilespmem:$0x1FE90];
	v0 =	vmul.f32 v0, v3  }
0x530: {  	v50 =	vld [tilespmem:$0x1FEA0]  }
0x531: {  	v51 =	vld [tilespmem:$0x1FEB0];
	v46 =	vsub.f32 $0.0e+00, v0  }
0x532: {  	v52 =	vld [tilespmem:$0x1FEC0]  }
0x533: {  	v5 =	vmul.f32 v46, v5  }
0x534: {  	v6 =	vmul.f32 v0, v40  }
0x535: {  	[tilespmem:v47+s20+$0x0] =	vst.idx.msk $0xffff, v5;
	v5 =	vmul.f32 v46, v41  }
0x536: {  	v4 =	vmul.f32 v0, v4;
	[tilespmem:v48+s20+$0x0] =	vst.idx.msk $0xffff, v6  }
0x537: {  	[tilespmem:v49+s20+$0x0] =	vst.idx.msk $0xffff, v5;
	v5 =	vmul.f32 v46, v42  }
0x538: {  	[tilespmem:v50+s20+$0x0] =	vst.idx.msk $0xffff, v4;
	v4 =	vmul.f32 v0, v43  }
0x539: {  	[tilespmem:v51+s20+$0x0] =	vst.idx.msk $0xffff, v5  }
0x53a: {  	[tilespmem:v52+s20+$0x0] =	vst.idx.msk $0xffff, v4;
	v4 =	vld [tilespmem:$0x1FED0];
	_ =	sdelay $0x5  }
0x53b: {  	v5 =	vmul.f32 v46, v44;
	_ =	sdelay $0x1  }
0x53c: {  	[tilespmem:v4+s20+$0x0] =	vst.idx.msk $0xffff, v5;
	v4 =	vld [tilespmem:$0x1FEE0]  }
0x53d: {  	v2 =	vld [tilespmem:$0x1FF20];
	_ =	sdelay $0x4  }
0x53e: {  	v0 =	vmul.f32 v0, v45;
	_ =	sdelay $0x1  }
0x53f: {  	[tilespmem:v4+s20+$0x0] =	vst.idx.msk $0xffff, v0  }
0x540: {  	v6 =	vld.idx.msk [tilespmem:v2+s11+$0x0], $0xffff  }
0x541: {  	v2 =	vld [tilespmem:$0x1FF30];
	_ =	sdelay $0x7  }
0x542: {  	v7 =	vld.idx.msk [tilespmem:v2+s11+$0x0], $0xffff  }
0x543: {  	v2 =	vld [tilespmem:$0x1FF40];
	_ =	sdelay $0x6  }
0x544: {  	v5 =	vld [tilespmem:$0x1FF10]  }
0x545: {  	v53 =	vld.idx.msk [tilespmem:v2+s11+$0x0], $0xffff  }
0x546: {  	v2 =	vld [tilespmem:$0x1FF50];
	_ =	sdelay $0x1  }
0x547: {  	v0 =	vld [tilespmem:$0x1FEF0]  }
0x548: {  	v4 =	vld [tilespmem:$0x1FF00];
	_ =	sdelay $0x3  }
0x549: {  	v5 =	vld.idx.msk [tilespmem:v5+s11+$0x0], $0xffff  }
0x54a: {  	v54 =	vld.idx.msk [tilespmem:v2+s11+$0x0], $0xffff  }
0x54b: {  	v2 =	vld [tilespmem:$0x1FFF0]  }
0x54c: {  	v0 =	vld.idx.msk [tilespmem:v0+s11+$0x0], $0xffff  }
0x54d: {  	v4 =	vld.idx.msk [tilespmem:v4+s11+$0x0], $0xffff;
	_ =	sdelay $0x3  }
0x54e: {  	v0 =	vxor.u32 $0x80000000, v0  }
0x54f: {  	v5 =	vxor.u32 $0x80000000, v5;
	v55 =	vmax.f32 v0, v4  }
0x550: {  	v10 =	vmax.f32 v55, v5;
	v56 =	vld.idx.msk [tilespmem:v2+s11+$0x0], $0xffff  }
0x551: {  	v7 =	vxor.u32 $0x80000000, v7;
	v10 =	vmax.f32 v10, v6  }
0x552: {  	v10 =	vmax.f32 v10, v7  }
0x553: {  	v10 =	vmax.f32 v10, v53;
	v9 =	vxor.u32 $0x80000000, v54  }
0x554: {  	v10 =	vmax.f32 v10, v9  }
0x555: {  	v10 =	vmax.f32 v10, v56  }
0x556: {  	v0 =	vsub.f32 v0, v10  }
0x557: {  	v4 =	vsub.f32 v4, v10  }
0x558: {  	v0 =	vmul.f32 $1.442695020e+00, v0  }
0x559: {  	v5 =	vsub.f32 v5, v10;
	v4 =	vmul.f32 $1.442695020e+00, v4  }
0x55a: {  	(erf) = vpow2.f32 v0  }
0x55b: {  	v0 =	vmul.f32 $1.442695020e+00, v5;
	(erf) = vpow2.f32 v4;
	v4 =	vsub.f32 v6, v10;
	_ =	sdelay $0x1  }
0x55c: {  	(erf) = vpow2.f32 v0;
	v0 =	vmul.f32 $1.442695020e+00, v4;
	v4 =	vsub.f32 v7, v10;
	_ =	sdelay $0x1  }
0x55d: {  	(erf) = vpow2.f32 v0;
	v0 =	vmul.f32 $1.442695020e+00, v4;
	v4 =	vsub.f32 v53, v10;
	_ =	sdelay $0x1  }
0x55e: {  	(erf) = vpow2.f32 v0;
	v0 =	vmul.f32 $1.442695020e+00, v4;
	v4 =	vsub.f32 v9, v10;
	_ =	sdelay $0x1  }
0x55f: {  	v5 =	vpop (erf);
	(erf) = vpow2.f32 v0;
	v0 =	vmul.f32 $1.442695020e+00, v4;
	v4 =	vsub.f32 v56, v10  }
0x560: {  	v57 =	vpop (erf)  }
0x561: {  	(erf) = vpow2.f32 v0;
	v0 =	vmul.f32 $1.442695020e+00, v4;
	v4 =	vadd.f32 v57, v5;
	_ =	sdelay $0x1  }
0x562: {  	v58 =	vpop (erf)  }
0x563: {  	(erf) = vpow2.f32 v0;
	v0 =	vadd.f32 v4, v58  }
0x564: {  	v4 =	vpop (erf)  }
0x565: {  	v0 =	vadd.f32 v0, v4  }
0x566: {  	v59 =	vpop (erf)  }
0x567: {  	v0 =	vadd.f32 v0, v59  }
0x568: {  	v60 =	vpop (erf)  }
0x569: {  	v0 =	vadd.f32 v0, v60  }
0x56a: {  	v61 =	vpop (erf)  }
0x56b: {  	v0 =	vadd.f32 v0, v61  }
0x56c: {  	v62 =	vpop (erf)  }
0x56d: {  	v0 =	vadd.f32 v0, v62;
	_ =	sdelay $0x1  }
0x56e: {  	(erf) = vrcp.f32 v0;
	_ =	sdelay $0x7  }
0x56f: {  	v2 =	vld [tilespmem:$0x1FF60]  }
0x570: {  	v0 =	vpop (erf)  }
0x571: {  	v0 =	vmul.f32 v0, v3;
	_ =	sdelay $0x1  }
0x572: {  	v63 =	vsub.f32 $0.0e+00, v0;
	_ =	sdelay $0x1  }
0x573: {  	v5 =	vmul.f32 v63, v5;
	_ =	sdelay $0x1  }
0x574: {  	[tilespmem:v2+s20+$0x0] =	vst.idx.msk $0xffff, v5;
	v2 =	vld [tilespmem:$0x1FF70];
	_ =	sdelay $0x5  }
0x575: {  	v6 =	vmul.f32 v0, v57;
	_ =	sdelay $0x1  }
0x576: {  	[tilespmem:v2+s20+$0x0] =	vst.idx.msk $0xffff, v6;
	v2 =	vld [tilespmem:$0x1FF80];
	_ =	sdelay $0x5  }
0x577: {  	v5 =	vmul.f32 v63, v58;
	_ =	sdelay $0x1  }
0x578: {  	[tilespmem:v2+s20+$0x0] =	vst.idx.msk $0xffff, v5;
	v2 =	vld [tilespmem:$0x1FF90];
	_ =	sdelay $0x5  }
0x579: {  	v4 =	vmul.f32 v0, v4;
	_ =	sdelay $0x1  }
0x57a: {  	[tilespmem:v2+s20+$0x0] =	vst.idx.msk $0xffff, v4;
	v2 =	vld [tilespmem:$0x1FFA0];
	_ =	sdelay $0x5  }
0x57b: {  	v5 =	vmul.f32 v63, v59;
	_ =	sdelay $0x1  }
0x57c: {  	[tilespmem:v2+s20+$0x0] =	vst.idx.msk $0xffff, v5;
	v2 =	vld [tilespmem:$0x1FFB0];
	_ =	sdelay $0x5  }
0x57d: {  	v4 =	vmul.f32 v0, v60;
	_ =	sdelay $0x1  }
0x57e: {  	[tilespmem:v2+s20+$0x0] =	vst.idx.msk $0xffff, v4;
	v2 =	vld [tilespmem:$0x1FFC0];
	_ =	sdelay $0x5  }
0x57f: {  	v5 =	vmul.f32 v63, v61;
	_ =	sdelay $0x1  }
0x580: {  	[tilespmem:v2+s20+$0x0] =	vst.idx.msk $0xffff, v5;
	v2 =	vld [tilespmem:$0x1FFD0];
	_ =	sdelay $0x3  }
0x581: {  	p0 =	seq.s32 s24, $0x1E000  }
.Ltmp6:
0x582: {  	_ = 	snop;
	(pc) =	sbr.rel @p0 .LBB2_10-.Ltmp6, $3  }
0x583: {  	v0 =	vmul.f32 v0, v62;
	_ =	sdelay $0x1  }
0x584: {  	s26 =	sadd.s32 $0x1800, s26;
	[tilespmem:v2+s20+$0x0] =	vst.idx.msk $0xffff, v0  }
0x585: {  	[hbm4b:s26+s1] =	stream.linear.scatter [tilespmem:s20], [sflag:$0x4], $0x4000, $0x38;
	[tilespmem:$0x14080] =	vst v63  }
.Ltmp7:
0x586: {  	(pc) =	sbr.rel .LBB2_4-.Ltmp7, $3  }
0x587: {  	_ =	sdelay $0x1  }
0x588: {  	s25 =	sadd.s32 $0x2800, s25;
	s24 =	sadd.s32 $0x2000, s24  }
0x589: {  	[tilespmem:s11], [sflag:$0x6] =	stream.strided.gather [hbm4b:s25+s9], $0x2000, s10, s9, $0x38;
	[tilespmem:$0x14080] =	vst v63  }
.LBB2_11:
0x58a: {  	_ =	sfence.sel $0x180000  }
0x58b: {  	[bflag:$0x0] =	sbarrier.arrive $0xFFFF  }
0x58c: {  	p0 =	sne.s32 s2, $0x0;
	_ =	strace $0x90000047  }
0x58d: {  	s0 =	sadd.s32 @!p0 $0x100000, s0;
	[bflag:$0x2] =	sbarrier.arrive $0xFFFF  }
0x58e: {  	[sflag:s0] =	ssyncadd.tile.s32 @!p0 $0x1;
	_ =	shalt  }
.Lfunc_end2:
_tile_overlayer_lowered:
.L_overlay_start_2:
0x58f: {  	(tag) =	ssettag $0x2  }
0x590: {  	s0 =	rddreg [dreg:$0x0];
	s2 =	stileid.u32  }
0x591: {  	s1 =	rddreg [dreg:$0x1];
	p0 =	sne.s32 s2, $0x0  }
0x592: {  	s3 =	rddreg [dreg:$0x2];
	[bflag:$0x3] =	sbarrier.arrive $0xFFFF;
	s2 =	simm.s32 @!p0 $0x1C07  }
0x593: {  	[timem:s3], [sflag:s2] =	dma.local @!p0 [hbm:s0], s1  }
0x594: {  	s0 =	simm.s32 @!p0 $0x7  }
0x595: {  	_ =	swait.ge @!p0 [sflag:s0], s1  }
0x596: {  	s1 =	ssub.s32 @!p0 $0x0, s1;
	[sflag:s0] =	ssyncset.done @!p0 $0x0  }
0x597: {  	[sflag:s0] =	ssyncadd.s32 @!p0 s1  }
0x598: {  	[bflag:$0x3] =	sbarrier.arrive $0xFFFF  }
0x599: {  	_ =	shalt  }

</sc_bundles>
